<compile_context>
chip_gen: v7x
topology: tpu7x:2x2x1
jax: 0.10.2.dev20260603
libtpu: 0.0.44.dev20260713+nightly
codegen_flags: <defaults>
</compile_context>

<pallas_src>
import jax
import jax.numpy as jnp
from jax import lax
from jax.experimental import pallas as pl
from jax.experimental.pallas import tpu as pltpu
from jax.experimental.pallas import tpu_sc as plsc

B, T, C, N = 4, 12, 4, 512
K = 5
ROW_BLK = 512
STRIP = 32
SPLIT = 40
NSC = B * T - SPLIT

L = 16
NW = 32
RPW = N // NW
NCHUNK = N // L
NEG = -jnp.inf


def _tc_kernel(w_ref, g_ref, o_ref):
    w = jax.nn.softmax(w_ref[0, 0, :])
    neg = jnp.float32(-jnp.inf)

    for i in range(ROW_BLK // STRIP):
        r0 = i * STRIP
        g = g_ref[0, :, r0:r0 + STRIP, :]
        s = jnp.maximum(jnp.sum(jnp.abs(g), axis=-1, keepdims=True), 1e-12)
        coef = w[:, None, None] / s
        agg = jnp.sum(g * coef, axis=0)
        thr = jnp.max(agg, axis=-1, keepdims=True)
        for _ in range(K - 1):
            below = jnp.where(agg < thr, agg, neg)
            thr = jnp.max(below, axis=-1, keepdims=True)
        masked = jnp.where(agg >= thr, agg, 0.0)
        denom = jnp.maximum(jnp.sum(masked, axis=-1, keepdims=True), 1e-12)
        o_ref[0, r0:r0 + STRIP, :] = masked / denom


_GDN = lax.GatherDimensionNumbers(
    offset_dims=(), collapsed_slice_dims=(0,), start_index_map=(0,))


def _shuf(v, lane, sh):
    idx = jnp.bitwise_xor(lane, sh)
    return lax.gather(
        v, idx[:, None], _GDN, slice_sizes=(1,),
        mode=lax.GatherScatterMode.PROMISE_IN_BOUNDS)


def _allmax(v, lane):
    for sh in (8, 4, 2, 1):
        v = jnp.maximum(v, _shuf(v, lane, sh))
    return v


def _allsum(v, lane):
    for sh in (8, 4, 2, 1):
        v = v + _shuf(v, lane, sh)
    return v


def _sc_kernel(g_hbm, w_hbm, out_hbm, g_v, w_v, agg_v, out_v):
    wid = lax.axis_index("s") * 2 + lax.axis_index("c")
    r0 = wid * RPW
    lane = lax.iota(jnp.int32, L)

    def slice_body(bt_local, _):
        bt = bt_local + SPLIT
        pltpu.sync_copy(g_hbm.at[bt, :, pl.ds(r0, RPW), :], g_v)
        pltpu.sync_copy(w_hbm.at[bt], w_v)

        wvec = w_v[...]
        mx = _allmax(wvec, lane)
        evec = jnp.exp(wvec - mx)
        ew = [_allmax(jnp.where(lane == c, evec, NEG), lane) for c in range(C)]

        def row_body(r, _):
            invs = []
            for c in range(C):
                acc = jnp.abs(g_v[c, r, pl.ds(0, L)])
                for j in range(1, NCHUNK):
                    acc = acc + jnp.abs(g_v[c, r, pl.ds(j * L, L)])
                s = jnp.maximum(_allsum(acc, lane), 1e-12)
                invs.append(ew[c] / s)

            top = [jnp.full((L,), NEG, jnp.float32) for _ in range(K)]
            for j in range(NCHUNK):
                a = g_v[0, r, pl.ds(j * L, L)] * invs[0]
                for c in range(1, C):
                    a = a + g_v[c, r, pl.ds(j * L, L)] * invs[c]
                agg_v[r, pl.ds(j * L, L)] = a
                v = a
                for t in range(K):
                    hi = jnp.maximum(top[t], v)
                    v = jnp.minimum(top[t], v)
                    top[t] = hi

            thr = jnp.full((L,), jnp.inf, jnp.float32)
            for _ in range(K):
                m = jnp.full((L,), NEG, jnp.float32)
                for t in range(K):
                    m = jnp.maximum(m, jnp.where(top[t] < thr, top[t], NEG))
                thr = _allmax(m, lane)

            den = jnp.zeros((L,), jnp.float32)
            for j in range(NCHUNK):
                a = agg_v[r, pl.ds(j * L, L)]
                masked = jnp.where(a >= thr, a, 0.0)
                out_v[r, pl.ds(j * L, L)] = masked
                den = den + masked
            invd = 1.0 / jnp.maximum(_allsum(den, lane), 1e-12)
            for j in range(NCHUNK):
                out_v[r, pl.ds(j * L, L)] = out_v[r, pl.ds(j * L, L)] * invd
            return 0

        lax.fori_loop(0, RPW, row_body, 0)
        pltpu.sync_copy(out_v, out_hbm.at[bt_local, pl.ds(r0, RPW), :])
        return 0

    lax.fori_loop(0, NSC, slice_body, 0)


@jax.jit
def kernel(graphs, weight):
    g = graphs.reshape(B * T, C, N, N)
    w = jnp.broadcast_to(weight.reshape(1, T, C), (B, T, C)).reshape(B * T, 1, C)
    w16 = jnp.full((T, L), -1e30, jnp.float32)
    w16 = w16.at[:, :C].set(weight.reshape(T, C))
    w16 = jnp.broadcast_to(w16.reshape(1, T, L), (B, T, L)).reshape(B * T, L)

    out_tc = pl.pallas_call(
        _tc_kernel,
        grid=(SPLIT, N // ROW_BLK),
        in_specs=[
            pl.BlockSpec((1, 1, C), lambda bt, ib: (bt, 0, 0)),
            pl.BlockSpec((1, C, ROW_BLK, N), lambda bt, ib: (bt, 0, ib, 0)),
        ],
        out_specs=pl.BlockSpec((1, ROW_BLK, N), lambda bt, ib: (bt, ib, 0)),
        out_shape=jax.ShapeDtypeStruct((B * T, N, N), jnp.float32),
        compiler_params=pltpu.CompilerParams(
            dimension_semantics=("parallel", "parallel"),
        ),
    )(w, g)

    mesh = plsc.VectorSubcoreMesh(core_axis_name="c", subcore_axis_name="s")
    out_sc = pl.kernel(
        _sc_kernel,
        mesh=mesh,
        out_type=jax.ShapeDtypeStruct((NSC, N, N), jnp.float32),
        scratch_types=[
            pltpu.VMEM((C, RPW, N), jnp.float32),
            pltpu.VMEM((L,), jnp.float32),
            pltpu.VMEM((RPW, N), jnp.float32),
            pltpu.VMEM((RPW, N), jnp.float32),
        ],
    )(g, w16)

    def _patch(tc_ref, sc_ref, o_ref):
        o_ref[...] = sc_ref[...]

    out = pl.pallas_call(
        _patch,
        grid=(NSC,),
        in_specs=[
            pl.BlockSpec((1, N, N), lambda i: (i + SPLIT, 0, 0)),
            pl.BlockSpec((1, N, N), lambda i: (i, 0, 0)),
        ],
        out_specs=pl.BlockSpec((1, N, N), lambda i: (i + SPLIT, 0, 0)),
        out_shape=jax.ShapeDtypeStruct((B * T, N, N), jnp.float32),
        input_output_aliases={0: 0},
        compiler_params=pltpu.CompilerParams(
            dimension_semantics=("parallel",),
        ),
    )(out_tc, out_sc)
    return out.reshape(B, T, N, N)

# --- scband reference (transcript-rebuilt; emitter-appended) ---
"""Pipeline reference for scband-graph-channel-attention-layer-48996986913406 (READ-ONLY COPY).

The authoritative reference and input builder live on the scoring server;
editing this copy changes nothing except your own understanding.
"""

import jax, jax.numpy as jnp
import numpy as np

B, T, C, N = 4, 12, 4, 512
SEM_DELTA = 5


def l1_normalize(x):
    denom = jnp.maximum(jnp.sum(jnp.abs(x), axis=-1, keepdims=True), 1e-12)
    return x / denom


def setup_inputs(seed: int = 0) -> dict:
    key = jax.random.key(seed)
    k1, k2 = jax.random.split(key)
    graphs = jax.random.uniform(k1, (B, T, C, N, N), dtype=jnp.float32)
    # learned parameter, initialized to constant 0.1 as in the torch module
    weight = jnp.full((T, C, 1, 1), 0.1, dtype=jnp.float32)
    return {"graphs": graphs, "weight": weight}


def reference(graphs, weight):
    # F.normalize(graphs, dim=-1, p=1)
    g = l1_normalize(graphs)
    # F.softmax(self.weight, dim=1)  -> softmax over channel dim of [T, C, 1, 1]
    w = jax.nn.softmax(weight, axis=1)
    # broadcast multiply [B,T,C,N,N] * [T,C,1,1], sum over channel dim (axis=2)
    agg = jnp.sum(g * w, axis=2)  # [B, T, N, N]
    # top-k along last dim, build boolean mask via scatter (one-hot sum)
    _, idx = jax.lax.top_k(agg, SEM_DELTA)  # [B, T, N, k]
    onehot = jax.nn.one_hot(idx, agg.shape[-1], dtype=agg.dtype)  # [B,T,N,k,N]
    mask = (jnp.sum(onehot, axis=-2) > 0).astype(agg.dtype)  # [B,T,N,N]
    # F.normalize(mask * agg, dim=-1, p=1)
    return l1_normalize(mask * agg)

if __name__ == "__main__":
    import jax
    _d = setup_inputs()
    print(jax.jit(kernel)(*tuple(_d.values())))

</pallas_src>

<mosaic_0001>
#map = affine_map<(d0, d1) -> (0, 0, 0, 0)>
#map1 = affine_map<(d0, d1) -> (0, 0)>
#map2 = affine_map<(d0, d1) -> (0, 0, 0)>
module attributes {stable_mosaic.version = 14 : i64} {
  func.func @_sc_kernel(%arg0: i32, %arg1: i32, %arg2: memref<48x4x512x512xf32, #tpu.memory_space<hbm>>, %arg3: memref<48x16xf32, #tpu.memory_space<hbm>>, %arg4: memref<8x512x512xf32, #tpu.memory_space<hbm>>, %arg5: memref<4x16x512xf32, #tpu.memory_space<vmem>>, %arg6: memref<16xf32, #tpu.memory_space<vmem>>, %arg7: memref<16x512xf32, #tpu.memory_space<vmem>>, %arg8: memref<16x512xf32, #tpu.memory_space<vmem>>) attributes {dimension_semantics = [#tpu.dimension_semantics<core_parallel>, #tpu.dimension_semantics<subcore_parallel>], iteration_bounds = array<i64: 2, 16>, scalar_prefetch = 0 : i64, scratch_operands = 4 : i64, tpu.core_type = #tpu.core_type<sc_vector_subcore>, window_params = [{transform_indices = #map}, {transform_indices = #map1}, {transform_indices = #map2}]} {
    %mul3A = arith.constant 2 : i32
    %mul3A_0 = arith.muli %arg1, %mul3A : i32
    %add3A = arith.addi %mul3A_0, %arg0 : i32
    %mul3A_1 = arith.constant 16 : i32
    %mul3A_2 = arith.muli %add3A, %mul3A_1 : i32
    %iota3A = tpu.iota {dimensions = array<i32: 0>} : vector<16xi32>
    %scan3A = arith.constant 0 : i32
    %scan3A_3 = arith.constant 0 : i32
    %scan3A_4 = arith.constant 8 : i32
    %scan3A_5 = arith.addi %scan3A_3, %scan3A_4 : i32
    %scan3A_6 = arith.constant 1 : i32
    %scan3A_7 = scf.for %scan3A_9 = %scan3A_3 to %scan3A_5 step %scan3A_6 iter_args(%scan3A_10 = %scan3A) -> (i32)  : i32 {
      %add3A_11 = arith.constant 40 : i32
      %add3A_12 = arith.addi %scan3A_9, %add3A_11 : i32
      "tpu.region"() ({
        %run_scoped3A = tpu.sem_alloc : memref<!tpu.dma_semaphore, #tpu.memory_space<semaphore_mem>>
        %dma_start3A = arith.constant 0 : i32
        %dma_start3A_180 = arith.constant 0 : i32
        %dma_start3A_181 = tpu.memref_slice %arg2[%add3A_12, %dma_start3A, %mul3A_2, %dma_start3A_180] : memref<48x4x512x512xf32, #tpu.memory_space<hbm>> -> memref<1x4x16x512xf32, #tpu.memory_space<hbm>>
        %dma_start3A_182 = tpu.memref_squeeze %dma_start3A_181 : memref<1x4x16x512xf32, #tpu.memory_space<hbm>> -> memref<4x16x512xf32, #tpu.memory_space<hbm>>
        %dma_start3A_183 = arith.constant 0 : i32
        %dma_start3A_184 = arith.constant 0 : i32
        %dma_start3A_185 = tpu.memref_slice %arg2[%add3A_12, %dma_start3A_183, %mul3A_2, %dma_start3A_184] : memref<48x4x512x512xf32, #tpu.memory_space<hbm>> -> memref<1x4x16x512xf32, #tpu.memory_space<hbm>>
        %dma_start3A_186 = tpu.memref_squeeze %dma_start3A_185 : memref<1x4x16x512xf32, #tpu.memory_space<hbm>> -> memref<4x16x512xf32, #tpu.memory_space<hbm>>
        tpu.enqueue_dma source(%dma_start3A_186 : memref<4x16x512xf32, #tpu.memory_space<hbm>>) target(%arg5 : memref<4x16x512xf32, #tpu.memory_space<vmem>>) target_semaphore(%run_scoped3A : memref<!tpu.dma_semaphore, #tpu.memory_space<semaphore_mem>>)
        %dma_wait3A = arith.constant 0 : i32
        %dma_wait3A_187 = arith.constant 0 : i32
        %dma_wait3A_188 = tpu.memref_slice %arg2[%add3A_12, %dma_wait3A, %mul3A_2, %dma_wait3A_187] : memref<48x4x512x512xf32, #tpu.memory_space<hbm>> -> memref<1x4x16x512xf32, #tpu.memory_space<hbm>>
        %dma_wait3A_189 = tpu.memref_squeeze %dma_wait3A_188 : memref<1x4x16x512xf32, #tpu.memory_space<hbm>> -> memref<4x16x512xf32, #tpu.memory_space<hbm>>
        %dma_wait3A_190 = arith.constant 0 : i32
        %dma_wait3A_191 = arith.constant 0 : i32
        %dma_wait3A_192 = tpu.memref_slice %arg2[%add3A_12, %dma_wait3A_190, %mul3A_2, %dma_wait3A_191] : memref<48x4x512x512xf32, #tpu.memory_space<hbm>> -> memref<1x4x16x512xf32, #tpu.memory_space<hbm>>
        %dma_wait3A_193 = tpu.memref_squeeze %dma_wait3A_192 : memref<1x4x16x512xf32, #tpu.memory_space<hbm>> -> memref<4x16x512xf32, #tpu.memory_space<hbm>>
        tpu.wait_dma2 semaphore(%run_scoped3A : memref<!tpu.dma_semaphore, #tpu.memory_space<semaphore_mem>>) src(%dma_wait3A_193 : memref<4x16x512xf32, #tpu.memory_space<hbm>>) dst(%arg5 : memref<4x16x512xf32, #tpu.memory_space<vmem>>)
        tpu.yield
      }) : () -> ()
      "tpu.region"() ({
        %run_scoped3A = tpu.sem_alloc : memref<!tpu.dma_semaphore, #tpu.memory_space<semaphore_mem>>
        %dma_start3A = arith.constant 0 : i32
        %dma_start3A_180 = tpu.memref_slice %arg3[%add3A_12, %dma_start3A] : memref<48x16xf32, #tpu.memory_space<hbm>> -> memref<1x16xf32, #tpu.memory_space<hbm>>
        %dma_start3A_181 = tpu.memref_squeeze %dma_start3A_180 : memref<1x16xf32, #tpu.memory_space<hbm>> -> memref<16xf32, #tpu.memory_space<hbm>>
        %dma_start3A_182 = arith.constant 0 : i32
        %dma_start3A_183 = tpu.memref_slice %arg3[%add3A_12, %dma_start3A_182] : memref<48x16xf32, #tpu.memory_space<hbm>> -> memref<1x16xf32, #tpu.memory_space<hbm>>
        %dma_start3A_184 = tpu.memref_squeeze %dma_start3A_183 : memref<1x16xf32, #tpu.memory_space<hbm>> -> memref<16xf32, #tpu.memory_space<hbm>>
        tpu.enqueue_dma source(%dma_start3A_184 : memref<16xf32, #tpu.memory_space<hbm>>) target(%arg6 : memref<16xf32, #tpu.memory_space<vmem>>) target_semaphore(%run_scoped3A : memref<!tpu.dma_semaphore, #tpu.memory_space<semaphore_mem>>)
        %dma_wait3A = arith.constant 0 : i32
        %dma_wait3A_185 = tpu.memref_slice %arg3[%add3A_12, %dma_wait3A] : memref<48x16xf32, #tpu.memory_space<hbm>> -> memref<1x16xf32, #tpu.memory_space<hbm>>
        %dma_wait3A_186 = tpu.memref_squeeze %dma_wait3A_185 : memref<1x16xf32, #tpu.memory_space<hbm>> -> memref<16xf32, #tpu.memory_space<hbm>>
        %dma_wait3A_187 = arith.constant 0 : i32
        %dma_wait3A_188 = tpu.memref_slice %arg3[%add3A_12, %dma_wait3A_187] : memref<48x16xf32, #tpu.memory_space<hbm>> -> memref<1x16xf32, #tpu.memory_space<hbm>>
        %dma_wait3A_189 = tpu.memref_squeeze %dma_wait3A_188 : memref<1x16xf32, #tpu.memory_space<hbm>> -> memref<16xf32, #tpu.memory_space<hbm>>
        tpu.wait_dma2 semaphore(%run_scoped3A : memref<!tpu.dma_semaphore, #tpu.memory_space<semaphore_mem>>) src(%dma_wait3A_189 : memref<16xf32, #tpu.memory_space<hbm>>) dst(%arg6 : memref<16xf32, #tpu.memory_space<vmem>>)
        tpu.yield
      }) : () -> ()
      %get3A = arith.constant 0 : index
      %get3A_13 = tpu.vector_load %arg6[%get3A] {strides = array<i32>} : memref<16xf32, #tpu.memory_space<vmem>>, vector<16xf32>,
      %get3A_14 = vector.shape_cast %get3A_13 : vector<16xf32> to vector<16xf32>
      %xor3A = arith.constant 8 : i32
      %xor3A_15 = vector.broadcast %xor3A : i32 to vector<16xi32>
      %xor3A_16 = arith.xori %iota3A, %xor3A_15 : vector<16xi32>
      %broadcast_in_dim3A = vector.shape_cast %xor3A_16 : vector<16xi32> to vector<16x1xi32>
      %gather3A = vector.shape_cast %broadcast_in_dim3A : vector<16x1xi32> to vector<16xi32>
      %gather3A_17 = tpu.dynamic_gather %get3A_14[%gather3A] in [0] : vector<16xf32>, vector<16xi32> -> vector<16xf32>
      %max3A = arith.maximumf %get3A_14, %gather3A_17 : vector<16xf32>
      %xor3A_18 = arith.constant 4 : i32
      %xor3A_19 = vector.broadcast %xor3A_18 : i32 to vector<16xi32>
      %xor3A_20 = arith.xori %iota3A, %xor3A_19 : vector<16xi32>
      %broadcast_in_dim3A_21 = vector.shape_cast %xor3A_20 : vector<16xi32> to vector<16x1xi32>
      %gather3A_22 = vector.shape_cast %broadcast_in_dim3A_21 : vector<16x1xi32> to vector<16xi32>
      %gather3A_23 = tpu.dynamic_gather %max3A[%gather3A_22] in [0] : vector<16xf32>, vector<16xi32> -> vector<16xf32>
      %max3A_24 = arith.maximumf %max3A, %gather3A_23 : vector<16xf32>
      %xor3A_25 = arith.constant 2 : i32
      %xor3A_26 = vector.broadcast %xor3A_25 : i32 to vector<16xi32>
      %xor3A_27 = arith.xori %iota3A, %xor3A_26 : vector<16xi32>
      %broadcast_in_dim3A_28 = vector.shape_cast %xor3A_27 : vector<16xi32> to vector<16x1xi32>
      %gather3A_29 = vector.shape_cast %broadcast_in_dim3A_28 : vector<16x1xi32> to vector<16xi32>
      %gather3A_30 = tpu.dynamic_gather %max3A_24[%gather3A_29] in [0] : vector<16xf32>, vector<16xi32> -> vector<16xf32>
      %max3A_31 = arith.maximumf %max3A_24, %gather3A_30 : vector<16xf32>
      %xor3A_32 = arith.constant 1 : i32
      %xor3A_33 = vector.broadcast %xor3A_32 : i32 to vector<16xi32>
      %xor3A_34 = arith.xori %iota3A, %xor3A_33 : vector<16xi32>
      %broadcast_in_dim3A_35 = vector.shape_cast %xor3A_34 : vector<16xi32> to vector<16x1xi32>
      %gather3A_36 = vector.shape_cast %broadcast_in_dim3A_35 : vector<16x1xi32> to vector<16xi32>
      %gather3A_37 = tpu.dynamic_gather %max3A_31[%gather3A_36] in [0] : vector<16xf32>, vector<16xi32> -> vector<16xf32>
      %max3A_38 = arith.maximumf %max3A_31, %gather3A_37 : vector<16xf32>
      %sub3A = arith.subf %get3A_14, %max3A_38 : vector<16xf32>
      %exp3A = math.exp %sub3A : vector<16xf32>
      %eq3A = arith.constant 0 : i32
      %eq3A_39 = vector.broadcast %eq3A : i32 to vector<16xi32>
      %eq3A_40 = arith.cmpi eq, %iota3A, %eq3A_39 : vector<16xi32>
      %jit3A = arith.constant 0xFF800000 : f32
      %broadcast_in_dim3A_41 = vector.broadcast %jit3A : f32 to vector<16xf32>
      %select_n3A = arith.select %eq3A_40, %exp3A, %broadcast_in_dim3A_41 : vector<16xi1>, vector<16xf32>
      %xor3A_42 = arith.constant 8 : i32
      %xor3A_43 = vector.broadcast %xor3A_42 : i32 to vector<16xi32>
      %xor3A_44 = arith.xori %iota3A, %xor3A_43 : vector<16xi32>
      %broadcast_in_dim3A_45 = vector.shape_cast %xor3A_44 : vector<16xi32> to vector<16x1xi32>
      %gather3A_46 = vector.shape_cast %broadcast_in_dim3A_45 : vector<16x1xi32> to vector<16xi32>
      %gather3A_47 = tpu.dynamic_gather %select_n3A[%gather3A_46] in [0] : vector<16xf32>, vector<16xi32> -> vector<16xf32>
      %max3A_48 = arith.maximumf %select_n3A, %gather3A_47 : vector<16xf32>
      %xor3A_49 = arith.constant 4 : i32
      %xor3A_50 = vector.broadcast %xor3A_49 : i32 to vector<16xi32>
      %xor3A_51 = arith.xori %iota3A, %xor3A_50 : vector<16xi32>
      %broadcast_in_dim3A_52 = vector.shape_cast %xor3A_51 : vector<16xi32> to vector<16x1xi32>
      %gather3A_53 = vector.shape_cast %broadcast_in_dim3A_52 : vector<16x1xi32> to vector<16xi32>
      %gather3A_54 = tpu.dynamic_gather %max3A_48[%gather3A_53] in [0] : vector<16xf32>, vector<16xi32> -> vector<16xf32>
      %max3A_55 = arith.maximumf %max3A_48, %gather3A_54 : vector<16xf32>
      %xor3A_56 = arith.constant 2 : i32
      %xor3A_57 = vector.broadcast %xor3A_56 : i32 to vector<16xi32>
      %xor3A_58 = arith.xori %iota3A, %xor3A_57 : vector<16xi32>
      %broadcast_in_dim3A_59 = vector.shape_cast %xor3A_58 : vector<16xi32> to vector<16x1xi32>
      %gather3A_60 = vector.shape_cast %broadcast_in_dim3A_59 : vector<16x1xi32> to vector<16xi32>
      %gather3A_61 = tpu.dynamic_gather %max3A_55[%gather3A_60] in [0] : vector<16xf32>, vector<16xi32> -> vector<16xf32>
      %max3A_62 = arith.maximumf %max3A_55, %gather3A_61 : vector<16xf32>
      %xor3A_63 = arith.constant 1 : i32
      %xor3A_64 = vector.broadcast %xor3A_63 : i32 to vector<16xi32>
      %xor3A_65 = arith.xori %iota3A, %xor3A_64 : vector<16xi32>
      %broadcast_in_dim3A_66 = vector.shape_cast %xor3A_65 : vector<16xi32> to vector<16x1xi32>
      %gather3A_67 = vector.shape_cast %broadcast_in_dim3A_66 : vector<16x1xi32> to vector<16xi32>
      %gather3A_68 = tpu.dynamic_gather %max3A_62[%gather3A_67] in [0] : vector<16xf32>, vector<16xi32> -> vector<16xf32>
      %max3A_69 = arith.maximumf %max3A_62, %gather3A_68 : vector<16xf32>
      %eq3A_70 = arith.constant 1 : i32
      %eq3A_71 = vector.broadcast %eq3A_70 : i32 to vector<16xi32>
      %eq3A_72 = arith.cmpi eq, %iota3A, %eq3A_71 : vector<16xi32>
      %jit3A_73 = arith.constant 0xFF800000 : f32
      %broadcast_in_dim3A_74 = vector.broadcast %jit3A_73 : f32 to vector<16xf32>
      %select_n3A_75 = arith.select %eq3A_72, %exp3A, %broadcast_in_dim3A_74 : vector<16xi1>, vector<16xf32>
      %xor3A_76 = arith.constant 8 : i32
      %xor3A_77 = vector.broadcast %xor3A_76 : i32 to vector<16xi32>
      %xor3A_78 = arith.xori %iota3A, %xor3A_77 : vector<16xi32>
      %broadcast_in_dim3A_79 = vector.shape_cast %xor3A_78 : vector<16xi32> to vector<16x1xi32>
      %gather3A_80 = vector.shape_cast %broadcast_in_dim3A_79 : vector<16x1xi32> to vector<16xi32>
      %gather3A_81 = tpu.dynamic_gather %select_n3A_75[%gather3A_80] in [0] : vector<16xf32>, vector<16xi32> -> vector<16xf32>
      %max3A_82 = arith.maximumf %select_n3A_75, %gather3A_81 : vector<16xf32>
      %xor3A_83 = arith.constant 4 : i32
      %xor3A_84 = vector.broadcast %xor3A_83 : i32 to vector<16xi32>
      %xor3A_85 = arith.xori %iota3A, %xor3A_84 : vector<16xi32>
      %broadcast_in_dim3A_86 = vector.shape_cast %xor3A_85 : vector<16xi32> to vector<16x1xi32>
      %gather3A_87 = vector.shape_cast %broadcast_in_dim3A_86 : vector<16x1xi32> to vector<16xi32>
      %gather3A_88 = tpu.dynamic_gather %max3A_82[%gather3A_87] in [0] : vector<16xf32>, vector<16xi32> -> vector<16xf32>
      %max3A_89 = arith.maximumf %max3A_82, %gather3A_88 : vector<16xf32>
      %xor3A_90 = arith.constant 2 : i32
      %xor3A_91 = vector.broadcast %xor3A_90 : i32 to vector<16xi32>
      %xor3A_92 = arith.xori %iota3A, %xor3A_91 : vector<16xi32>
      %broadcast_in_dim3A_93 = vector.shape_cast %xor3A_92 : vector<16xi32> to vector<16x1xi32>
      %gather3A_94 = vector.shape_cast %broadcast_in_dim3A_93 : vector<16x1xi32> to vector<16xi32>
      %gather3A_95 = tpu.dynamic_gather %max3A_89[%gather3A_94] in [0] : vector<16xf32>, vector<16xi32> -> vector<16xf32>
      %max3A_96 = arith.maximumf %max3A_89, %gather3A_95 : vector<16xf32>
      %xor3A_97 = arith.constant 1 : i32
      %xor3A_98 = vector.broadcast %xor3A_97 : i32 to vector<16xi32>
      %xor3A_99 = arith.xori %iota3A, %xor3A_98 : vector<16xi32>
      %broadcast_in_dim3A_100 = vector.shape_cast %xor3A_99 : vector<16xi32> to vector<16x1xi32>
      %gather3A_101 = vector.shape_cast %broadcast_in_dim3A_100 : vector<16x1xi32> to vector<16xi32>
      %gather3A_102 = tpu.dynamic_gather %max3A_96[%gather3A_101] in [0] : vector<16xf32>, vector<16xi32> -> vector<16xf32>
      %max3A_103 = arith.maximumf %max3A_96, %gather3A_102 : vector<16xf32>
      %eq3A_104 = arith.constant 2 : i32
      %eq3A_105 = vector.broadcast %eq3A_104 : i32 to vector<16xi32>
      %eq3A_106 = arith.cmpi eq, %iota3A, %eq3A_105 : vector<16xi32>
      %jit3A_107 = arith.constant 0xFF800000 : f32
      %broadcast_in_dim3A_108 = vector.broadcast %jit3A_107 : f32 to vector<16xf32>
      %select_n3A_109 = arith.select %eq3A_106, %exp3A, %broadcast_in_dim3A_108 : vector<16xi1>, vector<16xf32>
      %xor3A_110 = arith.constant 8 : i32
      %xor3A_111 = vector.broadcast %xor3A_110 : i32 to vector<16xi32>
      %xor3A_112 = arith.xori %iota3A, %xor3A_111 : vector<16xi32>
      %broadcast_in_dim3A_113 = vector.shape_cast %xor3A_112 : vector<16xi32> to vector<16x1xi32>
      %gather3A_114 = vector.shape_cast %broadcast_in_dim3A_113 : vector<16x1xi32> to vector<16xi32>
      %gather3A_115 = tpu.dynamic_gather %select_n3A_109[%gather3A_114] in [0] : vector<16xf32>, vector<16xi32> -> vector<16xf32>
      %max3A_116 = arith.maximumf %select_n3A_109, %gather3A_115 : vector<16xf32>
      %xor3A_117 = arith.constant 4 : i32
      %xor3A_118 = vector.broadcast %xor3A_117 : i32 to vector<16xi32>
      %xor3A_119 = arith.xori %iota3A, %xor3A_118 : vector<16xi32>
      %broadcast_in_dim3A_120 = vector.shape_cast %xor3A_119 : vector<16xi32> to vector<16x1xi32>
      %gather3A_121 = vector.shape_cast %broadcast_in_dim3A_120 : vector<16x1xi32> to vector<16xi32>
      %gather3A_122 = tpu.dynamic_gather %max3A_116[%gather3A_121] in [0] : vector<16xf32>, vector<16xi32> -> vector<16xf32>
      %max3A_123 = arith.maximumf %max3A_116, %gather3A_122 : vector<16xf32>
      %xor3A_124 = arith.constant 2 : i32
      %xor3A_125 = vector.broadcast %xor3A_124 : i32 to vector<16xi32>
      %xor3A_126 = arith.xori %iota3A, %xor3A_125 : vector<16xi32>
      %broadcast_in_dim3A_127 = vector.shape_cast %xor3A_126 : vector<16xi32> to vector<16x1xi32>
      %gather3A_128 = vector.shape_cast %broadcast_in_dim3A_127 : vector<16x1xi32> to vector<16xi32>
      %gather3A_129 = tpu.dynamic_gather %max3A_123[%gather3A_128] in [0] : vector<16xf32>, vector<16xi32> -> vector<16xf32>
      %max3A_130 = arith.maximumf %max3A_123, %gather3A_129 : vector<16xf32>
      %xor3A_131 = arith.constant 1 : i32
      %xor3A_132 = vector.broadcast %xor3A_131 : i32 to vector<16xi32>
      %xor3A_133 = arith.xori %iota3A, %xor3A_132 : vector<16xi32>
      %broadcast_in_dim3A_134 = vector.shape_cast %xor3A_133 : vector<16xi32> to vector<16x1xi32>
      %gather3A_135 = vector.shape_cast %broadcast_in_dim3A_134 : vector<16x1xi32> to vector<16xi32>
      %gather3A_136 = tpu.dynamic_gather %max3A_130[%gather3A_135] in [0] : vector<16xf32>, vector<16xi32> -> vector<16xf32>
      %max3A_137 = arith.maximumf %max3A_130, %gather3A_136 : vector<16xf32>
      %eq3A_138 = arith.constant 3 : i32
      %eq3A_139 = vector.broadcast %eq3A_138 : i32 to vector<16xi32>
      %eq3A_140 = arith.cmpi eq, %iota3A, %eq3A_139 : vector<16xi32>
      %jit3A_141 = arith.constant 0xFF800000 : f32
      %broadcast_in_dim3A_142 = vector.broadcast %jit3A_141 : f32 to vector<16xf32>
      %select_n3A_143 = arith.select %eq3A_140, %exp3A, %broadcast_in_dim3A_142 : vector<16xi1>, vector<16xf32>
      %xor3A_144 = arith.constant 8 : i32
      %xor3A_145 = vector.broadcast %xor3A_144 : i32 to vector<16xi32>
      %xor3A_146 = arith.xori %iota3A, %xor3A_145 : vector<16xi32>
      %broadcast_in_dim3A_147 = vector.shape_cast %xor3A_146 : vector<16xi32> to vector<16x1xi32>
      %gather3A_148 = vector.shape_cast %broadcast_in_dim3A_147 : vector<16x1xi32> to vector<16xi32>
      %gather3A_149 = tpu.dynamic_gather %select_n3A_143[%gather3A_148] in [0] : vector<16xf32>, vector<16xi32> -> vector<16xf32>
      %max3A_150 = arith.maximumf %select_n3A_143, %gather3A_149 : vector<16xf32>
      %xor3A_151 = arith.constant 4 : i32
      %xor3A_152 = vector.broadcast %xor3A_151 : i32 to vector<16xi32>
      %xor3A_153 = arith.xori %iota3A, %xor3A_152 : vector<16xi32>
      %broadcast_in_dim3A_154 = vector.shape_cast %xor3A_153 : vector<16xi32> to vector<16x1xi32>
      %gather3A_155 = vector.shape_cast %broadcast_in_dim3A_154 : vector<16x1xi32> to vector<16xi32>
      %gather3A_156 = tpu.dynamic_gather %max3A_150[%gather3A_155] in [0] : vector<16xf32>, vector<16xi32> -> vector<16xf32>
      %max3A_157 = arith.maximumf %max3A_150, %gather3A_156 : vector<16xf32>
      %xor3A_158 = arith.constant 2 : i32
      %xor3A_159 = vector.broadcast %xor3A_158 : i32 to vector<16xi32>
      %xor3A_160 = arith.xori %iota3A, %xor3A_159 : vector<16xi32>
      %broadcast_in_dim3A_161 = vector.shape_cast %xor3A_160 : vector<16xi32> to vector<16x1xi32>
      %gather3A_162 = vector.shape_cast %broadcast_in_dim3A_161 : vector<16x1xi32> to vector<16xi32>
      %gather3A_163 = tpu.dynamic_gather %max3A_157[%gather3A_162] in [0] : vector<16xf32>, vector<16xi32> -> vector<16xf32>
      %max3A_164 = arith.maximumf %max3A_157, %gather3A_163 : vector<16xf32>
      %xor3A_165 = arith.constant 1 : i32
      %xor3A_166 = vector.broadcast %xor3A_165 : i32 to vector<16xi32>
      %xor3A_167 = arith.xori %iota3A, %xor3A_166 : vector<16xi32>
      %broadcast_in_dim3A_168 = vector.shape_cast %xor3A_167 : vector<16xi32> to vector<16x1xi32>
      %gather3A_169 = vector.shape_cast %broadcast_in_dim3A_168 : vector<16x1xi32> to vector<16xi32>
      %gather3A_170 = tpu.dynamic_gather %max3A_164[%gather3A_169] in [0] : vector<16xf32>, vector<16xi32> -> vector<16xf32>
      %max3A_171 = arith.maximumf %max3A_164, %gather3A_170 : vector<16xf32>
      %scan3A_172 = arith.constant 0 : i32
      %scan3A_173 = arith.constant 0 : i32
      %scan3A_174 = arith.constant 16 : i32
      %scan3A_175 = arith.addi %scan3A_173, %scan3A_174 : i32
      %scan3A_176 = arith.constant 1 : i32
      %scan3A_177 = scf.for %scan3A_180 = %scan3A_173 to %scan3A_175 step %scan3A_176 iter_args(%scan3A_181 = %scan3A_172) -> (i32)  : i32 {
        %get3A_182 = arith.constant 0 : i32
        %get3A_183 = arith.index_cast %get3A_182 : i32 to index
        %get3A_184 = arith.index_cast %scan3A_180 : i32 to index
        %get3A_185 = arith.constant 0 : index
        %get3A_186 = tpu.vector_load %arg5[%get3A_183, %get3A_184, %get3A_185] {strides = array<i32>} : memref<4x16x512xf32, #tpu.memory_space<vmem>>, vector<1x1x16xf32>,
        %get3A_187 = vector.shape_cast %get3A_186 : vector<1x1x16xf32> to vector<16xf32>
        %abs3A = math.absf %get3A_187 : vector<16xf32>
        %get3A_188 = arith.constant 0 : i32
        %get3A_189 = arith.index_cast %get3A_188 : i32 to index
        %get3A_190 = arith.index_cast %scan3A_180 : i32 to index
        %get3A_191 = arith.constant 16 : index
        %get3A_192 = tpu.vector_load %arg5[%get3A_189, %get3A_190, %get3A_191] {strides = array<i32>} : memref<4x16x512xf32, #tpu.memory_space<vmem>>, vector<1x1x16xf32>,
        %get3A_193 = vector.shape_cast %get3A_192 : vector<1x1x16xf32> to vector<16xf32>
        %abs3A_194 = math.absf %get3A_193 : vector<16xf32>
        %add3A_195 = arith.addf %abs3A, %abs3A_194 : vector<16xf32>
        %get3A_196 = arith.constant 0 : i32
        %get3A_197 = arith.index_cast %get3A_196 : i32 to index
        %get3A_198 = arith.index_cast %scan3A_180 : i32 to index
        %get3A_199 = arith.constant 32 : index
        %get3A_200 = tpu.vector_load %arg5[%get3A_197, %get3A_198, %get3A_199] {strides = array<i32>} : memref<4x16x512xf32, #tpu.memory_space<vmem>>, vector<1x1x16xf32>,
        %get3A_201 = vector.shape_cast %get3A_200 : vector<1x1x16xf32> to vector<16xf32>
        %abs3A_202 = math.absf %get3A_201 : vector<16xf32>
        %add3A_203 = arith.addf %add3A_195, %abs3A_202 : vector<16xf32>
        %get3A_204 = arith.constant 0 : i32
        %get3A_205 = arith.index_cast %get3A_204 : i32 to index
        %get3A_206 = arith.index_cast %scan3A_180 : i32 to index
        %get3A_207 = arith.constant 48 : index
        %get3A_208 = tpu.vector_load %arg5[%get3A_205, %get3A_206, %get3A_207] {strides = array<i32>} : memref<4x16x512xf32, #tpu.memory_space<vmem>>, vector<1x1x16xf32>,
        %get3A_209 = vector.shape_cast %get3A_208 : vector<1x1x16xf32> to vector<16xf32>
        %abs3A_210 = math.absf %get3A_209 : vector<16xf32>
        %add3A_211 = arith.addf %add3A_203, %abs3A_210 : vector<16xf32>
        %get3A_212 = arith.constant 0 : i32
        %get3A_213 = arith.index_cast %get3A_212 : i32 to index
        %get3A_214 = arith.index_cast %scan3A_180 : i32 to index
        %get3A_215 = arith.constant 64 : index
        %get3A_216 = tpu.vector_load %arg5[%get3A_213, %get3A_214, %get3A_215] {strides = array<i32>} : memref<4x16x512xf32, #tpu.memory_space<vmem>>, vector<1x1x16xf32>,
        %get3A_217 = vector.shape_cast %get3A_216 : vector<1x1x16xf32> to vector<16xf32>
        %abs3A_218 = math.absf %get3A_217 : vector<16xf32>
        %add3A_219 = arith.addf %add3A_211, %abs3A_218 : vector<16xf32>
        %get3A_220 = arith.constant 0 : i32
        %get3A_221 = arith.index_cast %get3A_220 : i32 to index
        %get3A_222 = arith.index_cast %scan3A_180 : i32 to index
        %get3A_223 = arith.constant 80 : index
        %get3A_224 = tpu.vector_load %arg5[%get3A_221, %get3A_222, %get3A_223] {strides = array<i32>} : memref<4x16x512xf32, #tpu.memory_space<vmem>>, vector<1x1x16xf32>,
        %get3A_225 = vector.shape_cast %get3A_224 : vector<1x1x16xf32> to vector<16xf32>
        %abs3A_226 = math.absf %get3A_225 : vector<16xf32>
        %add3A_227 = arith.addf %add3A_219, %abs3A_226 : vector<16xf32>
        %get3A_228 = arith.constant 0 : i32
        %get3A_229 = arith.index_cast %get3A_228 : i32 to index
        %get3A_230 = arith.index_cast %scan3A_180 : i32 to index
        %get3A_231 = arith.constant 96 : index
        %get3A_232 = tpu.vector_load %arg5[%get3A_229, %get3A_230, %get3A_231] {strides = array<i32>} : memref<4x16x512xf32, #tpu.memory_space<vmem>>, vector<1x1x16xf32>,
        %get3A_233 = vector.shape_cast %get3A_232 : vector<1x1x16xf32> to vector<16xf32>
        %abs3A_234 = math.absf %get3A_233 : vector<16xf32>
        %add3A_235 = arith.addf %add3A_227, %abs3A_234 : vector<16xf32>
        %get3A_236 = arith.constant 0 : i32
        %get3A_237 = arith.index_cast %get3A_236 : i32 to index
        %get3A_238 = arith.index_cast %scan3A_180 : i32 to index
        %get3A_239 = arith.constant 112 : index
        %get3A_240 = tpu.vector_load %arg5[%get3A_237, %get3A_238, %get3A_239] {strides = array<i32>} : memref<4x16x512xf32, #tpu.memory_space<vmem>>, vector<1x1x16xf32>,
        %get3A_241 = vector.shape_cast %get3A_240 : vector<1x1x16xf32> to vector<16xf32>
        %abs3A_242 = math.absf %get3A_241 : vector<16xf32>
        %add3A_243 = arith.addf %add3A_235, %abs3A_242 : vector<16xf32>
        %get3A_244 = arith.constant 0 : i32
        %get3A_245 = arith.index_cast %get3A_244 : i32 to index
        %get3A_246 = arith.index_cast %scan3A_180 : i32 to index
        %get3A_247 = arith.constant 128 : index
        %get3A_248 = tpu.vector_load %arg5[%get3A_245, %get3A_246, %get3A_247] {strides = array<i32>} : memref<4x16x512xf32, #tpu.memory_space<vmem>>, vector<1x1x16xf32>,
        %get3A_249 = vector.shape_cast %get3A_248 : vector<1x1x16xf32> to vector<16xf32>
        %abs3A_250 = math.absf %get3A_249 : vector<16xf32>
        %add3A_251 = arith.addf %add3A_243, %abs3A_250 : vector<16xf32>
        %get3A_252 = arith.constant 0 : i32
        %get3A_253 = arith.index_cast %get3A_252 : i32 to index
        %get3A_254 = arith.index_cast %scan3A_180 : i32 to index
        %get3A_255 = arith.constant 144 : index
        %get3A_256 = tpu.vector_load %arg5[%get3A_253, %get3A_254, %get3A_255] {strides = array<i32>} : memref<4x16x512xf32, #tpu.memory_space<vmem>>, vector<1x1x16xf32>,
        %get3A_257 = vector.shape_cast %get3A_256 : vector<1x1x16xf32> to vector<16xf32>
        %abs3A_258 = math.absf %get3A_257 : vector<16xf32>
        %add3A_259 = arith.addf %add3A_251, %abs3A_258 : vector<16xf32>
        %get3A_260 = arith.constant 0 : i32
        %get3A_261 = arith.index_cast %get3A_260 : i32 to index
        %get3A_262 = arith.index_cast %scan3A_180 : i32 to index
        %get3A_263 = arith.constant 160 : index
        %get3A_264 = tpu.vector_load %arg5[%get3A_261, %get3A_262, %get3A_263] {strides = array<i32>} : memref<4x16x512xf32, #tpu.memory_space<vmem>>, vector<1x1x16xf32>,
        %get3A_265 = vector.shape_cast %get3A_264 : vector<1x1x16xf32> to vector<16xf32>
        %abs3A_266 = math.absf %get3A_265 : vector<16xf32>
        %add3A_267 = arith.addf %add3A_259, %abs3A_266 : vector<16xf32>
        %get3A_268 = arith.constant 0 : i32
        %get3A_269 = arith.index_cast %get3A_268 : i32 to index
        %get3A_270 = arith.index_cast %scan3A_180 : i32 to index
        %get3A_271 = arith.constant 176 : index
        %get3A_272 = tpu.vector_load %arg5[%get3A_269, %get3A_270, %get3A_271] {strides = array<i32>} : memref<4x16x512xf32, #tpu.memory_space<vmem>>, vector<1x1x16xf32>,
        %get3A_273 = vector.shape_cast %get3A_272 : vector<1x1x16xf32> to vector<16xf32>
        %abs3A_274 = math.absf %get3A_273 : vector<16xf32>
        %add3A_275 = arith.addf %add3A_267, %abs3A_274 : vector<16xf32>
        %get3A_276 = arith.constant 0 : i32
        %get3A_277 = arith.index_cast %get3A_276 : i32 to index
        %get3A_278 = arith.index_cast %scan3A_180 : i32 to index
        %get3A_279 = arith.constant 192 : index
        %get3A_280 = tpu.vector_load %arg5[%get3A_277, %get3A_278, %get3A_279] {strides = array<i32>} : memref<4x16x512xf32, #tpu.memory_space<vmem>>, vector<1x1x16xf32>,
        %get3A_281 = vector.shape_cast %get3A_280 : vector<1x1x16xf32> to vector<16xf32>
        %abs3A_282 = math.absf %get3A_281 : vector<16xf32>
        %add3A_283 = arith.addf %add3A_275, %abs3A_282 : vector<16xf32>
        %get3A_284 = arith.constant 0 : i32
        %get3A_285 = arith.index_cast %get3A_284 : i32 to index
        %get3A_286 = arith.index_cast %scan3A_180 : i32 to index
        %get3A_287 = arith.constant 208 : index
        %get3A_288 = tpu.vector_load %arg5[%get3A_285, %get3A_286, %get3A_287] {strides = array<i32>} : memref<4x16x512xf32, #tpu.memory_space<vmem>>, vector<1x1x16xf32>,
        %get3A_289 = vector.shape_cast %get3A_288 : vector<1x1x16xf32> to vector<16xf32>
        %abs3A_290 = math.absf %get3A_289 : vector<16xf32>
        %add3A_291 = arith.addf %add3A_283, %abs3A_290 : vector<16xf32>
        %get3A_292 = arith.constant 0 : i32
        %get3A_293 = arith.index_cast %get3A_292 : i32 to index
        %get3A_294 = arith.index_cast %scan3A_180 : i32 to index
        %get3A_295 = arith.constant 224 : index
        %get3A_296 = tpu.vector_load %arg5[%get3A_293, %get3A_294, %get3A_295] {strides = array<i32>} : memref<4x16x512xf32, #tpu.memory_space<vmem>>, vector<1x1x16xf32>,
        %get3A_297 = vector.shape_cast %get3A_296 : vector<1x1x16xf32> to vector<16xf32>
        %abs3A_298 = math.absf %get3A_297 : vector<16xf32>
        %add3A_299 = arith.addf %add3A_291, %abs3A_298 : vector<16xf32>
        %get3A_300 = arith.constant 0 : i32
        %get3A_301 = arith.index_cast %get3A_300 : i32 to index
        %get3A_302 = arith.index_cast %scan3A_180 : i32 to index
        %get3A_303 = arith.constant 240 : index
        %get3A_304 = tpu.vector_load %arg5[%get3A_301, %get3A_302, %get3A_303] {strides = array<i32>} : memref<4x16x512xf32, #tpu.memory_space<vmem>>, vector<1x1x16xf32>,
        %get3A_305 = vector.shape_cast %get3A_304 : vector<1x1x16xf32> to vector<16xf32>
        %abs3A_306 = math.absf %get3A_305 : vector<16xf32>
        %add3A_307 = arith.addf %add3A_299, %abs3A_306 : vector<16xf32>
        %get3A_308 = arith.constant 0 : i32
        %get3A_309 = arith.index_cast %get3A_308 : i32 to index
        %get3A_310 = arith.index_cast %scan3A_180 : i32 to index
        %get3A_311 = arith.constant 256 : index
        %get3A_312 = tpu.vector_load %arg5[%get3A_309, %get3A_310, %get3A_311] {strides = array<i32>} : memref<4x16x512xf32, #tpu.memory_space<vmem>>, vector<1x1x16xf32>,
        %get3A_313 = vector.shape_cast %get3A_312 : vector<1x1x16xf32> to vector<16xf32>
        %abs3A_314 = math.absf %get3A_313 : vector<16xf32>
        %add3A_315 = arith.addf %add3A_307, %abs3A_314 : vector<16xf32>
        %get3A_316 = arith.constant 0 : i32
        %get3A_317 = arith.index_cast %get3A_316 : i32 to index
        %get3A_318 = arith.index_cast %scan3A_180 : i32 to index
        %get3A_319 = arith.constant 272 : index
        %get3A_320 = tpu.vector_load %arg5[%get3A_317, %get3A_318, %get3A_319] {strides = array<i32>} : memref<4x16x512xf32, #tpu.memory_space<vmem>>, vector<1x1x16xf32>,
        %get3A_321 = vector.shape_cast %get3A_320 : vector<1x1x16xf32> to vector<16xf32>
        %abs3A_322 = math.absf %get3A_321 : vector<16xf32>
        %add3A_323 = arith.addf %add3A_315, %abs3A_322 : vector<16xf32>
        %get3A_324 = arith.constant 0 : i32
        %get3A_325 = arith.index_cast %get3A_324 : i32 to index
        %get3A_326 = arith.index_cast %scan3A_180 : i32 to index
        %get3A_327 = arith.constant 288 : index
        %get3A_328 = tpu.vector_load %arg5[%get3A_325, %get3A_326, %get3A_327] {strides = array<i32>} : memref<4x16x512xf32, #tpu.memory_space<vmem>>, vector<1x1x16xf32>,
        %get3A_329 = vector.shape_cast %get3A_328 : vector<1x1x16xf32> to vector<16xf32>
        %abs3A_330 = math.absf %get3A_329 : vector<16xf32>
        %add3A_331 = arith.addf %add3A_323, %abs3A_330 : vector<16xf32>
        %get3A_332 = arith.constant 0 : i32
        %get3A_333 = arith.index_cast %get3A_332 : i32 to index
        %get3A_334 = arith.index_cast %scan3A_180 : i32 to index
        %get3A_335 = arith.constant 304 : index
        %get3A_336 = tpu.vector_load %arg5[%get3A_333, %get3A_334, %get3A_335] {strides = array<i32>} : memref<4x16x512xf32, #tpu.memory_space<vmem>>, vector<1x1x16xf32>,
        %get3A_337 = vector.shape_cast %get3A_336 : vector<1x1x16xf32> to vector<16xf32>
        %abs3A_338 = math.absf %get3A_337 : vector<16xf32>
        %add3A_339 = arith.addf %add3A_331, %abs3A_338 : vector<16xf32>
        %get3A_340 = arith.constant 0 : i32
        %get3A_341 = arith.index_cast %get3A_340 : i32 to index
        %get3A_342 = arith.index_cast %scan3A_180 : i32 to index
        %get3A_343 = arith.constant 320 : index
        %get3A_344 = tpu.vector_load %arg5[%get3A_341, %get3A_342, %get3A_343] {strides = array<i32>} : memref<4x16x512xf32, #tpu.memory_space<vmem>>, vector<1x1x16xf32>,
        %get3A_345 = vector.shape_cast %get3A_344 : vector<1x1x16xf32> to vector<16xf32>
        %abs3A_346 = math.absf %get3A_345 : vector<16xf32>
        %add3A_347 = arith.addf %add3A_339, %abs3A_346 : vector<16xf32>
        %get3A_348 = arith.constant 0 : i32
        %get3A_349 = arith.index_cast %get3A_348 : i32 to index
        %get3A_350 = arith.index_cast %scan3A_180 : i32 to index
        %get3A_351 = arith.constant 336 : index
        %get3A_352 = tpu.vector_load %arg5[%get3A_349, %get3A_350, %get3A_351] {strides = array<i32>} : memref<4x16x512xf32, #tpu.memory_space<vmem>>, vector<1x1x16xf32>,
        %get3A_353 = vector.shape_cast %get3A_352 : vector<1x1x16xf32> to vector<16xf32>
        %abs3A_354 = math.absf %get3A_353 : vector<16xf32>
        %add3A_355 = arith.addf %add3A_347, %abs3A_354 : vector<16xf32>
        %get3A_356 = arith.constant 0 : i32
        %get3A_357 = arith.index_cast %get3A_356 : i32 to index
        %get3A_358 = arith.index_cast %scan3A_180 : i32 to index
        %get3A_359 = arith.constant 352 : index
        %get3A_360 = tpu.vector_load %arg5[%get3A_357, %get3A_358, %get3A_359] {strides = array<i32>} : memref<4x16x512xf32, #tpu.memory_space<vmem>>, vector<1x1x16xf32>,
        %get3A_361 = vector.shape_cast %get3A_360 : vector<1x1x16xf32> to vector<16xf32>
        %abs3A_362 = math.absf %get3A_361 : vector<16xf32>
        %add3A_363 = arith.addf %add3A_355, %abs3A_362 : vector<16xf32>
        %get3A_364 = arith.constant 0 : i32
        %get3A_365 = arith.index_cast %get3A_364 : i32 to index
        %get3A_366 = arith.index_cast %scan3A_180 : i32 to index
        %get3A_367 = arith.constant 368 : index
        %get3A_368 = tpu.vector_load %arg5[%get3A_365, %get3A_366, %get3A_367] {strides = array<i32>} : memref<4x16x512xf32, #tpu.memory_space<vmem>>, vector<1x1x16xf32>,
        %get3A_369 = vector.shape_cast %get3A_368 : vector<1x1x16xf32> to vector<16xf32>
        %abs3A_370 = math.absf %get3A_369 : vector<16xf32>
        %add3A_371 = arith.addf %add3A_363, %abs3A_370 : vector<16xf32>
        %get3A_372 = arith.constant 0 : i32
        %get3A_373 = arith.index_cast %get3A_372 : i32 to index
        %get3A_374 = arith.index_cast %scan3A_180 : i32 to index
        %get3A_375 = arith.constant 384 : index
        %get3A_376 = tpu.vector_load %arg5[%get3A_373, %get3A_374, %get3A_375] {strides = array<i32>} : memref<4x16x512xf32, #tpu.memory_space<vmem>>, vector<1x1x16xf32>,
        %get3A_377 = vector.shape_cast %get3A_376 : vector<1x1x16xf32> to vector<16xf32>
        %abs3A_378 = math.absf %get3A_377 : vector<16xf32>
        %add3A_379 = arith.addf %add3A_371, %abs3A_378 : vector<16xf32>
        %get3A_380 = arith.constant 0 : i32
        %get3A_381 = arith.index_cast %get3A_380 : i32 to index
        %get3A_382 = arith.index_cast %scan3A_180 : i32 to index
        %get3A_383 = arith.constant 400 : index
        %get3A_384 = tpu.vector_load %arg5[%get3A_381, %get3A_382, %get3A_383] {strides = array<i32>} : memref<4x16x512xf32, #tpu.memory_space<vmem>>, vector<1x1x16xf32>,
        %get3A_385 = vector.shape_cast %get3A_384 : vector<1x1x16xf32> to vector<16xf32>
        %abs3A_386 = math.absf %get3A_385 : vector<16xf32>
        %add3A_387 = arith.addf %add3A_379, %abs3A_386 : vector<16xf32>
        %get3A_388 = arith.constant 0 : i32
        %get3A_389 = arith.index_cast %get3A_388 : i32 to index
        %get3A_390 = arith.index_cast %scan3A_180 : i32 to index
        %get3A_391 = arith.constant 416 : index
        %get3A_392 = tpu.vector_load %arg5[%get3A_389, %get3A_390, %get3A_391] {strides = array<i32>} : memref<4x16x512xf32, #tpu.memory_space<vmem>>, vector<1x1x16xf32>,
        %get3A_393 = vector.shape_cast %get3A_392 : vector<1x1x16xf32> to vector<16xf32>
        %abs3A_394 = math.absf %get3A_393 : vector<16xf32>
        %add3A_395 = arith.addf %add3A_387, %abs3A_394 : vector<16xf32>
        %get3A_396 = arith.constant 0 : i32
        %get3A_397 = arith.index_cast %get3A_396 : i32 to index
        %get3A_398 = arith.index_cast %scan3A_180 : i32 to index
        %get3A_399 = arith.constant 432 : index
        %get3A_400 = tpu.vector_load %arg5[%get3A_397, %get3A_398, %get3A_399] {strides = array<i32>} : memref<4x16x512xf32, #tpu.memory_space<vmem>>, vector<1x1x16xf32>,
        %get3A_401 = vector.shape_cast %get3A_400 : vector<1x1x16xf32> to vector<16xf32>
        %abs3A_402 = math.absf %get3A_401 : vector<16xf32>
        %add3A_403 = arith.addf %add3A_395, %abs3A_402 : vector<16xf32>
        %get3A_404 = arith.constant 0 : i32
        %get3A_405 = arith.index_cast %get3A_404 : i32 to index
        %get3A_406 = arith.index_cast %scan3A_180 : i32 to index
        %get3A_407 = arith.constant 448 : index
        %get3A_408 = tpu.vector_load %arg5[%get3A_405, %get3A_406, %get3A_407] {strides = array<i32>} : memref<4x16x512xf32, #tpu.memory_space<vmem>>, vector<1x1x16xf32>,
        %get3A_409 = vector.shape_cast %get3A_408 : vector<1x1x16xf32> to vector<16xf32>
        %abs3A_410 = math.absf %get3A_409 : vector<16xf32>
        %add3A_411 = arith.addf %add3A_403, %abs3A_410 : vector<16xf32>
        %get3A_412 = arith.constant 0 : i32
        %get3A_413 = arith.index_cast %get3A_412 : i32 to index
        %get3A_414 = arith.index_cast %scan3A_180 : i32 to index
        %get3A_415 = arith.constant 464 : index
        %get3A_416 = tpu.vector_load %arg5[%get3A_413, %get3A_414, %get3A_415] {strides = array<i32>} : memref<4x16x512xf32, #tpu.memory_space<vmem>>, vector<1x1x16xf32>,
        %get3A_417 = vector.shape_cast %get3A_416 : vector<1x1x16xf32> to vector<16xf32>
        %abs3A_418 = math.absf %get3A_417 : vector<16xf32>
        %add3A_419 = arith.addf %add3A_411, %abs3A_418 : vector<16xf32>
        %get3A_420 = arith.constant 0 : i32
        %get3A_421 = arith.index_cast %get3A_420 : i32 to index
        %get3A_422 = arith.index_cast %scan3A_180 : i32 to index
        %get3A_423 = arith.constant 480 : index
        %get3A_424 = tpu.vector_load %arg5[%get3A_421, %get3A_422, %get3A_423] {strides = array<i32>} : memref<4x16x512xf32, #tpu.memory_space<vmem>>, vector<1x1x16xf32>,
        %get3A_425 = vector.shape_cast %get3A_424 : vector<1x1x16xf32> to vector<16xf32>
        %abs3A_426 = math.absf %get3A_425 : vector<16xf32>
        %add3A_427 = arith.addf %add3A_419, %abs3A_426 : vector<16xf32>
        %get3A_428 = arith.constant 0 : i32
        %get3A_429 = arith.index_cast %get3A_428 : i32 to index
        %get3A_430 = arith.index_cast %scan3A_180 : i32 to index
        %get3A_431 = arith.constant 496 : index
        %get3A_432 = tpu.vector_load %arg5[%get3A_429, %get3A_430, %get3A_431] {strides = array<i32>} : memref<4x16x512xf32, #tpu.memory_space<vmem>>, vector<1x1x16xf32>,
        %get3A_433 = vector.shape_cast %get3A_432 : vector<1x1x16xf32> to vector<16xf32>
        %abs3A_434 = math.absf %get3A_433 : vector<16xf32>
        %add3A_435 = arith.addf %add3A_427, %abs3A_434 : vector<16xf32>
        %xor3A_436 = arith.constant 8 : i32
        %xor3A_437 = vector.broadcast %xor3A_436 : i32 to vector<16xi32>
        %xor3A_438 = arith.xori %iota3A, %xor3A_437 : vector<16xi32>
        %broadcast_in_dim3A_439 = vector.shape_cast %xor3A_438 : vector<16xi32> to vector<16x1xi32>
        %gather3A_440 = vector.shape_cast %broadcast_in_dim3A_439 : vector<16x1xi32> to vector<16xi32>
        %gather3A_441 = tpu.dynamic_gather %add3A_435[%gather3A_440] in [0] : vector<16xf32>, vector<16xi32> -> vector<16xf32>
        %add3A_442 = arith.addf %add3A_435, %gather3A_441 : vector<16xf32>
        %xor3A_443 = arith.constant 4 : i32
        %xor3A_444 = vector.broadcast %xor3A_443 : i32 to vector<16xi32>
        %xor3A_445 = arith.xori %iota3A, %xor3A_444 : vector<16xi32>
        %broadcast_in_dim3A_446 = vector.shape_cast %xor3A_445 : vector<16xi32> to vector<16x1xi32>
        %gather3A_447 = vector.shape_cast %broadcast_in_dim3A_446 : vector<16x1xi32> to vector<16xi32>
        %gather3A_448 = tpu.dynamic_gather %add3A_442[%gather3A_447] in [0] : vector<16xf32>, vector<16xi32> -> vector<16xf32>
        %add3A_449 = arith.addf %add3A_442, %gather3A_448 : vector<16xf32>
        %xor3A_450 = arith.constant 2 : i32
        %xor3A_451 = vector.broadcast %xor3A_450 : i32 to vector<16xi32>
        %xor3A_452 = arith.xori %iota3A, %xor3A_451 : vector<16xi32>
        %broadcast_in_dim3A_453 = vector.shape_cast %xor3A_452 : vector<16xi32> to vector<16x1xi32>
        %gather3A_454 = vector.shape_cast %broadcast_in_dim3A_453 : vector<16x1xi32> to vector<16xi32>
        %gather3A_455 = tpu.dynamic_gather %add3A_449[%gather3A_454] in [0] : vector<16xf32>, vector<16xi32> -> vector<16xf32>
        %add3A_456 = arith.addf %add3A_449, %gather3A_455 : vector<16xf32>
        %xor3A_457 = arith.constant 1 : i32
        %xor3A_458 = vector.broadcast %xor3A_457 : i32 to vector<16xi32>
        %xor3A_459 = arith.xori %iota3A, %xor3A_458 : vector<16xi32>
        %broadcast_in_dim3A_460 = vector.shape_cast %xor3A_459 : vector<16xi32> to vector<16x1xi32>
        %gather3A_461 = vector.shape_cast %broadcast_in_dim3A_460 : vector<16x1xi32> to vector<16xi32>
        %gather3A_462 = tpu.dynamic_gather %add3A_456[%gather3A_461] in [0] : vector<16xf32>, vector<16xi32> -> vector<16xf32>
        %add3A_463 = arith.addf %add3A_456, %gather3A_462 : vector<16xf32>
        %max3A_464 = arith.constant 9.99999996E-13 : f32
        %max3A_465 = vector.broadcast %max3A_464 : f32 to vector<16xf32>
        %max3A_466 = arith.maximumf %add3A_463, %max3A_465 : vector<16xf32>
        %div3A = arith.divf %max3A_69, %max3A_466 : vector<16xf32>
        %get3A_467 = arith.constant 1 : i32
        %get3A_468 = arith.index_cast %get3A_467 : i32 to index
        %get3A_469 = arith.index_cast %scan3A_180 : i32 to index
        %get3A_470 = arith.constant 0 : index
        %get3A_471 = tpu.vector_load %arg5[%get3A_468, %get3A_469, %get3A_470] {strides = array<i32>} : memref<4x16x512xf32, #tpu.memory_space<vmem>>, vector<1x1x16xf32>,
        %get3A_472 = vector.shape_cast %get3A_471 : vector<1x1x16xf32> to vector<16xf32>
        %abs3A_473 = math.absf %get3A_472 : vector<16xf32>
        %get3A_474 = arith.constant 1 : i32
        %get3A_475 = arith.index_cast %get3A_474 : i32 to index
        %get3A_476 = arith.index_cast %scan3A_180 : i32 to index
        %get3A_477 = arith.constant 16 : index
        %get3A_478 = tpu.vector_load %arg5[%get3A_475, %get3A_476, %get3A_477] {strides = array<i32>} : memref<4x16x512xf32, #tpu.memory_space<vmem>>, vector<1x1x16xf32>,
        %get3A_479 = vector.shape_cast %get3A_478 : vector<1x1x16xf32> to vector<16xf32>
        %abs3A_480 = math.absf %get3A_479 : vector<16xf32>
        %add3A_481 = arith.addf %abs3A_473, %abs3A_480 : vector<16xf32>
        %get3A_482 = arith.constant 1 : i32
        %get3A_483 = arith.index_cast %get3A_482 : i32 to index
        %get3A_484 = arith.index_cast %scan3A_180 : i32 to index
        %get3A_485 = arith.constant 32 : index
        %get3A_486 = tpu.vector_load %arg5[%get3A_483, %get3A_484, %get3A_485] {strides = array<i32>} : memref<4x16x512xf32, #tpu.memory_space<vmem>>, vector<1x1x16xf32>,
        %get3A_487 = vector.shape_cast %get3A_486 : vector<1x1x16xf32> to vector<16xf32>
        %abs3A_488 = math.absf %get3A_487 : vector<16xf32>
        %add3A_489 = arith.addf %add3A_481, %abs3A_488 : vector<16xf32>
        %get3A_490 = arith.constant 1 : i32
        %get3A_491 = arith.index_cast %get3A_490 : i32 to index
        %get3A_492 = arith.index_cast %scan3A_180 : i32 to index
        %get3A_493 = arith.constant 48 : index
        %get3A_494 = tpu.vector_load %arg5[%get3A_491, %get3A_492, %get3A_493] {strides = array<i32>} : memref<4x16x512xf32, #tpu.memory_space<vmem>>, vector<1x1x16xf32>,
        %get3A_495 = vector.shape_cast %get3A_494 : vector<1x1x16xf32> to vector<16xf32>
        %abs3A_496 = math.absf %get3A_495 : vector<16xf32>
        %add3A_497 = arith.addf %add3A_489, %abs3A_496 : vector<16xf32>
        %get3A_498 = arith.constant 1 : i32
        %get3A_499 = arith.index_cast %get3A_498 : i32 to index
        %get3A_500 = arith.index_cast %scan3A_180 : i32 to index
        %get3A_501 = arith.constant 64 : index
        %get3A_502 = tpu.vector_load %arg5[%get3A_499, %get3A_500, %get3A_501] {strides = array<i32>} : memref<4x16x512xf32, #tpu.memory_space<vmem>>, vector<1x1x16xf32>,
        %get3A_503 = vector.shape_cast %get3A_502 : vector<1x1x16xf32> to vector<16xf32>
        %abs3A_504 = math.absf %get3A_503 : vector<16xf32>
        %add3A_505 = arith.addf %add3A_497, %abs3A_504 : vector<16xf32>
        %get3A_506 = arith.constant 1 : i32
        %get3A_507 = arith.index_cast %get3A_506 : i32 to index
        %get3A_508 = arith.index_cast %scan3A_180 : i32 to index
        %get3A_509 = arith.constant 80 : index
        %get3A_510 = tpu.vector_load %arg5[%get3A_507, %get3A_508, %get3A_509] {strides = array<i32>} : memref<4x16x512xf32, #tpu.memory_space<vmem>>, vector<1x1x16xf32>,
        %get3A_511 = vector.shape_cast %get3A_510 : vector<1x1x16xf32> to vector<16xf32>
        %abs3A_512 = math.absf %get3A_511 : vector<16xf32>
        %add3A_513 = arith.addf %add3A_505, %abs3A_512 : vector<16xf32>
        %get3A_514 = arith.constant 1 : i32
        %get3A_515 = arith.index_cast %get3A_514 : i32 to index
        %get3A_516 = arith.index_cast %scan3A_180 : i32 to index
        %get3A_517 = arith.constant 96 : index
        %get3A_518 = tpu.vector_load %arg5[%get3A_515, %get3A_516, %get3A_517] {strides = array<i32>} : memref<4x16x512xf32, #tpu.memory_space<vmem>>, vector<1x1x16xf32>,
        %get3A_519 = vector.shape_cast %get3A_518 : vector<1x1x16xf32> to vector<16xf32>
        %abs3A_520 = math.absf %get3A_519 : vector<16xf32>
        %add3A_521 = arith.addf %add3A_513, %abs3A_520 : vector<16xf32>
        %get3A_522 = arith.constant 1 : i32
        %get3A_523 = arith.index_cast %get3A_522 : i32 to index
        %get3A_524 = arith.index_cast %scan3A_180 : i32 to index
        %get3A_525 = arith.constant 112 : index
        %get3A_526 = tpu.vector_load %arg5[%get3A_523, %get3A_524, %get3A_525] {strides = array<i32>} : memref<4x16x512xf32, #tpu.memory_space<vmem>>, vector<1x1x16xf32>,
        %get3A_527 = vector.shape_cast %get3A_526 : vector<1x1x16xf32> to vector<16xf32>
        %abs3A_528 = math.absf %get3A_527 : vector<16xf32>
        %add3A_529 = arith.addf %add3A_521, %abs3A_528 : vector<16xf32>
        %get3A_530 = arith.constant 1 : i32
        %get3A_531 = arith.index_cast %get3A_530 : i32 to index
        %get3A_532 = arith.index_cast %scan3A_180 : i32 to index
        %get3A_533 = arith.constant 128 : index
        %get3A_534 = tpu.vector_load %arg5[%get3A_531, %get3A_532, %get3A_533] {strides = array<i32>} : memref<4x16x512xf32, #tpu.memory_space<vmem>>, vector<1x1x16xf32>,
        %get3A_535 = vector.shape_cast %get3A_534 : vector<1x1x16xf32> to vector<16xf32>
        %abs3A_536 = math.absf %get3A_535 : vector<16xf32>
        %add3A_537 = arith.addf %add3A_529, %abs3A_536 : vector<16xf32>
        %get3A_538 = arith.constant 1 : i32
        %get3A_539 = arith.index_cast %get3A_538 : i32 to index
        %get3A_540 = arith.index_cast %scan3A_180 : i32 to index
        %get3A_541 = arith.constant 144 : index
        %get3A_542 = tpu.vector_load %arg5[%get3A_539, %get3A_540, %get3A_541] {strides = array<i32>} : memref<4x16x512xf32, #tpu.memory_space<vmem>>, vector<1x1x16xf32>,
        %get3A_543 = vector.shape_cast %get3A_542 : vector<1x1x16xf32> to vector<16xf32>
        %abs3A_544 = math.absf %get3A_543 : vector<16xf32>
        %add3A_545 = arith.addf %add3A_537, %abs3A_544 : vector<16xf32>
        %get3A_546 = arith.constant 1 : i32
        %get3A_547 = arith.index_cast %get3A_546 : i32 to index
        %get3A_548 = arith.index_cast %scan3A_180 : i32 to index
        %get3A_549 = arith.constant 160 : index
        %get3A_550 = tpu.vector_load %arg5[%get3A_547, %get3A_548, %get3A_549] {strides = array<i32>} : memref<4x16x512xf32, #tpu.memory_space<vmem>>, vector<1x1x16xf32>,
        %get3A_551 = vector.shape_cast %get3A_550 : vector<1x1x16xf32> to vector<16xf32>
        %abs3A_552 = math.absf %get3A_551 : vector<16xf32>
        %add3A_553 = arith.addf %add3A_545, %abs3A_552 : vector<16xf32>
        %get3A_554 = arith.constant 1 : i32
        %get3A_555 = arith.index_cast %get3A_554 : i32 to index
        %get3A_556 = arith.index_cast %scan3A_180 : i32 to index
        %get3A_557 = arith.constant 176 : index
        %get3A_558 = tpu.vector_load %arg5[%get3A_555, %get3A_556, %get3A_557] {strides = array<i32>} : memref<4x16x512xf32, #tpu.memory_space<vmem>>, vector<1x1x16xf32>,
        %get3A_559 = vector.shape_cast %get3A_558 : vector<1x1x16xf32> to vector<16xf32>
        %abs3A_560 = math.absf %get3A_559 : vector<16xf32>
        %add3A_561 = arith.addf %add3A_553, %abs3A_560 : vector<16xf32>
        %get3A_562 = arith.constant 1 : i32
        %get3A_563 = arith.index_cast %get3A_562 : i32 to index
        %get3A_564 = arith.index_cast %scan3A_180 : i32 to index
        %get3A_565 = arith.constant 192 : index
        %get3A_566 = tpu.vector_load %arg5[%get3A_563, %get3A_564, %get3A_565] {strides = array<i32>} : memref<4x16x512xf32, #tpu.memory_space<vmem>>, vector<1x1x16xf32>,
        %get3A_567 = vector.shape_cast %get3A_566 : vector<1x1x16xf32> to vector<16xf32>
        %abs3A_568 = math.absf %get3A_567 : vector<16xf32>
        %add3A_569 = arith.addf %add3A_561, %abs3A_568 : vector<16xf32>
        %get3A_570 = arith.constant 1 : i32
        %get3A_571 = arith.index_cast %get3A_570 : i32 to index
        %get3A_572 = arith.index_cast %scan3A_180 : i32 to index
        %get3A_573 = arith.constant 208 : index
        %get3A_574 = tpu.vector_load %arg5[%get3A_571, %get3A_572, %get3A_573] {strides = array<i32>} : memref<4x16x512xf32, #tpu.memory_space<vmem>>, vector<1x1x16xf32>,
        %get3A_575 = vector.shape_cast %get3A_574 : vector<1x1x16xf32> to vector<16xf32>
        %abs3A_576 = math.absf %get3A_575 : vector<16xf32>
        %add3A_577 = arith.addf %add3A_569, %abs3A_576 : vector<16xf32>
        %get3A_578 = arith.constant 1 : i32
        %get3A_579 = arith.index_cast %get3A_578 : i32 to index
        %get3A_580 = arith.index_cast %scan3A_180 : i32 to index
        %get3A_581 = arith.constant 224 : index
        %get3A_582 = tpu.vector_load %arg5[%get3A_579, %get3A_580, %get3A_581] {strides = array<i32>} : memref<4x16x512xf32, #tpu.memory_space<vmem>>, vector<1x1x16xf32>,
        %get3A_583 = vector.shape_cast %get3A_582 : vector<1x1x16xf32> to vector<16xf32>
        %abs3A_584 = math.absf %get3A_583 : vector<16xf32>
        %add3A_585 = arith.addf %add3A_577, %abs3A_584 : vector<16xf32>
        %get3A_586 = arith.constant 1 : i32
        %get3A_587 = arith.index_cast %get3A_586 : i32 to index
        %get3A_588 = arith.index_cast %scan3A_180 : i32 to index
        %get3A_589 = arith.constant 240 : index
        %get3A_590 = tpu.vector_load %arg5[%get3A_587, %get3A_588, %get3A_589] {strides = array<i32>} : memref<4x16x512xf32, #tpu.memory_space<vmem>>, vector<1x1x16xf32>,
        %get3A_591 = vector.shape_cast %get3A_590 : vector<1x1x16xf32> to vector<16xf32>
        %abs3A_592 = math.absf %get3A_591 : vector<16xf32>
        %add3A_593 = arith.addf %add3A_585, %abs3A_592 : vector<16xf32>
        %get3A_594 = arith.constant 1 : i32
        %get3A_595 = arith.index_cast %get3A_594 : i32 to index
        %get3A_596 = arith.index_cast %scan3A_180 : i32 to index
        %get3A_597 = arith.constant 256 : index
        %get3A_598 = tpu.vector_load %arg5[%get3A_595, %get3A_596, %get3A_597] {strides = array<i32>} : memref<4x16x512xf32, #tpu.memory_space<vmem>>, vector<1x1x16xf32>,
        %get3A_599 = vector.shape_cast %get3A_598 : vector<1x1x16xf32> to vector<16xf32>
        %abs3A_600 = math.absf %get3A_599 : vector<16xf32>
        %add3A_601 = arith.addf %add3A_593, %abs3A_600 : vector<16xf32>
        %get3A_602 = arith.constant 1 : i32
        %get3A_603 = arith.index_cast %get3A_602 : i32 to index
        %get3A_604 = arith.index_cast %scan3A_180 : i32 to index
        %get3A_605 = arith.constant 272 : index
        %get3A_606 = tpu.vector_load %arg5[%get3A_603, %get3A_604, %get3A_605] {strides = array<i32>} : memref<4x16x512xf32, #tpu.memory_space<vmem>>, vector<1x1x16xf32>,
        %get3A_607 = vector.shape_cast %get3A_606 : vector<1x1x16xf32> to vector<16xf32>
        %abs3A_608 = math.absf %get3A_607 : vector<16xf32>
        %add3A_609 = arith.addf %add3A_601, %abs3A_608 : vector<16xf32>
        %get3A_610 = arith.constant 1 : i32
        %get3A_611 = arith.index_cast %get3A_610 : i32 to index
        %get3A_612 = arith.index_cast %scan3A_180 : i32 to index
        %get3A_613 = arith.constant 288 : index
        %get3A_614 = tpu.vector_load %arg5[%get3A_611, %get3A_612, %get3A_613] {strides = array<i32>} : memref<4x16x512xf32, #tpu.memory_space<vmem>>, vector<1x1x16xf32>,
        %get3A_615 = vector.shape_cast %get3A_614 : vector<1x1x16xf32> to vector<16xf32>
        %abs3A_616 = math.absf %get3A_615 : vector<16xf32>
        %add3A_617 = arith.addf %add3A_609, %abs3A_616 : vector<16xf32>
        %get3A_618 = arith.constant 1 : i32
        %get3A_619 = arith.index_cast %get3A_618 : i32 to index
        %get3A_620 = arith.index_cast %scan3A_180 : i32 to index
        %get3A_621 = arith.constant 304 : index
        %get3A_622 = tpu.vector_load %arg5[%get3A_619, %get3A_620, %get3A_621] {strides = array<i32>} : memref<4x16x512xf32, #tpu.memory_space<vmem>>, vector<1x1x16xf32>,
        %get3A_623 = vector.shape_cast %get3A_622 : vector<1x1x16xf32> to vector<16xf32>
        %abs3A_624 = math.absf %get3A_623 : vector<16xf32>
        %add3A_625 = arith.addf %add3A_617, %abs3A_624 : vector<16xf32>
        %get3A_626 = arith.constant 1 : i32
        %get3A_627 = arith.index_cast %get3A_626 : i32 to index
        %get3A_628 = arith.index_cast %scan3A_180 : i32 to index
        %get3A_629 = arith.constant 320 : index
        %get3A_630 = tpu.vector_load %arg5[%get3A_627, %get3A_628, %get3A_629] {strides = array<i32>} : memref<4x16x512xf32, #tpu.memory_space<vmem>>, vector<1x1x16xf32>,
        %get3A_631 = vector.shape_cast %get3A_630 : vector<1x1x16xf32> to vector<16xf32>
        %abs3A_632 = math.absf %get3A_631 : vector<16xf32>
        %add3A_633 = arith.addf %add3A_625, %abs3A_632 : vector<16xf32>
        %get3A_634 = arith.constant 1 : i32
        %get3A_635 = arith.index_cast %get3A_634 : i32 to index
        %get3A_636 = arith.index_cast %scan3A_180 : i32 to index
        %get3A_637 = arith.constant 336 : index
        %get3A_638 = tpu.vector_load %arg5[%get3A_635, %get3A_636, %get3A_637] {strides = array<i32>} : memref<4x16x512xf32, #tpu.memory_space<vmem>>, vector<1x1x16xf32>,
        %get3A_639 = vector.shape_cast %get3A_638 : vector<1x1x16xf32> to vector<16xf32>
        %abs3A_640 = math.absf %get3A_639 : vector<16xf32>
        %add3A_641 = arith.addf %add3A_633, %abs3A_640 : vector<16xf32>
        %get3A_642 = arith.constant 1 : i32
        %get3A_643 = arith.index_cast %get3A_642 : i32 to index
        %get3A_644 = arith.index_cast %scan3A_180 : i32 to index
        %get3A_645 = arith.constant 352 : index
        %get3A_646 = tpu.vector_load %arg5[%get3A_643, %get3A_644, %get3A_645] {strides = array<i32>} : memref<4x16x512xf32, #tpu.memory_space<vmem>>, vector<1x1x16xf32>,
        %get3A_647 = vector.shape_cast %get3A_646 : vector<1x1x16xf32> to vector<16xf32>
        %abs3A_648 = math.absf %get3A_647 : vector<16xf32>
        %add3A_649 = arith.addf %add3A_641, %abs3A_648 : vector<16xf32>
        %get3A_650 = arith.constant 1 : i32
        %get3A_651 = arith.index_cast %get3A_650 : i32 to index
        %get3A_652 = arith.index_cast %scan3A_180 : i32 to index
        %get3A_653 = arith.constant 368 : index
        %get3A_654 = tpu.vector_load %arg5[%get3A_651, %get3A_652, %get3A_653] {strides = array<i32>} : memref<4x16x512xf32, #tpu.memory_space<vmem>>, vector<1x1x16xf32>,
        %get3A_655 = vector.shape_cast %get3A_654 : vector<1x1x16xf32> to vector<16xf32>
        %abs3A_656 = math.absf %get3A_655 : vector<16xf32>
        %add3A_657 = arith.addf %add3A_649, %abs3A_656 : vector<16xf32>
        %get3A_658 = arith.constant 1 : i32
        %get3A_659 = arith.index_cast %get3A_658 : i32 to index
        %get3A_660 = arith.index_cast %scan3A_180 : i32 to index
        %get3A_661 = arith.constant 384 : index
        %get3A_662 = tpu.vector_load %arg5[%get3A_659, %get3A_660, %get3A_661] {strides = array<i32>} : memref<4x16x512xf32, #tpu.memory_space<vmem>>, vector<1x1x16xf32>,
        %get3A_663 = vector.shape_cast %get3A_662 : vector<1x1x16xf32> to vector<16xf32>
        %abs3A_664 = math.absf %get3A_663 : vector<16xf32>
        %add3A_665 = arith.addf %add3A_657, %abs3A_664 : vector<16xf32>
        %get3A_666 = arith.constant 1 : i32
        %get3A_667 = arith.index_cast %get3A_666 : i32 to index
        %get3A_668 = arith.index_cast %scan3A_180 : i32 to index
        %get3A_669 = arith.constant 400 : index
        %get3A_670 = tpu.vector_load %arg5[%get3A_667, %get3A_668, %get3A_669] {strides = array<i32>} : memref<4x16x512xf32, #tpu.memory_space<vmem>>, vector<1x1x16xf32>,
        %get3A_671 = vector.shape_cast %get3A_670 : vector<1x1x16xf32> to vector<16xf32>
        %abs3A_672 = math.absf %get3A_671 : vector<16xf32>
        %add3A_673 = arith.addf %add3A_665, %abs3A_672 : vector<16xf32>
        %get3A_674 = arith.constant 1 : i32
        %get3A_675 = arith.index_cast %get3A_674 : i32 to index
        %get3A_676 = arith.index_cast %scan3A_180 : i32 to index
        %get3A_677 = arith.constant 416 : index
        %get3A_678 = tpu.vector_load %arg5[%get3A_675, %get3A_676, %get3A_677] {strides = array<i32>} : memref<4x16x512xf32, #tpu.memory_space<vmem>>, vector<1x1x16xf32>,
        %get3A_679 = vector.shape_cast %get3A_678 : vector<1x1x16xf32> to vector<16xf32>
        %abs3A_680 = math.absf %get3A_679 : vector<16xf32>
        %add3A_681 = arith.addf %add3A_673, %abs3A_680 : vector<16xf32>
        %get3A_682 = arith.constant 1 : i32
        %get3A_683 = arith.index_cast %get3A_682 : i32 to index
        %get3A_684 = arith.index_cast %scan3A_180 : i32 to index
        %get3A_685 = arith.constant 432 : index
        %get3A_686 = tpu.vector_load %arg5[%get3A_683, %get3A_684, %get3A_685] {strides = array<i32>} : memref<4x16x512xf32, #tpu.memory_space<vmem>>, vector<1x1x16xf32>,
        %get3A_687 = vector.shape_cast %get3A_686 : vector<1x1x16xf32> to vector<16xf32>
        %abs3A_688 = math.absf %get3A_687 : vector<16xf32>
        %add3A_689 = arith.addf %add3A_681, %abs3A_688 : vector<16xf32>
        %get3A_690 = arith.constant 1 : i32
        %get3A_691 = arith.index_cast %get3A_690 : i32 to index
        %get3A_692 = arith.index_cast %scan3A_180 : i32 to index
        %get3A_693 = arith.constant 448 : index
        %get3A_694 = tpu.vector_load %arg5[%get3A_691, %get3A_692, %get3A_693] {strides = array<i32>} : memref<4x16x512xf32, #tpu.memory_space<vmem>>, vector<1x1x16xf32>,
        %get3A_695 = vector.shape_cast %get3A_694 : vector<1x1x16xf32> to vector<16xf32>
        %abs3A_696 = math.absf %get3A_695 : vector<16xf32>
        %add3A_697 = arith.addf %add3A_689, %abs3A_696 : vector<16xf32>
        %get3A_698 = arith.constant 1 : i32
        %get3A_699 = arith.index_cast %get3A_698 : i32 to index
        %get3A_700 = arith.index_cast %scan3A_180 : i32 to index
        %get3A_701 = arith.constant 464 : index
        %get3A_702 = tpu.vector_load %arg5[%get3A_699, %get3A_700, %get3A_701] {strides = array<i32>} : memref<4x16x512xf32, #tpu.memory_space<vmem>>, vector<1x1x16xf32>,
        %get3A_703 = vector.shape_cast %get3A_702 : vector<1x1x16xf32> to vector<16xf32>
        %abs3A_704 = math.absf %get3A_703 : vector<16xf32>
        %add3A_705 = arith.addf %add3A_697, %abs3A_704 : vector<16xf32>
        %get3A_706 = arith.constant 1 : i32
        %get3A_707 = arith.index_cast %get3A_706 : i32 to index
        %get3A_708 = arith.index_cast %scan3A_180 : i32 to index
        %get3A_709 = arith.constant 480 : index
        %get3A_710 = tpu.vector_load %arg5[%get3A_707, %get3A_708, %get3A_709] {strides = array<i32>} : memref<4x16x512xf32, #tpu.memory_space<vmem>>, vector<1x1x16xf32>,
        %get3A_711 = vector.shape_cast %get3A_710 : vector<1x1x16xf32> to vector<16xf32>
        %abs3A_712 = math.absf %get3A_711 : vector<16xf32>
        %add3A_713 = arith.addf %add3A_705, %abs3A_712 : vector<16xf32>
        %get3A_714 = arith.constant 1 : i32
        %get3A_715 = arith.index_cast %get3A_714 : i32 to index
        %get3A_716 = arith.index_cast %scan3A_180 : i32 to index
        %get3A_717 = arith.constant 496 : index
        %get3A_718 = tpu.vector_load %arg5[%get3A_715, %get3A_716, %get3A_717] {strides = array<i32>} : memref<4x16x512xf32, #tpu.memory_space<vmem>>, vector<1x1x16xf32>,
        %get3A_719 = vector.shape_cast %get3A_718 : vector<1x1x16xf32> to vector<16xf32>
        %abs3A_720 = math.absf %get3A_719 : vector<16xf32>
        %add3A_721 = arith.addf %add3A_713, %abs3A_720 : vector<16xf32>
        %xor3A_722 = arith.constant 8 : i32
        %xor3A_723 = vector.broadcast %xor3A_722 : i32 to vector<16xi32>
        %xor3A_724 = arith.xori %iota3A, %xor3A_723 : vector<16xi32>
        %broadcast_in_dim3A_725 = vector.shape_cast %xor3A_724 : vector<16xi32> to vector<16x1xi32>
        %gather3A_726 = vector.shape_cast %broadcast_in_dim3A_725 : vector<16x1xi32> to vector<16xi32>
        %gather3A_727 = tpu.dynamic_gather %add3A_721[%gather3A_726] in [0] : vector<16xf32>, vector<16xi32> -> vector<16xf32>
        %add3A_728 = arith.addf %add3A_721, %gather3A_727 : vector<16xf32>
        %xor3A_729 = arith.constant 4 : i32
        %xor3A_730 = vector.broadcast %xor3A_729 : i32 to vector<16xi32>
        %xor3A_731 = arith.xori %iota3A, %xor3A_730 : vector<16xi32>
        %broadcast_in_dim3A_732 = vector.shape_cast %xor3A_731 : vector<16xi32> to vector<16x1xi32>
        %gather3A_733 = vector.shape_cast %broadcast_in_dim3A_732 : vector<16x1xi32> to vector<16xi32>
        %gather3A_734 = tpu.dynamic_gather %add3A_728[%gather3A_733] in [0] : vector<16xf32>, vector<16xi32> -> vector<16xf32>
        %add3A_735 = arith.addf %add3A_728, %gather3A_734 : vector<16xf32>
        %xor3A_736 = arith.constant 2 : i32
        %xor3A_737 = vector.broadcast %xor3A_736 : i32 to vector<16xi32>
        %xor3A_738 = arith.xori %iota3A, %xor3A_737 : vector<16xi32>
        %broadcast_in_dim3A_739 = vector.shape_cast %xor3A_738 : vector<16xi32> to vector<16x1xi32>
        %gather3A_740 = vector.shape_cast %broadcast_in_dim3A_739 : vector<16x1xi32> to vector<16xi32>
        %gather3A_741 = tpu.dynamic_gather %add3A_735[%gather3A_740] in [0] : vector<16xf32>, vector<16xi32> -> vector<16xf32>
        %add3A_742 = arith.addf %add3A_735, %gather3A_741 : vector<16xf32>
        %xor3A_743 = arith.constant 1 : i32
        %xor3A_744 = vector.broadcast %xor3A_743 : i32 to vector<16xi32>
        %xor3A_745 = arith.xori %iota3A, %xor3A_744 : vector<16xi32>
        %broadcast_in_dim3A_746 = vector.shape_cast %xor3A_745 : vector<16xi32> to vector<16x1xi32>
        %gather3A_747 = vector.shape_cast %broadcast_in_dim3A_746 : vector<16x1xi32> to vector<16xi32>
        %gather3A_748 = tpu.dynamic_gather %add3A_742[%gather3A_747] in [0] : vector<16xf32>, vector<16xi32> -> vector<16xf32>
        %add3A_749 = arith.addf %add3A_742, %gather3A_748 : vector<16xf32>
        %max3A_750 = arith.constant 9.99999996E-13 : f32
        %max3A_751 = vector.broadcast %max3A_750 : f32 to vector<16xf32>
        %max3A_752 = arith.maximumf %add3A_749, %max3A_751 : vector<16xf32>
        %div3A_753 = arith.divf %max3A_103, %max3A_752 : vector<16xf32>
        %get3A_754 = arith.constant 2 : i32
        %get3A_755 = arith.index_cast %get3A_754 : i32 to index
        %get3A_756 = arith.index_cast %scan3A_180 : i32 to index
        %get3A_757 = arith.constant 0 : index
        %get3A_758 = tpu.vector_load %arg5[%get3A_755, %get3A_756, %get3A_757] {strides = array<i32>} : memref<4x16x512xf32, #tpu.memory_space<vmem>>, vector<1x1x16xf32>,
        %get3A_759 = vector.shape_cast %get3A_758 : vector<1x1x16xf32> to vector<16xf32>
        %abs3A_760 = math.absf %get3A_759 : vector<16xf32>
        %get3A_761 = arith.constant 2 : i32
        %get3A_762 = arith.index_cast %get3A_761 : i32 to index
        %get3A_763 = arith.index_cast %scan3A_180 : i32 to index
        %get3A_764 = arith.constant 16 : index
        %get3A_765 = tpu.vector_load %arg5[%get3A_762, %get3A_763, %get3A_764] {strides = array<i32>} : memref<4x16x512xf32, #tpu.memory_space<vmem>>, vector<1x1x16xf32>,
        %get3A_766 = vector.shape_cast %get3A_765 : vector<1x1x16xf32> to vector<16xf32>
        %abs3A_767 = math.absf %get3A_766 : vector<16xf32>
        %add3A_768 = arith.addf %abs3A_760, %abs3A_767 : vector<16xf32>
        %get3A_769 = arith.constant 2 : i32
        %get3A_770 = arith.index_cast %get3A_769 : i32 to index
        %get3A_771 = arith.index_cast %scan3A_180 : i32 to index
        %get3A_772 = arith.constant 32 : index
        %get3A_773 = tpu.vector_load %arg5[%get3A_770, %get3A_771, %get3A_772] {strides = array<i32>} : memref<4x16x512xf32, #tpu.memory_space<vmem>>, vector<1x1x16xf32>,
        %get3A_774 = vector.shape_cast %get3A_773 : vector<1x1x16xf32> to vector<16xf32>
        %abs3A_775 = math.absf %get3A_774 : vector<16xf32>
        %add3A_776 = arith.addf %add3A_768, %abs3A_775 : vector<16xf32>
        %get3A_777 = arith.constant 2 : i32
        %get3A_778 = arith.index_cast %get3A_777 : i32 to index
        %get3A_779 = arith.index_cast %scan3A_180 : i32 to index
        %get3A_780 = arith.constant 48 : index
        %get3A_781 = tpu.vector_load %arg5[%get3A_778, %get3A_779, %get3A_780] {strides = array<i32>} : memref<4x16x512xf32, #tpu.memory_space<vmem>>, vector<1x1x16xf32>,
        %get3A_782 = vector.shape_cast %get3A_781 : vector<1x1x16xf32> to vector<16xf32>
        %abs3A_783 = math.absf %get3A_782 : vector<16xf32>
        %add3A_784 = arith.addf %add3A_776, %abs3A_783 : vector<16xf32>
        %get3A_785 = arith.constant 2 : i32
        %get3A_786 = arith.index_cast %get3A_785 : i32 to index
        %get3A_787 = arith.index_cast %scan3A_180 : i32 to index
        %get3A_788 = arith.constant 64 : index
        %get3A_789 = tpu.vector_load %arg5[%get3A_786, %get3A_787, %get3A_788] {strides = array<i32>} : memref<4x16x512xf32, #tpu.memory_space<vmem>>, vector<1x1x16xf32>,
        %get3A_790 = vector.shape_cast %get3A_789 : vector<1x1x16xf32> to vector<16xf32>
        %abs3A_791 = math.absf %get3A_790 : vector<16xf32>
        %add3A_792 = arith.addf %add3A_784, %abs3A_791 : vector<16xf32>
        %get3A_793 = arith.constant 2 : i32
        %get3A_794 = arith.index_cast %get3A_793 : i32 to index
        %get3A_795 = arith.index_cast %scan3A_180 : i32 to index
        %get3A_796 = arith.constant 80 : index
        %get3A_797 = tpu.vector_load %arg5[%get3A_794, %get3A_795, %get3A_796] {strides = array<i32>} : memref<4x16x512xf32, #tpu.memory_space<vmem>>, vector<1x1x16xf32>,
        %get3A_798 = vector.shape_cast %get3A_797 : vector<1x1x16xf32> to vector<16xf32>
        %abs3A_799 = math.absf %get3A_798 : vector<16xf32>
        %add3A_800 = arith.addf %add3A_792, %abs3A_799 : vector<16xf32>
        %get3A_801 = arith.constant 2 : i32
        %get3A_802 = arith.index_cast %get3A_801 : i32 to index
        %get3A_803 = arith.index_cast %scan3A_180 : i32 to index
        %get3A_804 = arith.constant 96 : index
        %get3A_805 = tpu.vector_load %arg5[%get3A_802, %get3A_803, %get3A_804] {strides = array<i32>} : memref<4x16x512xf32, #tpu.memory_space<vmem>>, vector<1x1x16xf32>,
        %get3A_806 = vector.shape_cast %get3A_805 : vector<1x1x16xf32> to vector<16xf32>
        %abs3A_807 = math.absf %get3A_806 : vector<16xf32>
        %add3A_808 = arith.addf %add3A_800, %abs3A_807 : vector<16xf32>
        %get3A_809 = arith.constant 2 : i32
        %get3A_810 = arith.index_cast %get3A_809 : i32 to index
        %get3A_811 = arith.index_cast %scan3A_180 : i32 to index
        %get3A_812 = arith.constant 112 : index
        %get3A_813 = tpu.vector_load %arg5[%get3A_810, %get3A_811, %get3A_812] {strides = array<i32>} : memref<4x16x512xf32, #tpu.memory_space<vmem>>, vector<1x1x16xf32>,
        %get3A_814 = vector.shape_cast %get3A_813 : vector<1x1x16xf32> to vector<16xf32>
        %abs3A_815 = math.absf %get3A_814 : vector<16xf32>
        %add3A_816 = arith.addf %add3A_808, %abs3A_815 : vector<16xf32>
        %get3A_817 = arith.constant 2 : i32
        %get3A_818 = arith.index_cast %get3A_817 : i32 to index
        %get3A_819 = arith.index_cast %scan3A_180 : i32 to index
        %get3A_820 = arith.constant 128 : index
        %get3A_821 = tpu.vector_load %arg5[%get3A_818, %get3A_819, %get3A_820] {strides = array<i32>} : memref<4x16x512xf32, #tpu.memory_space<vmem>>, vector<1x1x16xf32>,
        %get3A_822 = vector.shape_cast %get3A_821 : vector<1x1x16xf32> to vector<16xf32>
        %abs3A_823 = math.absf %get3A_822 : vector<16xf32>
        %add3A_824 = arith.addf %add3A_816, %abs3A_823 : vector<16xf32>
        %get3A_825 = arith.constant 2 : i32
        %get3A_826 = arith.index_cast %get3A_825 : i32 to index
        %get3A_827 = arith.index_cast %scan3A_180 : i32 to index
        %get3A_828 = arith.constant 144 : index
        %get3A_829 = tpu.vector_load %arg5[%get3A_826, %get3A_827, %get3A_828] {strides = array<i32>} : memref<4x16x512xf32, #tpu.memory_space<vmem>>, vector<1x1x16xf32>,
        %get3A_830 = vector.shape_cast %get3A_829 : vector<1x1x16xf32> to vector<16xf32>
        %abs3A_831 = math.absf %get3A_830 : vector<16xf32>
        %add3A_832 = arith.addf %add3A_824, %abs3A_831 : vector<16xf32>
        %get3A_833 = arith.constant 2 : i32
        %get3A_834 = arith.index_cast %get3A_833 : i32 to index
        %get3A_835 = arith.index_cast %scan3A_180 : i32 to index
        %get3A_836 = arith.constant 160 : index
        %get3A_837 = tpu.vector_load %arg5[%get3A_834, %get3A_835, %get3A_836] {strides = array<i32>} : memref<4x16x512xf32, #tpu.memory_space<vmem>>, vector<1x1x16xf32>,
        %get3A_838 = vector.shape_cast %get3A_837 : vector<1x1x16xf32> to vector<16xf32>
        %abs3A_839 = math.absf %get3A_838 : vector<16xf32>
        %add3A_840 = arith.addf %add3A_832, %abs3A_839 : vector<16xf32>
        %get3A_841 = arith.constant 2 : i32
        %get3A_842 = arith.index_cast %get3A_841 : i32 to index
        %get3A_843 = arith.index_cast %scan3A_180 : i32 to index
        %get3A_844 = arith.constant 176 : index
        %get3A_845 = tpu.vector_load %arg5[%get3A_842, %get3A_843, %get3A_844] {strides = array<i32>} : memref<4x16x512xf32, #tpu.memory_space<vmem>>, vector<1x1x16xf32>,
        %get3A_846 = vector.shape_cast %get3A_845 : vector<1x1x16xf32> to vector<16xf32>
        %abs3A_847 = math.absf %get3A_846 : vector<16xf32>
        %add3A_848 = arith.addf %add3A_840, %abs3A_847 : vector<16xf32>
        %get3A_849 = arith.constant 2 : i32
        %get3A_850 = arith.index_cast %get3A_849 : i32 to index
        %get3A_851 = arith.index_cast %scan3A_180 : i32 to index
        %get3A_852 = arith.constant 192 : index
        %get3A_853 = tpu.vector_load %arg5[%get3A_850, %get3A_851, %get3A_852] {strides = array<i32>} : memref<4x16x512xf32, #tpu.memory_space<vmem>>, vector<1x1x16xf32>,
        %get3A_854 = vector.shape_cast %get3A_853 : vector<1x1x16xf32> to vector<16xf32>
        %abs3A_855 = math.absf %get3A_854 : vector<16xf32>
        %add3A_856 = arith.addf %add3A_848, %abs3A_855 : vector<16xf32>
        %get3A_857 = arith.constant 2 : i32
        %get3A_858 = arith.index_cast %get3A_857 : i32 to index
        %get3A_859 = arith.index_cast %scan3A_180 : i32 to index
        %get3A_860 = arith.constant 208 : index
        %get3A_861 = tpu.vector_load %arg5[%get3A_858, %get3A_859, %get3A_860] {strides = array<i32>} : memref<4x16x512xf32, #tpu.memory_space<vmem>>, vector<1x1x16xf32>,
        %get3A_862 = vector.shape_cast %get3A_861 : vector<1x1x16xf32> to vector<16xf32>
        %abs3A_863 = math.absf %get3A_862 : vector<16xf32>
        %add3A_864 = arith.addf %add3A_856, %abs3A_863 : vector<16xf32>
        %get3A_865 = arith.constant 2 : i32
        %get3A_866 = arith.index_cast %get3A_865 : i32 to index
        %get3A_867 = arith.index_cast %scan3A_180 : i32 to index
        %get3A_868 = arith.constant 224 : index
        %get3A_869 = tpu.vector_load %arg5[%get3A_866, %get3A_867, %get3A_868] {strides = array<i32>} : memref<4x16x512xf32, #tpu.memory_space<vmem>>, vector<1x1x16xf32>,
        %get3A_870 = vector.shape_cast %get3A_869 : vector<1x1x16xf32> to vector<16xf32>
        %abs3A_871 = math.absf %get3A_870 : vector<16xf32>
        %add3A_872 = arith.addf %add3A_864, %abs3A_871 : vector<16xf32>
        %get3A_873 = arith.constant 2 : i32
        %get3A_874 = arith.index_cast %get3A_873 : i32 to index
        %get3A_875 = arith.index_cast %scan3A_180 : i32 to index
        %get3A_876 = arith.constant 240 : index
        %get3A_877 = tpu.vector_load %arg5[%get3A_874, %get3A_875, %get3A_876] {strides = array<i32>} : memref<4x16x512xf32, #tpu.memory_space<vmem>>, vector<1x1x16xf32>,
        %get3A_878 = vector.shape_cast %get3A_877 : vector<1x1x16xf32> to vector<16xf32>
        %abs3A_879 = math.absf %get3A_878 : vector<16xf32>
        %add3A_880 = arith.addf %add3A_872, %abs3A_879 : vector<16xf32>
        %get3A_881 = arith.constant 2 : i32
        %get3A_882 = arith.index_cast %get3A_881 : i32 to index
        %get3A_883 = arith.index_cast %scan3A_180 : i32 to index
        %get3A_884 = arith.constant 256 : index
        %get3A_885 = tpu.vector_load %arg5[%get3A_882, %get3A_883, %get3A_884] {strides = array<i32>} : memref<4x16x512xf32, #tpu.memory_space<vmem>>, vector<1x1x16xf32>,
        %get3A_886 = vector.shape_cast %get3A_885 : vector<1x1x16xf32> to vector<16xf32>
        %abs3A_887 = math.absf %get3A_886 : vector<16xf32>
        %add3A_888 = arith.addf %add3A_880, %abs3A_887 : vector<16xf32>
        %get3A_889 = arith.constant 2 : i32
        %get3A_890 = arith.index_cast %get3A_889 : i32 to index
        %get3A_891 = arith.index_cast %scan3A_180 : i32 to index
        %get3A_892 = arith.constant 272 : index
        %get3A_893 = tpu.vector_load %arg5[%get3A_890, %get3A_891, %get3A_892] {strides = array<i32>} : memref<4x16x512xf32, #tpu.memory_space<vmem>>, vector<1x1x16xf32>,
        %get3A_894 = vector.shape_cast %get3A_893 : vector<1x1x16xf32> to vector<16xf32>
        %abs3A_895 = math.absf %get3A_894 : vector<16xf32>
        %add3A_896 = arith.addf %add3A_888, %abs3A_895 : vector<16xf32>
        %get3A_897 = arith.constant 2 : i32
        %get3A_898 = arith.index_cast %get3A_897 : i32 to index
        %get3A_899 = arith.index_cast %scan3A_180 : i32 to index
        %get3A_900 = arith.constant 288 : index
        %get3A_901 = tpu.vector_load %arg5[%get3A_898, %get3A_899, %get3A_900] {strides = array<i32>} : memref<4x16x512xf32, #tpu.memory_space<vmem>>, vector<1x1x16xf32>,
        %get3A_902 = vector.shape_cast %get3A_901 : vector<1x1x16xf32> to vector<16xf32>
        %abs3A_903 = math.absf %get3A_902 : vector<16xf32>
        %add3A_904 = arith.addf %add3A_896, %abs3A_903 : vector<16xf32>
        %get3A_905 = arith.constant 2 : i32
        %get3A_906 = arith.index_cast %get3A_905 : i32 to index
        %get3A_907 = arith.index_cast %scan3A_180 : i32 to index
        %get3A_908 = arith.constant 304 : index
        %get3A_909 = tpu.vector_load %arg5[%get3A_906, %get3A_907, %get3A_908] {strides = array<i32>} : memref<4x16x512xf32, #tpu.memory_space<vmem>>, vector<1x1x16xf32>,
        %get3A_910 = vector.shape_cast %get3A_909 : vector<1x1x16xf32> to vector<16xf32>
        %abs3A_911 = math.absf %get3A_910 : vector<16xf32>
        %add3A_912 = arith.addf %add3A_904, %abs3A_911 : vector<16xf32>
        %get3A_913 = arith.constant 2 : i32
        %get3A_914 = arith.index_cast %get3A_913 : i32 to index
        %get3A_915 = arith.index_cast %scan3A_180 : i32 to index
        %get3A_916 = arith.constant 320 : index
        %get3A_917 = tpu.vector_load %arg5[%get3A_914, %get3A_915, %get3A_916] {strides = array<i32>} : memref<4x16x512xf32, #tpu.memory_space<vmem>>, vector<1x1x16xf32>,
        %get3A_918 = vector.shape_cast %get3A_917 : vector<1x1x16xf32> to vector<16xf32>
        %abs3A_919 = math.absf %get3A_918 : vector<16xf32>
        %add3A_920 = arith.addf %add3A_912, %abs3A_919 : vector<16xf32>
        %get3A_921 = arith.constant 2 : i32
        %get3A_922 = arith.index_cast %get3A_921 : i32 to index
        %get3A_923 = arith.index_cast %scan3A_180 : i32 to index
        %get3A_924 = arith.constant 336 : index
        %get3A_925 = tpu.vector_load %arg5[%get3A_922, %get3A_923, %get3A_924] {strides = array<i32>} : memref<4x16x512xf32, #tpu.memory_space<vmem>>, vector<1x1x16xf32>,
        %get3A_926 = vector.shape_cast %get3A_925 : vector<1x1x16xf32> to vector<16xf32>
        %abs3A_927 = math.absf %get3A_926 : vector<16xf32>
        %add3A_928 = arith.addf %add3A_920, %abs3A_927 : vector<16xf32>
        %get3A_929 = arith.constant 2 : i32
        %get3A_930 = arith.index_cast %get3A_929 : i32 to index
        %get3A_931 = arith.index_cast %scan3A_180 : i32 to index
        %get3A_932 = arith.constant 352 : index
        %get3A_933 = tpu.vector_load %arg5[%get3A_930, %get3A_931, %get3A_932] {strides = array<i32>} : memref<4x16x512xf32, #tpu.memory_space<vmem>>, vector<1x1x16xf32>,
        %get3A_934 = vector.shape_cast %get3A_933 : vector<1x1x16xf32> to vector<16xf32>
        %abs3A_935 = math.absf %get3A_934 : vector<16xf32>
        %add3A_936 = arith.addf %add3A_928, %abs3A_935 : vector<16xf32>
        %get3A_937 = arith.constant 2 : i32
        %get3A_938 = arith.index_cast %get3A_937 : i32 to index
        %get3A_939 = arith.index_cast %scan3A_180 : i32 to index
        %get3A_940 = arith.constant 368 : index
        %get3A_941 = tpu.vector_load %arg5[%get3A_938, %get3A_939, %get3A_940] {strides = array<i32>} : memref<4x16x512xf32, #tpu.memory_space<vmem>>, vector<1x1x16xf32>,
        %get3A_942 = vector.shape_cast %get3A_941 : vector<1x1x16xf32> to vector<16xf32>
        %abs3A_943 = math.absf %get3A_942 : vector<16xf32>
        %add3A_944 = arith.addf %add3A_936, %abs3A_943 : vector<16xf32>
        %get3A_945 = arith.constant 2 : i32
        %get3A_946 = arith.index_cast %get3A_945 : i32 to index
        %get3A_947 = arith.index_cast %scan3A_180 : i32 to index
        %get3A_948 = arith.constant 384 : index
        %get3A_949 = tpu.vector_load %arg5[%get3A_946, %get3A_947, %get3A_948] {strides = array<i32>} : memref<4x16x512xf32, #tpu.memory_space<vmem>>, vector<1x1x16xf32>,
        %get3A_950 = vector.shape_cast %get3A_949 : vector<1x1x16xf32> to vector<16xf32>
        %abs3A_951 = math.absf %get3A_950 : vector<16xf32>
        %add3A_952 = arith.addf %add3A_944, %abs3A_951 : vector<16xf32>
        %get3A_953 = arith.constant 2 : i32
        %get3A_954 = arith.index_cast %get3A_953 : i32 to index
        %get3A_955 = arith.index_cast %scan3A_180 : i32 to index
        %get3A_956 = arith.constant 400 : index
        %get3A_957 = tpu.vector_load %arg5[%get3A_954, %get3A_955, %get3A_956] {strides = array<i32>} : memref<4x16x512xf32, #tpu.memory_space<vmem>>, vector<1x1x16xf32>,
        %get3A_958 = vector.shape_cast %get3A_957 : vector<1x1x16xf32> to vector<16xf32>
        %abs3A_959 = math.absf %get3A_958 : vector<16xf32>
        %add3A_960 = arith.addf %add3A_952, %abs3A_959 : vector<16xf32>
        %get3A_961 = arith.constant 2 : i32
        %get3A_962 = arith.index_cast %get3A_961 : i32 to index
        %get3A_963 = arith.index_cast %scan3A_180 : i32 to index
        %get3A_964 = arith.constant 416 : index
        %get3A_965 = tpu.vector_load %arg5[%get3A_962, %get3A_963, %get3A_964] {strides = array<i32>} : memref<4x16x512xf32, #tpu.memory_space<vmem>>, vector<1x1x16xf32>,
        %get3A_966 = vector.shape_cast %get3A_965 : vector<1x1x16xf32> to vector<16xf32>
        %abs3A_967 = math.absf %get3A_966 : vector<16xf32>
        %add3A_968 = arith.addf %add3A_960, %abs3A_967 : vector<16xf32>
        %get3A_969 = arith.constant 2 : i32
        %get3A_970 = arith.index_cast %get3A_969 : i32 to index
        %get3A_971 = arith.index_cast %scan3A_180 : i32 to index
        %get3A_972 = arith.constant 432 : index
        %get3A_973 = tpu.vector_load %arg5[%get3A_970, %get3A_971, %get3A_972] {strides = array<i32>} : memref<4x16x512xf32, #tpu.memory_space<vmem>>, vector<1x1x16xf32>,
        %get3A_974 = vector.shape_cast %get3A_973 : vector<1x1x16xf32> to vector<16xf32>
        %abs3A_975 = math.absf %get3A_974 : vector<16xf32>
        %add3A_976 = arith.addf %add3A_968, %abs3A_975 : vector<16xf32>
        %get3A_977 = arith.constant 2 : i32
        %get3A_978 = arith.index_cast %get3A_977 : i32 to index
        %get3A_979 = arith.index_cast %scan3A_180 : i32 to index
        %get3A_980 = arith.constant 448 : index
        %get3A_981 = tpu.vector_load %arg5[%get3A_978, %get3A_979, %get3A_980] {strides = array<i32>} : memref<4x16x512xf32, #tpu.memory_space<vmem>>, vector<1x1x16xf32>,
        %get3A_982 = vector.shape_cast %get3A_981 : vector<1x1x16xf32> to vector<16xf32>
        %abs3A_983 = math.absf %get3A_982 : vector<16xf32>
        %add3A_984 = arith.addf %add3A_976, %abs3A_983 : vector<16xf32>
        %get3A_985 = arith.constant 2 : i32
        %get3A_986 = arith.index_cast %get3A_985 : i32 to index
        %get3A_987 = arith.index_cast %scan3A_180 : i32 to index
        %get3A_988 = arith.constant 464 : index
        %get3A_989 = tpu.vector_load %arg5[%get3A_986, %get3A_987, %get3A_988] {strides = array<i32>} : memref<4x16x512xf32, #tpu.memory_space<vmem>>, vector<1x1x16xf32>,
        %get3A_990 = vector.shape_cast %get3A_989 : vector<1x1x16xf32> to vector<16xf32>
        %abs3A_991 = math.absf %get3A_990 : vector<16xf32>
        %add3A_992 = arith.addf %add3A_984, %abs3A_991 : vector<16xf32>
        %get3A_993 = arith.constant 2 : i32
        %get3A_994 = arith.index_cast %get3A_993 : i32 to index
        %get3A_995 = arith.index_cast %scan3A_180 : i32 to index
        %get3A_996 = arith.constant 480 : index
        %get3A_997 = tpu.vector_load %arg5[%get3A_994, %get3A_995, %get3A_996] {strides = array<i32>} : memref<4x16x512xf32, #tpu.memory_space<vmem>>, vector<1x1x16xf32>,
        %get3A_998 = vector.shape_cast %get3A_997 : vector<1x1x16xf32> to vector<16xf32>
        %abs3A_999 = math.absf %get3A_998 : vector<16xf32>
        %add3A_1000 = arith.addf %add3A_992, %abs3A_999 : vector<16xf32>
        %get3A_1001 = arith.constant 2 : i32
        %get3A_1002 = arith.index_cast %get3A_1001 : i32 to index
        %get3A_1003 = arith.index_cast %scan3A_180 : i32 to index
        %get3A_1004 = arith.constant 496 : index
        %get3A_1005 = tpu.vector_load %arg5[%get3A_1002, %get3A_1003, %get3A_1004] {strides = array<i32>} : memref<4x16x512xf32, #tpu.memory_space<vmem>>, vector<1x1x16xf32>,
        %get3A_1006 = vector.shape_cast %get3A_1005 : vector<1x1x16xf32> to vector<16xf32>
        %abs3A_1007 = math.absf %get3A_1006 : vector<16xf32>
        %add3A_1008 = arith.addf %add3A_1000, %abs3A_1007 : vector<16xf32>
        %xor3A_1009 = arith.constant 8 : i32
        %xor3A_1010 = vector.broadcast %xor3A_1009 : i32 to vector<16xi32>
        %xor3A_1011 = arith.xori %iota3A, %xor3A_1010 : vector<16xi32>
        %broadcast_in_dim3A_1012 = vector.shape_cast %xor3A_1011 : vector<16xi32> to vector<16x1xi32>
        %gather3A_1013 = vector.shape_cast %broadcast_in_dim3A_1012 : vector<16x1xi32> to vector<16xi32>
        %gather3A_1014 = tpu.dynamic_gather %add3A_1008[%gather3A_1013] in [0] : vector<16xf32>, vector<16xi32> -> vector<16xf32>
        %add3A_1015 = arith.addf %add3A_1008, %gather3A_1014 : vector<16xf32>
        %xor3A_1016 = arith.constant 4 : i32
        %xor3A_1017 = vector.broadcast %xor3A_1016 : i32 to vector<16xi32>
        %xor3A_1018 = arith.xori %iota3A, %xor3A_1017 : vector<16xi32>
        %broadcast_in_dim3A_1019 = vector.shape_cast %xor3A_1018 : vector<16xi32> to vector<16x1xi32>
        %gather3A_1020 = vector.shape_cast %broadcast_in_dim3A_1019 : vector<16x1xi32> to vector<16xi32>
        %gather3A_1021 = tpu.dynamic_gather %add3A_1015[%gather3A_1020] in [0] : vector<16xf32>, vector<16xi32> -> vector<16xf32>
        %add3A_1022 = arith.addf %add3A_1015, %gather3A_1021 : vector<16xf32>
        %xor3A_1023 = arith.constant 2 : i32
        %xor3A_1024 = vector.broadcast %xor3A_1023 : i32 to vector<16xi32>
        %xor3A_1025 = arith.xori %iota3A, %xor3A_1024 : vector<16xi32>
        %broadcast_in_dim3A_1026 = vector.shape_cast %xor3A_1025 : vector<16xi32> to vector<16x1xi32>
        %gather3A_1027 = vector.shape_cast %broadcast_in_dim3A_1026 : vector<16x1xi32> to vector<16xi32>
        %gather3A_1028 = tpu.dynamic_gather %add3A_1022[%gather3A_1027] in [0] : vector<16xf32>, vector<16xi32> -> vector<16xf32>
        %add3A_1029 = arith.addf %add3A_1022, %gather3A_1028 : vector<16xf32>
        %xor3A_1030 = arith.constant 1 : i32
        %xor3A_1031 = vector.broadcast %xor3A_1030 : i32 to vector<16xi32>
        %xor3A_1032 = arith.xori %iota3A, %xor3A_1031 : vector<16xi32>
        %broadcast_in_dim3A_1033 = vector.shape_cast %xor3A_1032 : vector<16xi32> to vector<16x1xi32>
        %gather3A_1034 = vector.shape_cast %broadcast_in_dim3A_1033 : vector<16x1xi32> to vector<16xi32>
        %gather3A_1035 = tpu.dynamic_gather %add3A_1029[%gather3A_1034] in [0] : vector<16xf32>, vector<16xi32> -> vector<16xf32>
        %add3A_1036 = arith.addf %add3A_1029, %gather3A_1035 : vector<16xf32>
        %max3A_1037 = arith.constant 9.99999996E-13 : f32
        %max3A_1038 = vector.broadcast %max3A_1037 : f32 to vector<16xf32>
        %max3A_1039 = arith.maximumf %add3A_1036, %max3A_1038 : vector<16xf32>
        %div3A_1040 = arith.divf %max3A_137, %max3A_1039 : vector<16xf32>
        %get3A_1041 = arith.constant 3 : i32
        %get3A_1042 = arith.index_cast %get3A_1041 : i32 to index
        %get3A_1043 = arith.index_cast %scan3A_180 : i32 to index
        %get3A_1044 = arith.constant 0 : index
        %get3A_1045 = tpu.vector_load %arg5[%get3A_1042, %get3A_1043, %get3A_1044] {strides = array<i32>} : memref<4x16x512xf32, #tpu.memory_space<vmem>>, vector<1x1x16xf32>,
        %get3A_1046 = vector.shape_cast %get3A_1045 : vector<1x1x16xf32> to vector<16xf32>
        %abs3A_1047 = math.absf %get3A_1046 : vector<16xf32>
        %get3A_1048 = arith.constant 3 : i32
        %get3A_1049 = arith.index_cast %get3A_1048 : i32 to index
        %get3A_1050 = arith.index_cast %scan3A_180 : i32 to index
        %get3A_1051 = arith.constant 16 : index
        %get3A_1052 = tpu.vector_load %arg5[%get3A_1049, %get3A_1050, %get3A_1051] {strides = array<i32>} : memref<4x16x512xf32, #tpu.memory_space<vmem>>, vector<1x1x16xf32>,
        %get3A_1053 = vector.shape_cast %get3A_1052 : vector<1x1x16xf32> to vector<16xf32>
        %abs3A_1054 = math.absf %get3A_1053 : vector<16xf32>
        %add3A_1055 = arith.addf %abs3A_1047, %abs3A_1054 : vector<16xf32>
        %get3A_1056 = arith.constant 3 : i32
        %get3A_1057 = arith.index_cast %get3A_1056 : i32 to index
        %get3A_1058 = arith.index_cast %scan3A_180 : i32 to index
        %get3A_1059 = arith.constant 32 : index
        %get3A_1060 = tpu.vector_load %arg5[%get3A_1057, %get3A_1058, %get3A_1059] {strides = array<i32>} : memref<4x16x512xf32, #tpu.memory_space<vmem>>, vector<1x1x16xf32>,
        %get3A_1061 = vector.shape_cast %get3A_1060 : vector<1x1x16xf32> to vector<16xf32>
        %abs3A_1062 = math.absf %get3A_1061 : vector<16xf32>
        %add3A_1063 = arith.addf %add3A_1055, %abs3A_1062 : vector<16xf32>
        %get3A_1064 = arith.constant 3 : i32
        %get3A_1065 = arith.index_cast %get3A_1064 : i32 to index
        %get3A_1066 = arith.index_cast %scan3A_180 : i32 to index
        %get3A_1067 = arith.constant 48 : index
        %get3A_1068 = tpu.vector_load %arg5[%get3A_1065, %get3A_1066, %get3A_1067] {strides = array<i32>} : memref<4x16x512xf32, #tpu.memory_space<vmem>>, vector<1x1x16xf32>,
        %get3A_1069 = vector.shape_cast %get3A_1068 : vector<1x1x16xf32> to vector<16xf32>
        %abs3A_1070 = math.absf %get3A_1069 : vector<16xf32>
        %add3A_1071 = arith.addf %add3A_1063, %abs3A_1070 : vector<16xf32>
        %get3A_1072 = arith.constant 3 : i32
        %get3A_1073 = arith.index_cast %get3A_1072 : i32 to index
        %get3A_1074 = arith.index_cast %scan3A_180 : i32 to index
        %get3A_1075 = arith.constant 64 : index
        %get3A_1076 = tpu.vector_load %arg5[%get3A_1073, %get3A_1074, %get3A_1075] {strides = array<i32>} : memref<4x16x512xf32, #tpu.memory_space<vmem>>, vector<1x1x16xf32>,
        %get3A_1077 = vector.shape_cast %get3A_1076 : vector<1x1x16xf32> to vector<16xf32>
        %abs3A_1078 = math.absf %get3A_1077 : vector<16xf32>
        %add3A_1079 = arith.addf %add3A_1071, %abs3A_1078 : vector<16xf32>
        %get3A_1080 = arith.constant 3 : i32
        %get3A_1081 = arith.index_cast %get3A_1080 : i32 to index
        %get3A_1082 = arith.index_cast %scan3A_180 : i32 to index
        %get3A_1083 = arith.constant 80 : index
        %get3A_1084 = tpu.vector_load %arg5[%get3A_1081, %get3A_1082, %get3A_1083] {strides = array<i32>} : memref<4x16x512xf32, #tpu.memory_space<vmem>>, vector<1x1x16xf32>,
        %get3A_1085 = vector.shape_cast %get3A_1084 : vector<1x1x16xf32> to vector<16xf32>
        %abs3A_1086 = math.absf %get3A_1085 : vector<16xf32>
        %add3A_1087 = arith.addf %add3A_1079, %abs3A_1086 : vector<16xf32>
        %get3A_1088 = arith.constant 3 : i32
        %get3A_1089 = arith.index_cast %get3A_1088 : i32 to index
        %get3A_1090 = arith.index_cast %scan3A_180 : i32 to index
        %get3A_1091 = arith.constant 96 : index
        %get3A_1092 = tpu.vector_load %arg5[%get3A_1089, %get3A_1090, %get3A_1091] {strides = array<i32>} : memref<4x16x512xf32, #tpu.memory_space<vmem>>, vector<1x1x16xf32>,
        %get3A_1093 = vector.shape_cast %get3A_1092 : vector<1x1x16xf32> to vector<16xf32>
        %abs3A_1094 = math.absf %get3A_1093 : vector<16xf32>
        %add3A_1095 = arith.addf %add3A_1087, %abs3A_1094 : vector<16xf32>
        %get3A_1096 = arith.constant 3 : i32
        %get3A_1097 = arith.index_cast %get3A_1096 : i32 to index
        %get3A_1098 = arith.index_cast %scan3A_180 : i32 to index
        %get3A_1099 = arith.constant 112 : index
        %get3A_1100 = tpu.vector_load %arg5[%get3A_1097, %get3A_1098, %get3A_1099] {strides = array<i32>} : memref<4x16x512xf32, #tpu.memory_space<vmem>>, vector<1x1x16xf32>,
        %get3A_1101 = vector.shape_cast %get3A_1100 : vector<1x1x16xf32> to vector<16xf32>
        %abs3A_1102 = math.absf %get3A_1101 : vector<16xf32>
        %add3A_1103 = arith.addf %add3A_1095, %abs3A_1102 : vector<16xf32>
        %get3A_1104 = arith.constant 3 : i32
        %get3A_1105 = arith.index_cast %get3A_1104 : i32 to index
        %get3A_1106 = arith.index_cast %scan3A_180 : i32 to index
        %get3A_1107 = arith.constant 128 : index
        %get3A_1108 = tpu.vector_load %arg5[%get3A_1105, %get3A_1106, %get3A_1107] {strides = array<i32>} : memref<4x16x512xf32, #tpu.memory_space<vmem>>, vector<1x1x16xf32>,
        %get3A_1109 = vector.shape_cast %get3A_1108 : vector<1x1x16xf32> to vector<16xf32>
        %abs3A_1110 = math.absf %get3A_1109 : vector<16xf32>
        %add3A_1111 = arith.addf %add3A_1103, %abs3A_1110 : vector<16xf32>
        %get3A_1112 = arith.constant 3 : i32
        %get3A_1113 = arith.index_cast %get3A_1112 : i32 to index
        %get3A_1114 = arith.index_cast %scan3A_180 : i32 to index
        %get3A_1115 = arith.constant 144 : index
        %get3A_1116 = tpu.vector_load %arg5[%get3A_1113, %get3A_1114, %get3A_1115] {strides = array<i32>} : memref<4x16x512xf32, #tpu.memory_space<vmem>>, vector<1x1x16xf32>,
        %get3A_1117 = vector.shape_cast %get3A_1116 : vector<1x1x16xf32> to vector<16xf32>
        %abs3A_1118 = math.absf %get3A_1117 : vector<16xf32>
        %add3A_1119 = arith.addf %add3A_1111, %abs3A_1118 : vector<16xf32>
        %get3A_1120 = arith.constant 3 : i32
        %get3A_1121 = arith.index_cast %get3A_1120 : i32 to index
        %get3A_1122 = arith.index_cast %scan3A_180 : i32 to index
        %get3A_1123 = arith.constant 160 : index
        %get3A_1124 = tpu.vector_load %arg5[%get3A_1121, %get3A_1122, %get3A_1123] {strides = array<i32>} : memref<4x16x512xf32, #tpu.memory_space<vmem>>, vector<1x1x16xf32>,
        %get3A_1125 = vector.shape_cast %get3A_1124 : vector<1x1x16xf32> to vector<16xf32>
        %abs3A_1126 = math.absf %get3A_1125 : vector<16xf32>
        %add3A_1127 = arith.addf %add3A_1119, %abs3A_1126 : vector<16xf32>
        %get3A_1128 = arith.constant 3 : i32
        %get3A_1129 = arith.index_cast %get3A_1128 : i32 to index
        %get3A_1130 = arith.index_cast %scan3A_180 : i32 to index
        %get3A_1131 = arith.constant 176 : index
        %get3A_1132 = tpu.vector_load %arg5[%get3A_1129, %get3A_1130, %get3A_1131] {strides = array<i32>} : memref<4x16x512xf32, #tpu.memory_space<vmem>>, vector<1x1x16xf32>,
        %get3A_1133 = vector.shape_cast %get3A_1132 : vector<1x1x16xf32> to vector<16xf32>
        %abs3A_1134 = math.absf %get3A_1133 : vector<16xf32>
        %add3A_1135 = arith.addf %add3A_1127, %abs3A_1134 : vector<16xf32>
        %get3A_1136 = arith.constant 3 : i32
        %get3A_1137 = arith.index_cast %get3A_1136 : i32 to index
        %get3A_1138 = arith.index_cast %scan3A_180 : i32 to index
        %get3A_1139 = arith.constant 192 : index
        %get3A_1140 = tpu.vector_load %arg5[%get3A_1137, %get3A_1138, %get3A_1139] {strides = array<i32>} : memref<4x16x512xf32, #tpu.memory_space<vmem>>, vector<1x1x16xf32>,
        %get3A_1141 = vector.shape_cast %get3A_1140 : vector<1x1x16xf32> to vector<16xf32>
        %abs3A_1142 = math.absf %get3A_1141 : vector<16xf32>
        %add3A_1143 = arith.addf %add3A_1135, %abs3A_1142 : vector<16xf32>
        %get3A_1144 = arith.constant 3 : i32
        %get3A_1145 = arith.index_cast %get3A_1144 : i32 to index
        %get3A_1146 = arith.index_cast %scan3A_180 : i32 to index
        %get3A_1147 = arith.constant 208 : index
        %get3A_1148 = tpu.vector_load %arg5[%get3A_1145, %get3A_1146, %get3A_1147] {strides = array<i32>} : memref<4x16x512xf32, #tpu.memory_space<vmem>>, vector<1x1x16xf32>,
        %get3A_1149 = vector.shape_cast %get3A_1148 : vector<1x1x16xf32> to vector<16xf32>
        %abs3A_1150 = math.absf %get3A_1149 : vector<16xf32>
        %add3A_1151 = arith.addf %add3A_1143, %abs3A_1150 : vector<16xf32>
        %get3A_1152 = arith.constant 3 : i32
        %get3A_1153 = arith.index_cast %get3A_1152 : i32 to index
        %get3A_1154 = arith.index_cast %scan3A_180 : i32 to index
        %get3A_1155 = arith.constant 224 : index
        %get3A_1156 = tpu.vector_load %arg5[%get3A_1153, %get3A_1154, %get3A_1155] {strides = array<i32>} : memref<4x16x512xf32, #tpu.memory_space<vmem>>, vector<1x1x16xf32>,
        %get3A_1157 = vector.shape_cast %get3A_1156 : vector<1x1x16xf32> to vector<16xf32>
        %abs3A_1158 = math.absf %get3A_1157 : vector<16xf32>
        %add3A_1159 = arith.addf %add3A_1151, %abs3A_1158 : vector<16xf32>
        %get3A_1160 = arith.constant 3 : i32
        %get3A_1161 = arith.index_cast %get3A_1160 : i32 to index
        %get3A_1162 = arith.index_cast %scan3A_180 : i32 to index
        %get3A_1163 = arith.constant 240 : index
        %get3A_1164 = tpu.vector_load %arg5[%get3A_1161, %get3A_1162, %get3A_1163] {strides = array<i32>} : memref<4x16x512xf32, #tpu.memory_space<vmem>>, vector<1x1x16xf32>,
        %get3A_1165 = vector.shape_cast %get3A_1164 : vector<1x1x16xf32> to vector<16xf32>
        %abs3A_1166 = math.absf %get3A_1165 : vector<16xf32>
        %add3A_1167 = arith.addf %add3A_1159, %abs3A_1166 : vector<16xf32>
        %get3A_1168 = arith.constant 3 : i32
        %get3A_1169 = arith.index_cast %get3A_1168 : i32 to index
        %get3A_1170 = arith.index_cast %scan3A_180 : i32 to index
        %get3A_1171 = arith.constant 256 : index
        %get3A_1172 = tpu.vector_load %arg5[%get3A_1169, %get3A_1170, %get3A_1171] {strides = array<i32>} : memref<4x16x512xf32, #tpu.memory_space<vmem>>, vector<1x1x16xf32>,
        %get3A_1173 = vector.shape_cast %get3A_1172 : vector<1x1x16xf32> to vector<16xf32>
        %abs3A_1174 = math.absf %get3A_1173 : vector<16xf32>
        %add3A_1175 = arith.addf %add3A_1167, %abs3A_1174 : vector<16xf32>
        %get3A_1176 = arith.constant 3 : i32
        %get3A_1177 = arith.index_cast %get3A_1176 : i32 to index
        %get3A_1178 = arith.index_cast %scan3A_180 : i32 to index
        %get3A_1179 = arith.constant 272 : index
        %get3A_1180 = tpu.vector_load %arg5[%get3A_1177, %get3A_1178, %get3A_1179] {strides = array<i32>} : memref<4x16x512xf32, #tpu.memory_space<vmem>>, vector<1x1x16xf32>,
        %get3A_1181 = vector.shape_cast %get3A_1180 : vector<1x1x16xf32> to vector<16xf32>
        %abs3A_1182 = math.absf %get3A_1181 : vector<16xf32>
        %add3A_1183 = arith.addf %add3A_1175, %abs3A_1182 : vector<16xf32>
        %get3A_1184 = arith.constant 3 : i32
        %get3A_1185 = arith.index_cast %get3A_1184 : i32 to index
        %get3A_1186 = arith.index_cast %scan3A_180 : i32 to index
        %get3A_1187 = arith.constant 288 : index
        %get3A_1188 = tpu.vector_load %arg5[%get3A_1185, %get3A_1186, %get3A_1187] {strides = array<i32>} : memref<4x16x512xf32, #tpu.memory_space<vmem>>, vector<1x1x16xf32>,
        %get3A_1189 = vector.shape_cast %get3A_1188 : vector<1x1x16xf32> to vector<16xf32>
        %abs3A_1190 = math.absf %get3A_1189 : vector<16xf32>
        %add3A_1191 = arith.addf %add3A_1183, %abs3A_1190 : vector<16xf32>
        %get3A_1192 = arith.constant 3 : i32
        %get3A_1193 = arith.index_cast %get3A_1192 : i32 to index
        %get3A_1194 = arith.index_cast %scan3A_180 : i32 to index
        %get3A_1195 = arith.constant 304 : index
        %get3A_1196 = tpu.vector_load %arg5[%get3A_1193, %get3A_1194, %get3A_1195] {strides = array<i32>} : memref<4x16x512xf32, #tpu.memory_space<vmem>>, vector<1x1x16xf32>,
        %get3A_1197 = vector.shape_cast %get3A_1196 : vector<1x1x16xf32> to vector<16xf32>
        %abs3A_1198 = math.absf %get3A_1197 : vector<16xf32>
        %add3A_1199 = arith.addf %add3A_1191, %abs3A_1198 : vector<16xf32>
        %get3A_1200 = arith.constant 3 : i32
        %get3A_1201 = arith.index_cast %get3A_1200 : i32 to index
        %get3A_1202 = arith.index_cast %scan3A_180 : i32 to index
        %get3A_1203 = arith.constant 320 : index
        %get3A_1204 = tpu.vector_load %arg5[%get3A_1201, %get3A_1202, %get3A_1203] {strides = array<i32>} : memref<4x16x512xf32, #tpu.memory_space<vmem>>, vector<1x1x16xf32>,
        %get3A_1205 = vector.shape_cast %get3A_1204 : vector<1x1x16xf32> to vector<16xf32>
        %abs3A_1206 = math.absf %get3A_1205 : vector<16xf32>
        %add3A_1207 = arith.addf %add3A_1199, %abs3A_1206 : vector<16xf32>
        %get3A_1208 = arith.constant 3 : i32
        %get3A_1209 = arith.index_cast %get3A_1208 : i32 to index
        %get3A_1210 = arith.index_cast %scan3A_180 : i32 to index
        %get3A_1211 = arith.constant 336 : index
        %get3A_1212 = tpu.vector_load %arg5[%get3A_1209, %get3A_1210, %get3A_1211] {strides = array<i32>} : memref<4x16x512xf32, #tpu.memory_space<vmem>>, vector<1x1x16xf32>,
        %get3A_1213 = vector.shape_cast %get3A_1212 : vector<1x1x16xf32> to vector<16xf32>
        %abs3A_1214 = math.absf %get3A_1213 : vector<16xf32>
        %add3A_1215 = arith.addf %add3A_1207, %abs3A_1214 : vector<16xf32>
        %get3A_1216 = arith.constant 3 : i32
        %get3A_1217 = arith.index_cast %get3A_1216 : i32 to index
        %get3A_1218 = arith.index_cast %scan3A_180 : i32 to index
        %get3A_1219 = arith.constant 352 : index
        %get3A_1220 = tpu.vector_load %arg5[%get3A_1217, %get3A_1218, %get3A_1219] {strides = array<i32>} : memref<4x16x512xf32, #tpu.memory_space<vmem>>, vector<1x1x16xf32>,
        %get3A_1221 = vector.shape_cast %get3A_1220 : vector<1x1x16xf32> to vector<16xf32>
        %abs3A_1222 = math.absf %get3A_1221 : vector<16xf32>
        %add3A_1223 = arith.addf %add3A_1215, %abs3A_1222 : vector<16xf32>
        %get3A_1224 = arith.constant 3 : i32
        %get3A_1225 = arith.index_cast %get3A_1224 : i32 to index
        %get3A_1226 = arith.index_cast %scan3A_180 : i32 to index
        %get3A_1227 = arith.constant 368 : index
        %get3A_1228 = tpu.vector_load %arg5[%get3A_1225, %get3A_1226, %get3A_1227] {strides = array<i32>} : memref<4x16x512xf32, #tpu.memory_space<vmem>>, vector<1x1x16xf32>,
        %get3A_1229 = vector.shape_cast %get3A_1228 : vector<1x1x16xf32> to vector<16xf32>
        %abs3A_1230 = math.absf %get3A_1229 : vector<16xf32>
        %add3A_1231 = arith.addf %add3A_1223, %abs3A_1230 : vector<16xf32>
        %get3A_1232 = arith.constant 3 : i32
        %get3A_1233 = arith.index_cast %get3A_1232 : i32 to index
        %get3A_1234 = arith.index_cast %scan3A_180 : i32 to index
        %get3A_1235 = arith.constant 384 : index
        %get3A_1236 = tpu.vector_load %arg5[%get3A_1233, %get3A_1234, %get3A_1235] {strides = array<i32>} : memref<4x16x512xf32, #tpu.memory_space<vmem>>, vector<1x1x16xf32>,
        %get3A_1237 = vector.shape_cast %get3A_1236 : vector<1x1x16xf32> to vector<16xf32>
        %abs3A_1238 = math.absf %get3A_1237 : vector<16xf32>
        %add3A_1239 = arith.addf %add3A_1231, %abs3A_1238 : vector<16xf32>
        %get3A_1240 = arith.constant 3 : i32
        %get3A_1241 = arith.index_cast %get3A_1240 : i32 to index
        %get3A_1242 = arith.index_cast %scan3A_180 : i32 to index
        %get3A_1243 = arith.constant 400 : index
        %get3A_1244 = tpu.vector_load %arg5[%get3A_1241, %get3A_1242, %get3A_1243] {strides = array<i32>} : memref<4x16x512xf32, #tpu.memory_space<vmem>>, vector<1x1x16xf32>,
        %get3A_1245 = vector.shape_cast %get3A_1244 : vector<1x1x16xf32> to vector<16xf32>
        %abs3A_1246 = math.absf %get3A_1245 : vector<16xf32>
        %add3A_1247 = arith.addf %add3A_1239, %abs3A_1246 : vector<16xf32>
        %get3A_1248 = arith.constant 3 : i32
        %get3A_1249 = arith.index_cast %get3A_1248 : i32 to index
        %get3A_1250 = arith.index_cast %scan3A_180 : i32 to index
        %get3A_1251 = arith.constant 416 : index
        %get3A_1252 = tpu.vector_load %arg5[%get3A_1249, %get3A_1250, %get3A_1251] {strides = array<i32>} : memref<4x16x512xf32, #tpu.memory_space<vmem>>, vector<1x1x16xf32>,
        %get3A_1253 = vector.shape_cast %get3A_1252 : vector<1x1x16xf32> to vector<16xf32>
        %abs3A_1254 = math.absf %get3A_1253 : vector<16xf32>
        %add3A_1255 = arith.addf %add3A_1247, %abs3A_1254 : vector<16xf32>
        %get3A_1256 = arith.constant 3 : i32
        %get3A_1257 = arith.index_cast %get3A_1256 : i32 to index
        %get3A_1258 = arith.index_cast %scan3A_180 : i32 to index
        %get3A_1259 = arith.constant 432 : index
        %get3A_1260 = tpu.vector_load %arg5[%get3A_1257, %get3A_1258, %get3A_1259] {strides = array<i32>} : memref<4x16x512xf32, #tpu.memory_space<vmem>>, vector<1x1x16xf32>,
        %get3A_1261 = vector.shape_cast %get3A_1260 : vector<1x1x16xf32> to vector<16xf32>
        %abs3A_1262 = math.absf %get3A_1261 : vector<16xf32>
        %add3A_1263 = arith.addf %add3A_1255, %abs3A_1262 : vector<16xf32>
        %get3A_1264 = arith.constant 3 : i32
        %get3A_1265 = arith.index_cast %get3A_1264 : i32 to index
        %get3A_1266 = arith.index_cast %scan3A_180 : i32 to index
        %get3A_1267 = arith.constant 448 : index
        %get3A_1268 = tpu.vector_load %arg5[%get3A_1265, %get3A_1266, %get3A_1267] {strides = array<i32>} : memref<4x16x512xf32, #tpu.memory_space<vmem>>, vector<1x1x16xf32>,
        %get3A_1269 = vector.shape_cast %get3A_1268 : vector<1x1x16xf32> to vector<16xf32>
        %abs3A_1270 = math.absf %get3A_1269 : vector<16xf32>
        %add3A_1271 = arith.addf %add3A_1263, %abs3A_1270 : vector<16xf32>
        %get3A_1272 = arith.constant 3 : i32
        %get3A_1273 = arith.index_cast %get3A_1272 : i32 to index
        %get3A_1274 = arith.index_cast %scan3A_180 : i32 to index
        %get3A_1275 = arith.constant 464 : index
        %get3A_1276 = tpu.vector_load %arg5[%get3A_1273, %get3A_1274, %get3A_1275] {strides = array<i32>} : memref<4x16x512xf32, #tpu.memory_space<vmem>>, vector<1x1x16xf32>,
        %get3A_1277 = vector.shape_cast %get3A_1276 : vector<1x1x16xf32> to vector<16xf32>
        %abs3A_1278 = math.absf %get3A_1277 : vector<16xf32>
        %add3A_1279 = arith.addf %add3A_1271, %abs3A_1278 : vector<16xf32>
        %get3A_1280 = arith.constant 3 : i32
        %get3A_1281 = arith.index_cast %get3A_1280 : i32 to index
        %get3A_1282 = arith.index_cast %scan3A_180 : i32 to index
        %get3A_1283 = arith.constant 480 : index
        %get3A_1284 = tpu.vector_load %arg5[%get3A_1281, %get3A_1282, %get3A_1283] {strides = array<i32>} : memref<4x16x512xf32, #tpu.memory_space<vmem>>, vector<1x1x16xf32>,
        %get3A_1285 = vector.shape_cast %get3A_1284 : vector<1x1x16xf32> to vector<16xf32>
        %abs3A_1286 = math.absf %get3A_1285 : vector<16xf32>
        %add3A_1287 = arith.addf %add3A_1279, %abs3A_1286 : vector<16xf32>
        %get3A_1288 = arith.constant 3 : i32
        %get3A_1289 = arith.index_cast %get3A_1288 : i32 to index
        %get3A_1290 = arith.index_cast %scan3A_180 : i32 to index
        %get3A_1291 = arith.constant 496 : index
        %get3A_1292 = tpu.vector_load %arg5[%get3A_1289, %get3A_1290, %get3A_1291] {strides = array<i32>} : memref<4x16x512xf32, #tpu.memory_space<vmem>>, vector<1x1x16xf32>,
        %get3A_1293 = vector.shape_cast %get3A_1292 : vector<1x1x16xf32> to vector<16xf32>
        %abs3A_1294 = math.absf %get3A_1293 : vector<16xf32>
        %add3A_1295 = arith.addf %add3A_1287, %abs3A_1294 : vector<16xf32>
        %xor3A_1296 = arith.constant 8 : i32
        %xor3A_1297 = vector.broadcast %xor3A_1296 : i32 to vector<16xi32>
        %xor3A_1298 = arith.xori %iota3A, %xor3A_1297 : vector<16xi32>
        %broadcast_in_dim3A_1299 = vector.shape_cast %xor3A_1298 : vector<16xi32> to vector<16x1xi32>
        %gather3A_1300 = vector.shape_cast %broadcast_in_dim3A_1299 : vector<16x1xi32> to vector<16xi32>
        %gather3A_1301 = tpu.dynamic_gather %add3A_1295[%gather3A_1300] in [0] : vector<16xf32>, vector<16xi32> -> vector<16xf32>
        %add3A_1302 = arith.addf %add3A_1295, %gather3A_1301 : vector<16xf32>
        %xor3A_1303 = arith.constant 4 : i32
        %xor3A_1304 = vector.broadcast %xor3A_1303 : i32 to vector<16xi32>
        %xor3A_1305 = arith.xori %iota3A, %xor3A_1304 : vector<16xi32>
        %broadcast_in_dim3A_1306 = vector.shape_cast %xor3A_1305 : vector<16xi32> to vector<16x1xi32>
        %gather3A_1307 = vector.shape_cast %broadcast_in_dim3A_1306 : vector<16x1xi32> to vector<16xi32>
        %gather3A_1308 = tpu.dynamic_gather %add3A_1302[%gather3A_1307] in [0] : vector<16xf32>, vector<16xi32> -> vector<16xf32>
        %add3A_1309 = arith.addf %add3A_1302, %gather3A_1308 : vector<16xf32>
        %xor3A_1310 = arith.constant 2 : i32
        %xor3A_1311 = vector.broadcast %xor3A_1310 : i32 to vector<16xi32>
        %xor3A_1312 = arith.xori %iota3A, %xor3A_1311 : vector<16xi32>
        %broadcast_in_dim3A_1313 = vector.shape_cast %xor3A_1312 : vector<16xi32> to vector<16x1xi32>
        %gather3A_1314 = vector.shape_cast %broadcast_in_dim3A_1313 : vector<16x1xi32> to vector<16xi32>
        %gather3A_1315 = tpu.dynamic_gather %add3A_1309[%gather3A_1314] in [0] : vector<16xf32>, vector<16xi32> -> vector<16xf32>
        %add3A_1316 = arith.addf %add3A_1309, %gather3A_1315 : vector<16xf32>
        %xor3A_1317 = arith.constant 1 : i32
        %xor3A_1318 = vector.broadcast %xor3A_1317 : i32 to vector<16xi32>
        %xor3A_1319 = arith.xori %iota3A, %xor3A_1318 : vector<16xi32>
        %broadcast_in_dim3A_1320 = vector.shape_cast %xor3A_1319 : vector<16xi32> to vector<16x1xi32>
        %gather3A_1321 = vector.shape_cast %broadcast_in_dim3A_1320 : vector<16x1xi32> to vector<16xi32>
        %gather3A_1322 = tpu.dynamic_gather %add3A_1316[%gather3A_1321] in [0] : vector<16xf32>, vector<16xi32> -> vector<16xf32>
        %add3A_1323 = arith.addf %add3A_1316, %gather3A_1322 : vector<16xf32>
        %max3A_1324 = arith.constant 9.99999996E-13 : f32
        %max3A_1325 = vector.broadcast %max3A_1324 : f32 to vector<16xf32>
        %max3A_1326 = arith.maximumf %add3A_1323, %max3A_1325 : vector<16xf32>
        %div3A_1327 = arith.divf %max3A_171, %max3A_1326 : vector<16xf32>
        %broadcast_in_dim3A_1328 = arith.constant 0xFF800000 : f32
        %broadcast_in_dim3A_1329 = vector.broadcast %broadcast_in_dim3A_1328 : f32 to vector<16xf32>
        %broadcast_in_dim3A_1330 = arith.constant 0xFF800000 : f32
        %broadcast_in_dim3A_1331 = vector.broadcast %broadcast_in_dim3A_1330 : f32 to vector<16xf32>
        %broadcast_in_dim3A_1332 = arith.constant 0xFF800000 : f32
        %broadcast_in_dim3A_1333 = vector.broadcast %broadcast_in_dim3A_1332 : f32 to vector<16xf32>
        %broadcast_in_dim3A_1334 = arith.constant 0xFF800000 : f32
        %broadcast_in_dim3A_1335 = vector.broadcast %broadcast_in_dim3A_1334 : f32 to vector<16xf32>
        %broadcast_in_dim3A_1336 = arith.constant 0xFF800000 : f32
        %broadcast_in_dim3A_1337 = vector.broadcast %broadcast_in_dim3A_1336 : f32 to vector<16xf32>
        %get3A_1338 = arith.constant 0 : i32
        %get3A_1339 = arith.index_cast %get3A_1338 : i32 to index
        %get3A_1340 = arith.index_cast %scan3A_180 : i32 to index
        %get3A_1341 = arith.constant 0 : index
        %get3A_1342 = tpu.vector_load %arg5[%get3A_1339, %get3A_1340, %get3A_1341] {strides = array<i32>} : memref<4x16x512xf32, #tpu.memory_space<vmem>>, vector<1x1x16xf32>,
        %get3A_1343 = vector.shape_cast %get3A_1342 : vector<1x1x16xf32> to vector<16xf32>
        %mul3A_1344 = arith.mulf %get3A_1343, %div3A : vector<16xf32>
        %get3A_1345 = arith.constant 1 : i32
        %get3A_1346 = arith.index_cast %get3A_1345 : i32 to index
        %get3A_1347 = arith.index_cast %scan3A_180 : i32 to index
        %get3A_1348 = arith.constant 0 : index
        %get3A_1349 = tpu.vector_load %arg5[%get3A_1346, %get3A_1347, %get3A_1348] {strides = array<i32>} : memref<4x16x512xf32, #tpu.memory_space<vmem>>, vector<1x1x16xf32>,
        %get3A_1350 = vector.shape_cast %get3A_1349 : vector<1x1x16xf32> to vector<16xf32>
        %mul3A_1351 = arith.mulf %get3A_1350, %div3A_753 : vector<16xf32>
        %add3A_1352 = arith.addf %mul3A_1344, %mul3A_1351 : vector<16xf32>
        %get3A_1353 = arith.constant 2 : i32
        %get3A_1354 = arith.index_cast %get3A_1353 : i32 to index
        %get3A_1355 = arith.index_cast %scan3A_180 : i32 to index
        %get3A_1356 = arith.constant 0 : index
        %get3A_1357 = tpu.vector_load %arg5[%get3A_1354, %get3A_1355, %get3A_1356] {strides = array<i32>} : memref<4x16x512xf32, #tpu.memory_space<vmem>>, vector<1x1x16xf32>,
        %get3A_1358 = vector.shape_cast %get3A_1357 : vector<1x1x16xf32> to vector<16xf32>
        %mul3A_1359 = arith.mulf %get3A_1358, %div3A_1040 : vector<16xf32>
        %add3A_1360 = arith.addf %add3A_1352, %mul3A_1359 : vector<16xf32>
        %get3A_1361 = arith.constant 3 : i32
        %get3A_1362 = arith.index_cast %get3A_1361 : i32 to index
        %get3A_1363 = arith.index_cast %scan3A_180 : i32 to index
        %get3A_1364 = arith.constant 0 : index
        %get3A_1365 = tpu.vector_load %arg5[%get3A_1362, %get3A_1363, %get3A_1364] {strides = array<i32>} : memref<4x16x512xf32, #tpu.memory_space<vmem>>, vector<1x1x16xf32>,
        %get3A_1366 = vector.shape_cast %get3A_1365 : vector<1x1x16xf32> to vector<16xf32>
        %mul3A_1367 = arith.mulf %get3A_1366, %div3A_1327 : vector<16xf32>
        %add3A_1368 = arith.addf %add3A_1360, %mul3A_1367 : vector<16xf32>
        %swap3A = arith.index_cast %scan3A_180 : i32 to index
        %swap3A_1369 = arith.constant 0 : index
        %swap3A_1370 = tpu.vector_load %arg7[%swap3A, %swap3A_1369] {strides = array<i32>} : memref<16x512xf32, #tpu.memory_space<vmem>>, vector<1x16xf32>,
        %swap3A_1371 = vector.shape_cast %swap3A_1370 : vector<1x16xf32> to vector<16xf32>
        %swap3A_1372 = vector.shape_cast %add3A_1368 : vector<16xf32> to vector<1x16xf32>
        tpu.vector_store %arg7[%swap3A, %swap3A_1369], %swap3A_1372 {strides = array<i32>} : memref<16x512xf32, #tpu.memory_space<vmem>>, vector<1x16xf32>,
        %max3A_1373 = arith.maximumf %broadcast_in_dim3A_1329, %add3A_1368 : vector<16xf32>
        %min3A = arith.minimumf %broadcast_in_dim3A_1329, %add3A_1368 : vector<16xf32>
        %max3A_1374 = arith.maximumf %broadcast_in_dim3A_1331, %min3A : vector<16xf32>
        %min3A_1375 = arith.minimumf %broadcast_in_dim3A_1331, %min3A : vector<16xf32>
        %max3A_1376 = arith.maximumf %broadcast_in_dim3A_1333, %min3A_1375 : vector<16xf32>
        %min3A_1377 = arith.minimumf %broadcast_in_dim3A_1333, %min3A_1375 : vector<16xf32>
        %max3A_1378 = arith.maximumf %broadcast_in_dim3A_1335, %min3A_1377 : vector<16xf32>
        %min3A_1379 = arith.minimumf %broadcast_in_dim3A_1335, %min3A_1377 : vector<16xf32>
        %max3A_1380 = arith.maximumf %broadcast_in_dim3A_1337, %min3A_1379 : vector<16xf32>
        %min3A_1381 = arith.minimumf %broadcast_in_dim3A_1337, %min3A_1379 : vector<16xf32>
        %get3A_1382 = arith.constant 0 : i32
        %get3A_1383 = arith.index_cast %get3A_1382 : i32 to index
        %get3A_1384 = arith.index_cast %scan3A_180 : i32 to index
        %get3A_1385 = arith.constant 16 : index
        %get3A_1386 = tpu.vector_load %arg5[%get3A_1383, %get3A_1384, %get3A_1385] {strides = array<i32>} : memref<4x16x512xf32, #tpu.memory_space<vmem>>, vector<1x1x16xf32>,
        %get3A_1387 = vector.shape_cast %get3A_1386 : vector<1x1x16xf32> to vector<16xf32>
        %mul3A_1388 = arith.mulf %get3A_1387, %div3A : vector<16xf32>
        %get3A_1389 = arith.constant 1 : i32
        %get3A_1390 = arith.index_cast %get3A_1389 : i32 to index
        %get3A_1391 = arith.index_cast %scan3A_180 : i32 to index
        %get3A_1392 = arith.constant 16 : index
        %get3A_1393 = tpu.vector_load %arg5[%get3A_1390, %get3A_1391, %get3A_1392] {strides = array<i32>} : memref<4x16x512xf32, #tpu.memory_space<vmem>>, vector<1x1x16xf32>,
        %get3A_1394 = vector.shape_cast %get3A_1393 : vector<1x1x16xf32> to vector<16xf32>
        %mul3A_1395 = arith.mulf %get3A_1394, %div3A_753 : vector<16xf32>
        %add3A_1396 = arith.addf %mul3A_1388, %mul3A_1395 : vector<16xf32>
        %get3A_1397 = arith.constant 2 : i32
        %get3A_1398 = arith.index_cast %get3A_1397 : i32 to index
        %get3A_1399 = arith.index_cast %scan3A_180 : i32 to index
        %get3A_1400 = arith.constant 16 : index
        %get3A_1401 = tpu.vector_load %arg5[%get3A_1398, %get3A_1399, %get3A_1400] {strides = array<i32>} : memref<4x16x512xf32, #tpu.memory_space<vmem>>, vector<1x1x16xf32>,
        %get3A_1402 = vector.shape_cast %get3A_1401 : vector<1x1x16xf32> to vector<16xf32>
        %mul3A_1403 = arith.mulf %get3A_1402, %div3A_1040 : vector<16xf32>
        %add3A_1404 = arith.addf %add3A_1396, %mul3A_1403 : vector<16xf32>
        %get3A_1405 = arith.constant 3 : i32
        %get3A_1406 = arith.index_cast %get3A_1405 : i32 to index
        %get3A_1407 = arith.index_cast %scan3A_180 : i32 to index
        %get3A_1408 = arith.constant 16 : index
        %get3A_1409 = tpu.vector_load %arg5[%get3A_1406, %get3A_1407, %get3A_1408] {strides = array<i32>} : memref<4x16x512xf32, #tpu.memory_space<vmem>>, vector<1x1x16xf32>,
        %get3A_1410 = vector.shape_cast %get3A_1409 : vector<1x1x16xf32> to vector<16xf32>
        %mul3A_1411 = arith.mulf %get3A_1410, %div3A_1327 : vector<16xf32>
        %add3A_1412 = arith.addf %add3A_1404, %mul3A_1411 : vector<16xf32>
        %swap3A_1413 = arith.index_cast %scan3A_180 : i32 to index
        %swap3A_1414 = arith.constant 16 : index
        %swap3A_1415 = tpu.vector_load %arg7[%swap3A_1413, %swap3A_1414] {strides = array<i32>} : memref<16x512xf32, #tpu.memory_space<vmem>>, vector<1x16xf32>,
        %swap3A_1416 = vector.shape_cast %swap3A_1415 : vector<1x16xf32> to vector<16xf32>
        %swap3A_1417 = vector.shape_cast %add3A_1412 : vector<16xf32> to vector<1x16xf32>
        tpu.vector_store %arg7[%swap3A_1413, %swap3A_1414], %swap3A_1417 {strides = array<i32>} : memref<16x512xf32, #tpu.memory_space<vmem>>, vector<1x16xf32>,
        %max3A_1418 = arith.maximumf %max3A_1373, %add3A_1412 : vector<16xf32>
        %min3A_1419 = arith.minimumf %max3A_1373, %add3A_1412 : vector<16xf32>
        %max3A_1420 = arith.maximumf %max3A_1374, %min3A_1419 : vector<16xf32>
        %min3A_1421 = arith.minimumf %max3A_1374, %min3A_1419 : vector<16xf32>
        %max3A_1422 = arith.maximumf %max3A_1376, %min3A_1421 : vector<16xf32>
        %min3A_1423 = arith.minimumf %max3A_1376, %min3A_1421 : vector<16xf32>
        %max3A_1424 = arith.maximumf %max3A_1378, %min3A_1423 : vector<16xf32>
        %min3A_1425 = arith.minimumf %max3A_1378, %min3A_1423 : vector<16xf32>
        %max3A_1426 = arith.maximumf %max3A_1380, %min3A_1425 : vector<16xf32>
        %min3A_1427 = arith.minimumf %max3A_1380, %min3A_1425 : vector<16xf32>
        %get3A_1428 = arith.constant 0 : i32
        %get3A_1429 = arith.index_cast %get3A_1428 : i32 to index
        %get3A_1430 = arith.index_cast %scan3A_180 : i32 to index
        %get3A_1431 = arith.constant 32 : index
        %get3A_1432 = tpu.vector_load %arg5[%get3A_1429, %get3A_1430, %get3A_1431] {strides = array<i32>} : memref<4x16x512xf32, #tpu.memory_space<vmem>>, vector<1x1x16xf32>,
        %get3A_1433 = vector.shape_cast %get3A_1432 : vector<1x1x16xf32> to vector<16xf32>
        %mul3A_1434 = arith.mulf %get3A_1433, %div3A : vector<16xf32>
        %get3A_1435 = arith.constant 1 : i32
        %get3A_1436 = arith.index_cast %get3A_1435 : i32 to index
        %get3A_1437 = arith.index_cast %scan3A_180 : i32 to index
        %get3A_1438 = arith.constant 32 : index
        %get3A_1439 = tpu.vector_load %arg5[%get3A_1436, %get3A_1437, %get3A_1438] {strides = array<i32>} : memref<4x16x512xf32, #tpu.memory_space<vmem>>, vector<1x1x16xf32>,
        %get3A_1440 = vector.shape_cast %get3A_1439 : vector<1x1x16xf32> to vector<16xf32>
        %mul3A_1441 = arith.mulf %get3A_1440, %div3A_753 : vector<16xf32>
        %add3A_1442 = arith.addf %mul3A_1434, %mul3A_1441 : vector<16xf32>
        %get3A_1443 = arith.constant 2 : i32
        %get3A_1444 = arith.index_cast %get3A_1443 : i32 to index
        %get3A_1445 = arith.index_cast %scan3A_180 : i32 to index
        %get3A_1446 = arith.constant 32 : index
        %get3A_1447 = tpu.vector_load %arg5[%get3A_1444, %get3A_1445, %get3A_1446] {strides = array<i32>} : memref<4x16x512xf32, #tpu.memory_space<vmem>>, vector<1x1x16xf32>,
        %get3A_1448 = vector.shape_cast %get3A_1447 : vector<1x1x16xf32> to vector<16xf32>
        %mul3A_1449 = arith.mulf %get3A_1448, %div3A_1040 : vector<16xf32>
        %add3A_1450 = arith.addf %add3A_1442, %mul3A_1449 : vector<16xf32>
        %get3A_1451 = arith.constant 3 : i32
        %get3A_1452 = arith.index_cast %get3A_1451 : i32 to index
        %get3A_1453 = arith.index_cast %scan3A_180 : i32 to index
        %get3A_1454 = arith.constant 32 : index
        %get3A_1455 = tpu.vector_load %arg5[%get3A_1452, %get3A_1453, %get3A_1454] {strides = array<i32>} : memref<4x16x512xf32, #tpu.memory_space<vmem>>, vector<1x1x16xf32>,
        %get3A_1456 = vector.shape_cast %get3A_1455 : vector<1x1x16xf32> to vector<16xf32>
        %mul3A_1457 = arith.mulf %get3A_1456, %div3A_1327 : vector<16xf32>
        %add3A_1458 = arith.addf %add3A_1450, %mul3A_1457 : vector<16xf32>
        %swap3A_1459 = arith.index_cast %scan3A_180 : i32 to index
        %swap3A_1460 = arith.constant 32 : index
        %swap3A_1461 = tpu.vector_load %arg7[%swap3A_1459, %swap3A_1460] {strides = array<i32>} : memref<16x512xf32, #tpu.memory_space<vmem>>, vector<1x16xf32>,
        %swap3A_1462 = vector.shape_cast %swap3A_1461 : vector<1x16xf32> to vector<16xf32>
        %swap3A_1463 = vector.shape_cast %add3A_1458 : vector<16xf32> to vector<1x16xf32>
        tpu.vector_store %arg7[%swap3A_1459, %swap3A_1460], %swap3A_1463 {strides = array<i32>} : memref<16x512xf32, #tpu.memory_space<vmem>>, vector<1x16xf32>,
        %max3A_1464 = arith.maximumf %max3A_1418, %add3A_1458 : vector<16xf32>
        %min3A_1465 = arith.minimumf %max3A_1418, %add3A_1458 : vector<16xf32>
        %max3A_1466 = arith.maximumf %max3A_1420, %min3A_1465 : vector<16xf32>
        %min3A_1467 = arith.minimumf %max3A_1420, %min3A_1465 : vector<16xf32>
        %max3A_1468 = arith.maximumf %max3A_1422, %min3A_1467 : vector<16xf32>
        %min3A_1469 = arith.minimumf %max3A_1422, %min3A_1467 : vector<16xf32>
        %max3A_1470 = arith.maximumf %max3A_1424, %min3A_1469 : vector<16xf32>
        %min3A_1471 = arith.minimumf %max3A_1424, %min3A_1469 : vector<16xf32>
        %max3A_1472 = arith.maximumf %max3A_1426, %min3A_1471 : vector<16xf32>
        %min3A_1473 = arith.minimumf %max3A_1426, %min3A_1471 : vector<16xf32>
        %get3A_1474 = arith.constant 0 : i32
        %get3A_1475 = arith.index_cast %get3A_1474 : i32 to index
        %get3A_1476 = arith.index_cast %scan3A_180 : i32 to index
        %get3A_1477 = arith.constant 48 : index
        %get3A_1478 = tpu.vector_load %arg5[%get3A_1475, %get3A_1476, %get3A_1477] {strides = array<i32>} : memref<4x16x512xf32, #tpu.memory_space<vmem>>, vector<1x1x16xf32>,
        %get3A_1479 = vector.shape_cast %get3A_1478 : vector<1x1x16xf32> to vector<16xf32>
        %mul3A_1480 = arith.mulf %get3A_1479, %div3A : vector<16xf32>
        %get3A_1481 = arith.constant 1 : i32
        %get3A_1482 = arith.index_cast %get3A_1481 : i32 to index
        %get3A_1483 = arith.index_cast %scan3A_180 : i32 to index
        %get3A_1484 = arith.constant 48 : index
        %get3A_1485 = tpu.vector_load %arg5[%get3A_1482, %get3A_1483, %get3A_1484] {strides = array<i32>} : memref<4x16x512xf32, #tpu.memory_space<vmem>>, vector<1x1x16xf32>,
        %get3A_1486 = vector.shape_cast %get3A_1485 : vector<1x1x16xf32> to vector<16xf32>
        %mul3A_1487 = arith.mulf %get3A_1486, %div3A_753 : vector<16xf32>
        %add3A_1488 = arith.addf %mul3A_1480, %mul3A_1487 : vector<16xf32>
        %get3A_1489 = arith.constant 2 : i32
        %get3A_1490 = arith.index_cast %get3A_1489 : i32 to index
        %get3A_1491 = arith.index_cast %scan3A_180 : i32 to index
        %get3A_1492 = arith.constant 48 : index
        %get3A_1493 = tpu.vector_load %arg5[%get3A_1490, %get3A_1491, %get3A_1492] {strides = array<i32>} : memref<4x16x512xf32, #tpu.memory_space<vmem>>, vector<1x1x16xf32>,
        %get3A_1494 = vector.shape_cast %get3A_1493 : vector<1x1x16xf32> to vector<16xf32>
        %mul3A_1495 = arith.mulf %get3A_1494, %div3A_1040 : vector<16xf32>
        %add3A_1496 = arith.addf %add3A_1488, %mul3A_1495 : vector<16xf32>
        %get3A_1497 = arith.constant 3 : i32
        %get3A_1498 = arith.index_cast %get3A_1497 : i32 to index
        %get3A_1499 = arith.index_cast %scan3A_180 : i32 to index
        %get3A_1500 = arith.constant 48 : index
        %get3A_1501 = tpu.vector_load %arg5[%get3A_1498, %get3A_1499, %get3A_1500] {strides = array<i32>} : memref<4x16x512xf32, #tpu.memory_space<vmem>>, vector<1x1x16xf32>,
        %get3A_1502 = vector.shape_cast %get3A_1501 : vector<1x1x16xf32> to vector<16xf32>
        %mul3A_1503 = arith.mulf %get3A_1502, %div3A_1327 : vector<16xf32>
        %add3A_1504 = arith.addf %add3A_1496, %mul3A_1503 : vector<16xf32>
        %swap3A_1505 = arith.index_cast %scan3A_180 : i32 to index
        %swap3A_1506 = arith.constant 48 : index
        %swap3A_1507 = tpu.vector_load %arg7[%swap3A_1505, %swap3A_1506] {strides = array<i32>} : memref<16x512xf32, #tpu.memory_space<vmem>>, vector<1x16xf32>,
        %swap3A_1508 = vector.shape_cast %swap3A_1507 : vector<1x16xf32> to vector<16xf32>
        %swap3A_1509 = vector.shape_cast %add3A_1504 : vector<16xf32> to vector<1x16xf32>
        tpu.vector_store %arg7[%swap3A_1505, %swap3A_1506], %swap3A_1509 {strides = array<i32>} : memref<16x512xf32, #tpu.memory_space<vmem>>, vector<1x16xf32>,
        %max3A_1510 = arith.maximumf %max3A_1464, %add3A_1504 : vector<16xf32>
        %min3A_1511 = arith.minimumf %max3A_1464, %add3A_1504 : vector<16xf32>
        %max3A_1512 = arith.maximumf %max3A_1466, %min3A_1511 : vector<16xf32>
        %min3A_1513 = arith.minimumf %max3A_1466, %min3A_1511 : vector<16xf32>
        %max3A_1514 = arith.maximumf %max3A_1468, %min3A_1513 : vector<16xf32>
        %min3A_1515 = arith.minimumf %max3A_1468, %min3A_1513 : vector<16xf32>
        %max3A_1516 = arith.maximumf %max3A_1470, %min3A_1515 : vector<16xf32>
        %min3A_1517 = arith.minimumf %max3A_1470, %min3A_1515 : vector<16xf32>
        %max3A_1518 = arith.maximumf %max3A_1472, %min3A_1517 : vector<16xf32>
        %min3A_1519 = arith.minimumf %max3A_1472, %min3A_1517 : vector<16xf32>
        %get3A_1520 = arith.constant 0 : i32
        %get3A_1521 = arith.index_cast %get3A_1520 : i32 to index
        %get3A_1522 = arith.index_cast %scan3A_180 : i32 to index
        %get3A_1523 = arith.constant 64 : index
        %get3A_1524 = tpu.vector_load %arg5[%get3A_1521, %get3A_1522, %get3A_1523] {strides = array<i32>} : memref<4x16x512xf32, #tpu.memory_space<vmem>>, vector<1x1x16xf32>,
        %get3A_1525 = vector.shape_cast %get3A_1524 : vector<1x1x16xf32> to vector<16xf32>
        %mul3A_1526 = arith.mulf %get3A_1525, %div3A : vector<16xf32>
        %get3A_1527 = arith.constant 1 : i32
        %get3A_1528 = arith.index_cast %get3A_1527 : i32 to index
        %get3A_1529 = arith.index_cast %scan3A_180 : i32 to index
        %get3A_1530 = arith.constant 64 : index
        %get3A_1531 = tpu.vector_load %arg5[%get3A_1528, %get3A_1529, %get3A_1530] {strides = array<i32>} : memref<4x16x512xf32, #tpu.memory_space<vmem>>, vector<1x1x16xf32>,
        %get3A_1532 = vector.shape_cast %get3A_1531 : vector<1x1x16xf32> to vector<16xf32>
        %mul3A_1533 = arith.mulf %get3A_1532, %div3A_753 : vector<16xf32>
        %add3A_1534 = arith.addf %mul3A_1526, %mul3A_1533 : vector<16xf32>
        %get3A_1535 = arith.constant 2 : i32
        %get3A_1536 = arith.index_cast %get3A_1535 : i32 to index
        %get3A_1537 = arith.index_cast %scan3A_180 : i32 to index
        %get3A_1538 = arith.constant 64 : index
        %get3A_1539 = tpu.vector_load %arg5[%get3A_1536, %get3A_1537, %get3A_1538] {strides = array<i32>} : memref<4x16x512xf32, #tpu.memory_space<vmem>>, vector<1x1x16xf32>,
        %get3A_1540 = vector.shape_cast %get3A_1539 : vector<1x1x16xf32> to vector<16xf32>
        %mul3A_1541 = arith.mulf %get3A_1540, %div3A_1040 : vector<16xf32>
        %add3A_1542 = arith.addf %add3A_1534, %mul3A_1541 : vector<16xf32>
        %get3A_1543 = arith.constant 3 : i32
        %get3A_1544 = arith.index_cast %get3A_1543 : i32 to index
        %get3A_1545 = arith.index_cast %scan3A_180 : i32 to index
        %get3A_1546 = arith.constant 64 : index
        %get3A_1547 = tpu.vector_load %arg5[%get3A_1544, %get3A_1545, %get3A_1546] {strides = array<i32>} : memref<4x16x512xf32, #tpu.memory_space<vmem>>, vector<1x1x16xf32>,
        %get3A_1548 = vector.shape_cast %get3A_1547 : vector<1x1x16xf32> to vector<16xf32>
        %mul3A_1549 = arith.mulf %get3A_1548, %div3A_1327 : vector<16xf32>
        %add3A_1550 = arith.addf %add3A_1542, %mul3A_1549 : vector<16xf32>
        %swap3A_1551 = arith.index_cast %scan3A_180 : i32 to index
        %swap3A_1552 = arith.constant 64 : index
        %swap3A_1553 = tpu.vector_load %arg7[%swap3A_1551, %swap3A_1552] {strides = array<i32>} : memref<16x512xf32, #tpu.memory_space<vmem>>, vector<1x16xf32>,
        %swap3A_1554 = vector.shape_cast %swap3A_1553 : vector<1x16xf32> to vector<16xf32>
        %swap3A_1555 = vector.shape_cast %add3A_1550 : vector<16xf32> to vector<1x16xf32>
        tpu.vector_store %arg7[%swap3A_1551, %swap3A_1552], %swap3A_1555 {strides = array<i32>} : memref<16x512xf32, #tpu.memory_space<vmem>>, vector<1x16xf32>,
        %max3A_1556 = arith.maximumf %max3A_1510, %add3A_1550 : vector<16xf32>
        %min3A_1557 = arith.minimumf %max3A_1510, %add3A_1550 : vector<16xf32>
        %max3A_1558 = arith.maximumf %max3A_1512, %min3A_1557 : vector<16xf32>
        %min3A_1559 = arith.minimumf %max3A_1512, %min3A_1557 : vector<16xf32>
        %max3A_1560 = arith.maximumf %max3A_1514, %min3A_1559 : vector<16xf32>
        %min3A_1561 = arith.minimumf %max3A_1514, %min3A_1559 : vector<16xf32>
        %max3A_1562 = arith.maximumf %max3A_1516, %min3A_1561 : vector<16xf32>
        %min3A_1563 = arith.minimumf %max3A_1516, %min3A_1561 : vector<16xf32>
        %max3A_1564 = arith.maximumf %max3A_1518, %min3A_1563 : vector<16xf32>
        %min3A_1565 = arith.minimumf %max3A_1518, %min3A_1563 : vector<16xf32>
        %get3A_1566 = arith.constant 0 : i32
        %get3A_1567 = arith.index_cast %get3A_1566 : i32 to index
        %get3A_1568 = arith.index_cast %scan3A_180 : i32 to index
        %get3A_1569 = arith.constant 80 : index
        %get3A_1570 = tpu.vector_load %arg5[%get3A_1567, %get3A_1568, %get3A_1569] {strides = array<i32>} : memref<4x16x512xf32, #tpu.memory_space<vmem>>, vector<1x1x16xf32>,
        %get3A_1571 = vector.shape_cast %get3A_1570 : vector<1x1x16xf32> to vector<16xf32>
        %mul3A_1572 = arith.mulf %get3A_1571, %div3A : vector<16xf32>
        %get3A_1573 = arith.constant 1 : i32
        %get3A_1574 = arith.index_cast %get3A_1573 : i32 to index
        %get3A_1575 = arith.index_cast %scan3A_180 : i32 to index
        %get3A_1576 = arith.constant 80 : index
        %get3A_1577 = tpu.vector_load %arg5[%get3A_1574, %get3A_1575, %get3A_1576] {strides = array<i32>} : memref<4x16x512xf32, #tpu.memory_space<vmem>>, vector<1x1x16xf32>,
        %get3A_1578 = vector.shape_cast %get3A_1577 : vector<1x1x16xf32> to vector<16xf32>
        %mul3A_1579 = arith.mulf %get3A_1578, %div3A_753 : vector<16xf32>
        %add3A_1580 = arith.addf %mul3A_1572, %mul3A_1579 : vector<16xf32>
        %get3A_1581 = arith.constant 2 : i32
        %get3A_1582 = arith.index_cast %get3A_1581 : i32 to index
        %get3A_1583 = arith.index_cast %scan3A_180 : i32 to index
        %get3A_1584 = arith.constant 80 : index
        %get3A_1585 = tpu.vector_load %arg5[%get3A_1582, %get3A_1583, %get3A_1584] {strides = array<i32>} : memref<4x16x512xf32, #tpu.memory_space<vmem>>, vector<1x1x16xf32>,
        %get3A_1586 = vector.shape_cast %get3A_1585 : vector<1x1x16xf32> to vector<16xf32>
        %mul3A_1587 = arith.mulf %get3A_1586, %div3A_1040 : vector<16xf32>
        %add3A_1588 = arith.addf %add3A_1580, %mul3A_1587 : vector<16xf32>
        %get3A_1589 = arith.constant 3 : i32
        %get3A_1590 = arith.index_cast %get3A_1589 : i32 to index
        %get3A_1591 = arith.index_cast %scan3A_180 : i32 to index
        %get3A_1592 = arith.constant 80 : index
        %get3A_1593 = tpu.vector_load %arg5[%get3A_1590, %get3A_1591, %get3A_1592] {strides = array<i32>} : memref<4x16x512xf32, #tpu.memory_space<vmem>>, vector<1x1x16xf32>,
        %get3A_1594 = vector.shape_cast %get3A_1593 : vector<1x1x16xf32> to vector<16xf32>
        %mul3A_1595 = arith.mulf %get3A_1594, %div3A_1327 : vector<16xf32>
        %add3A_1596 = arith.addf %add3A_1588, %mul3A_1595 : vector<16xf32>
        %swap3A_1597 = arith.index_cast %scan3A_180 : i32 to index
        %swap3A_1598 = arith.constant 80 : index
        %swap3A_1599 = tpu.vector_load %arg7[%swap3A_1597, %swap3A_1598] {strides = array<i32>} : memref<16x512xf32, #tpu.memory_space<vmem>>, vector<1x16xf32>,
        %swap3A_1600 = vector.shape_cast %swap3A_1599 : vector<1x16xf32> to vector<16xf32>
        %swap3A_1601 = vector.shape_cast %add3A_1596 : vector<16xf32> to vector<1x16xf32>
        tpu.vector_store %arg7[%swap3A_1597, %swap3A_1598], %swap3A_1601 {strides = array<i32>} : memref<16x512xf32, #tpu.memory_space<vmem>>, vector<1x16xf32>,
        %max3A_1602 = arith.maximumf %max3A_1556, %add3A_1596 : vector<16xf32>
        %min3A_1603 = arith.minimumf %max3A_1556, %add3A_1596 : vector<16xf32>
        %max3A_1604 = arith.maximumf %max3A_1558, %min3A_1603 : vector<16xf32>
        %min3A_1605 = arith.minimumf %max3A_1558, %min3A_1603 : vector<16xf32>
        %max3A_1606 = arith.maximumf %max3A_1560, %min3A_1605 : vector<16xf32>
        %min3A_1607 = arith.minimumf %max3A_1560, %min3A_1605 : vector<16xf32>
        %max3A_1608 = arith.maximumf %max3A_1562, %min3A_1607 : vector<16xf32>
        %min3A_1609 = arith.minimumf %max3A_1562, %min3A_1607 : vector<16xf32>
        %max3A_1610 = arith.maximumf %max3A_1564, %min3A_1609 : vector<16xf32>
        %min3A_1611 = arith.minimumf %max3A_1564, %min3A_1609 : vector<16xf32>
        %get3A_1612 = arith.constant 0 : i32
        %get3A_1613 = arith.index_cast %get3A_1612 : i32 to index
        %get3A_1614 = arith.index_cast %scan3A_180 : i32 to index
        %get3A_1615 = arith.constant 96 : index
        %get3A_1616 = tpu.vector_load %arg5[%get3A_1613, %get3A_1614, %get3A_1615] {strides = array<i32>} : memref<4x16x512xf32, #tpu.memory_space<vmem>>, vector<1x1x16xf32>,
        %get3A_1617 = vector.shape_cast %get3A_1616 : vector<1x1x16xf32> to vector<16xf32>
        %mul3A_1618 = arith.mulf %get3A_1617, %div3A : vector<16xf32>
        %get3A_1619 = arith.constant 1 : i32
        %get3A_1620 = arith.index_cast %get3A_1619 : i32 to index
        %get3A_1621 = arith.index_cast %scan3A_180 : i32 to index
        %get3A_1622 = arith.constant 96 : index
        %get3A_1623 = tpu.vector_load %arg5[%get3A_1620, %get3A_1621, %get3A_1622] {strides = array<i32>} : memref<4x16x512xf32, #tpu.memory_space<vmem>>, vector<1x1x16xf32>,
        %get3A_1624 = vector.shape_cast %get3A_1623 : vector<1x1x16xf32> to vector<16xf32>
        %mul3A_1625 = arith.mulf %get3A_1624, %div3A_753 : vector<16xf32>
        %add3A_1626 = arith.addf %mul3A_1618, %mul3A_1625 : vector<16xf32>
        %get3A_1627 = arith.constant 2 : i32
        %get3A_1628 = arith.index_cast %get3A_1627 : i32 to index
        %get3A_1629 = arith.index_cast %scan3A_180 : i32 to index
        %get3A_1630 = arith.constant 96 : index
        %get3A_1631 = tpu.vector_load %arg5[%get3A_1628, %get3A_1629, %get3A_1630] {strides = array<i32>} : memref<4x16x512xf32, #tpu.memory_space<vmem>>, vector<1x1x16xf32>,
        %get3A_1632 = vector.shape_cast %get3A_1631 : vector<1x1x16xf32> to vector<16xf32>
        %mul3A_1633 = arith.mulf %get3A_1632, %div3A_1040 : vector<16xf32>
        %add3A_1634 = arith.addf %add3A_1626, %mul3A_1633 : vector<16xf32>
        %get3A_1635 = arith.constant 3 : i32
        %get3A_1636 = arith.index_cast %get3A_1635 : i32 to index
        %get3A_1637 = arith.index_cast %scan3A_180 : i32 to index
        %get3A_1638 = arith.constant 96 : index
        %get3A_1639 = tpu.vector_load %arg5[%get3A_1636, %get3A_1637, %get3A_1638] {strides = array<i32>} : memref<4x16x512xf32, #tpu.memory_space<vmem>>, vector<1x1x16xf32>,
        %get3A_1640 = vector.shape_cast %get3A_1639 : vector<1x1x16xf32> to vector<16xf32>
        %mul3A_1641 = arith.mulf %get3A_1640, %div3A_1327 : vector<16xf32>
        %add3A_1642 = arith.addf %add3A_1634, %mul3A_1641 : vector<16xf32>
        %swap3A_1643 = arith.index_cast %scan3A_180 : i32 to index
        %swap3A_1644 = arith.constant 96 : index
        %swap3A_1645 = tpu.vector_load %arg7[%swap3A_1643, %swap3A_1644] {strides = array<i32>} : memref<16x512xf32, #tpu.memory_space<vmem>>, vector<1x16xf32>,
        %swap3A_1646 = vector.shape_cast %swap3A_1645 : vector<1x16xf32> to vector<16xf32>
        %swap3A_1647 = vector.shape_cast %add3A_1642 : vector<16xf32> to vector<1x16xf32>
        tpu.vector_store %arg7[%swap3A_1643, %swap3A_1644], %swap3A_1647 {strides = array<i32>} : memref<16x512xf32, #tpu.memory_space<vmem>>, vector<1x16xf32>,
        %max3A_1648 = arith.maximumf %max3A_1602, %add3A_1642 : vector<16xf32>
        %min3A_1649 = arith.minimumf %max3A_1602, %add3A_1642 : vector<16xf32>
        %max3A_1650 = arith.maximumf %max3A_1604, %min3A_1649 : vector<16xf32>
        %min3A_1651 = arith.minimumf %max3A_1604, %min3A_1649 : vector<16xf32>
        %max3A_1652 = arith.maximumf %max3A_1606, %min3A_1651 : vector<16xf32>
        %min3A_1653 = arith.minimumf %max3A_1606, %min3A_1651 : vector<16xf32>
        %max3A_1654 = arith.maximumf %max3A_1608, %min3A_1653 : vector<16xf32>
        %min3A_1655 = arith.minimumf %max3A_1608, %min3A_1653 : vector<16xf32>
        %max3A_1656 = arith.maximumf %max3A_1610, %min3A_1655 : vector<16xf32>
        %min3A_1657 = arith.minimumf %max3A_1610, %min3A_1655 : vector<16xf32>
        %get3A_1658 = arith.constant 0 : i32
        %get3A_1659 = arith.index_cast %get3A_1658 : i32 to index
        %get3A_1660 = arith.index_cast %scan3A_180 : i32 to index
        %get3A_1661 = arith.constant 112 : index
        %get3A_1662 = tpu.vector_load %arg5[%get3A_1659, %get3A_1660, %get3A_1661] {strides = array<i32>} : memref<4x16x512xf32, #tpu.memory_space<vmem>>, vector<1x1x16xf32>,
        %get3A_1663 = vector.shape_cast %get3A_1662 : vector<1x1x16xf32> to vector<16xf32>
        %mul3A_1664 = arith.mulf %get3A_1663, %div3A : vector<16xf32>
        %get3A_1665 = arith.constant 1 : i32
        %get3A_1666 = arith.index_cast %get3A_1665 : i32 to index
        %get3A_1667 = arith.index_cast %scan3A_180 : i32 to index
        %get3A_1668 = arith.constant 112 : index
        %get3A_1669 = tpu.vector_load %arg5[%get3A_1666, %get3A_1667, %get3A_1668] {strides = array<i32>} : memref<4x16x512xf32, #tpu.memory_space<vmem>>, vector<1x1x16xf32>,
        %get3A_1670 = vector.shape_cast %get3A_1669 : vector<1x1x16xf32> to vector<16xf32>
        %mul3A_1671 = arith.mulf %get3A_1670, %div3A_753 : vector<16xf32>
        %add3A_1672 = arith.addf %mul3A_1664, %mul3A_1671 : vector<16xf32>
        %get3A_1673 = arith.constant 2 : i32
        %get3A_1674 = arith.index_cast %get3A_1673 : i32 to index
        %get3A_1675 = arith.index_cast %scan3A_180 : i32 to index
        %get3A_1676 = arith.constant 112 : index
        %get3A_1677 = tpu.vector_load %arg5[%get3A_1674, %get3A_1675, %get3A_1676] {strides = array<i32>} : memref<4x16x512xf32, #tpu.memory_space<vmem>>, vector<1x1x16xf32>,
        %get3A_1678 = vector.shape_cast %get3A_1677 : vector<1x1x16xf32> to vector<16xf32>
        %mul3A_1679 = arith.mulf %get3A_1678, %div3A_1040 : vector<16xf32>
        %add3A_1680 = arith.addf %add3A_1672, %mul3A_1679 : vector<16xf32>
        %get3A_1681 = arith.constant 3 : i32
        %get3A_1682 = arith.index_cast %get3A_1681 : i32 to index
        %get3A_1683 = arith.index_cast %scan3A_180 : i32 to index
        %get3A_1684 = arith.constant 112 : index
        %get3A_1685 = tpu.vector_load %arg5[%get3A_1682, %get3A_1683, %get3A_1684] {strides = array<i32>} : memref<4x16x512xf32, #tpu.memory_space<vmem>>, vector<1x1x16xf32>,
        %get3A_1686 = vector.shape_cast %get3A_1685 : vector<1x1x16xf32> to vector<16xf32>
        %mul3A_1687 = arith.mulf %get3A_1686, %div3A_1327 : vector<16xf32>
        %add3A_1688 = arith.addf %add3A_1680, %mul3A_1687 : vector<16xf32>
        %swap3A_1689 = arith.index_cast %scan3A_180 : i32 to index
        %swap3A_1690 = arith.constant 112 : index
        %swap3A_1691 = tpu.vector_load %arg7[%swap3A_1689, %swap3A_1690] {strides = array<i32>} : memref<16x512xf32, #tpu.memory_space<vmem>>, vector<1x16xf32>,
        %swap3A_1692 = vector.shape_cast %swap3A_1691 : vector<1x16xf32> to vector<16xf32>
        %swap3A_1693 = vector.shape_cast %add3A_1688 : vector<16xf32> to vector<1x16xf32>
        tpu.vector_store %arg7[%swap3A_1689, %swap3A_1690], %swap3A_1693 {strides = array<i32>} : memref<16x512xf32, #tpu.memory_space<vmem>>, vector<1x16xf32>,
        %max3A_1694 = arith.maximumf %max3A_1648, %add3A_1688 : vector<16xf32>
        %min3A_1695 = arith.minimumf %max3A_1648, %add3A_1688 : vector<16xf32>
        %max3A_1696 = arith.maximumf %max3A_1650, %min3A_1695 : vector<16xf32>
        %min3A_1697 = arith.minimumf %max3A_1650, %min3A_1695 : vector<16xf32>
        %max3A_1698 = arith.maximumf %max3A_1652, %min3A_1697 : vector<16xf32>
        %min3A_1699 = arith.minimumf %max3A_1652, %min3A_1697 : vector<16xf32>
        %max3A_1700 = arith.maximumf %max3A_1654, %min3A_1699 : vector<16xf32>
        %min3A_1701 = arith.minimumf %max3A_1654, %min3A_1699 : vector<16xf32>
        %max3A_1702 = arith.maximumf %max3A_1656, %min3A_1701 : vector<16xf32>
        %min3A_1703 = arith.minimumf %max3A_1656, %min3A_1701 : vector<16xf32>
        %get3A_1704 = arith.constant 0 : i32
        %get3A_1705 = arith.index_cast %get3A_1704 : i32 to index
        %get3A_1706 = arith.index_cast %scan3A_180 : i32 to index
        %get3A_1707 = arith.constant 128 : index
        %get3A_1708 = tpu.vector_load %arg5[%get3A_1705, %get3A_1706, %get3A_1707] {strides = array<i32>} : memref<4x16x512xf32, #tpu.memory_space<vmem>>, vector<1x1x16xf32>,
        %get3A_1709 = vector.shape_cast %get3A_1708 : vector<1x1x16xf32> to vector<16xf32>
        %mul3A_1710 = arith.mulf %get3A_1709, %div3A : vector<16xf32>
        %get3A_1711 = arith.constant 1 : i32
        %get3A_1712 = arith.index_cast %get3A_1711 : i32 to index
        %get3A_1713 = arith.index_cast %scan3A_180 : i32 to index
        %get3A_1714 = arith.constant 128 : index
        %get3A_1715 = tpu.vector_load %arg5[%get3A_1712, %get3A_1713, %get3A_1714] {strides = array<i32>} : memref<4x16x512xf32, #tpu.memory_space<vmem>>, vector<1x1x16xf32>,
        %get3A_1716 = vector.shape_cast %get3A_1715 : vector<1x1x16xf32> to vector<16xf32>
        %mul3A_1717 = arith.mulf %get3A_1716, %div3A_753 : vector<16xf32>
        %add3A_1718 = arith.addf %mul3A_1710, %mul3A_1717 : vector<16xf32>
        %get3A_1719 = arith.constant 2 : i32
        %get3A_1720 = arith.index_cast %get3A_1719 : i32 to index
        %get3A_1721 = arith.index_cast %scan3A_180 : i32 to index
        %get3A_1722 = arith.constant 128 : index
        %get3A_1723 = tpu.vector_load %arg5[%get3A_1720, %get3A_1721, %get3A_1722] {strides = array<i32>} : memref<4x16x512xf32, #tpu.memory_space<vmem>>, vector<1x1x16xf32>,
        %get3A_1724 = vector.shape_cast %get3A_1723 : vector<1x1x16xf32> to vector<16xf32>
        %mul3A_1725 = arith.mulf %get3A_1724, %div3A_1040 : vector<16xf32>
        %add3A_1726 = arith.addf %add3A_1718, %mul3A_1725 : vector<16xf32>
        %get3A_1727 = arith.constant 3 : i32
        %get3A_1728 = arith.index_cast %get3A_1727 : i32 to index
        %get3A_1729 = arith.index_cast %scan3A_180 : i32 to index
        %get3A_1730 = arith.constant 128 : index
        %get3A_1731 = tpu.vector_load %arg5[%get3A_1728, %get3A_1729, %get3A_1730] {strides = array<i32>} : memref<4x16x512xf32, #tpu.memory_space<vmem>>, vector<1x1x16xf32>,
        %get3A_1732 = vector.shape_cast %get3A_1731 : vector<1x1x16xf32> to vector<16xf32>
        %mul3A_1733 = arith.mulf %get3A_1732, %div3A_1327 : vector<16xf32>
        %add3A_1734 = arith.addf %add3A_1726, %mul3A_1733 : vector<16xf32>
        %swap3A_1735 = arith.index_cast %scan3A_180 : i32 to index
        %swap3A_1736 = arith.constant 128 : index
        %swap3A_1737 = tpu.vector_load %arg7[%swap3A_1735, %swap3A_1736] {strides = array<i32>} : memref<16x512xf32, #tpu.memory_space<vmem>>, vector<1x16xf32>,
        %swap3A_1738 = vector.shape_cast %swap3A_1737 : vector<1x16xf32> to vector<16xf32>
        %swap3A_1739 = vector.shape_cast %add3A_1734 : vector<16xf32> to vector<1x16xf32>
        tpu.vector_store %arg7[%swap3A_1735, %swap3A_1736], %swap3A_1739 {strides = array<i32>} : memref<16x512xf32, #tpu.memory_space<vmem>>, vector<1x16xf32>,
        %max3A_1740 = arith.maximumf %max3A_1694, %add3A_1734 : vector<16xf32>
        %min3A_1741 = arith.minimumf %max3A_1694, %add3A_1734 : vector<16xf32>
        %max3A_1742 = arith.maximumf %max3A_1696, %min3A_1741 : vector<16xf32>
        %min3A_1743 = arith.minimumf %max3A_1696, %min3A_1741 : vector<16xf32>
        %max3A_1744 = arith.maximumf %max3A_1698, %min3A_1743 : vector<16xf32>
        %min3A_1745 = arith.minimumf %max3A_1698, %min3A_1743 : vector<16xf32>
        %max3A_1746 = arith.maximumf %max3A_1700, %min3A_1745 : vector<16xf32>
        %min3A_1747 = arith.minimumf %max3A_1700, %min3A_1745 : vector<16xf32>
        %max3A_1748 = arith.maximumf %max3A_1702, %min3A_1747 : vector<16xf32>
        %min3A_1749 = arith.minimumf %max3A_1702, %min3A_1747 : vector<16xf32>
        %get3A_1750 = arith.constant 0 : i32
        %get3A_1751 = arith.index_cast %get3A_1750 : i32 to index
        %get3A_1752 = arith.index_cast %scan3A_180 : i32 to index
        %get3A_1753 = arith.constant 144 : index
        %get3A_1754 = tpu.vector_load %arg5[%get3A_1751, %get3A_1752, %get3A_1753] {strides = array<i32>} : memref<4x16x512xf32, #tpu.memory_space<vmem>>, vector<1x1x16xf32>,
        %get3A_1755 = vector.shape_cast %get3A_1754 : vector<1x1x16xf32> to vector<16xf32>
        %mul3A_1756 = arith.mulf %get3A_1755, %div3A : vector<16xf32>
        %get3A_1757 = arith.constant 1 : i32
        %get3A_1758 = arith.index_cast %get3A_1757 : i32 to index
        %get3A_1759 = arith.index_cast %scan3A_180 : i32 to index
        %get3A_1760 = arith.constant 144 : index
        %get3A_1761 = tpu.vector_load %arg5[%get3A_1758, %get3A_1759, %get3A_1760] {strides = array<i32>} : memref<4x16x512xf32, #tpu.memory_space<vmem>>, vector<1x1x16xf32>,
        %get3A_1762 = vector.shape_cast %get3A_1761 : vector<1x1x16xf32> to vector<16xf32>
        %mul3A_1763 = arith.mulf %get3A_1762, %div3A_753 : vector<16xf32>
        %add3A_1764 = arith.addf %mul3A_1756, %mul3A_1763 : vector<16xf32>
        %get3A_1765 = arith.constant 2 : i32
        %get3A_1766 = arith.index_cast %get3A_1765 : i32 to index
        %get3A_1767 = arith.index_cast %scan3A_180 : i32 to index
        %get3A_1768 = arith.constant 144 : index
        %get3A_1769 = tpu.vector_load %arg5[%get3A_1766, %get3A_1767, %get3A_1768] {strides = array<i32>} : memref<4x16x512xf32, #tpu.memory_space<vmem>>, vector<1x1x16xf32>,
        %get3A_1770 = vector.shape_cast %get3A_1769 : vector<1x1x16xf32> to vector<16xf32>
        %mul3A_1771 = arith.mulf %get3A_1770, %div3A_1040 : vector<16xf32>
        %add3A_1772 = arith.addf %add3A_1764, %mul3A_1771 : vector<16xf32>
        %get3A_1773 = arith.constant 3 : i32
        %get3A_1774 = arith.index_cast %get3A_1773 : i32 to index
        %get3A_1775 = arith.index_cast %scan3A_180 : i32 to index
        %get3A_1776 = arith.constant 144 : index
        %get3A_1777 = tpu.vector_load %arg5[%get3A_1774, %get3A_1775, %get3A_1776] {strides = array<i32>} : memref<4x16x512xf32, #tpu.memory_space<vmem>>, vector<1x1x16xf32>,
        %get3A_1778 = vector.shape_cast %get3A_1777 : vector<1x1x16xf32> to vector<16xf32>
        %mul3A_1779 = arith.mulf %get3A_1778, %div3A_1327 : vector<16xf32>
        %add3A_1780 = arith.addf %add3A_1772, %mul3A_1779 : vector<16xf32>
        %swap3A_1781 = arith.index_cast %scan3A_180 : i32 to index
        %swap3A_1782 = arith.constant 144 : index
        %swap3A_1783 = tpu.vector_load %arg7[%swap3A_1781, %swap3A_1782] {strides = array<i32>} : memref<16x512xf32, #tpu.memory_space<vmem>>, vector<1x16xf32>,
        %swap3A_1784 = vector.shape_cast %swap3A_1783 : vector<1x16xf32> to vector<16xf32>
        %swap3A_1785 = vector.shape_cast %add3A_1780 : vector<16xf32> to vector<1x16xf32>
        tpu.vector_store %arg7[%swap3A_1781, %swap3A_1782], %swap3A_1785 {strides = array<i32>} : memref<16x512xf32, #tpu.memory_space<vmem>>, vector<1x16xf32>,
        %max3A_1786 = arith.maximumf %max3A_1740, %add3A_1780 : vector<16xf32>
        %min3A_1787 = arith.minimumf %max3A_1740, %add3A_1780 : vector<16xf32>
        %max3A_1788 = arith.maximumf %max3A_1742, %min3A_1787 : vector<16xf32>
        %min3A_1789 = arith.minimumf %max3A_1742, %min3A_1787 : vector<16xf32>
        %max3A_1790 = arith.maximumf %max3A_1744, %min3A_1789 : vector<16xf32>
        %min3A_1791 = arith.minimumf %max3A_1744, %min3A_1789 : vector<16xf32>
        %max3A_1792 = arith.maximumf %max3A_1746, %min3A_1791 : vector<16xf32>
        %min3A_1793 = arith.minimumf %max3A_1746, %min3A_1791 : vector<16xf32>
        %max3A_1794 = arith.maximumf %max3A_1748, %min3A_1793 : vector<16xf32>
        %min3A_1795 = arith.minimumf %max3A_1748, %min3A_1793 : vector<16xf32>
        %get3A_1796 = arith.constant 0 : i32
        %get3A_1797 = arith.index_cast %get3A_1796 : i32 to index
        %get3A_1798 = arith.index_cast %scan3A_180 : i32 to index
        %get3A_1799 = arith.constant 160 : index
        %get3A_1800 = tpu.vector_load %arg5[%get3A_1797, %get3A_1798, %get3A_1799] {strides = array<i32>} : memref<4x16x512xf32, #tpu.memory_space<vmem>>, vector<1x1x16xf32>,
        %get3A_1801 = vector.shape_cast %get3A_1800 : vector<1x1x16xf32> to vector<16xf32>
        %mul3A_1802 = arith.mulf %get3A_1801, %div3A : vector<16xf32>
        %get3A_1803 = arith.constant 1 : i32
        %get3A_1804 = arith.index_cast %get3A_1803 : i32 to index
        %get3A_1805 = arith.index_cast %scan3A_180 : i32 to index
        %get3A_1806 = arith.constant 160 : index
        %get3A_1807 = tpu.vector_load %arg5[%get3A_1804, %get3A_1805, %get3A_1806] {strides = array<i32>} : memref<4x16x512xf32, #tpu.memory_space<vmem>>, vector<1x1x16xf32>,
        %get3A_1808 = vector.shape_cast %get3A_1807 : vector<1x1x16xf32> to vector<16xf32>
        %mul3A_1809 = arith.mulf %get3A_1808, %div3A_753 : vector<16xf32>
        %add3A_1810 = arith.addf %mul3A_1802, %mul3A_1809 : vector<16xf32>
        %get3A_1811 = arith.constant 2 : i32
        %get3A_1812 = arith.index_cast %get3A_1811 : i32 to index
        %get3A_1813 = arith.index_cast %scan3A_180 : i32 to index
        %get3A_1814 = arith.constant 160 : index
        %get3A_1815 = tpu.vector_load %arg5[%get3A_1812, %get3A_1813, %get3A_1814] {strides = array<i32>} : memref<4x16x512xf32, #tpu.memory_space<vmem>>, vector<1x1x16xf32>,
        %get3A_1816 = vector.shape_cast %get3A_1815 : vector<1x1x16xf32> to vector<16xf32>
        %mul3A_1817 = arith.mulf %get3A_1816, %div3A_1040 : vector<16xf32>
        %add3A_1818 = arith.addf %add3A_1810, %mul3A_1817 : vector<16xf32>
        %get3A_1819 = arith.constant 3 : i32
        %get3A_1820 = arith.index_cast %get3A_1819 : i32 to index
        %get3A_1821 = arith.index_cast %scan3A_180 : i32 to index
        %get3A_1822 = arith.constant 160 : index
        %get3A_1823 = tpu.vector_load %arg5[%get3A_1820, %get3A_1821, %get3A_1822] {strides = array<i32>} : memref<4x16x512xf32, #tpu.memory_space<vmem>>, vector<1x1x16xf32>,
        %get3A_1824 = vector.shape_cast %get3A_1823 : vector<1x1x16xf32> to vector<16xf32>
        %mul3A_1825 = arith.mulf %get3A_1824, %div3A_1327 : vector<16xf32>
        %add3A_1826 = arith.addf %add3A_1818, %mul3A_1825 : vector<16xf32>
        %swap3A_1827 = arith.index_cast %scan3A_180 : i32 to index
        %swap3A_1828 = arith.constant 160 : index
        %swap3A_1829 = tpu.vector_load %arg7[%swap3A_1827, %swap3A_1828] {strides = array<i32>} : memref<16x512xf32, #tpu.memory_space<vmem>>, vector<1x16xf32>,
        %swap3A_1830 = vector.shape_cast %swap3A_1829 : vector<1x16xf32> to vector<16xf32>
        %swap3A_1831 = vector.shape_cast %add3A_1826 : vector<16xf32> to vector<1x16xf32>
        tpu.vector_store %arg7[%swap3A_1827, %swap3A_1828], %swap3A_1831 {strides = array<i32>} : memref<16x512xf32, #tpu.memory_space<vmem>>, vector<1x16xf32>,
        %max3A_1832 = arith.maximumf %max3A_1786, %add3A_1826 : vector<16xf32>
        %min3A_1833 = arith.minimumf %max3A_1786, %add3A_1826 : vector<16xf32>
        %max3A_1834 = arith.maximumf %max3A_1788, %min3A_1833 : vector<16xf32>
        %min3A_1835 = arith.minimumf %max3A_1788, %min3A_1833 : vector<16xf32>
        %max3A_1836 = arith.maximumf %max3A_1790, %min3A_1835 : vector<16xf32>
        %min3A_1837 = arith.minimumf %max3A_1790, %min3A_1835 : vector<16xf32>
        %max3A_1838 = arith.maximumf %max3A_1792, %min3A_1837 : vector<16xf32>
        %min3A_1839 = arith.minimumf %max3A_1792, %min3A_1837 : vector<16xf32>
        %max3A_1840 = arith.maximumf %max3A_1794, %min3A_1839 : vector<16xf32>
        %min3A_1841 = arith.minimumf %max3A_1794, %min3A_1839 : vector<16xf32>
        %get3A_1842 = arith.constant 0 : i32
        %get3A_1843 = arith.index_cast %get3A_1842 : i32 to index
        %get3A_1844 = arith.index_cast %scan3A_180 : i32 to index
        %get3A_1845 = arith.constant 176 : index
        %get3A_1846 = tpu.vector_load %arg5[%get3A_1843, %get3A_1844, %get3A_1845] {strides = array<i32>} : memref<4x16x512xf32, #tpu.memory_space<vmem>>, vector<1x1x16xf32>,
        %get3A_1847 = vector.shape_cast %get3A_1846 : vector<1x1x16xf32> to vector<16xf32>
        %mul3A_1848 = arith.mulf %get3A_1847, %div3A : vector<16xf32>
        %get3A_1849 = arith.constant 1 : i32
        %get3A_1850 = arith.index_cast %get3A_1849 : i32 to index
        %get3A_1851 = arith.index_cast %scan3A_180 : i32 to index
        %get3A_1852 = arith.constant 176 : index
        %get3A_1853 = tpu.vector_load %arg5[%get3A_1850, %get3A_1851, %get3A_1852] {strides = array<i32>} : memref<4x16x512xf32, #tpu.memory_space<vmem>>, vector<1x1x16xf32>,
        %get3A_1854 = vector.shape_cast %get3A_1853 : vector<1x1x16xf32> to vector<16xf32>
        %mul3A_1855 = arith.mulf %get3A_1854, %div3A_753 : vector<16xf32>
        %add3A_1856 = arith.addf %mul3A_1848, %mul3A_1855 : vector<16xf32>
        %get3A_1857 = arith.constant 2 : i32
        %get3A_1858 = arith.index_cast %get3A_1857 : i32 to index
        %get3A_1859 = arith.index_cast %scan3A_180 : i32 to index
        %get3A_1860 = arith.constant 176 : index
        %get3A_1861 = tpu.vector_load %arg5[%get3A_1858, %get3A_1859, %get3A_1860] {strides = array<i32>} : memref<4x16x512xf32, #tpu.memory_space<vmem>>, vector<1x1x16xf32>,
        %get3A_1862 = vector.shape_cast %get3A_1861 : vector<1x1x16xf32> to vector<16xf32>
        %mul3A_1863 = arith.mulf %get3A_1862, %div3A_1040 : vector<16xf32>
        %add3A_1864 = arith.addf %add3A_1856, %mul3A_1863 : vector<16xf32>
        %get3A_1865 = arith.constant 3 : i32
        %get3A_1866 = arith.index_cast %get3A_1865 : i32 to index
        %get3A_1867 = arith.index_cast %scan3A_180 : i32 to index
        %get3A_1868 = arith.constant 176 : index
        %get3A_1869 = tpu.vector_load %arg5[%get3A_1866, %get3A_1867, %get3A_1868] {strides = array<i32>} : memref<4x16x512xf32, #tpu.memory_space<vmem>>, vector<1x1x16xf32>,
        %get3A_1870 = vector.shape_cast %get3A_1869 : vector<1x1x16xf32> to vector<16xf32>
        %mul3A_1871 = arith.mulf %get3A_1870, %div3A_1327 : vector<16xf32>
        %add3A_1872 = arith.addf %add3A_1864, %mul3A_1871 : vector<16xf32>
        %swap3A_1873 = arith.index_cast %scan3A_180 : i32 to index
        %swap3A_1874 = arith.constant 176 : index
        %swap3A_1875 = tpu.vector_load %arg7[%swap3A_1873, %swap3A_1874] {strides = array<i32>} : memref<16x512xf32, #tpu.memory_space<vmem>>, vector<1x16xf32>,
        %swap3A_1876 = vector.shape_cast %swap3A_1875 : vector<1x16xf32> to vector<16xf32>
        %swap3A_1877 = vector.shape_cast %add3A_1872 : vector<16xf32> to vector<1x16xf32>
        tpu.vector_store %arg7[%swap3A_1873, %swap3A_1874], %swap3A_1877 {strides = array<i32>} : memref<16x512xf32, #tpu.memory_space<vmem>>, vector<1x16xf32>,
        %max3A_1878 = arith.maximumf %max3A_1832, %add3A_1872 : vector<16xf32>
        %min3A_1879 = arith.minimumf %max3A_1832, %add3A_1872 : vector<16xf32>
        %max3A_1880 = arith.maximumf %max3A_1834, %min3A_1879 : vector<16xf32>
        %min3A_1881 = arith.minimumf %max3A_1834, %min3A_1879 : vector<16xf32>
        %max3A_1882 = arith.maximumf %max3A_1836, %min3A_1881 : vector<16xf32>
        %min3A_1883 = arith.minimumf %max3A_1836, %min3A_1881 : vector<16xf32>
        %max3A_1884 = arith.maximumf %max3A_1838, %min3A_1883 : vector<16xf32>
        %min3A_1885 = arith.minimumf %max3A_1838, %min3A_1883 : vector<16xf32>
        %max3A_1886 = arith.maximumf %max3A_1840, %min3A_1885 : vector<16xf32>
        %min3A_1887 = arith.minimumf %max3A_1840, %min3A_1885 : vector<16xf32>
        %get3A_1888 = arith.constant 0 : i32
        %get3A_1889 = arith.index_cast %get3A_1888 : i32 to index
        %get3A_1890 = arith.index_cast %scan3A_180 : i32 to index
        %get3A_1891 = arith.constant 192 : index
        %get3A_1892 = tpu.vector_load %arg5[%get3A_1889, %get3A_1890, %get3A_1891] {strides = array<i32>} : memref<4x16x512xf32, #tpu.memory_space<vmem>>, vector<1x1x16xf32>,
        %get3A_1893 = vector.shape_cast %get3A_1892 : vector<1x1x16xf32> to vector<16xf32>
        %mul3A_1894 = arith.mulf %get3A_1893, %div3A : vector<16xf32>
        %get3A_1895 = arith.constant 1 : i32
        %get3A_1896 = arith.index_cast %get3A_1895 : i32 to index
        %get3A_1897 = arith.index_cast %scan3A_180 : i32 to index
        %get3A_1898 = arith.constant 192 : index
        %get3A_1899 = tpu.vector_load %arg5[%get3A_1896, %get3A_1897, %get3A_1898] {strides = array<i32>} : memref<4x16x512xf32, #tpu.memory_space<vmem>>, vector<1x1x16xf32>,
        %get3A_1900 = vector.shape_cast %get3A_1899 : vector<1x1x16xf32> to vector<16xf32>
        %mul3A_1901 = arith.mulf %get3A_1900, %div3A_753 : vector<16xf32>
        %add3A_1902 = arith.addf %mul3A_1894, %mul3A_1901 : vector<16xf32>
        %get3A_1903 = arith.constant 2 : i32
        %get3A_1904 = arith.index_cast %get3A_1903 : i32 to index
        %get3A_1905 = arith.index_cast %scan3A_180 : i32 to index
        %get3A_1906 = arith.constant 192 : index
        %get3A_1907 = tpu.vector_load %arg5[%get3A_1904, %get3A_1905, %get3A_1906] {strides = array<i32>} : memref<4x16x512xf32, #tpu.memory_space<vmem>>, vector<1x1x16xf32>,
        %get3A_1908 = vector.shape_cast %get3A_1907 : vector<1x1x16xf32> to vector<16xf32>
        %mul3A_1909 = arith.mulf %get3A_1908, %div3A_1040 : vector<16xf32>
        %add3A_1910 = arith.addf %add3A_1902, %mul3A_1909 : vector<16xf32>
        %get3A_1911 = arith.constant 3 : i32
        %get3A_1912 = arith.index_cast %get3A_1911 : i32 to index
        %get3A_1913 = arith.index_cast %scan3A_180 : i32 to index
        %get3A_1914 = arith.constant 192 : index
        %get3A_1915 = tpu.vector_load %arg5[%get3A_1912, %get3A_1913, %get3A_1914] {strides = array<i32>} : memref<4x16x512xf32, #tpu.memory_space<vmem>>, vector<1x1x16xf32>,
        %get3A_1916 = vector.shape_cast %get3A_1915 : vector<1x1x16xf32> to vector<16xf32>
        %mul3A_1917 = arith.mulf %get3A_1916, %div3A_1327 : vector<16xf32>
        %add3A_1918 = arith.addf %add3A_1910, %mul3A_1917 : vector<16xf32>
        %swap3A_1919 = arith.index_cast %scan3A_180 : i32 to index
        %swap3A_1920 = arith.constant 192 : index
        %swap3A_1921 = tpu.vector_load %arg7[%swap3A_1919, %swap3A_1920] {strides = array<i32>} : memref<16x512xf32, #tpu.memory_space<vmem>>, vector<1x16xf32>,
        %swap3A_1922 = vector.shape_cast %swap3A_1921 : vector<1x16xf32> to vector<16xf32>
        %swap3A_1923 = vector.shape_cast %add3A_1918 : vector<16xf32> to vector<1x16xf32>
        tpu.vector_store %arg7[%swap3A_1919, %swap3A_1920], %swap3A_1923 {strides = array<i32>} : memref<16x512xf32, #tpu.memory_space<vmem>>, vector<1x16xf32>,
        %max3A_1924 = arith.maximumf %max3A_1878, %add3A_1918 : vector<16xf32>
        %min3A_1925 = arith.minimumf %max3A_1878, %add3A_1918 : vector<16xf32>
        %max3A_1926 = arith.maximumf %max3A_1880, %min3A_1925 : vector<16xf32>
        %min3A_1927 = arith.minimumf %max3A_1880, %min3A_1925 : vector<16xf32>
        %max3A_1928 = arith.maximumf %max3A_1882, %min3A_1927 : vector<16xf32>
        %min3A_1929 = arith.minimumf %max3A_1882, %min3A_1927 : vector<16xf32>
        %max3A_1930 = arith.maximumf %max3A_1884, %min3A_1929 : vector<16xf32>
        %min3A_1931 = arith.minimumf %max3A_1884, %min3A_1929 : vector<16xf32>
        %max3A_1932 = arith.maximumf %max3A_1886, %min3A_1931 : vector<16xf32>
        %min3A_1933 = arith.minimumf %max3A_1886, %min3A_1931 : vector<16xf32>
        %get3A_1934 = arith.constant 0 : i32
        %get3A_1935 = arith.index_cast %get3A_1934 : i32 to index
        %get3A_1936 = arith.index_cast %scan3A_180 : i32 to index
        %get3A_1937 = arith.constant 208 : index
        %get3A_1938 = tpu.vector_load %arg5[%get3A_1935, %get3A_1936, %get3A_1937] {strides = array<i32>} : memref<4x16x512xf32, #tpu.memory_space<vmem>>, vector<1x1x16xf32>,
        %get3A_1939 = vector.shape_cast %get3A_1938 : vector<1x1x16xf32> to vector<16xf32>
        %mul3A_1940 = arith.mulf %get3A_1939, %div3A : vector<16xf32>
        %get3A_1941 = arith.constant 1 : i32
        %get3A_1942 = arith.index_cast %get3A_1941 : i32 to index
        %get3A_1943 = arith.index_cast %scan3A_180 : i32 to index
        %get3A_1944 = arith.constant 208 : index
        %get3A_1945 = tpu.vector_load %arg5[%get3A_1942, %get3A_1943, %get3A_1944] {strides = array<i32>} : memref<4x16x512xf32, #tpu.memory_space<vmem>>, vector<1x1x16xf32>,
        %get3A_1946 = vector.shape_cast %get3A_1945 : vector<1x1x16xf32> to vector<16xf32>
        %mul3A_1947 = arith.mulf %get3A_1946, %div3A_753 : vector<16xf32>
        %add3A_1948 = arith.addf %mul3A_1940, %mul3A_1947 : vector<16xf32>
        %get3A_1949 = arith.constant 2 : i32
        %get3A_1950 = arith.index_cast %get3A_1949 : i32 to index
        %get3A_1951 = arith.index_cast %scan3A_180 : i32 to index
        %get3A_1952 = arith.constant 208 : index
        %get3A_1953 = tpu.vector_load %arg5[%get3A_1950, %get3A_1951, %get3A_1952] {strides = array<i32>} : memref<4x16x512xf32, #tpu.memory_space<vmem>>, vector<1x1x16xf32>,
        %get3A_1954 = vector.shape_cast %get3A_1953 : vector<1x1x16xf32> to vector<16xf32>
        %mul3A_1955 = arith.mulf %get3A_1954, %div3A_1040 : vector<16xf32>
        %add3A_1956 = arith.addf %add3A_1948, %mul3A_1955 : vector<16xf32>
        %get3A_1957 = arith.constant 3 : i32
        %get3A_1958 = arith.index_cast %get3A_1957 : i32 to index
        %get3A_1959 = arith.index_cast %scan3A_180 : i32 to index
        %get3A_1960 = arith.constant 208 : index
        %get3A_1961 = tpu.vector_load %arg5[%get3A_1958, %get3A_1959, %get3A_1960] {strides = array<i32>} : memref<4x16x512xf32, #tpu.memory_space<vmem>>, vector<1x1x16xf32>,
        %get3A_1962 = vector.shape_cast %get3A_1961 : vector<1x1x16xf32> to vector<16xf32>
        %mul3A_1963 = arith.mulf %get3A_1962, %div3A_1327 : vector<16xf32>
        %add3A_1964 = arith.addf %add3A_1956, %mul3A_1963 : vector<16xf32>
        %swap3A_1965 = arith.index_cast %scan3A_180 : i32 to index
        %swap3A_1966 = arith.constant 208 : index
        %swap3A_1967 = tpu.vector_load %arg7[%swap3A_1965, %swap3A_1966] {strides = array<i32>} : memref<16x512xf32, #tpu.memory_space<vmem>>, vector<1x16xf32>,
        %swap3A_1968 = vector.shape_cast %swap3A_1967 : vector<1x16xf32> to vector<16xf32>
        %swap3A_1969 = vector.shape_cast %add3A_1964 : vector<16xf32> to vector<1x16xf32>
        tpu.vector_store %arg7[%swap3A_1965, %swap3A_1966], %swap3A_1969 {strides = array<i32>} : memref<16x512xf32, #tpu.memory_space<vmem>>, vector<1x16xf32>,
        %max3A_1970 = arith.maximumf %max3A_1924, %add3A_1964 : vector<16xf32>
        %min3A_1971 = arith.minimumf %max3A_1924, %add3A_1964 : vector<16xf32>
        %max3A_1972 = arith.maximumf %max3A_1926, %min3A_1971 : vector<16xf32>
        %min3A_1973 = arith.minimumf %max3A_1926, %min3A_1971 : vector<16xf32>
        %max3A_1974 = arith.maximumf %max3A_1928, %min3A_1973 : vector<16xf32>
        %min3A_1975 = arith.minimumf %max3A_1928, %min3A_1973 : vector<16xf32>
        %max3A_1976 = arith.maximumf %max3A_1930, %min3A_1975 : vector<16xf32>
        %min3A_1977 = arith.minimumf %max3A_1930, %min3A_1975 : vector<16xf32>
        %max3A_1978 = arith.maximumf %max3A_1932, %min3A_1977 : vector<16xf32>
        %min3A_1979 = arith.minimumf %max3A_1932, %min3A_1977 : vector<16xf32>
        %get3A_1980 = arith.constant 0 : i32
        %get3A_1981 = arith.index_cast %get3A_1980 : i32 to index
        %get3A_1982 = arith.index_cast %scan3A_180 : i32 to index
        %get3A_1983 = arith.constant 224 : index
        %get3A_1984 = tpu.vector_load %arg5[%get3A_1981, %get3A_1982, %get3A_1983] {strides = array<i32>} : memref<4x16x512xf32, #tpu.memory_space<vmem>>, vector<1x1x16xf32>,
        %get3A_1985 = vector.shape_cast %get3A_1984 : vector<1x1x16xf32> to vector<16xf32>
        %mul3A_1986 = arith.mulf %get3A_1985, %div3A : vector<16xf32>
        %get3A_1987 = arith.constant 1 : i32
        %get3A_1988 = arith.index_cast %get3A_1987 : i32 to index
        %get3A_1989 = arith.index_cast %scan3A_180 : i32 to index
        %get3A_1990 = arith.constant 224 : index
        %get3A_1991 = tpu.vector_load %arg5[%get3A_1988, %get3A_1989, %get3A_1990] {strides = array<i32>} : memref<4x16x512xf32, #tpu.memory_space<vmem>>, vector<1x1x16xf32>,
        %get3A_1992 = vector.shape_cast %get3A_1991 : vector<1x1x16xf32> to vector<16xf32>
        %mul3A_1993 = arith.mulf %get3A_1992, %div3A_753 : vector<16xf32>
        %add3A_1994 = arith.addf %mul3A_1986, %mul3A_1993 : vector<16xf32>
        %get3A_1995 = arith.constant 2 : i32
        %get3A_1996 = arith.index_cast %get3A_1995 : i32 to index
        %get3A_1997 = arith.index_cast %scan3A_180 : i32 to index
        %get3A_1998 = arith.constant 224 : index
        %get3A_1999 = tpu.vector_load %arg5[%get3A_1996, %get3A_1997, %get3A_1998] {strides = array<i32>} : memref<4x16x512xf32, #tpu.memory_space<vmem>>, vector<1x1x16xf32>,
        %get3A_2000 = vector.shape_cast %get3A_1999 : vector<1x1x16xf32> to vector<16xf32>
        %mul3A_2001 = arith.mulf %get3A_2000, %div3A_1040 : vector<16xf32>
        %add3A_2002 = arith.addf %add3A_1994, %mul3A_2001 : vector<16xf32>
        %get3A_2003 = arith.constant 3 : i32
        %get3A_2004 = arith.index_cast %get3A_2003 : i32 to index
        %get3A_2005 = arith.index_cast %scan3A_180 : i32 to index
        %get3A_2006 = arith.constant 224 : index
        %get3A_2007 = tpu.vector_load %arg5[%get3A_2004, %get3A_2005, %get3A_2006] {strides = array<i32>} : memref<4x16x512xf32, #tpu.memory_space<vmem>>, vector<1x1x16xf32>,
        %get3A_2008 = vector.shape_cast %get3A_2007 : vector<1x1x16xf32> to vector<16xf32>
        %mul3A_2009 = arith.mulf %get3A_2008, %div3A_1327 : vector<16xf32>
        %add3A_2010 = arith.addf %add3A_2002, %mul3A_2009 : vector<16xf32>
        %swap3A_2011 = arith.index_cast %scan3A_180 : i32 to index
        %swap3A_2012 = arith.constant 224 : index
        %swap3A_2013 = tpu.vector_load %arg7[%swap3A_2011, %swap3A_2012] {strides = array<i32>} : memref<16x512xf32, #tpu.memory_space<vmem>>, vector<1x16xf32>,
        %swap3A_2014 = vector.shape_cast %swap3A_2013 : vector<1x16xf32> to vector<16xf32>
        %swap3A_2015 = vector.shape_cast %add3A_2010 : vector<16xf32> to vector<1x16xf32>
        tpu.vector_store %arg7[%swap3A_2011, %swap3A_2012], %swap3A_2015 {strides = array<i32>} : memref<16x512xf32, #tpu.memory_space<vmem>>, vector<1x16xf32>,
        %max3A_2016 = arith.maximumf %max3A_1970, %add3A_2010 : vector<16xf32>
        %min3A_2017 = arith.minimumf %max3A_1970, %add3A_2010 : vector<16xf32>
        %max3A_2018 = arith.maximumf %max3A_1972, %min3A_2017 : vector<16xf32>
        %min3A_2019 = arith.minimumf %max3A_1972, %min3A_2017 : vector<16xf32>
        %max3A_2020 = arith.maximumf %max3A_1974, %min3A_2019 : vector<16xf32>
        %min3A_2021 = arith.minimumf %max3A_1974, %min3A_2019 : vector<16xf32>
        %max3A_2022 = arith.maximumf %max3A_1976, %min3A_2021 : vector<16xf32>
        %min3A_2023 = arith.minimumf %max3A_1976, %min3A_2021 : vector<16xf32>
        %max3A_2024 = arith.maximumf %max3A_1978, %min3A_2023 : vector<16xf32>
        %min3A_2025 = arith.minimumf %max3A_1978, %min3A_2023 : vector<16xf32>
        %get3A_2026 = arith.constant 0 : i32
        %get3A_2027 = arith.index_cast %get3A_2026 : i32 to index
        %get3A_2028 = arith.index_cast %scan3A_180 : i32 to index
        %get3A_2029 = arith.constant 240 : index
        %get3A_2030 = tpu.vector_load %arg5[%get3A_2027, %get3A_2028, %get3A_2029] {strides = array<i32>} : memref<4x16x512xf32, #tpu.memory_space<vmem>>, vector<1x1x16xf32>,
        %get3A_2031 = vector.shape_cast %get3A_2030 : vector<1x1x16xf32> to vector<16xf32>
        %mul3A_2032 = arith.mulf %get3A_2031, %div3A : vector<16xf32>
        %get3A_2033 = arith.constant 1 : i32
        %get3A_2034 = arith.index_cast %get3A_2033 : i32 to index
        %get3A_2035 = arith.index_cast %scan3A_180 : i32 to index
        %get3A_2036 = arith.constant 240 : index
        %get3A_2037 = tpu.vector_load %arg5[%get3A_2034, %get3A_2035, %get3A_2036] {strides = array<i32>} : memref<4x16x512xf32, #tpu.memory_space<vmem>>, vector<1x1x16xf32>,
        %get3A_2038 = vector.shape_cast %get3A_2037 : vector<1x1x16xf32> to vector<16xf32>
        %mul3A_2039 = arith.mulf %get3A_2038, %div3A_753 : vector<16xf32>
        %add3A_2040 = arith.addf %mul3A_2032, %mul3A_2039 : vector<16xf32>
        %get3A_2041 = arith.constant 2 : i32
        %get3A_2042 = arith.index_cast %get3A_2041 : i32 to index
        %get3A_2043 = arith.index_cast %scan3A_180 : i32 to index
        %get3A_2044 = arith.constant 240 : index
        %get3A_2045 = tpu.vector_load %arg5[%get3A_2042, %get3A_2043, %get3A_2044] {strides = array<i32>} : memref<4x16x512xf32, #tpu.memory_space<vmem>>, vector<1x1x16xf32>,
        %get3A_2046 = vector.shape_cast %get3A_2045 : vector<1x1x16xf32> to vector<16xf32>
        %mul3A_2047 = arith.mulf %get3A_2046, %div3A_1040 : vector<16xf32>
        %add3A_2048 = arith.addf %add3A_2040, %mul3A_2047 : vector<16xf32>
        %get3A_2049 = arith.constant 3 : i32
        %get3A_2050 = arith.index_cast %get3A_2049 : i32 to index
        %get3A_2051 = arith.index_cast %scan3A_180 : i32 to index
        %get3A_2052 = arith.constant 240 : index
        %get3A_2053 = tpu.vector_load %arg5[%get3A_2050, %get3A_2051, %get3A_2052] {strides = array<i32>} : memref<4x16x512xf32, #tpu.memory_space<vmem>>, vector<1x1x16xf32>,
        %get3A_2054 = vector.shape_cast %get3A_2053 : vector<1x1x16xf32> to vector<16xf32>
        %mul3A_2055 = arith.mulf %get3A_2054, %div3A_1327 : vector<16xf32>
        %add3A_2056 = arith.addf %add3A_2048, %mul3A_2055 : vector<16xf32>
        %swap3A_2057 = arith.index_cast %scan3A_180 : i32 to index
        %swap3A_2058 = arith.constant 240 : index
        %swap3A_2059 = tpu.vector_load %arg7[%swap3A_2057, %swap3A_2058] {strides = array<i32>} : memref<16x512xf32, #tpu.memory_space<vmem>>, vector<1x16xf32>,
        %swap3A_2060 = vector.shape_cast %swap3A_2059 : vector<1x16xf32> to vector<16xf32>
        %swap3A_2061 = vector.shape_cast %add3A_2056 : vector<16xf32> to vector<1x16xf32>
        tpu.vector_store %arg7[%swap3A_2057, %swap3A_2058], %swap3A_2061 {strides = array<i32>} : memref<16x512xf32, #tpu.memory_space<vmem>>, vector<1x16xf32>,
        %max3A_2062 = arith.maximumf %max3A_2016, %add3A_2056 : vector<16xf32>
        %min3A_2063 = arith.minimumf %max3A_2016, %add3A_2056 : vector<16xf32>
        %max3A_2064 = arith.maximumf %max3A_2018, %min3A_2063 : vector<16xf32>
        %min3A_2065 = arith.minimumf %max3A_2018, %min3A_2063 : vector<16xf32>
        %max3A_2066 = arith.maximumf %max3A_2020, %min3A_2065 : vector<16xf32>
        %min3A_2067 = arith.minimumf %max3A_2020, %min3A_2065 : vector<16xf32>
        %max3A_2068 = arith.maximumf %max3A_2022, %min3A_2067 : vector<16xf32>
        %min3A_2069 = arith.minimumf %max3A_2022, %min3A_2067 : vector<16xf32>
        %max3A_2070 = arith.maximumf %max3A_2024, %min3A_2069 : vector<16xf32>
        %min3A_2071 = arith.minimumf %max3A_2024, %min3A_2069 : vector<16xf32>
        %get3A_2072 = arith.constant 0 : i32
        %get3A_2073 = arith.index_cast %get3A_2072 : i32 to index
        %get3A_2074 = arith.index_cast %scan3A_180 : i32 to index
        %get3A_2075 = arith.constant 256 : index
        %get3A_2076 = tpu.vector_load %arg5[%get3A_2073, %get3A_2074, %get3A_2075] {strides = array<i32>} : memref<4x16x512xf32, #tpu.memory_space<vmem>>, vector<1x1x16xf32>,
        %get3A_2077 = vector.shape_cast %get3A_2076 : vector<1x1x16xf32> to vector<16xf32>
        %mul3A_2078 = arith.mulf %get3A_2077, %div3A : vector<16xf32>
        %get3A_2079 = arith.constant 1 : i32
        %get3A_2080 = arith.index_cast %get3A_2079 : i32 to index
        %get3A_2081 = arith.index_cast %scan3A_180 : i32 to index
        %get3A_2082 = arith.constant 256 : index
        %get3A_2083 = tpu.vector_load %arg5[%get3A_2080, %get3A_2081, %get3A_2082] {strides = array<i32>} : memref<4x16x512xf32, #tpu.memory_space<vmem>>, vector<1x1x16xf32>,
        %get3A_2084 = vector.shape_cast %get3A_2083 : vector<1x1x16xf32> to vector<16xf32>
        %mul3A_2085 = arith.mulf %get3A_2084, %div3A_753 : vector<16xf32>
        %add3A_2086 = arith.addf %mul3A_2078, %mul3A_2085 : vector<16xf32>
        %get3A_2087 = arith.constant 2 : i32
        %get3A_2088 = arith.index_cast %get3A_2087 : i32 to index
        %get3A_2089 = arith.index_cast %scan3A_180 : i32 to index
        %get3A_2090 = arith.constant 256 : index
        %get3A_2091 = tpu.vector_load %arg5[%get3A_2088, %get3A_2089, %get3A_2090] {strides = array<i32>} : memref<4x16x512xf32, #tpu.memory_space<vmem>>, vector<1x1x16xf32>,
        %get3A_2092 = vector.shape_cast %get3A_2091 : vector<1x1x16xf32> to vector<16xf32>
        %mul3A_2093 = arith.mulf %get3A_2092, %div3A_1040 : vector<16xf32>
        %add3A_2094 = arith.addf %add3A_2086, %mul3A_2093 : vector<16xf32>
        %get3A_2095 = arith.constant 3 : i32
        %get3A_2096 = arith.index_cast %get3A_2095 : i32 to index
        %get3A_2097 = arith.index_cast %scan3A_180 : i32 to index
        %get3A_2098 = arith.constant 256 : index
        %get3A_2099 = tpu.vector_load %arg5[%get3A_2096, %get3A_2097, %get3A_2098] {strides = array<i32>} : memref<4x16x512xf32, #tpu.memory_space<vmem>>, vector<1x1x16xf32>,
        %get3A_2100 = vector.shape_cast %get3A_2099 : vector<1x1x16xf32> to vector<16xf32>
        %mul3A_2101 = arith.mulf %get3A_2100, %div3A_1327 : vector<16xf32>
        %add3A_2102 = arith.addf %add3A_2094, %mul3A_2101 : vector<16xf32>
        %swap3A_2103 = arith.index_cast %scan3A_180 : i32 to index
        %swap3A_2104 = arith.constant 256 : index
        %swap3A_2105 = tpu.vector_load %arg7[%swap3A_2103, %swap3A_2104] {strides = array<i32>} : memref<16x512xf32, #tpu.memory_space<vmem>>, vector<1x16xf32>,
        %swap3A_2106 = vector.shape_cast %swap3A_2105 : vector<1x16xf32> to vector<16xf32>
        %swap3A_2107 = vector.shape_cast %add3A_2102 : vector<16xf32> to vector<1x16xf32>
        tpu.vector_store %arg7[%swap3A_2103, %swap3A_2104], %swap3A_2107 {strides = array<i32>} : memref<16x512xf32, #tpu.memory_space<vmem>>, vector<1x16xf32>,
        %max3A_2108 = arith.maximumf %max3A_2062, %add3A_2102 : vector<16xf32>
        %min3A_2109 = arith.minimumf %max3A_2062, %add3A_2102 : vector<16xf32>
        %max3A_2110 = arith.maximumf %max3A_2064, %min3A_2109 : vector<16xf32>
        %min3A_2111 = arith.minimumf %max3A_2064, %min3A_2109 : vector<16xf32>
        %max3A_2112 = arith.maximumf %max3A_2066, %min3A_2111 : vector<16xf32>
        %min3A_2113 = arith.minimumf %max3A_2066, %min3A_2111 : vector<16xf32>
        %max3A_2114 = arith.maximumf %max3A_2068, %min3A_2113 : vector<16xf32>
        %min3A_2115 = arith.minimumf %max3A_2068, %min3A_2113 : vector<16xf32>
        %max3A_2116 = arith.maximumf %max3A_2070, %min3A_2115 : vector<16xf32>
        %min3A_2117 = arith.minimumf %max3A_2070, %min3A_2115 : vector<16xf32>
        %get3A_2118 = arith.constant 0 : i32
        %get3A_2119 = arith.index_cast %get3A_2118 : i32 to index
        %get3A_2120 = arith.index_cast %scan3A_180 : i32 to index
        %get3A_2121 = arith.constant 272 : index
        %get3A_2122 = tpu.vector_load %arg5[%get3A_2119, %get3A_2120, %get3A_2121] {strides = array<i32>} : memref<4x16x512xf32, #tpu.memory_space<vmem>>, vector<1x1x16xf32>,
        %get3A_2123 = vector.shape_cast %get3A_2122 : vector<1x1x16xf32> to vector<16xf32>
        %mul3A_2124 = arith.mulf %get3A_2123, %div3A : vector<16xf32>
        %get3A_2125 = arith.constant 1 : i32
        %get3A_2126 = arith.index_cast %get3A_2125 : i32 to index
        %get3A_2127 = arith.index_cast %scan3A_180 : i32 to index
        %get3A_2128 = arith.constant 272 : index
        %get3A_2129 = tpu.vector_load %arg5[%get3A_2126, %get3A_2127, %get3A_2128] {strides = array<i32>} : memref<4x16x512xf32, #tpu.memory_space<vmem>>, vector<1x1x16xf32>,
        %get3A_2130 = vector.shape_cast %get3A_2129 : vector<1x1x16xf32> to vector<16xf32>
        %mul3A_2131 = arith.mulf %get3A_2130, %div3A_753 : vector<16xf32>
        %add3A_2132 = arith.addf %mul3A_2124, %mul3A_2131 : vector<16xf32>
        %get3A_2133 = arith.constant 2 : i32
        %get3A_2134 = arith.index_cast %get3A_2133 : i32 to index
        %get3A_2135 = arith.index_cast %scan3A_180 : i32 to index
        %get3A_2136 = arith.constant 272 : index
        %get3A_2137 = tpu.vector_load %arg5[%get3A_2134, %get3A_2135, %get3A_2136] {strides = array<i32>} : memref<4x16x512xf32, #tpu.memory_space<vmem>>, vector<1x1x16xf32>,
        %get3A_2138 = vector.shape_cast %get3A_2137 : vector<1x1x16xf32> to vector<16xf32>
        %mul3A_2139 = arith.mulf %get3A_2138, %div3A_1040 : vector<16xf32>
        %add3A_2140 = arith.addf %add3A_2132, %mul3A_2139 : vector<16xf32>
        %get3A_2141 = arith.constant 3 : i32
        %get3A_2142 = arith.index_cast %get3A_2141 : i32 to index
        %get3A_2143 = arith.index_cast %scan3A_180 : i32 to index
        %get3A_2144 = arith.constant 272 : index
        %get3A_2145 = tpu.vector_load %arg5[%get3A_2142, %get3A_2143, %get3A_2144] {strides = array<i32>} : memref<4x16x512xf32, #tpu.memory_space<vmem>>, vector<1x1x16xf32>,
        %get3A_2146 = vector.shape_cast %get3A_2145 : vector<1x1x16xf32> to vector<16xf32>
        %mul3A_2147 = arith.mulf %get3A_2146, %div3A_1327 : vector<16xf32>
        %add3A_2148 = arith.addf %add3A_2140, %mul3A_2147 : vector<16xf32>
        %swap3A_2149 = arith.index_cast %scan3A_180 : i32 to index
        %swap3A_2150 = arith.constant 272 : index
        %swap3A_2151 = tpu.vector_load %arg7[%swap3A_2149, %swap3A_2150] {strides = array<i32>} : memref<16x512xf32, #tpu.memory_space<vmem>>, vector<1x16xf32>,
        %swap3A_2152 = vector.shape_cast %swap3A_2151 : vector<1x16xf32> to vector<16xf32>
        %swap3A_2153 = vector.shape_cast %add3A_2148 : vector<16xf32> to vector<1x16xf32>
        tpu.vector_store %arg7[%swap3A_2149, %swap3A_2150], %swap3A_2153 {strides = array<i32>} : memref<16x512xf32, #tpu.memory_space<vmem>>, vector<1x16xf32>,
        %max3A_2154 = arith.maximumf %max3A_2108, %add3A_2148 : vector<16xf32>
        %min3A_2155 = arith.minimumf %max3A_2108, %add3A_2148 : vector<16xf32>
        %max3A_2156 = arith.maximumf %max3A_2110, %min3A_2155 : vector<16xf32>
        %min3A_2157 = arith.minimumf %max3A_2110, %min3A_2155 : vector<16xf32>
        %max3A_2158 = arith.maximumf %max3A_2112, %min3A_2157 : vector<16xf32>
        %min3A_2159 = arith.minimumf %max3A_2112, %min3A_2157 : vector<16xf32>
        %max3A_2160 = arith.maximumf %max3A_2114, %min3A_2159 : vector<16xf32>
        %min3A_2161 = arith.minimumf %max3A_2114, %min3A_2159 : vector<16xf32>
        %max3A_2162 = arith.maximumf %max3A_2116, %min3A_2161 : vector<16xf32>
        %min3A_2163 = arith.minimumf %max3A_2116, %min3A_2161 : vector<16xf32>
        %get3A_2164 = arith.constant 0 : i32
        %get3A_2165 = arith.index_cast %get3A_2164 : i32 to index
        %get3A_2166 = arith.index_cast %scan3A_180 : i32 to index
        %get3A_2167 = arith.constant 288 : index
        %get3A_2168 = tpu.vector_load %arg5[%get3A_2165, %get3A_2166, %get3A_2167] {strides = array<i32>} : memref<4x16x512xf32, #tpu.memory_space<vmem>>, vector<1x1x16xf32>,
        %get3A_2169 = vector.shape_cast %get3A_2168 : vector<1x1x16xf32> to vector<16xf32>
        %mul3A_2170 = arith.mulf %get3A_2169, %div3A : vector<16xf32>
        %get3A_2171 = arith.constant 1 : i32
        %get3A_2172 = arith.index_cast %get3A_2171 : i32 to index
        %get3A_2173 = arith.index_cast %scan3A_180 : i32 to index
        %get3A_2174 = arith.constant 288 : index
        %get3A_2175 = tpu.vector_load %arg5[%get3A_2172, %get3A_2173, %get3A_2174] {strides = array<i32>} : memref<4x16x512xf32, #tpu.memory_space<vmem>>, vector<1x1x16xf32>,
        %get3A_2176 = vector.shape_cast %get3A_2175 : vector<1x1x16xf32> to vector<16xf32>
        %mul3A_2177 = arith.mulf %get3A_2176, %div3A_753 : vector<16xf32>
        %add3A_2178 = arith.addf %mul3A_2170, %mul3A_2177 : vector<16xf32>
        %get3A_2179 = arith.constant 2 : i32
        %get3A_2180 = arith.index_cast %get3A_2179 : i32 to index
        %get3A_2181 = arith.index_cast %scan3A_180 : i32 to index
        %get3A_2182 = arith.constant 288 : index
        %get3A_2183 = tpu.vector_load %arg5[%get3A_2180, %get3A_2181, %get3A_2182] {strides = array<i32>} : memref<4x16x512xf32, #tpu.memory_space<vmem>>, vector<1x1x16xf32>,
        %get3A_2184 = vector.shape_cast %get3A_2183 : vector<1x1x16xf32> to vector<16xf32>
        %mul3A_2185 = arith.mulf %get3A_2184, %div3A_1040 : vector<16xf32>
        %add3A_2186 = arith.addf %add3A_2178, %mul3A_2185 : vector<16xf32>
        %get3A_2187 = arith.constant 3 : i32
        %get3A_2188 = arith.index_cast %get3A_2187 : i32 to index
        %get3A_2189 = arith.index_cast %scan3A_180 : i32 to index
        %get3A_2190 = arith.constant 288 : index
        %get3A_2191 = tpu.vector_load %arg5[%get3A_2188, %get3A_2189, %get3A_2190] {strides = array<i32>} : memref<4x16x512xf32, #tpu.memory_space<vmem>>, vector<1x1x16xf32>,
        %get3A_2192 = vector.shape_cast %get3A_2191 : vector<1x1x16xf32> to vector<16xf32>
        %mul3A_2193 = arith.mulf %get3A_2192, %div3A_1327 : vector<16xf32>
        %add3A_2194 = arith.addf %add3A_2186, %mul3A_2193 : vector<16xf32>
        %swap3A_2195 = arith.index_cast %scan3A_180 : i32 to index
        %swap3A_2196 = arith.constant 288 : index
        %swap3A_2197 = tpu.vector_load %arg7[%swap3A_2195, %swap3A_2196] {strides = array<i32>} : memref<16x512xf32, #tpu.memory_space<vmem>>, vector<1x16xf32>,
        %swap3A_2198 = vector.shape_cast %swap3A_2197 : vector<1x16xf32> to vector<16xf32>
        %swap3A_2199 = vector.shape_cast %add3A_2194 : vector<16xf32> to vector<1x16xf32>
        tpu.vector_store %arg7[%swap3A_2195, %swap3A_2196], %swap3A_2199 {strides = array<i32>} : memref<16x512xf32, #tpu.memory_space<vmem>>, vector<1x16xf32>,
        %max3A_2200 = arith.maximumf %max3A_2154, %add3A_2194 : vector<16xf32>
        %min3A_2201 = arith.minimumf %max3A_2154, %add3A_2194 : vector<16xf32>
        %max3A_2202 = arith.maximumf %max3A_2156, %min3A_2201 : vector<16xf32>
        %min3A_2203 = arith.minimumf %max3A_2156, %min3A_2201 : vector<16xf32>
        %max3A_2204 = arith.maximumf %max3A_2158, %min3A_2203 : vector<16xf32>
        %min3A_2205 = arith.minimumf %max3A_2158, %min3A_2203 : vector<16xf32>
        %max3A_2206 = arith.maximumf %max3A_2160, %min3A_2205 : vector<16xf32>
        %min3A_2207 = arith.minimumf %max3A_2160, %min3A_2205 : vector<16xf32>
        %max3A_2208 = arith.maximumf %max3A_2162, %min3A_2207 : vector<16xf32>
        %min3A_2209 = arith.minimumf %max3A_2162, %min3A_2207 : vector<16xf32>
        %get3A_2210 = arith.constant 0 : i32
        %get3A_2211 = arith.index_cast %get3A_2210 : i32 to index
        %get3A_2212 = arith.index_cast %scan3A_180 : i32 to index
        %get3A_2213 = arith.constant 304 : index
        %get3A_2214 = tpu.vector_load %arg5[%get3A_2211, %get3A_2212, %get3A_2213] {strides = array<i32>} : memref<4x16x512xf32, #tpu.memory_space<vmem>>, vector<1x1x16xf32>,
        %get3A_2215 = vector.shape_cast %get3A_2214 : vector<1x1x16xf32> to vector<16xf32>
        %mul3A_2216 = arith.mulf %get3A_2215, %div3A : vector<16xf32>
        %get3A_2217 = arith.constant 1 : i32
        %get3A_2218 = arith.index_cast %get3A_2217 : i32 to index
        %get3A_2219 = arith.index_cast %scan3A_180 : i32 to index
        %get3A_2220 = arith.constant 304 : index
        %get3A_2221 = tpu.vector_load %arg5[%get3A_2218, %get3A_2219, %get3A_2220] {strides = array<i32>} : memref<4x16x512xf32, #tpu.memory_space<vmem>>, vector<1x1x16xf32>,
        %get3A_2222 = vector.shape_cast %get3A_2221 : vector<1x1x16xf32> to vector<16xf32>
        %mul3A_2223 = arith.mulf %get3A_2222, %div3A_753 : vector<16xf32>
        %add3A_2224 = arith.addf %mul3A_2216, %mul3A_2223 : vector<16xf32>
        %get3A_2225 = arith.constant 2 : i32
        %get3A_2226 = arith.index_cast %get3A_2225 : i32 to index
        %get3A_2227 = arith.index_cast %scan3A_180 : i32 to index
        %get3A_2228 = arith.constant 304 : index
        %get3A_2229 = tpu.vector_load %arg5[%get3A_2226, %get3A_2227, %get3A_2228] {strides = array<i32>} : memref<4x16x512xf32, #tpu.memory_space<vmem>>, vector<1x1x16xf32>,
        %get3A_2230 = vector.shape_cast %get3A_2229 : vector<1x1x16xf32> to vector<16xf32>
        %mul3A_2231 = arith.mulf %get3A_2230, %div3A_1040 : vector<16xf32>
        %add3A_2232 = arith.addf %add3A_2224, %mul3A_2231 : vector<16xf32>
        %get3A_2233 = arith.constant 3 : i32
        %get3A_2234 = arith.index_cast %get3A_2233 : i32 to index
        %get3A_2235 = arith.index_cast %scan3A_180 : i32 to index
        %get3A_2236 = arith.constant 304 : index
        %get3A_2237 = tpu.vector_load %arg5[%get3A_2234, %get3A_2235, %get3A_2236] {strides = array<i32>} : memref<4x16x512xf32, #tpu.memory_space<vmem>>, vector<1x1x16xf32>,
        %get3A_2238 = vector.shape_cast %get3A_2237 : vector<1x1x16xf32> to vector<16xf32>
        %mul3A_2239 = arith.mulf %get3A_2238, %div3A_1327 : vector<16xf32>
        %add3A_2240 = arith.addf %add3A_2232, %mul3A_2239 : vector<16xf32>
        %swap3A_2241 = arith.index_cast %scan3A_180 : i32 to index
        %swap3A_2242 = arith.constant 304 : index
        %swap3A_2243 = tpu.vector_load %arg7[%swap3A_2241, %swap3A_2242] {strides = array<i32>} : memref<16x512xf32, #tpu.memory_space<vmem>>, vector<1x16xf32>,
        %swap3A_2244 = vector.shape_cast %swap3A_2243 : vector<1x16xf32> to vector<16xf32>
        %swap3A_2245 = vector.shape_cast %add3A_2240 : vector<16xf32> to vector<1x16xf32>
        tpu.vector_store %arg7[%swap3A_2241, %swap3A_2242], %swap3A_2245 {strides = array<i32>} : memref<16x512xf32, #tpu.memory_space<vmem>>, vector<1x16xf32>,
        %max3A_2246 = arith.maximumf %max3A_2200, %add3A_2240 : vector<16xf32>
        %min3A_2247 = arith.minimumf %max3A_2200, %add3A_2240 : vector<16xf32>
        %max3A_2248 = arith.maximumf %max3A_2202, %min3A_2247 : vector<16xf32>
        %min3A_2249 = arith.minimumf %max3A_2202, %min3A_2247 : vector<16xf32>
        %max3A_2250 = arith.maximumf %max3A_2204, %min3A_2249 : vector<16xf32>
        %min3A_2251 = arith.minimumf %max3A_2204, %min3A_2249 : vector<16xf32>
        %max3A_2252 = arith.maximumf %max3A_2206, %min3A_2251 : vector<16xf32>
        %min3A_2253 = arith.minimumf %max3A_2206, %min3A_2251 : vector<16xf32>
        %max3A_2254 = arith.maximumf %max3A_2208, %min3A_2253 : vector<16xf32>
        %min3A_2255 = arith.minimumf %max3A_2208, %min3A_2253 : vector<16xf32>
        %get3A_2256 = arith.constant 0 : i32
        %get3A_2257 = arith.index_cast %get3A_2256 : i32 to index
        %get3A_2258 = arith.index_cast %scan3A_180 : i32 to index
        %get3A_2259 = arith.constant 320 : index
        %get3A_2260 = tpu.vector_load %arg5[%get3A_2257, %get3A_2258, %get3A_2259] {strides = array<i32>} : memref<4x16x512xf32, #tpu.memory_space<vmem>>, vector<1x1x16xf32>,
        %get3A_2261 = vector.shape_cast %get3A_2260 : vector<1x1x16xf32> to vector<16xf32>
        %mul3A_2262 = arith.mulf %get3A_2261, %div3A : vector<16xf32>
        %get3A_2263 = arith.constant 1 : i32
        %get3A_2264 = arith.index_cast %get3A_2263 : i32 to index
        %get3A_2265 = arith.index_cast %scan3A_180 : i32 to index
        %get3A_2266 = arith.constant 320 : index
        %get3A_2267 = tpu.vector_load %arg5[%get3A_2264, %get3A_2265, %get3A_2266] {strides = array<i32>} : memref<4x16x512xf32, #tpu.memory_space<vmem>>, vector<1x1x16xf32>,
        %get3A_2268 = vector.shape_cast %get3A_2267 : vector<1x1x16xf32> to vector<16xf32>
        %mul3A_2269 = arith.mulf %get3A_2268, %div3A_753 : vector<16xf32>
        %add3A_2270 = arith.addf %mul3A_2262, %mul3A_2269 : vector<16xf32>
        %get3A_2271 = arith.constant 2 : i32
        %get3A_2272 = arith.index_cast %get3A_2271 : i32 to index
        %get3A_2273 = arith.index_cast %scan3A_180 : i32 to index
        %get3A_2274 = arith.constant 320 : index
        %get3A_2275 = tpu.vector_load %arg5[%get3A_2272, %get3A_2273, %get3A_2274] {strides = array<i32>} : memref<4x16x512xf32, #tpu.memory_space<vmem>>, vector<1x1x16xf32>,
        %get3A_2276 = vector.shape_cast %get3A_2275 : vector<1x1x16xf32> to vector<16xf32>
        %mul3A_2277 = arith.mulf %get3A_2276, %div3A_1040 : vector<16xf32>
        %add3A_2278 = arith.addf %add3A_2270, %mul3A_2277 : vector<16xf32>
        %get3A_2279 = arith.constant 3 : i32
        %get3A_2280 = arith.index_cast %get3A_2279 : i32 to index
        %get3A_2281 = arith.index_cast %scan3A_180 : i32 to index
        %get3A_2282 = arith.constant 320 : index
        %get3A_2283 = tpu.vector_load %arg5[%get3A_2280, %get3A_2281, %get3A_2282] {strides = array<i32>} : memref<4x16x512xf32, #tpu.memory_space<vmem>>, vector<1x1x16xf32>,
        %get3A_2284 = vector.shape_cast %get3A_2283 : vector<1x1x16xf32> to vector<16xf32>
        %mul3A_2285 = arith.mulf %get3A_2284, %div3A_1327 : vector<16xf32>
        %add3A_2286 = arith.addf %add3A_2278, %mul3A_2285 : vector<16xf32>
        %swap3A_2287 = arith.index_cast %scan3A_180 : i32 to index
        %swap3A_2288 = arith.constant 320 : index
        %swap3A_2289 = tpu.vector_load %arg7[%swap3A_2287, %swap3A_2288] {strides = array<i32>} : memref<16x512xf32, #tpu.memory_space<vmem>>, vector<1x16xf32>,
        %swap3A_2290 = vector.shape_cast %swap3A_2289 : vector<1x16xf32> to vector<16xf32>
        %swap3A_2291 = vector.shape_cast %add3A_2286 : vector<16xf32> to vector<1x16xf32>
        tpu.vector_store %arg7[%swap3A_2287, %swap3A_2288], %swap3A_2291 {strides = array<i32>} : memref<16x512xf32, #tpu.memory_space<vmem>>, vector<1x16xf32>,
        %max3A_2292 = arith.maximumf %max3A_2246, %add3A_2286 : vector<16xf32>
        %min3A_2293 = arith.minimumf %max3A_2246, %add3A_2286 : vector<16xf32>
        %max3A_2294 = arith.maximumf %max3A_2248, %min3A_2293 : vector<16xf32>
        %min3A_2295 = arith.minimumf %max3A_2248, %min3A_2293 : vector<16xf32>
        %max3A_2296 = arith.maximumf %max3A_2250, %min3A_2295 : vector<16xf32>
        %min3A_2297 = arith.minimumf %max3A_2250, %min3A_2295 : vector<16xf32>
        %max3A_2298 = arith.maximumf %max3A_2252, %min3A_2297 : vector<16xf32>
        %min3A_2299 = arith.minimumf %max3A_2252, %min3A_2297 : vector<16xf32>
        %max3A_2300 = arith.maximumf %max3A_2254, %min3A_2299 : vector<16xf32>
        %min3A_2301 = arith.minimumf %max3A_2254, %min3A_2299 : vector<16xf32>
        %get3A_2302 = arith.constant 0 : i32
        %get3A_2303 = arith.index_cast %get3A_2302 : i32 to index
        %get3A_2304 = arith.index_cast %scan3A_180 : i32 to index
        %get3A_2305 = arith.constant 336 : index
        %get3A_2306 = tpu.vector_load %arg5[%get3A_2303, %get3A_2304, %get3A_2305] {strides = array<i32>} : memref<4x16x512xf32, #tpu.memory_space<vmem>>, vector<1x1x16xf32>,
        %get3A_2307 = vector.shape_cast %get3A_2306 : vector<1x1x16xf32> to vector<16xf32>
        %mul3A_2308 = arith.mulf %get3A_2307, %div3A : vector<16xf32>
        %get3A_2309 = arith.constant 1 : i32
        %get3A_2310 = arith.index_cast %get3A_2309 : i32 to index
        %get3A_2311 = arith.index_cast %scan3A_180 : i32 to index
        %get3A_2312 = arith.constant 336 : index
        %get3A_2313 = tpu.vector_load %arg5[%get3A_2310, %get3A_2311, %get3A_2312] {strides = array<i32>} : memref<4x16x512xf32, #tpu.memory_space<vmem>>, vector<1x1x16xf32>,
        %get3A_2314 = vector.shape_cast %get3A_2313 : vector<1x1x16xf32> to vector<16xf32>
        %mul3A_2315 = arith.mulf %get3A_2314, %div3A_753 : vector<16xf32>
        %add3A_2316 = arith.addf %mul3A_2308, %mul3A_2315 : vector<16xf32>
        %get3A_2317 = arith.constant 2 : i32
        %get3A_2318 = arith.index_cast %get3A_2317 : i32 to index
        %get3A_2319 = arith.index_cast %scan3A_180 : i32 to index
        %get3A_2320 = arith.constant 336 : index
        %get3A_2321 = tpu.vector_load %arg5[%get3A_2318, %get3A_2319, %get3A_2320] {strides = array<i32>} : memref<4x16x512xf32, #tpu.memory_space<vmem>>, vector<1x1x16xf32>,
        %get3A_2322 = vector.shape_cast %get3A_2321 : vector<1x1x16xf32> to vector<16xf32>
        %mul3A_2323 = arith.mulf %get3A_2322, %div3A_1040 : vector<16xf32>
        %add3A_2324 = arith.addf %add3A_2316, %mul3A_2323 : vector<16xf32>
        %get3A_2325 = arith.constant 3 : i32
        %get3A_2326 = arith.index_cast %get3A_2325 : i32 to index
        %get3A_2327 = arith.index_cast %scan3A_180 : i32 to index
        %get3A_2328 = arith.constant 336 : index
        %get3A_2329 = tpu.vector_load %arg5[%get3A_2326, %get3A_2327, %get3A_2328] {strides = array<i32>} : memref<4x16x512xf32, #tpu.memory_space<vmem>>, vector<1x1x16xf32>,
        %get3A_2330 = vector.shape_cast %get3A_2329 : vector<1x1x16xf32> to vector<16xf32>
        %mul3A_2331 = arith.mulf %get3A_2330, %div3A_1327 : vector<16xf32>
        %add3A_2332 = arith.addf %add3A_2324, %mul3A_2331 : vector<16xf32>
        %swap3A_2333 = arith.index_cast %scan3A_180 : i32 to index
        %swap3A_2334 = arith.constant 336 : index
        %swap3A_2335 = tpu.vector_load %arg7[%swap3A_2333, %swap3A_2334] {strides = array<i32>} : memref<16x512xf32, #tpu.memory_space<vmem>>, vector<1x16xf32>,
        %swap3A_2336 = vector.shape_cast %swap3A_2335 : vector<1x16xf32> to vector<16xf32>
        %swap3A_2337 = vector.shape_cast %add3A_2332 : vector<16xf32> to vector<1x16xf32>
        tpu.vector_store %arg7[%swap3A_2333, %swap3A_2334], %swap3A_2337 {strides = array<i32>} : memref<16x512xf32, #tpu.memory_space<vmem>>, vector<1x16xf32>,
        %max3A_2338 = arith.maximumf %max3A_2292, %add3A_2332 : vector<16xf32>
        %min3A_2339 = arith.minimumf %max3A_2292, %add3A_2332 : vector<16xf32>
        %max3A_2340 = arith.maximumf %max3A_2294, %min3A_2339 : vector<16xf32>
        %min3A_2341 = arith.minimumf %max3A_2294, %min3A_2339 : vector<16xf32>
        %max3A_2342 = arith.maximumf %max3A_2296, %min3A_2341 : vector<16xf32>
        %min3A_2343 = arith.minimumf %max3A_2296, %min3A_2341 : vector<16xf32>
        %max3A_2344 = arith.maximumf %max3A_2298, %min3A_2343 : vector<16xf32>
        %min3A_2345 = arith.minimumf %max3A_2298, %min3A_2343 : vector<16xf32>
        %max3A_2346 = arith.maximumf %max3A_2300, %min3A_2345 : vector<16xf32>
        %min3A_2347 = arith.minimumf %max3A_2300, %min3A_2345 : vector<16xf32>
        %get3A_2348 = arith.constant 0 : i32
        %get3A_2349 = arith.index_cast %get3A_2348 : i32 to index
        %get3A_2350 = arith.index_cast %scan3A_180 : i32 to index
        %get3A_2351 = arith.constant 352 : index
        %get3A_2352 = tpu.vector_load %arg5[%get3A_2349, %get3A_2350, %get3A_2351] {strides = array<i32>} : memref<4x16x512xf32, #tpu.memory_space<vmem>>, vector<1x1x16xf32>,
        %get3A_2353 = vector.shape_cast %get3A_2352 : vector<1x1x16xf32> to vector<16xf32>
        %mul3A_2354 = arith.mulf %get3A_2353, %div3A : vector<16xf32>
        %get3A_2355 = arith.constant 1 : i32
        %get3A_2356 = arith.index_cast %get3A_2355 : i32 to index
        %get3A_2357 = arith.index_cast %scan3A_180 : i32 to index
        %get3A_2358 = arith.constant 352 : index
        %get3A_2359 = tpu.vector_load %arg5[%get3A_2356, %get3A_2357, %get3A_2358] {strides = array<i32>} : memref<4x16x512xf32, #tpu.memory_space<vmem>>, vector<1x1x16xf32>,
        %get3A_2360 = vector.shape_cast %get3A_2359 : vector<1x1x16xf32> to vector<16xf32>
        %mul3A_2361 = arith.mulf %get3A_2360, %div3A_753 : vector<16xf32>
        %add3A_2362 = arith.addf %mul3A_2354, %mul3A_2361 : vector<16xf32>
        %get3A_2363 = arith.constant 2 : i32
        %get3A_2364 = arith.index_cast %get3A_2363 : i32 to index
        %get3A_2365 = arith.index_cast %scan3A_180 : i32 to index
        %get3A_2366 = arith.constant 352 : index
        %get3A_2367 = tpu.vector_load %arg5[%get3A_2364, %get3A_2365, %get3A_2366] {strides = array<i32>} : memref<4x16x512xf32, #tpu.memory_space<vmem>>, vector<1x1x16xf32>,
        %get3A_2368 = vector.shape_cast %get3A_2367 : vector<1x1x16xf32> to vector<16xf32>
        %mul3A_2369 = arith.mulf %get3A_2368, %div3A_1040 : vector<16xf32>
        %add3A_2370 = arith.addf %add3A_2362, %mul3A_2369 : vector<16xf32>
        %get3A_2371 = arith.constant 3 : i32
        %get3A_2372 = arith.index_cast %get3A_2371 : i32 to index
        %get3A_2373 = arith.index_cast %scan3A_180 : i32 to index
        %get3A_2374 = arith.constant 352 : index
        %get3A_2375 = tpu.vector_load %arg5[%get3A_2372, %get3A_2373, %get3A_2374] {strides = array<i32>} : memref<4x16x512xf32, #tpu.memory_space<vmem>>, vector<1x1x16xf32>,
        %get3A_2376 = vector.shape_cast %get3A_2375 : vector<1x1x16xf32> to vector<16xf32>
        %mul3A_2377 = arith.mulf %get3A_2376, %div3A_1327 : vector<16xf32>
        %add3A_2378 = arith.addf %add3A_2370, %mul3A_2377 : vector<16xf32>
        %swap3A_2379 = arith.index_cast %scan3A_180 : i32 to index
        %swap3A_2380 = arith.constant 352 : index
        %swap3A_2381 = tpu.vector_load %arg7[%swap3A_2379, %swap3A_2380] {strides = array<i32>} : memref<16x512xf32, #tpu.memory_space<vmem>>, vector<1x16xf32>,
        %swap3A_2382 = vector.shape_cast %swap3A_2381 : vector<1x16xf32> to vector<16xf32>
        %swap3A_2383 = vector.shape_cast %add3A_2378 : vector<16xf32> to vector<1x16xf32>
        tpu.vector_store %arg7[%swap3A_2379, %swap3A_2380], %swap3A_2383 {strides = array<i32>} : memref<16x512xf32, #tpu.memory_space<vmem>>, vector<1x16xf32>,
        %max3A_2384 = arith.maximumf %max3A_2338, %add3A_2378 : vector<16xf32>
        %min3A_2385 = arith.minimumf %max3A_2338, %add3A_2378 : vector<16xf32>
        %max3A_2386 = arith.maximumf %max3A_2340, %min3A_2385 : vector<16xf32>
        %min3A_2387 = arith.minimumf %max3A_2340, %min3A_2385 : vector<16xf32>
        %max3A_2388 = arith.maximumf %max3A_2342, %min3A_2387 : vector<16xf32>
        %min3A_2389 = arith.minimumf %max3A_2342, %min3A_2387 : vector<16xf32>
        %max3A_2390 = arith.maximumf %max3A_2344, %min3A_2389 : vector<16xf32>
        %min3A_2391 = arith.minimumf %max3A_2344, %min3A_2389 : vector<16xf32>
        %max3A_2392 = arith.maximumf %max3A_2346, %min3A_2391 : vector<16xf32>
        %min3A_2393 = arith.minimumf %max3A_2346, %min3A_2391 : vector<16xf32>
        %get3A_2394 = arith.constant 0 : i32
        %get3A_2395 = arith.index_cast %get3A_2394 : i32 to index
        %get3A_2396 = arith.index_cast %scan3A_180 : i32 to index
        %get3A_2397 = arith.constant 368 : index
        %get3A_2398 = tpu.vector_load %arg5[%get3A_2395, %get3A_2396, %get3A_2397] {strides = array<i32>} : memref<4x16x512xf32, #tpu.memory_space<vmem>>, vector<1x1x16xf32>,
        %get3A_2399 = vector.shape_cast %get3A_2398 : vector<1x1x16xf32> to vector<16xf32>
        %mul3A_2400 = arith.mulf %get3A_2399, %div3A : vector<16xf32>
        %get3A_2401 = arith.constant 1 : i32
        %get3A_2402 = arith.index_cast %get3A_2401 : i32 to index
        %get3A_2403 = arith.index_cast %scan3A_180 : i32 to index
        %get3A_2404 = arith.constant 368 : index
        %get3A_2405 = tpu.vector_load %arg5[%get3A_2402, %get3A_2403, %get3A_2404] {strides = array<i32>} : memref<4x16x512xf32, #tpu.memory_space<vmem>>, vector<1x1x16xf32>,
        %get3A_2406 = vector.shape_cast %get3A_2405 : vector<1x1x16xf32> to vector<16xf32>
        %mul3A_2407 = arith.mulf %get3A_2406, %div3A_753 : vector<16xf32>
        %add3A_2408 = arith.addf %mul3A_2400, %mul3A_2407 : vector<16xf32>
        %get3A_2409 = arith.constant 2 : i32
        %get3A_2410 = arith.index_cast %get3A_2409 : i32 to index
        %get3A_2411 = arith.index_cast %scan3A_180 : i32 to index
        %get3A_2412 = arith.constant 368 : index
        %get3A_2413 = tpu.vector_load %arg5[%get3A_2410, %get3A_2411, %get3A_2412] {strides = array<i32>} : memref<4x16x512xf32, #tpu.memory_space<vmem>>, vector<1x1x16xf32>,
        %get3A_2414 = vector.shape_cast %get3A_2413 : vector<1x1x16xf32> to vector<16xf32>
        %mul3A_2415 = arith.mulf %get3A_2414, %div3A_1040 : vector<16xf32>
        %add3A_2416 = arith.addf %add3A_2408, %mul3A_2415 : vector<16xf32>
        %get3A_2417 = arith.constant 3 : i32
        %get3A_2418 = arith.index_cast %get3A_2417 : i32 to index
        %get3A_2419 = arith.index_cast %scan3A_180 : i32 to index
        %get3A_2420 = arith.constant 368 : index
        %get3A_2421 = tpu.vector_load %arg5[%get3A_2418, %get3A_2419, %get3A_2420] {strides = array<i32>} : memref<4x16x512xf32, #tpu.memory_space<vmem>>, vector<1x1x16xf32>,
        %get3A_2422 = vector.shape_cast %get3A_2421 : vector<1x1x16xf32> to vector<16xf32>
        %mul3A_2423 = arith.mulf %get3A_2422, %div3A_1327 : vector<16xf32>
        %add3A_2424 = arith.addf %add3A_2416, %mul3A_2423 : vector<16xf32>
        %swap3A_2425 = arith.index_cast %scan3A_180 : i32 to index
        %swap3A_2426 = arith.constant 368 : index
        %swap3A_2427 = tpu.vector_load %arg7[%swap3A_2425, %swap3A_2426] {strides = array<i32>} : memref<16x512xf32, #tpu.memory_space<vmem>>, vector<1x16xf32>,
        %swap3A_2428 = vector.shape_cast %swap3A_2427 : vector<1x16xf32> to vector<16xf32>
        %swap3A_2429 = vector.shape_cast %add3A_2424 : vector<16xf32> to vector<1x16xf32>
        tpu.vector_store %arg7[%swap3A_2425, %swap3A_2426], %swap3A_2429 {strides = array<i32>} : memref<16x512xf32, #tpu.memory_space<vmem>>, vector<1x16xf32>,
        %max3A_2430 = arith.maximumf %max3A_2384, %add3A_2424 : vector<16xf32>
        %min3A_2431 = arith.minimumf %max3A_2384, %add3A_2424 : vector<16xf32>
        %max3A_2432 = arith.maximumf %max3A_2386, %min3A_2431 : vector<16xf32>
        %min3A_2433 = arith.minimumf %max3A_2386, %min3A_2431 : vector<16xf32>
        %max3A_2434 = arith.maximumf %max3A_2388, %min3A_2433 : vector<16xf32>
        %min3A_2435 = arith.minimumf %max3A_2388, %min3A_2433 : vector<16xf32>
        %max3A_2436 = arith.maximumf %max3A_2390, %min3A_2435 : vector<16xf32>
        %min3A_2437 = arith.minimumf %max3A_2390, %min3A_2435 : vector<16xf32>
        %max3A_2438 = arith.maximumf %max3A_2392, %min3A_2437 : vector<16xf32>
        %min3A_2439 = arith.minimumf %max3A_2392, %min3A_2437 : vector<16xf32>
        %get3A_2440 = arith.constant 0 : i32
        %get3A_2441 = arith.index_cast %get3A_2440 : i32 to index
        %get3A_2442 = arith.index_cast %scan3A_180 : i32 to index
        %get3A_2443 = arith.constant 384 : index
        %get3A_2444 = tpu.vector_load %arg5[%get3A_2441, %get3A_2442, %get3A_2443] {strides = array<i32>} : memref<4x16x512xf32, #tpu.memory_space<vmem>>, vector<1x1x16xf32>,
        %get3A_2445 = vector.shape_cast %get3A_2444 : vector<1x1x16xf32> to vector<16xf32>
        %mul3A_2446 = arith.mulf %get3A_2445, %div3A : vector<16xf32>
        %get3A_2447 = arith.constant 1 : i32
        %get3A_2448 = arith.index_cast %get3A_2447 : i32 to index
        %get3A_2449 = arith.index_cast %scan3A_180 : i32 to index
        %get3A_2450 = arith.constant 384 : index
        %get3A_2451 = tpu.vector_load %arg5[%get3A_2448, %get3A_2449, %get3A_2450] {strides = array<i32>} : memref<4x16x512xf32, #tpu.memory_space<vmem>>, vector<1x1x16xf32>,
        %get3A_2452 = vector.shape_cast %get3A_2451 : vector<1x1x16xf32> to vector<16xf32>
        %mul3A_2453 = arith.mulf %get3A_2452, %div3A_753 : vector<16xf32>
        %add3A_2454 = arith.addf %mul3A_2446, %mul3A_2453 : vector<16xf32>
        %get3A_2455 = arith.constant 2 : i32
        %get3A_2456 = arith.index_cast %get3A_2455 : i32 to index
        %get3A_2457 = arith.index_cast %scan3A_180 : i32 to index
        %get3A_2458 = arith.constant 384 : index
        %get3A_2459 = tpu.vector_load %arg5[%get3A_2456, %get3A_2457, %get3A_2458] {strides = array<i32>} : memref<4x16x512xf32, #tpu.memory_space<vmem>>, vector<1x1x16xf32>,
        %get3A_2460 = vector.shape_cast %get3A_2459 : vector<1x1x16xf32> to vector<16xf32>
        %mul3A_2461 = arith.mulf %get3A_2460, %div3A_1040 : vector<16xf32>
        %add3A_2462 = arith.addf %add3A_2454, %mul3A_2461 : vector<16xf32>
        %get3A_2463 = arith.constant 3 : i32
        %get3A_2464 = arith.index_cast %get3A_2463 : i32 to index
        %get3A_2465 = arith.index_cast %scan3A_180 : i32 to index
        %get3A_2466 = arith.constant 384 : index
        %get3A_2467 = tpu.vector_load %arg5[%get3A_2464, %get3A_2465, %get3A_2466] {strides = array<i32>} : memref<4x16x512xf32, #tpu.memory_space<vmem>>, vector<1x1x16xf32>,
        %get3A_2468 = vector.shape_cast %get3A_2467 : vector<1x1x16xf32> to vector<16xf32>
        %mul3A_2469 = arith.mulf %get3A_2468, %div3A_1327 : vector<16xf32>
        %add3A_2470 = arith.addf %add3A_2462, %mul3A_2469 : vector<16xf32>
        %swap3A_2471 = arith.index_cast %scan3A_180 : i32 to index
        %swap3A_2472 = arith.constant 384 : index
        %swap3A_2473 = tpu.vector_load %arg7[%swap3A_2471, %swap3A_2472] {strides = array<i32>} : memref<16x512xf32, #tpu.memory_space<vmem>>, vector<1x16xf32>,
        %swap3A_2474 = vector.shape_cast %swap3A_2473 : vector<1x16xf32> to vector<16xf32>
        %swap3A_2475 = vector.shape_cast %add3A_2470 : vector<16xf32> to vector<1x16xf32>
        tpu.vector_store %arg7[%swap3A_2471, %swap3A_2472], %swap3A_2475 {strides = array<i32>} : memref<16x512xf32, #tpu.memory_space<vmem>>, vector<1x16xf32>,
        %max3A_2476 = arith.maximumf %max3A_2430, %add3A_2470 : vector<16xf32>
        %min3A_2477 = arith.minimumf %max3A_2430, %add3A_2470 : vector<16xf32>
        %max3A_2478 = arith.maximumf %max3A_2432, %min3A_2477 : vector<16xf32>
        %min3A_2479 = arith.minimumf %max3A_2432, %min3A_2477 : vector<16xf32>
        %max3A_2480 = arith.maximumf %max3A_2434, %min3A_2479 : vector<16xf32>
        %min3A_2481 = arith.minimumf %max3A_2434, %min3A_2479 : vector<16xf32>
        %max3A_2482 = arith.maximumf %max3A_2436, %min3A_2481 : vector<16xf32>
        %min3A_2483 = arith.minimumf %max3A_2436, %min3A_2481 : vector<16xf32>
        %max3A_2484 = arith.maximumf %max3A_2438, %min3A_2483 : vector<16xf32>
        %min3A_2485 = arith.minimumf %max3A_2438, %min3A_2483 : vector<16xf32>
        %get3A_2486 = arith.constant 0 : i32
        %get3A_2487 = arith.index_cast %get3A_2486 : i32 to index
        %get3A_2488 = arith.index_cast %scan3A_180 : i32 to index
        %get3A_2489 = arith.constant 400 : index
        %get3A_2490 = tpu.vector_load %arg5[%get3A_2487, %get3A_2488, %get3A_2489] {strides = array<i32>} : memref<4x16x512xf32, #tpu.memory_space<vmem>>, vector<1x1x16xf32>,
        %get3A_2491 = vector.shape_cast %get3A_2490 : vector<1x1x16xf32> to vector<16xf32>
        %mul3A_2492 = arith.mulf %get3A_2491, %div3A : vector<16xf32>
        %get3A_2493 = arith.constant 1 : i32
        %get3A_2494 = arith.index_cast %get3A_2493 : i32 to index
        %get3A_2495 = arith.index_cast %scan3A_180 : i32 to index
        %get3A_2496 = arith.constant 400 : index
        %get3A_2497 = tpu.vector_load %arg5[%get3A_2494, %get3A_2495, %get3A_2496] {strides = array<i32>} : memref<4x16x512xf32, #tpu.memory_space<vmem>>, vector<1x1x16xf32>,
        %get3A_2498 = vector.shape_cast %get3A_2497 : vector<1x1x16xf32> to vector<16xf32>
        %mul3A_2499 = arith.mulf %get3A_2498, %div3A_753 : vector<16xf32>
        %add3A_2500 = arith.addf %mul3A_2492, %mul3A_2499 : vector<16xf32>
        %get3A_2501 = arith.constant 2 : i32
        %get3A_2502 = arith.index_cast %get3A_2501 : i32 to index
        %get3A_2503 = arith.index_cast %scan3A_180 : i32 to index
        %get3A_2504 = arith.constant 400 : index
        %get3A_2505 = tpu.vector_load %arg5[%get3A_2502, %get3A_2503, %get3A_2504] {strides = array<i32>} : memref<4x16x512xf32, #tpu.memory_space<vmem>>, vector<1x1x16xf32>,
        %get3A_2506 = vector.shape_cast %get3A_2505 : vector<1x1x16xf32> to vector<16xf32>
        %mul3A_2507 = arith.mulf %get3A_2506, %div3A_1040 : vector<16xf32>
        %add3A_2508 = arith.addf %add3A_2500, %mul3A_2507 : vector<16xf32>
        %get3A_2509 = arith.constant 3 : i32
        %get3A_2510 = arith.index_cast %get3A_2509 : i32 to index
        %get3A_2511 = arith.index_cast %scan3A_180 : i32 to index
        %get3A_2512 = arith.constant 400 : index
        %get3A_2513 = tpu.vector_load %arg5[%get3A_2510, %get3A_2511, %get3A_2512] {strides = array<i32>} : memref<4x16x512xf32, #tpu.memory_space<vmem>>, vector<1x1x16xf32>,
        %get3A_2514 = vector.shape_cast %get3A_2513 : vector<1x1x16xf32> to vector<16xf32>
        %mul3A_2515 = arith.mulf %get3A_2514, %div3A_1327 : vector<16xf32>
        %add3A_2516 = arith.addf %add3A_2508, %mul3A_2515 : vector<16xf32>
        %swap3A_2517 = arith.index_cast %scan3A_180 : i32 to index
        %swap3A_2518 = arith.constant 400 : index
        %swap3A_2519 = tpu.vector_load %arg7[%swap3A_2517, %swap3A_2518] {strides = array<i32>} : memref<16x512xf32, #tpu.memory_space<vmem>>, vector<1x16xf32>,
        %swap3A_2520 = vector.shape_cast %swap3A_2519 : vector<1x16xf32> to vector<16xf32>
        %swap3A_2521 = vector.shape_cast %add3A_2516 : vector<16xf32> to vector<1x16xf32>
        tpu.vector_store %arg7[%swap3A_2517, %swap3A_2518], %swap3A_2521 {strides = array<i32>} : memref<16x512xf32, #tpu.memory_space<vmem>>, vector<1x16xf32>,
        %max3A_2522 = arith.maximumf %max3A_2476, %add3A_2516 : vector<16xf32>
        %min3A_2523 = arith.minimumf %max3A_2476, %add3A_2516 : vector<16xf32>
        %max3A_2524 = arith.maximumf %max3A_2478, %min3A_2523 : vector<16xf32>
        %min3A_2525 = arith.minimumf %max3A_2478, %min3A_2523 : vector<16xf32>
        %max3A_2526 = arith.maximumf %max3A_2480, %min3A_2525 : vector<16xf32>
        %min3A_2527 = arith.minimumf %max3A_2480, %min3A_2525 : vector<16xf32>
        %max3A_2528 = arith.maximumf %max3A_2482, %min3A_2527 : vector<16xf32>
        %min3A_2529 = arith.minimumf %max3A_2482, %min3A_2527 : vector<16xf32>
        %max3A_2530 = arith.maximumf %max3A_2484, %min3A_2529 : vector<16xf32>
        %min3A_2531 = arith.minimumf %max3A_2484, %min3A_2529 : vector<16xf32>
        %get3A_2532 = arith.constant 0 : i32
        %get3A_2533 = arith.index_cast %get3A_2532 : i32 to index
        %get3A_2534 = arith.index_cast %scan3A_180 : i32 to index
        %get3A_2535 = arith.constant 416 : index
        %get3A_2536 = tpu.vector_load %arg5[%get3A_2533, %get3A_2534, %get3A_2535] {strides = array<i32>} : memref<4x16x512xf32, #tpu.memory_space<vmem>>, vector<1x1x16xf32>,
        %get3A_2537 = vector.shape_cast %get3A_2536 : vector<1x1x16xf32> to vector<16xf32>
        %mul3A_2538 = arith.mulf %get3A_2537, %div3A : vector<16xf32>
        %get3A_2539 = arith.constant 1 : i32
        %get3A_2540 = arith.index_cast %get3A_2539 : i32 to index
        %get3A_2541 = arith.index_cast %scan3A_180 : i32 to index
        %get3A_2542 = arith.constant 416 : index
        %get3A_2543 = tpu.vector_load %arg5[%get3A_2540, %get3A_2541, %get3A_2542] {strides = array<i32>} : memref<4x16x512xf32, #tpu.memory_space<vmem>>, vector<1x1x16xf32>,
        %get3A_2544 = vector.shape_cast %get3A_2543 : vector<1x1x16xf32> to vector<16xf32>
        %mul3A_2545 = arith.mulf %get3A_2544, %div3A_753 : vector<16xf32>
        %add3A_2546 = arith.addf %mul3A_2538, %mul3A_2545 : vector<16xf32>
        %get3A_2547 = arith.constant 2 : i32
        %get3A_2548 = arith.index_cast %get3A_2547 : i32 to index
        %get3A_2549 = arith.index_cast %scan3A_180 : i32 to index
        %get3A_2550 = arith.constant 416 : index
        %get3A_2551 = tpu.vector_load %arg5[%get3A_2548, %get3A_2549, %get3A_2550] {strides = array<i32>} : memref<4x16x512xf32, #tpu.memory_space<vmem>>, vector<1x1x16xf32>,
        %get3A_2552 = vector.shape_cast %get3A_2551 : vector<1x1x16xf32> to vector<16xf32>
        %mul3A_2553 = arith.mulf %get3A_2552, %div3A_1040 : vector<16xf32>
        %add3A_2554 = arith.addf %add3A_2546, %mul3A_2553 : vector<16xf32>
        %get3A_2555 = arith.constant 3 : i32
        %get3A_2556 = arith.index_cast %get3A_2555 : i32 to index
        %get3A_2557 = arith.index_cast %scan3A_180 : i32 to index
        %get3A_2558 = arith.constant 416 : index
        %get3A_2559 = tpu.vector_load %arg5[%get3A_2556, %get3A_2557, %get3A_2558] {strides = array<i32>} : memref<4x16x512xf32, #tpu.memory_space<vmem>>, vector<1x1x16xf32>,
        %get3A_2560 = vector.shape_cast %get3A_2559 : vector<1x1x16xf32> to vector<16xf32>
        %mul3A_2561 = arith.mulf %get3A_2560, %div3A_1327 : vector<16xf32>
        %add3A_2562 = arith.addf %add3A_2554, %mul3A_2561 : vector<16xf32>
        %swap3A_2563 = arith.index_cast %scan3A_180 : i32 to index
        %swap3A_2564 = arith.constant 416 : index
        %swap3A_2565 = tpu.vector_load %arg7[%swap3A_2563, %swap3A_2564] {strides = array<i32>} : memref<16x512xf32, #tpu.memory_space<vmem>>, vector<1x16xf32>,
        %swap3A_2566 = vector.shape_cast %swap3A_2565 : vector<1x16xf32> to vector<16xf32>
        %swap3A_2567 = vector.shape_cast %add3A_2562 : vector<16xf32> to vector<1x16xf32>
        tpu.vector_store %arg7[%swap3A_2563, %swap3A_2564], %swap3A_2567 {strides = array<i32>} : memref<16x512xf32, #tpu.memory_space<vmem>>, vector<1x16xf32>,
        %max3A_2568 = arith.maximumf %max3A_2522, %add3A_2562 : vector<16xf32>
        %min3A_2569 = arith.minimumf %max3A_2522, %add3A_2562 : vector<16xf32>
        %max3A_2570 = arith.maximumf %max3A_2524, %min3A_2569 : vector<16xf32>
        %min3A_2571 = arith.minimumf %max3A_2524, %min3A_2569 : vector<16xf32>
        %max3A_2572 = arith.maximumf %max3A_2526, %min3A_2571 : vector<16xf32>
        %min3A_2573 = arith.minimumf %max3A_2526, %min3A_2571 : vector<16xf32>
        %max3A_2574 = arith.maximumf %max3A_2528, %min3A_2573 : vector<16xf32>
        %min3A_2575 = arith.minimumf %max3A_2528, %min3A_2573 : vector<16xf32>
        %max3A_2576 = arith.maximumf %max3A_2530, %min3A_2575 : vector<16xf32>
        %min3A_2577 = arith.minimumf %max3A_2530, %min3A_2575 : vector<16xf32>
        %get3A_2578 = arith.constant 0 : i32
        %get3A_2579 = arith.index_cast %get3A_2578 : i32 to index
        %get3A_2580 = arith.index_cast %scan3A_180 : i32 to index
        %get3A_2581 = arith.constant 432 : index
        %get3A_2582 = tpu.vector_load %arg5[%get3A_2579, %get3A_2580, %get3A_2581] {strides = array<i32>} : memref<4x16x512xf32, #tpu.memory_space<vmem>>, vector<1x1x16xf32>,
        %get3A_2583 = vector.shape_cast %get3A_2582 : vector<1x1x16xf32> to vector<16xf32>
        %mul3A_2584 = arith.mulf %get3A_2583, %div3A : vector<16xf32>
        %get3A_2585 = arith.constant 1 : i32
        %get3A_2586 = arith.index_cast %get3A_2585 : i32 to index
        %get3A_2587 = arith.index_cast %scan3A_180 : i32 to index
        %get3A_2588 = arith.constant 432 : index
        %get3A_2589 = tpu.vector_load %arg5[%get3A_2586, %get3A_2587, %get3A_2588] {strides = array<i32>} : memref<4x16x512xf32, #tpu.memory_space<vmem>>, vector<1x1x16xf32>,
        %get3A_2590 = vector.shape_cast %get3A_2589 : vector<1x1x16xf32> to vector<16xf32>
        %mul3A_2591 = arith.mulf %get3A_2590, %div3A_753 : vector<16xf32>
        %add3A_2592 = arith.addf %mul3A_2584, %mul3A_2591 : vector<16xf32>
        %get3A_2593 = arith.constant 2 : i32
        %get3A_2594 = arith.index_cast %get3A_2593 : i32 to index
        %get3A_2595 = arith.index_cast %scan3A_180 : i32 to index
        %get3A_2596 = arith.constant 432 : index
        %get3A_2597 = tpu.vector_load %arg5[%get3A_2594, %get3A_2595, %get3A_2596] {strides = array<i32>} : memref<4x16x512xf32, #tpu.memory_space<vmem>>, vector<1x1x16xf32>,
        %get3A_2598 = vector.shape_cast %get3A_2597 : vector<1x1x16xf32> to vector<16xf32>
        %mul3A_2599 = arith.mulf %get3A_2598, %div3A_1040 : vector<16xf32>
        %add3A_2600 = arith.addf %add3A_2592, %mul3A_2599 : vector<16xf32>
        %get3A_2601 = arith.constant 3 : i32
        %get3A_2602 = arith.index_cast %get3A_2601 : i32 to index
        %get3A_2603 = arith.index_cast %scan3A_180 : i32 to index
        %get3A_2604 = arith.constant 432 : index
        %get3A_2605 = tpu.vector_load %arg5[%get3A_2602, %get3A_2603, %get3A_2604] {strides = array<i32>} : memref<4x16x512xf32, #tpu.memory_space<vmem>>, vector<1x1x16xf32>,
        %get3A_2606 = vector.shape_cast %get3A_2605 : vector<1x1x16xf32> to vector<16xf32>
        %mul3A_2607 = arith.mulf %get3A_2606, %div3A_1327 : vector<16xf32>
        %add3A_2608 = arith.addf %add3A_2600, %mul3A_2607 : vector<16xf32>
        %swap3A_2609 = arith.index_cast %scan3A_180 : i32 to index
        %swap3A_2610 = arith.constant 432 : index
        %swap3A_2611 = tpu.vector_load %arg7[%swap3A_2609, %swap3A_2610] {strides = array<i32>} : memref<16x512xf32, #tpu.memory_space<vmem>>, vector<1x16xf32>,
        %swap3A_2612 = vector.shape_cast %swap3A_2611 : vector<1x16xf32> to vector<16xf32>
        %swap3A_2613 = vector.shape_cast %add3A_2608 : vector<16xf32> to vector<1x16xf32>
        tpu.vector_store %arg7[%swap3A_2609, %swap3A_2610], %swap3A_2613 {strides = array<i32>} : memref<16x512xf32, #tpu.memory_space<vmem>>, vector<1x16xf32>,
        %max3A_2614 = arith.maximumf %max3A_2568, %add3A_2608 : vector<16xf32>
        %min3A_2615 = arith.minimumf %max3A_2568, %add3A_2608 : vector<16xf32>
        %max3A_2616 = arith.maximumf %max3A_2570, %min3A_2615 : vector<16xf32>
        %min3A_2617 = arith.minimumf %max3A_2570, %min3A_2615 : vector<16xf32>
        %max3A_2618 = arith.maximumf %max3A_2572, %min3A_2617 : vector<16xf32>
        %min3A_2619 = arith.minimumf %max3A_2572, %min3A_2617 : vector<16xf32>
        %max3A_2620 = arith.maximumf %max3A_2574, %min3A_2619 : vector<16xf32>
        %min3A_2621 = arith.minimumf %max3A_2574, %min3A_2619 : vector<16xf32>
        %max3A_2622 = arith.maximumf %max3A_2576, %min3A_2621 : vector<16xf32>
        %min3A_2623 = arith.minimumf %max3A_2576, %min3A_2621 : vector<16xf32>
        %get3A_2624 = arith.constant 0 : i32
        %get3A_2625 = arith.index_cast %get3A_2624 : i32 to index
        %get3A_2626 = arith.index_cast %scan3A_180 : i32 to index
        %get3A_2627 = arith.constant 448 : index
        %get3A_2628 = tpu.vector_load %arg5[%get3A_2625, %get3A_2626, %get3A_2627] {strides = array<i32>} : memref<4x16x512xf32, #tpu.memory_space<vmem>>, vector<1x1x16xf32>,
        %get3A_2629 = vector.shape_cast %get3A_2628 : vector<1x1x16xf32> to vector<16xf32>
        %mul3A_2630 = arith.mulf %get3A_2629, %div3A : vector<16xf32>
        %get3A_2631 = arith.constant 1 : i32
        %get3A_2632 = arith.index_cast %get3A_2631 : i32 to index
        %get3A_2633 = arith.index_cast %scan3A_180 : i32 to index
        %get3A_2634 = arith.constant 448 : index
        %get3A_2635 = tpu.vector_load %arg5[%get3A_2632, %get3A_2633, %get3A_2634] {strides = array<i32>} : memref<4x16x512xf32, #tpu.memory_space<vmem>>, vector<1x1x16xf32>,
        %get3A_2636 = vector.shape_cast %get3A_2635 : vector<1x1x16xf32> to vector<16xf32>
        %mul3A_2637 = arith.mulf %get3A_2636, %div3A_753 : vector<16xf32>
        %add3A_2638 = arith.addf %mul3A_2630, %mul3A_2637 : vector<16xf32>
        %get3A_2639 = arith.constant 2 : i32
        %get3A_2640 = arith.index_cast %get3A_2639 : i32 to index
        %get3A_2641 = arith.index_cast %scan3A_180 : i32 to index
        %get3A_2642 = arith.constant 448 : index
        %get3A_2643 = tpu.vector_load %arg5[%get3A_2640, %get3A_2641, %get3A_2642] {strides = array<i32>} : memref<4x16x512xf32, #tpu.memory_space<vmem>>, vector<1x1x16xf32>,
        %get3A_2644 = vector.shape_cast %get3A_2643 : vector<1x1x16xf32> to vector<16xf32>
        %mul3A_2645 = arith.mulf %get3A_2644, %div3A_1040 : vector<16xf32>
        %add3A_2646 = arith.addf %add3A_2638, %mul3A_2645 : vector<16xf32>
        %get3A_2647 = arith.constant 3 : i32
        %get3A_2648 = arith.index_cast %get3A_2647 : i32 to index
        %get3A_2649 = arith.index_cast %scan3A_180 : i32 to index
        %get3A_2650 = arith.constant 448 : index
        %get3A_2651 = tpu.vector_load %arg5[%get3A_2648, %get3A_2649, %get3A_2650] {strides = array<i32>} : memref<4x16x512xf32, #tpu.memory_space<vmem>>, vector<1x1x16xf32>,
        %get3A_2652 = vector.shape_cast %get3A_2651 : vector<1x1x16xf32> to vector<16xf32>
        %mul3A_2653 = arith.mulf %get3A_2652, %div3A_1327 : vector<16xf32>
        %add3A_2654 = arith.addf %add3A_2646, %mul3A_2653 : vector<16xf32>
        %swap3A_2655 = arith.index_cast %scan3A_180 : i32 to index
        %swap3A_2656 = arith.constant 448 : index
        %swap3A_2657 = tpu.vector_load %arg7[%swap3A_2655, %swap3A_2656] {strides = array<i32>} : memref<16x512xf32, #tpu.memory_space<vmem>>, vector<1x16xf32>,
        %swap3A_2658 = vector.shape_cast %swap3A_2657 : vector<1x16xf32> to vector<16xf32>
        %swap3A_2659 = vector.shape_cast %add3A_2654 : vector<16xf32> to vector<1x16xf32>
        tpu.vector_store %arg7[%swap3A_2655, %swap3A_2656], %swap3A_2659 {strides = array<i32>} : memref<16x512xf32, #tpu.memory_space<vmem>>, vector<1x16xf32>,
        %max3A_2660 = arith.maximumf %max3A_2614, %add3A_2654 : vector<16xf32>
        %min3A_2661 = arith.minimumf %max3A_2614, %add3A_2654 : vector<16xf32>
        %max3A_2662 = arith.maximumf %max3A_2616, %min3A_2661 : vector<16xf32>
        %min3A_2663 = arith.minimumf %max3A_2616, %min3A_2661 : vector<16xf32>
        %max3A_2664 = arith.maximumf %max3A_2618, %min3A_2663 : vector<16xf32>
        %min3A_2665 = arith.minimumf %max3A_2618, %min3A_2663 : vector<16xf32>
        %max3A_2666 = arith.maximumf %max3A_2620, %min3A_2665 : vector<16xf32>
        %min3A_2667 = arith.minimumf %max3A_2620, %min3A_2665 : vector<16xf32>
        %max3A_2668 = arith.maximumf %max3A_2622, %min3A_2667 : vector<16xf32>
        %min3A_2669 = arith.minimumf %max3A_2622, %min3A_2667 : vector<16xf32>
        %get3A_2670 = arith.constant 0 : i32
        %get3A_2671 = arith.index_cast %get3A_2670 : i32 to index
        %get3A_2672 = arith.index_cast %scan3A_180 : i32 to index
        %get3A_2673 = arith.constant 464 : index
        %get3A_2674 = tpu.vector_load %arg5[%get3A_2671, %get3A_2672, %get3A_2673] {strides = array<i32>} : memref<4x16x512xf32, #tpu.memory_space<vmem>>, vector<1x1x16xf32>,
        %get3A_2675 = vector.shape_cast %get3A_2674 : vector<1x1x16xf32> to vector<16xf32>
        %mul3A_2676 = arith.mulf %get3A_2675, %div3A : vector<16xf32>
        %get3A_2677 = arith.constant 1 : i32
        %get3A_2678 = arith.index_cast %get3A_2677 : i32 to index
        %get3A_2679 = arith.index_cast %scan3A_180 : i32 to index
        %get3A_2680 = arith.constant 464 : index
        %get3A_2681 = tpu.vector_load %arg5[%get3A_2678, %get3A_2679, %get3A_2680] {strides = array<i32>} : memref<4x16x512xf32, #tpu.memory_space<vmem>>, vector<1x1x16xf32>,
        %get3A_2682 = vector.shape_cast %get3A_2681 : vector<1x1x16xf32> to vector<16xf32>
        %mul3A_2683 = arith.mulf %get3A_2682, %div3A_753 : vector<16xf32>
        %add3A_2684 = arith.addf %mul3A_2676, %mul3A_2683 : vector<16xf32>
        %get3A_2685 = arith.constant 2 : i32
        %get3A_2686 = arith.index_cast %get3A_2685 : i32 to index
        %get3A_2687 = arith.index_cast %scan3A_180 : i32 to index
        %get3A_2688 = arith.constant 464 : index
        %get3A_2689 = tpu.vector_load %arg5[%get3A_2686, %get3A_2687, %get3A_2688] {strides = array<i32>} : memref<4x16x512xf32, #tpu.memory_space<vmem>>, vector<1x1x16xf32>,
        %get3A_2690 = vector.shape_cast %get3A_2689 : vector<1x1x16xf32> to vector<16xf32>
        %mul3A_2691 = arith.mulf %get3A_2690, %div3A_1040 : vector<16xf32>
        %add3A_2692 = arith.addf %add3A_2684, %mul3A_2691 : vector<16xf32>
        %get3A_2693 = arith.constant 3 : i32
        %get3A_2694 = arith.index_cast %get3A_2693 : i32 to index
        %get3A_2695 = arith.index_cast %scan3A_180 : i32 to index
        %get3A_2696 = arith.constant 464 : index
        %get3A_2697 = tpu.vector_load %arg5[%get3A_2694, %get3A_2695, %get3A_2696] {strides = array<i32>} : memref<4x16x512xf32, #tpu.memory_space<vmem>>, vector<1x1x16xf32>,
        %get3A_2698 = vector.shape_cast %get3A_2697 : vector<1x1x16xf32> to vector<16xf32>
        %mul3A_2699 = arith.mulf %get3A_2698, %div3A_1327 : vector<16xf32>
        %add3A_2700 = arith.addf %add3A_2692, %mul3A_2699 : vector<16xf32>
        %swap3A_2701 = arith.index_cast %scan3A_180 : i32 to index
        %swap3A_2702 = arith.constant 464 : index
        %swap3A_2703 = tpu.vector_load %arg7[%swap3A_2701, %swap3A_2702] {strides = array<i32>} : memref<16x512xf32, #tpu.memory_space<vmem>>, vector<1x16xf32>,
        %swap3A_2704 = vector.shape_cast %swap3A_2703 : vector<1x16xf32> to vector<16xf32>
        %swap3A_2705 = vector.shape_cast %add3A_2700 : vector<16xf32> to vector<1x16xf32>
        tpu.vector_store %arg7[%swap3A_2701, %swap3A_2702], %swap3A_2705 {strides = array<i32>} : memref<16x512xf32, #tpu.memory_space<vmem>>, vector<1x16xf32>,
        %max3A_2706 = arith.maximumf %max3A_2660, %add3A_2700 : vector<16xf32>
        %min3A_2707 = arith.minimumf %max3A_2660, %add3A_2700 : vector<16xf32>
        %max3A_2708 = arith.maximumf %max3A_2662, %min3A_2707 : vector<16xf32>
        %min3A_2709 = arith.minimumf %max3A_2662, %min3A_2707 : vector<16xf32>
        %max3A_2710 = arith.maximumf %max3A_2664, %min3A_2709 : vector<16xf32>
        %min3A_2711 = arith.minimumf %max3A_2664, %min3A_2709 : vector<16xf32>
        %max3A_2712 = arith.maximumf %max3A_2666, %min3A_2711 : vector<16xf32>
        %min3A_2713 = arith.minimumf %max3A_2666, %min3A_2711 : vector<16xf32>
        %max3A_2714 = arith.maximumf %max3A_2668, %min3A_2713 : vector<16xf32>
        %min3A_2715 = arith.minimumf %max3A_2668, %min3A_2713 : vector<16xf32>
        %get3A_2716 = arith.constant 0 : i32
        %get3A_2717 = arith.index_cast %get3A_2716 : i32 to index
        %get3A_2718 = arith.index_cast %scan3A_180 : i32 to index
        %get3A_2719 = arith.constant 480 : index
        %get3A_2720 = tpu.vector_load %arg5[%get3A_2717, %get3A_2718, %get3A_2719] {strides = array<i32>} : memref<4x16x512xf32, #tpu.memory_space<vmem>>, vector<1x1x16xf32>,
        %get3A_2721 = vector.shape_cast %get3A_2720 : vector<1x1x16xf32> to vector<16xf32>
        %mul3A_2722 = arith.mulf %get3A_2721, %div3A : vector<16xf32>
        %get3A_2723 = arith.constant 1 : i32
        %get3A_2724 = arith.index_cast %get3A_2723 : i32 to index
        %get3A_2725 = arith.index_cast %scan3A_180 : i32 to index
        %get3A_2726 = arith.constant 480 : index
        %get3A_2727 = tpu.vector_load %arg5[%get3A_2724, %get3A_2725, %get3A_2726] {strides = array<i32>} : memref<4x16x512xf32, #tpu.memory_space<vmem>>, vector<1x1x16xf32>,
        %get3A_2728 = vector.shape_cast %get3A_2727 : vector<1x1x16xf32> to vector<16xf32>
        %mul3A_2729 = arith.mulf %get3A_2728, %div3A_753 : vector<16xf32>
        %add3A_2730 = arith.addf %mul3A_2722, %mul3A_2729 : vector<16xf32>
        %get3A_2731 = arith.constant 2 : i32
        %get3A_2732 = arith.index_cast %get3A_2731 : i32 to index
        %get3A_2733 = arith.index_cast %scan3A_180 : i32 to index
        %get3A_2734 = arith.constant 480 : index
        %get3A_2735 = tpu.vector_load %arg5[%get3A_2732, %get3A_2733, %get3A_2734] {strides = array<i32>} : memref<4x16x512xf32, #tpu.memory_space<vmem>>, vector<1x1x16xf32>,
        %get3A_2736 = vector.shape_cast %get3A_2735 : vector<1x1x16xf32> to vector<16xf32>
        %mul3A_2737 = arith.mulf %get3A_2736, %div3A_1040 : vector<16xf32>
        %add3A_2738 = arith.addf %add3A_2730, %mul3A_2737 : vector<16xf32>
        %get3A_2739 = arith.constant 3 : i32
        %get3A_2740 = arith.index_cast %get3A_2739 : i32 to index
        %get3A_2741 = arith.index_cast %scan3A_180 : i32 to index
        %get3A_2742 = arith.constant 480 : index
        %get3A_2743 = tpu.vector_load %arg5[%get3A_2740, %get3A_2741, %get3A_2742] {strides = array<i32>} : memref<4x16x512xf32, #tpu.memory_space<vmem>>, vector<1x1x16xf32>,
        %get3A_2744 = vector.shape_cast %get3A_2743 : vector<1x1x16xf32> to vector<16xf32>
        %mul3A_2745 = arith.mulf %get3A_2744, %div3A_1327 : vector<16xf32>
        %add3A_2746 = arith.addf %add3A_2738, %mul3A_2745 : vector<16xf32>
        %swap3A_2747 = arith.index_cast %scan3A_180 : i32 to index
        %swap3A_2748 = arith.constant 480 : index
        %swap3A_2749 = tpu.vector_load %arg7[%swap3A_2747, %swap3A_2748] {strides = array<i32>} : memref<16x512xf32, #tpu.memory_space<vmem>>, vector<1x16xf32>,
        %swap3A_2750 = vector.shape_cast %swap3A_2749 : vector<1x16xf32> to vector<16xf32>
        %swap3A_2751 = vector.shape_cast %add3A_2746 : vector<16xf32> to vector<1x16xf32>
        tpu.vector_store %arg7[%swap3A_2747, %swap3A_2748], %swap3A_2751 {strides = array<i32>} : memref<16x512xf32, #tpu.memory_space<vmem>>, vector<1x16xf32>,
        %max3A_2752 = arith.maximumf %max3A_2706, %add3A_2746 : vector<16xf32>
        %min3A_2753 = arith.minimumf %max3A_2706, %add3A_2746 : vector<16xf32>
        %max3A_2754 = arith.maximumf %max3A_2708, %min3A_2753 : vector<16xf32>
        %min3A_2755 = arith.minimumf %max3A_2708, %min3A_2753 : vector<16xf32>
        %max3A_2756 = arith.maximumf %max3A_2710, %min3A_2755 : vector<16xf32>
        %min3A_2757 = arith.minimumf %max3A_2710, %min3A_2755 : vector<16xf32>
        %max3A_2758 = arith.maximumf %max3A_2712, %min3A_2757 : vector<16xf32>
        %min3A_2759 = arith.minimumf %max3A_2712, %min3A_2757 : vector<16xf32>
        %max3A_2760 = arith.maximumf %max3A_2714, %min3A_2759 : vector<16xf32>
        %min3A_2761 = arith.minimumf %max3A_2714, %min3A_2759 : vector<16xf32>
        %get3A_2762 = arith.constant 0 : i32
        %get3A_2763 = arith.index_cast %get3A_2762 : i32 to index
        %get3A_2764 = arith.index_cast %scan3A_180 : i32 to index
        %get3A_2765 = arith.constant 496 : index
        %get3A_2766 = tpu.vector_load %arg5[%get3A_2763, %get3A_2764, %get3A_2765] {strides = array<i32>} : memref<4x16x512xf32, #tpu.memory_space<vmem>>, vector<1x1x16xf32>,
        %get3A_2767 = vector.shape_cast %get3A_2766 : vector<1x1x16xf32> to vector<16xf32>
        %mul3A_2768 = arith.mulf %get3A_2767, %div3A : vector<16xf32>
        %get3A_2769 = arith.constant 1 : i32
        %get3A_2770 = arith.index_cast %get3A_2769 : i32 to index
        %get3A_2771 = arith.index_cast %scan3A_180 : i32 to index
        %get3A_2772 = arith.constant 496 : index
        %get3A_2773 = tpu.vector_load %arg5[%get3A_2770, %get3A_2771, %get3A_2772] {strides = array<i32>} : memref<4x16x512xf32, #tpu.memory_space<vmem>>, vector<1x1x16xf32>,
        %get3A_2774 = vector.shape_cast %get3A_2773 : vector<1x1x16xf32> to vector<16xf32>
        %mul3A_2775 = arith.mulf %get3A_2774, %div3A_753 : vector<16xf32>
        %add3A_2776 = arith.addf %mul3A_2768, %mul3A_2775 : vector<16xf32>
        %get3A_2777 = arith.constant 2 : i32
        %get3A_2778 = arith.index_cast %get3A_2777 : i32 to index
        %get3A_2779 = arith.index_cast %scan3A_180 : i32 to index
        %get3A_2780 = arith.constant 496 : index
        %get3A_2781 = tpu.vector_load %arg5[%get3A_2778, %get3A_2779, %get3A_2780] {strides = array<i32>} : memref<4x16x512xf32, #tpu.memory_space<vmem>>, vector<1x1x16xf32>,
        %get3A_2782 = vector.shape_cast %get3A_2781 : vector<1x1x16xf32> to vector<16xf32>
        %mul3A_2783 = arith.mulf %get3A_2782, %div3A_1040 : vector<16xf32>
        %add3A_2784 = arith.addf %add3A_2776, %mul3A_2783 : vector<16xf32>
        %get3A_2785 = arith.constant 3 : i32
        %get3A_2786 = arith.index_cast %get3A_2785 : i32 to index
        %get3A_2787 = arith.index_cast %scan3A_180 : i32 to index
        %get3A_2788 = arith.constant 496 : index
        %get3A_2789 = tpu.vector_load %arg5[%get3A_2786, %get3A_2787, %get3A_2788] {strides = array<i32>} : memref<4x16x512xf32, #tpu.memory_space<vmem>>, vector<1x1x16xf32>,
        %get3A_2790 = vector.shape_cast %get3A_2789 : vector<1x1x16xf32> to vector<16xf32>
        %mul3A_2791 = arith.mulf %get3A_2790, %div3A_1327 : vector<16xf32>
        %add3A_2792 = arith.addf %add3A_2784, %mul3A_2791 : vector<16xf32>
        %swap3A_2793 = arith.index_cast %scan3A_180 : i32 to index
        %swap3A_2794 = arith.constant 496 : index
        %swap3A_2795 = tpu.vector_load %arg7[%swap3A_2793, %swap3A_2794] {strides = array<i32>} : memref<16x512xf32, #tpu.memory_space<vmem>>, vector<1x16xf32>,
        %swap3A_2796 = vector.shape_cast %swap3A_2795 : vector<1x16xf32> to vector<16xf32>
        %swap3A_2797 = vector.shape_cast %add3A_2792 : vector<16xf32> to vector<1x16xf32>
        tpu.vector_store %arg7[%swap3A_2793, %swap3A_2794], %swap3A_2797 {strides = array<i32>} : memref<16x512xf32, #tpu.memory_space<vmem>>, vector<1x16xf32>,
        %max3A_2798 = arith.maximumf %max3A_2752, %add3A_2792 : vector<16xf32>
        %min3A_2799 = arith.minimumf %max3A_2752, %add3A_2792 : vector<16xf32>
        %max3A_2800 = arith.maximumf %max3A_2754, %min3A_2799 : vector<16xf32>
        %min3A_2801 = arith.minimumf %max3A_2754, %min3A_2799 : vector<16xf32>
        %max3A_2802 = arith.maximumf %max3A_2756, %min3A_2801 : vector<16xf32>
        %min3A_2803 = arith.minimumf %max3A_2756, %min3A_2801 : vector<16xf32>
        %max3A_2804 = arith.maximumf %max3A_2758, %min3A_2803 : vector<16xf32>
        %min3A_2805 = arith.minimumf %max3A_2758, %min3A_2803 : vector<16xf32>
        %max3A_2806 = arith.maximumf %max3A_2760, %min3A_2805 : vector<16xf32>
        %min3A_2807 = arith.minimumf %max3A_2760, %min3A_2805 : vector<16xf32>
        %broadcast_in_dim3A_2808 = arith.constant 0x7F800000 : f32
        %broadcast_in_dim3A_2809 = vector.broadcast %broadcast_in_dim3A_2808 : f32 to vector<16xf32>
        %broadcast_in_dim3A_2810 = arith.constant 0xFF800000 : f32
        %broadcast_in_dim3A_2811 = vector.broadcast %broadcast_in_dim3A_2810 : f32 to vector<16xf32>
        %lt3A = arith.cmpf olt, %max3A_2798, %broadcast_in_dim3A_2809 : vector<16xf32>
        %jit3A_2812 = arith.constant 0xFF800000 : f32
        %broadcast_in_dim3A_2813 = vector.broadcast %jit3A_2812 : f32 to vector<16xf32>
        %select_n3A_2814 = arith.select %lt3A, %max3A_2798, %broadcast_in_dim3A_2813 : vector<16xi1>, vector<16xf32>
        %max3A_2815 = arith.maximumf %broadcast_in_dim3A_2811, %select_n3A_2814 : vector<16xf32>
        %lt3A_2816 = arith.cmpf olt, %max3A_2800, %broadcast_in_dim3A_2809 : vector<16xf32>
        %jit3A_2817 = arith.constant 0xFF800000 : f32
        %broadcast_in_dim3A_2818 = vector.broadcast %jit3A_2817 : f32 to vector<16xf32>
        %select_n3A_2819 = arith.select %lt3A_2816, %max3A_2800, %broadcast_in_dim3A_2818 : vector<16xi1>, vector<16xf32>
        %max3A_2820 = arith.maximumf %max3A_2815, %select_n3A_2819 : vector<16xf32>
        %lt3A_2821 = arith.cmpf olt, %max3A_2802, %broadcast_in_dim3A_2809 : vector<16xf32>
        %jit3A_2822 = arith.constant 0xFF800000 : f32
        %broadcast_in_dim3A_2823 = vector.broadcast %jit3A_2822 : f32 to vector<16xf32>
        %select_n3A_2824 = arith.select %lt3A_2821, %max3A_2802, %broadcast_in_dim3A_2823 : vector<16xi1>, vector<16xf32>
        %max3A_2825 = arith.maximumf %max3A_2820, %select_n3A_2824 : vector<16xf32>
        %lt3A_2826 = arith.cmpf olt, %max3A_2804, %broadcast_in_dim3A_2809 : vector<16xf32>
        %jit3A_2827 = arith.constant 0xFF800000 : f32
        %broadcast_in_dim3A_2828 = vector.broadcast %jit3A_2827 : f32 to vector<16xf32>
        %select_n3A_2829 = arith.select %lt3A_2826, %max3A_2804, %broadcast_in_dim3A_2828 : vector<16xi1>, vector<16xf32>
        %max3A_2830 = arith.maximumf %max3A_2825, %select_n3A_2829 : vector<16xf32>
        %lt3A_2831 = arith.cmpf olt, %max3A_2806, %broadcast_in_dim3A_2809 : vector<16xf32>
        %jit3A_2832 = arith.constant 0xFF800000 : f32
        %broadcast_in_dim3A_2833 = vector.broadcast %jit3A_2832 : f32 to vector<16xf32>
        %select_n3A_2834 = arith.select %lt3A_2831, %max3A_2806, %broadcast_in_dim3A_2833 : vector<16xi1>, vector<16xf32>
        %max3A_2835 = arith.maximumf %max3A_2830, %select_n3A_2834 : vector<16xf32>
        %xor3A_2836 = arith.constant 8 : i32
        %xor3A_2837 = vector.broadcast %xor3A_2836 : i32 to vector<16xi32>
        %xor3A_2838 = arith.xori %iota3A, %xor3A_2837 : vector<16xi32>
        %broadcast_in_dim3A_2839 = vector.shape_cast %xor3A_2838 : vector<16xi32> to vector<16x1xi32>
        %gather3A_2840 = vector.shape_cast %broadcast_in_dim3A_2839 : vector<16x1xi32> to vector<16xi32>
        %gather3A_2841 = tpu.dynamic_gather %max3A_2835[%gather3A_2840] in [0] : vector<16xf32>, vector<16xi32> -> vector<16xf32>
        %max3A_2842 = arith.maximumf %max3A_2835, %gather3A_2841 : vector<16xf32>
        %xor3A_2843 = arith.constant 4 : i32
        %xor3A_2844 = vector.broadcast %xor3A_2843 : i32 to vector<16xi32>
        %xor3A_2845 = arith.xori %iota3A, %xor3A_2844 : vector<16xi32>
        %broadcast_in_dim3A_2846 = vector.shape_cast %xor3A_2845 : vector<16xi32> to vector<16x1xi32>
        %gather3A_2847 = vector.shape_cast %broadcast_in_dim3A_2846 : vector<16x1xi32> to vector<16xi32>
        %gather3A_2848 = tpu.dynamic_gather %max3A_2842[%gather3A_2847] in [0] : vector<16xf32>, vector<16xi32> -> vector<16xf32>
        %max3A_2849 = arith.maximumf %max3A_2842, %gather3A_2848 : vector<16xf32>
        %xor3A_2850 = arith.constant 2 : i32
        %xor3A_2851 = vector.broadcast %xor3A_2850 : i32 to vector<16xi32>
        %xor3A_2852 = arith.xori %iota3A, %xor3A_2851 : vector<16xi32>
        %broadcast_in_dim3A_2853 = vector.shape_cast %xor3A_2852 : vector<16xi32> to vector<16x1xi32>
        %gather3A_2854 = vector.shape_cast %broadcast_in_dim3A_2853 : vector<16x1xi32> to vector<16xi32>
        %gather3A_2855 = tpu.dynamic_gather %max3A_2849[%gather3A_2854] in [0] : vector<16xf32>, vector<16xi32> -> vector<16xf32>
        %max3A_2856 = arith.maximumf %max3A_2849, %gather3A_2855 : vector<16xf32>
        %xor3A_2857 = arith.constant 1 : i32
        %xor3A_2858 = vector.broadcast %xor3A_2857 : i32 to vector<16xi32>
        %xor3A_2859 = arith.xori %iota3A, %xor3A_2858 : vector<16xi32>
        %broadcast_in_dim3A_2860 = vector.shape_cast %xor3A_2859 : vector<16xi32> to vector<16x1xi32>
        %gather3A_2861 = vector.shape_cast %broadcast_in_dim3A_2860 : vector<16x1xi32> to vector<16xi32>
        %gather3A_2862 = tpu.dynamic_gather %max3A_2856[%gather3A_2861] in [0] : vector<16xf32>, vector<16xi32> -> vector<16xf32>
        %max3A_2863 = arith.maximumf %max3A_2856, %gather3A_2862 : vector<16xf32>
        %broadcast_in_dim3A_2864 = arith.constant 0xFF800000 : f32
        %broadcast_in_dim3A_2865 = vector.broadcast %broadcast_in_dim3A_2864 : f32 to vector<16xf32>
        %lt3A_2866 = arith.cmpf olt, %max3A_2798, %max3A_2863 : vector<16xf32>
        %jit3A_2867 = arith.constant 0xFF800000 : f32
        %broadcast_in_dim3A_2868 = vector.broadcast %jit3A_2867 : f32 to vector<16xf32>
        %select_n3A_2869 = arith.select %lt3A_2866, %max3A_2798, %broadcast_in_dim3A_2868 : vector<16xi1>, vector<16xf32>
        %max3A_2870 = arith.maximumf %broadcast_in_dim3A_2865, %select_n3A_2869 : vector<16xf32>
        %lt3A_2871 = arith.cmpf olt, %max3A_2800, %max3A_2863 : vector<16xf32>
        %jit3A_2872 = arith.constant 0xFF800000 : f32
        %broadcast_in_dim3A_2873 = vector.broadcast %jit3A_2872 : f32 to vector<16xf32>
        %select_n3A_2874 = arith.select %lt3A_2871, %max3A_2800, %broadcast_in_dim3A_2873 : vector<16xi1>, vector<16xf32>
        %max3A_2875 = arith.maximumf %max3A_2870, %select_n3A_2874 : vector<16xf32>
        %lt3A_2876 = arith.cmpf olt, %max3A_2802, %max3A_2863 : vector<16xf32>
        %jit3A_2877 = arith.constant 0xFF800000 : f32
        %broadcast_in_dim3A_2878 = vector.broadcast %jit3A_2877 : f32 to vector<16xf32>
        %select_n3A_2879 = arith.select %lt3A_2876, %max3A_2802, %broadcast_in_dim3A_2878 : vector<16xi1>, vector<16xf32>
        %max3A_2880 = arith.maximumf %max3A_2875, %select_n3A_2879 : vector<16xf32>
        %lt3A_2881 = arith.cmpf olt, %max3A_2804, %max3A_2863 : vector<16xf32>
        %jit3A_2882 = arith.constant 0xFF800000 : f32
        %broadcast_in_dim3A_2883 = vector.broadcast %jit3A_2882 : f32 to vector<16xf32>
        %select_n3A_2884 = arith.select %lt3A_2881, %max3A_2804, %broadcast_in_dim3A_2883 : vector<16xi1>, vector<16xf32>
        %max3A_2885 = arith.maximumf %max3A_2880, %select_n3A_2884 : vector<16xf32>
        %lt3A_2886 = arith.cmpf olt, %max3A_2806, %max3A_2863 : vector<16xf32>
        %jit3A_2887 = arith.constant 0xFF800000 : f32
        %broadcast_in_dim3A_2888 = vector.broadcast %jit3A_2887 : f32 to vector<16xf32>
        %select_n3A_2889 = arith.select %lt3A_2886, %max3A_2806, %broadcast_in_dim3A_2888 : vector<16xi1>, vector<16xf32>
        %max3A_2890 = arith.maximumf %max3A_2885, %select_n3A_2889 : vector<16xf32>
        %xor3A_2891 = arith.constant 8 : i32
        %xor3A_2892 = vector.broadcast %xor3A_2891 : i32 to vector<16xi32>
        %xor3A_2893 = arith.xori %iota3A, %xor3A_2892 : vector<16xi32>
        %broadcast_in_dim3A_2894 = vector.shape_cast %xor3A_2893 : vector<16xi32> to vector<16x1xi32>
        %gather3A_2895 = vector.shape_cast %broadcast_in_dim3A_2894 : vector<16x1xi32> to vector<16xi32>
        %gather3A_2896 = tpu.dynamic_gather %max3A_2890[%gather3A_2895] in [0] : vector<16xf32>, vector<16xi32> -> vector<16xf32>
        %max3A_2897 = arith.maximumf %max3A_2890, %gather3A_2896 : vector<16xf32>
        %xor3A_2898 = arith.constant 4 : i32
        %xor3A_2899 = vector.broadcast %xor3A_2898 : i32 to vector<16xi32>
        %xor3A_2900 = arith.xori %iota3A, %xor3A_2899 : vector<16xi32>
        %broadcast_in_dim3A_2901 = vector.shape_cast %xor3A_2900 : vector<16xi32> to vector<16x1xi32>
        %gather3A_2902 = vector.shape_cast %broadcast_in_dim3A_2901 : vector<16x1xi32> to vector<16xi32>
        %gather3A_2903 = tpu.dynamic_gather %max3A_2897[%gather3A_2902] in [0] : vector<16xf32>, vector<16xi32> -> vector<16xf32>
        %max3A_2904 = arith.maximumf %max3A_2897, %gather3A_2903 : vector<16xf32>
        %xor3A_2905 = arith.constant 2 : i32
        %xor3A_2906 = vector.broadcast %xor3A_2905 : i32 to vector<16xi32>
        %xor3A_2907 = arith.xori %iota3A, %xor3A_2906 : vector<16xi32>
        %broadcast_in_dim3A_2908 = vector.shape_cast %xor3A_2907 : vector<16xi32> to vector<16x1xi32>
        %gather3A_2909 = vector.shape_cast %broadcast_in_dim3A_2908 : vector<16x1xi32> to vector<16xi32>
        %gather3A_2910 = tpu.dynamic_gather %max3A_2904[%gather3A_2909] in [0] : vector<16xf32>, vector<16xi32> -> vector<16xf32>
        %max3A_2911 = arith.maximumf %max3A_2904, %gather3A_2910 : vector<16xf32>
        %xor3A_2912 = arith.constant 1 : i32
        %xor3A_2913 = vector.broadcast %xor3A_2912 : i32 to vector<16xi32>
        %xor3A_2914 = arith.xori %iota3A, %xor3A_2913 : vector<16xi32>
        %broadcast_in_dim3A_2915 = vector.shape_cast %xor3A_2914 : vector<16xi32> to vector<16x1xi32>
        %gather3A_2916 = vector.shape_cast %broadcast_in_dim3A_2915 : vector<16x1xi32> to vector<16xi32>
        %gather3A_2917 = tpu.dynamic_gather %max3A_2911[%gather3A_2916] in [0] : vector<16xf32>, vector<16xi32> -> vector<16xf32>
        %max3A_2918 = arith.maximumf %max3A_2911, %gather3A_2917 : vector<16xf32>
        %broadcast_in_dim3A_2919 = arith.constant 0xFF800000 : f32
        %broadcast_in_dim3A_2920 = vector.broadcast %broadcast_in_dim3A_2919 : f32 to vector<16xf32>
        %lt3A_2921 = arith.cmpf olt, %max3A_2798, %max3A_2918 : vector<16xf32>
        %jit3A_2922 = arith.constant 0xFF800000 : f32
        %broadcast_in_dim3A_2923 = vector.broadcast %jit3A_2922 : f32 to vector<16xf32>
        %select_n3A_2924 = arith.select %lt3A_2921, %max3A_2798, %broadcast_in_dim3A_2923 : vector<16xi1>, vector<16xf32>
        %max3A_2925 = arith.maximumf %broadcast_in_dim3A_2920, %select_n3A_2924 : vector<16xf32>
        %lt3A_2926 = arith.cmpf olt, %max3A_2800, %max3A_2918 : vector<16xf32>
        %jit3A_2927 = arith.constant 0xFF800000 : f32
        %broadcast_in_dim3A_2928 = vector.broadcast %jit3A_2927 : f32 to vector<16xf32>
        %select_n3A_2929 = arith.select %lt3A_2926, %max3A_2800, %broadcast_in_dim3A_2928 : vector<16xi1>, vector<16xf32>
        %max3A_2930 = arith.maximumf %max3A_2925, %select_n3A_2929 : vector<16xf32>
        %lt3A_2931 = arith.cmpf olt, %max3A_2802, %max3A_2918 : vector<16xf32>
        %jit3A_2932 = arith.constant 0xFF800000 : f32
        %broadcast_in_dim3A_2933 = vector.broadcast %jit3A_2932 : f32 to vector<16xf32>
        %select_n3A_2934 = arith.select %lt3A_2931, %max3A_2802, %broadcast_in_dim3A_2933 : vector<16xi1>, vector<16xf32>
        %max3A_2935 = arith.maximumf %max3A_2930, %select_n3A_2934 : vector<16xf32>
        %lt3A_2936 = arith.cmpf olt, %max3A_2804, %max3A_2918 : vector<16xf32>
        %jit3A_2937 = arith.constant 0xFF800000 : f32
        %broadcast_in_dim3A_2938 = vector.broadcast %jit3A_2937 : f32 to vector<16xf32>
        %select_n3A_2939 = arith.select %lt3A_2936, %max3A_2804, %broadcast_in_dim3A_2938 : vector<16xi1>, vector<16xf32>
        %max3A_2940 = arith.maximumf %max3A_2935, %select_n3A_2939 : vector<16xf32>
        %lt3A_2941 = arith.cmpf olt, %max3A_2806, %max3A_2918 : vector<16xf32>
        %jit3A_2942 = arith.constant 0xFF800000 : f32
        %broadcast_in_dim3A_2943 = vector.broadcast %jit3A_2942 : f32 to vector<16xf32>
        %select_n3A_2944 = arith.select %lt3A_2941, %max3A_2806, %broadcast_in_dim3A_2943 : vector<16xi1>, vector<16xf32>
        %max3A_2945 = arith.maximumf %max3A_2940, %select_n3A_2944 : vector<16xf32>
        %xor3A_2946 = arith.constant 8 : i32
        %xor3A_2947 = vector.broadcast %xor3A_2946 : i32 to vector<16xi32>
        %xor3A_2948 = arith.xori %iota3A, %xor3A_2947 : vector<16xi32>
        %broadcast_in_dim3A_2949 = vector.shape_cast %xor3A_2948 : vector<16xi32> to vector<16x1xi32>
        %gather3A_2950 = vector.shape_cast %broadcast_in_dim3A_2949 : vector<16x1xi32> to vector<16xi32>
        %gather3A_2951 = tpu.dynamic_gather %max3A_2945[%gather3A_2950] in [0] : vector<16xf32>, vector<16xi32> -> vector<16xf32>
        %max3A_2952 = arith.maximumf %max3A_2945, %gather3A_2951 : vector<16xf32>
        %xor3A_2953 = arith.constant 4 : i32
        %xor3A_2954 = vector.broadcast %xor3A_2953 : i32 to vector<16xi32>
        %xor3A_2955 = arith.xori %iota3A, %xor3A_2954 : vector<16xi32>
        %broadcast_in_dim3A_2956 = vector.shape_cast %xor3A_2955 : vector<16xi32> to vector<16x1xi32>
        %gather3A_2957 = vector.shape_cast %broadcast_in_dim3A_2956 : vector<16x1xi32> to vector<16xi32>
        %gather3A_2958 = tpu.dynamic_gather %max3A_2952[%gather3A_2957] in [0] : vector<16xf32>, vector<16xi32> -> vector<16xf32>
        %max3A_2959 = arith.maximumf %max3A_2952, %gather3A_2958 : vector<16xf32>
        %xor3A_2960 = arith.constant 2 : i32
        %xor3A_2961 = vector.broadcast %xor3A_2960 : i32 to vector<16xi32>
        %xor3A_2962 = arith.xori %iota3A, %xor3A_2961 : vector<16xi32>
        %broadcast_in_dim3A_2963 = vector.shape_cast %xor3A_2962 : vector<16xi32> to vector<16x1xi32>
        %gather3A_2964 = vector.shape_cast %broadcast_in_dim3A_2963 : vector<16x1xi32> to vector<16xi32>
        %gather3A_2965 = tpu.dynamic_gather %max3A_2959[%gather3A_2964] in [0] : vector<16xf32>, vector<16xi32> -> vector<16xf32>
        %max3A_2966 = arith.maximumf %max3A_2959, %gather3A_2965 : vector<16xf32>
        %xor3A_2967 = arith.constant 1 : i32
        %xor3A_2968 = vector.broadcast %xor3A_2967 : i32 to vector<16xi32>
        %xor3A_2969 = arith.xori %iota3A, %xor3A_2968 : vector<16xi32>
        %broadcast_in_dim3A_2970 = vector.shape_cast %xor3A_2969 : vector<16xi32> to vector<16x1xi32>
        %gather3A_2971 = vector.shape_cast %broadcast_in_dim3A_2970 : vector<16x1xi32> to vector<16xi32>
        %gather3A_2972 = tpu.dynamic_gather %max3A_2966[%gather3A_2971] in [0] : vector<16xf32>, vector<16xi32> -> vector<16xf32>
        %max3A_2973 = arith.maximumf %max3A_2966, %gather3A_2972 : vector<16xf32>
        %broadcast_in_dim3A_2974 = arith.constant 0xFF800000 : f32
        %broadcast_in_dim3A_2975 = vector.broadcast %broadcast_in_dim3A_2974 : f32 to vector<16xf32>
        %lt3A_2976 = arith.cmpf olt, %max3A_2798, %max3A_2973 : vector<16xf32>
        %jit3A_2977 = arith.constant 0xFF800000 : f32
        %broadcast_in_dim3A_2978 = vector.broadcast %jit3A_2977 : f32 to vector<16xf32>
        %select_n3A_2979 = arith.select %lt3A_2976, %max3A_2798, %broadcast_in_dim3A_2978 : vector<16xi1>, vector<16xf32>
        %max3A_2980 = arith.maximumf %broadcast_in_dim3A_2975, %select_n3A_2979 : vector<16xf32>
        %lt3A_2981 = arith.cmpf olt, %max3A_2800, %max3A_2973 : vector<16xf32>
        %jit3A_2982 = arith.constant 0xFF800000 : f32
        %broadcast_in_dim3A_2983 = vector.broadcast %jit3A_2982 : f32 to vector<16xf32>
        %select_n3A_2984 = arith.select %lt3A_2981, %max3A_2800, %broadcast_in_dim3A_2983 : vector<16xi1>, vector<16xf32>
        %max3A_2985 = arith.maximumf %max3A_2980, %select_n3A_2984 : vector<16xf32>
        %lt3A_2986 = arith.cmpf olt, %max3A_2802, %max3A_2973 : vector<16xf32>
        %jit3A_2987 = arith.constant 0xFF800000 : f32
        %broadcast_in_dim3A_2988 = vector.broadcast %jit3A_2987 : f32 to vector<16xf32>
        %select_n3A_2989 = arith.select %lt3A_2986, %max3A_2802, %broadcast_in_dim3A_2988 : vector<16xi1>, vector<16xf32>
        %max3A_2990 = arith.maximumf %max3A_2985, %select_n3A_2989 : vector<16xf32>
        %lt3A_2991 = arith.cmpf olt, %max3A_2804, %max3A_2973 : vector<16xf32>
        %jit3A_2992 = arith.constant 0xFF800000 : f32
        %broadcast_in_dim3A_2993 = vector.broadcast %jit3A_2992 : f32 to vector<16xf32>
        %select_n3A_2994 = arith.select %lt3A_2991, %max3A_2804, %broadcast_in_dim3A_2993 : vector<16xi1>, vector<16xf32>
        %max3A_2995 = arith.maximumf %max3A_2990, %select_n3A_2994 : vector<16xf32>
        %lt3A_2996 = arith.cmpf olt, %max3A_2806, %max3A_2973 : vector<16xf32>
        %jit3A_2997 = arith.constant 0xFF800000 : f32
        %broadcast_in_dim3A_2998 = vector.broadcast %jit3A_2997 : f32 to vector<16xf32>
        %select_n3A_2999 = arith.select %lt3A_2996, %max3A_2806, %broadcast_in_dim3A_2998 : vector<16xi1>, vector<16xf32>
        %max3A_3000 = arith.maximumf %max3A_2995, %select_n3A_2999 : vector<16xf32>
        %xor3A_3001 = arith.constant 8 : i32
        %xor3A_3002 = vector.broadcast %xor3A_3001 : i32 to vector<16xi32>
        %xor3A_3003 = arith.xori %iota3A, %xor3A_3002 : vector<16xi32>
        %broadcast_in_dim3A_3004 = vector.shape_cast %xor3A_3003 : vector<16xi32> to vector<16x1xi32>
        %gather3A_3005 = vector.shape_cast %broadcast_in_dim3A_3004 : vector<16x1xi32> to vector<16xi32>
        %gather3A_3006 = tpu.dynamic_gather %max3A_3000[%gather3A_3005] in [0] : vector<16xf32>, vector<16xi32> -> vector<16xf32>
        %max3A_3007 = arith.maximumf %max3A_3000, %gather3A_3006 : vector<16xf32>
        %xor3A_3008 = arith.constant 4 : i32
        %xor3A_3009 = vector.broadcast %xor3A_3008 : i32 to vector<16xi32>
        %xor3A_3010 = arith.xori %iota3A, %xor3A_3009 : vector<16xi32>
        %broadcast_in_dim3A_3011 = vector.shape_cast %xor3A_3010 : vector<16xi32> to vector<16x1xi32>
        %gather3A_3012 = vector.shape_cast %broadcast_in_dim3A_3011 : vector<16x1xi32> to vector<16xi32>
        %gather3A_3013 = tpu.dynamic_gather %max3A_3007[%gather3A_3012] in [0] : vector<16xf32>, vector<16xi32> -> vector<16xf32>
        %max3A_3014 = arith.maximumf %max3A_3007, %gather3A_3013 : vector<16xf32>
        %xor3A_3015 = arith.constant 2 : i32
        %xor3A_3016 = vector.broadcast %xor3A_3015 : i32 to vector<16xi32>
        %xor3A_3017 = arith.xori %iota3A, %xor3A_3016 : vector<16xi32>
        %broadcast_in_dim3A_3018 = vector.shape_cast %xor3A_3017 : vector<16xi32> to vector<16x1xi32>
        %gather3A_3019 = vector.shape_cast %broadcast_in_dim3A_3018 : vector<16x1xi32> to vector<16xi32>
        %gather3A_3020 = tpu.dynamic_gather %max3A_3014[%gather3A_3019] in [0] : vector<16xf32>, vector<16xi32> -> vector<16xf32>
        %max3A_3021 = arith.maximumf %max3A_3014, %gather3A_3020 : vector<16xf32>
        %xor3A_3022 = arith.constant 1 : i32
        %xor3A_3023 = vector.broadcast %xor3A_3022 : i32 to vector<16xi32>
        %xor3A_3024 = arith.xori %iota3A, %xor3A_3023 : vector<16xi32>
        %broadcast_in_dim3A_3025 = vector.shape_cast %xor3A_3024 : vector<16xi32> to vector<16x1xi32>
        %gather3A_3026 = vector.shape_cast %broadcast_in_dim3A_3025 : vector<16x1xi32> to vector<16xi32>
        %gather3A_3027 = tpu.dynamic_gather %max3A_3021[%gather3A_3026] in [0] : vector<16xf32>, vector<16xi32> -> vector<16xf32>
        %max3A_3028 = arith.maximumf %max3A_3021, %gather3A_3027 : vector<16xf32>
        %broadcast_in_dim3A_3029 = arith.constant 0xFF800000 : f32
        %broadcast_in_dim3A_3030 = vector.broadcast %broadcast_in_dim3A_3029 : f32 to vector<16xf32>
        %lt3A_3031 = arith.cmpf olt, %max3A_2798, %max3A_3028 : vector<16xf32>
        %jit3A_3032 = arith.constant 0xFF800000 : f32
        %broadcast_in_dim3A_3033 = vector.broadcast %jit3A_3032 : f32 to vector<16xf32>
        %select_n3A_3034 = arith.select %lt3A_3031, %max3A_2798, %broadcast_in_dim3A_3033 : vector<16xi1>, vector<16xf32>
        %max3A_3035 = arith.maximumf %broadcast_in_dim3A_3030, %select_n3A_3034 : vector<16xf32>
        %lt3A_3036 = arith.cmpf olt, %max3A_2800, %max3A_3028 : vector<16xf32>
        %jit3A_3037 = arith.constant 0xFF800000 : f32
        %broadcast_in_dim3A_3038 = vector.broadcast %jit3A_3037 : f32 to vector<16xf32>
        %select_n3A_3039 = arith.select %lt3A_3036, %max3A_2800, %broadcast_in_dim3A_3038 : vector<16xi1>, vector<16xf32>
        %max3A_3040 = arith.maximumf %max3A_3035, %select_n3A_3039 : vector<16xf32>
        %lt3A_3041 = arith.cmpf olt, %max3A_2802, %max3A_3028 : vector<16xf32>
        %jit3A_3042 = arith.constant 0xFF800000 : f32
        %broadcast_in_dim3A_3043 = vector.broadcast %jit3A_3042 : f32 to vector<16xf32>
        %select_n3A_3044 = arith.select %lt3A_3041, %max3A_2802, %broadcast_in_dim3A_3043 : vector<16xi1>, vector<16xf32>
        %max3A_3045 = arith.maximumf %max3A_3040, %select_n3A_3044 : vector<16xf32>
        %lt3A_3046 = arith.cmpf olt, %max3A_2804, %max3A_3028 : vector<16xf32>
        %jit3A_3047 = arith.constant 0xFF800000 : f32
        %broadcast_in_dim3A_3048 = vector.broadcast %jit3A_3047 : f32 to vector<16xf32>
        %select_n3A_3049 = arith.select %lt3A_3046, %max3A_2804, %broadcast_in_dim3A_3048 : vector<16xi1>, vector<16xf32>
        %max3A_3050 = arith.maximumf %max3A_3045, %select_n3A_3049 : vector<16xf32>
        %lt3A_3051 = arith.cmpf olt, %max3A_2806, %max3A_3028 : vector<16xf32>
        %jit3A_3052 = arith.constant 0xFF800000 : f32
        %broadcast_in_dim3A_3053 = vector.broadcast %jit3A_3052 : f32 to vector<16xf32>
        %select_n3A_3054 = arith.select %lt3A_3051, %max3A_2806, %broadcast_in_dim3A_3053 : vector<16xi1>, vector<16xf32>
        %max3A_3055 = arith.maximumf %max3A_3050, %select_n3A_3054 : vector<16xf32>
        %xor3A_3056 = arith.constant 8 : i32
        %xor3A_3057 = vector.broadcast %xor3A_3056 : i32 to vector<16xi32>
        %xor3A_3058 = arith.xori %iota3A, %xor3A_3057 : vector<16xi32>
        %broadcast_in_dim3A_3059 = vector.shape_cast %xor3A_3058 : vector<16xi32> to vector<16x1xi32>
        %gather3A_3060 = vector.shape_cast %broadcast_in_dim3A_3059 : vector<16x1xi32> to vector<16xi32>
        %gather3A_3061 = tpu.dynamic_gather %max3A_3055[%gather3A_3060] in [0] : vector<16xf32>, vector<16xi32> -> vector<16xf32>
        %max3A_3062 = arith.maximumf %max3A_3055, %gather3A_3061 : vector<16xf32>
        %xor3A_3063 = arith.constant 4 : i32
        %xor3A_3064 = vector.broadcast %xor3A_3063 : i32 to vector<16xi32>
        %xor3A_3065 = arith.xori %iota3A, %xor3A_3064 : vector<16xi32>
        %broadcast_in_dim3A_3066 = vector.shape_cast %xor3A_3065 : vector<16xi32> to vector<16x1xi32>
        %gather3A_3067 = vector.shape_cast %broadcast_in_dim3A_3066 : vector<16x1xi32> to vector<16xi32>
        %gather3A_3068 = tpu.dynamic_gather %max3A_3062[%gather3A_3067] in [0] : vector<16xf32>, vector<16xi32> -> vector<16xf32>
        %max3A_3069 = arith.maximumf %max3A_3062, %gather3A_3068 : vector<16xf32>
        %xor3A_3070 = arith.constant 2 : i32
        %xor3A_3071 = vector.broadcast %xor3A_3070 : i32 to vector<16xi32>
        %xor3A_3072 = arith.xori %iota3A, %xor3A_3071 : vector<16xi32>
        %broadcast_in_dim3A_3073 = vector.shape_cast %xor3A_3072 : vector<16xi32> to vector<16x1xi32>
        %gather3A_3074 = vector.shape_cast %broadcast_in_dim3A_3073 : vector<16x1xi32> to vector<16xi32>
        %gather3A_3075 = tpu.dynamic_gather %max3A_3069[%gather3A_3074] in [0] : vector<16xf32>, vector<16xi32> -> vector<16xf32>
        %max3A_3076 = arith.maximumf %max3A_3069, %gather3A_3075 : vector<16xf32>
        %xor3A_3077 = arith.constant 1 : i32
        %xor3A_3078 = vector.broadcast %xor3A_3077 : i32 to vector<16xi32>
        %xor3A_3079 = arith.xori %iota3A, %xor3A_3078 : vector<16xi32>
        %broadcast_in_dim3A_3080 = vector.shape_cast %xor3A_3079 : vector<16xi32> to vector<16x1xi32>
        %gather3A_3081 = vector.shape_cast %broadcast_in_dim3A_3080 : vector<16x1xi32> to vector<16xi32>
        %gather3A_3082 = tpu.dynamic_gather %max3A_3076[%gather3A_3081] in [0] : vector<16xf32>, vector<16xi32> -> vector<16xf32>
        %max3A_3083 = arith.maximumf %max3A_3076, %gather3A_3082 : vector<16xf32>
        %broadcast_in_dim3A_3084 = arith.constant 0.000000e+00 : f32
        %broadcast_in_dim3A_3085 = vector.broadcast %broadcast_in_dim3A_3084 : f32 to vector<16xf32>
        %get3A_3086 = arith.index_cast %scan3A_180 : i32 to index
        %get3A_3087 = arith.constant 0 : index
        %get3A_3088 = tpu.vector_load %arg7[%get3A_3086, %get3A_3087] {strides = array<i32>} : memref<16x512xf32, #tpu.memory_space<vmem>>, vector<1x16xf32>,
        %get3A_3089 = vector.shape_cast %get3A_3088 : vector<1x16xf32> to vector<16xf32>
        %ge3A = arith.cmpf oge, %get3A_3089, %max3A_3083 : vector<16xf32>
        %jit3A_3090 = arith.constant 0.000000e+00 : f32
        %broadcast_in_dim3A_3091 = vector.broadcast %jit3A_3090 : f32 to vector<16xf32>
        %select_n3A_3092 = arith.select %ge3A, %get3A_3089, %broadcast_in_dim3A_3091 : vector<16xi1>, vector<16xf32>
        %swap3A_3093 = arith.index_cast %scan3A_180 : i32 to index
        %swap3A_3094 = arith.constant 0 : index
        %swap3A_3095 = tpu.vector_load %arg8[%swap3A_3093, %swap3A_3094] {strides = array<i32>} : memref<16x512xf32, #tpu.memory_space<vmem>>, vector<1x16xf32>,
        %swap3A_3096 = vector.shape_cast %swap3A_3095 : vector<1x16xf32> to vector<16xf32>
        %swap3A_3097 = vector.shape_cast %select_n3A_3092 : vector<16xf32> to vector<1x16xf32>
        tpu.vector_store %arg8[%swap3A_3093, %swap3A_3094], %swap3A_3097 {strides = array<i32>} : memref<16x512xf32, #tpu.memory_space<vmem>>, vector<1x16xf32>,
        %add3A_3098 = arith.addf %broadcast_in_dim3A_3085, %select_n3A_3092 : vector<16xf32>
        %get3A_3099 = arith.index_cast %scan3A_180 : i32 to index
        %get3A_3100 = arith.constant 16 : index
        %get3A_3101 = tpu.vector_load %arg7[%get3A_3099, %get3A_3100] {strides = array<i32>} : memref<16x512xf32, #tpu.memory_space<vmem>>, vector<1x16xf32>,
        %get3A_3102 = vector.shape_cast %get3A_3101 : vector<1x16xf32> to vector<16xf32>
        %ge3A_3103 = arith.cmpf oge, %get3A_3102, %max3A_3083 : vector<16xf32>
        %jit3A_3104 = arith.constant 0.000000e+00 : f32
        %broadcast_in_dim3A_3105 = vector.broadcast %jit3A_3104 : f32 to vector<16xf32>
        %select_n3A_3106 = arith.select %ge3A_3103, %get3A_3102, %broadcast_in_dim3A_3105 : vector<16xi1>, vector<16xf32>
        %swap3A_3107 = arith.index_cast %scan3A_180 : i32 to index
        %swap3A_3108 = arith.constant 16 : index
        %swap3A_3109 = tpu.vector_load %arg8[%swap3A_3107, %swap3A_3108] {strides = array<i32>} : memref<16x512xf32, #tpu.memory_space<vmem>>, vector<1x16xf32>,
        %swap3A_3110 = vector.shape_cast %swap3A_3109 : vector<1x16xf32> to vector<16xf32>
        %swap3A_3111 = vector.shape_cast %select_n3A_3106 : vector<16xf32> to vector<1x16xf32>
        tpu.vector_store %arg8[%swap3A_3107, %swap3A_3108], %swap3A_3111 {strides = array<i32>} : memref<16x512xf32, #tpu.memory_space<vmem>>, vector<1x16xf32>,
        %add3A_3112 = arith.addf %add3A_3098, %select_n3A_3106 : vector<16xf32>
        %get3A_3113 = arith.index_cast %scan3A_180 : i32 to index
        %get3A_3114 = arith.constant 32 : index
        %get3A_3115 = tpu.vector_load %arg7[%get3A_3113, %get3A_3114] {strides = array<i32>} : memref<16x512xf32, #tpu.memory_space<vmem>>, vector<1x16xf32>,
        %get3A_3116 = vector.shape_cast %get3A_3115 : vector<1x16xf32> to vector<16xf32>
        %ge3A_3117 = arith.cmpf oge, %get3A_3116, %max3A_3083 : vector<16xf32>
        %jit3A_3118 = arith.constant 0.000000e+00 : f32
        %broadcast_in_dim3A_3119 = vector.broadcast %jit3A_3118 : f32 to vector<16xf32>
        %select_n3A_3120 = arith.select %ge3A_3117, %get3A_3116, %broadcast_in_dim3A_3119 : vector<16xi1>, vector<16xf32>
        %swap3A_3121 = arith.index_cast %scan3A_180 : i32 to index
        %swap3A_3122 = arith.constant 32 : index
        %swap3A_3123 = tpu.vector_load %arg8[%swap3A_3121, %swap3A_3122] {strides = array<i32>} : memref<16x512xf32, #tpu.memory_space<vmem>>, vector<1x16xf32>,
        %swap3A_3124 = vector.shape_cast %swap3A_3123 : vector<1x16xf32> to vector<16xf32>
        %swap3A_3125 = vector.shape_cast %select_n3A_3120 : vector<16xf32> to vector<1x16xf32>
        tpu.vector_store %arg8[%swap3A_3121, %swap3A_3122], %swap3A_3125 {strides = array<i32>} : memref<16x512xf32, #tpu.memory_space<vmem>>, vector<1x16xf32>,
        %add3A_3126 = arith.addf %add3A_3112, %select_n3A_3120 : vector<16xf32>
        %get3A_3127 = arith.index_cast %scan3A_180 : i32 to index
        %get3A_3128 = arith.constant 48 : index
        %get3A_3129 = tpu.vector_load %arg7[%get3A_3127, %get3A_3128] {strides = array<i32>} : memref<16x512xf32, #tpu.memory_space<vmem>>, vector<1x16xf32>,
        %get3A_3130 = vector.shape_cast %get3A_3129 : vector<1x16xf32> to vector<16xf32>
        %ge3A_3131 = arith.cmpf oge, %get3A_3130, %max3A_3083 : vector<16xf32>
        %jit3A_3132 = arith.constant 0.000000e+00 : f32
        %broadcast_in_dim3A_3133 = vector.broadcast %jit3A_3132 : f32 to vector<16xf32>
        %select_n3A_3134 = arith.select %ge3A_3131, %get3A_3130, %broadcast_in_dim3A_3133 : vector<16xi1>, vector<16xf32>
        %swap3A_3135 = arith.index_cast %scan3A_180 : i32 to index
        %swap3A_3136 = arith.constant 48 : index
        %swap3A_3137 = tpu.vector_load %arg8[%swap3A_3135, %swap3A_3136] {strides = array<i32>} : memref<16x512xf32, #tpu.memory_space<vmem>>, vector<1x16xf32>,
        %swap3A_3138 = vector.shape_cast %swap3A_3137 : vector<1x16xf32> to vector<16xf32>
        %swap3A_3139 = vector.shape_cast %select_n3A_3134 : vector<16xf32> to vector<1x16xf32>
        tpu.vector_store %arg8[%swap3A_3135, %swap3A_3136], %swap3A_3139 {strides = array<i32>} : memref<16x512xf32, #tpu.memory_space<vmem>>, vector<1x16xf32>,
        %add3A_3140 = arith.addf %add3A_3126, %select_n3A_3134 : vector<16xf32>
        %get3A_3141 = arith.index_cast %scan3A_180 : i32 to index
        %get3A_3142 = arith.constant 64 : index
        %get3A_3143 = tpu.vector_load %arg7[%get3A_3141, %get3A_3142] {strides = array<i32>} : memref<16x512xf32, #tpu.memory_space<vmem>>, vector<1x16xf32>,
        %get3A_3144 = vector.shape_cast %get3A_3143 : vector<1x16xf32> to vector<16xf32>
        %ge3A_3145 = arith.cmpf oge, %get3A_3144, %max3A_3083 : vector<16xf32>
        %jit3A_3146 = arith.constant 0.000000e+00 : f32
        %broadcast_in_dim3A_3147 = vector.broadcast %jit3A_3146 : f32 to vector<16xf32>
        %select_n3A_3148 = arith.select %ge3A_3145, %get3A_3144, %broadcast_in_dim3A_3147 : vector<16xi1>, vector<16xf32>
        %swap3A_3149 = arith.index_cast %scan3A_180 : i32 to index
        %swap3A_3150 = arith.constant 64 : index
        %swap3A_3151 = tpu.vector_load %arg8[%swap3A_3149, %swap3A_3150] {strides = array<i32>} : memref<16x512xf32, #tpu.memory_space<vmem>>, vector<1x16xf32>,
        %swap3A_3152 = vector.shape_cast %swap3A_3151 : vector<1x16xf32> to vector<16xf32>
        %swap3A_3153 = vector.shape_cast %select_n3A_3148 : vector<16xf32> to vector<1x16xf32>
        tpu.vector_store %arg8[%swap3A_3149, %swap3A_3150], %swap3A_3153 {strides = array<i32>} : memref<16x512xf32, #tpu.memory_space<vmem>>, vector<1x16xf32>,
        %add3A_3154 = arith.addf %add3A_3140, %select_n3A_3148 : vector<16xf32>
        %get3A_3155 = arith.index_cast %scan3A_180 : i32 to index
        %get3A_3156 = arith.constant 80 : index
        %get3A_3157 = tpu.vector_load %arg7[%get3A_3155, %get3A_3156] {strides = array<i32>} : memref<16x512xf32, #tpu.memory_space<vmem>>, vector<1x16xf32>,
        %get3A_3158 = vector.shape_cast %get3A_3157 : vector<1x16xf32> to vector<16xf32>
        %ge3A_3159 = arith.cmpf oge, %get3A_3158, %max3A_3083 : vector<16xf32>
        %jit3A_3160 = arith.constant 0.000000e+00 : f32
        %broadcast_in_dim3A_3161 = vector.broadcast %jit3A_3160 : f32 to vector<16xf32>
        %select_n3A_3162 = arith.select %ge3A_3159, %get3A_3158, %broadcast_in_dim3A_3161 : vector<16xi1>, vector<16xf32>
        %swap3A_3163 = arith.index_cast %scan3A_180 : i32 to index
        %swap3A_3164 = arith.constant 80 : index
        %swap3A_3165 = tpu.vector_load %arg8[%swap3A_3163, %swap3A_3164] {strides = array<i32>} : memref<16x512xf32, #tpu.memory_space<vmem>>, vector<1x16xf32>,
        %swap3A_3166 = vector.shape_cast %swap3A_3165 : vector<1x16xf32> to vector<16xf32>
        %swap3A_3167 = vector.shape_cast %select_n3A_3162 : vector<16xf32> to vector<1x16xf32>
        tpu.vector_store %arg8[%swap3A_3163, %swap3A_3164], %swap3A_3167 {strides = array<i32>} : memref<16x512xf32, #tpu.memory_space<vmem>>, vector<1x16xf32>,
        %add3A_3168 = arith.addf %add3A_3154, %select_n3A_3162 : vector<16xf32>
        %get3A_3169 = arith.index_cast %scan3A_180 : i32 to index
        %get3A_3170 = arith.constant 96 : index
        %get3A_3171 = tpu.vector_load %arg7[%get3A_3169, %get3A_3170] {strides = array<i32>} : memref<16x512xf32, #tpu.memory_space<vmem>>, vector<1x16xf32>,
        %get3A_3172 = vector.shape_cast %get3A_3171 : vector<1x16xf32> to vector<16xf32>
        %ge3A_3173 = arith.cmpf oge, %get3A_3172, %max3A_3083 : vector<16xf32>
        %jit3A_3174 = arith.constant 0.000000e+00 : f32
        %broadcast_in_dim3A_3175 = vector.broadcast %jit3A_3174 : f32 to vector<16xf32>
        %select_n3A_3176 = arith.select %ge3A_3173, %get3A_3172, %broadcast_in_dim3A_3175 : vector<16xi1>, vector<16xf32>
        %swap3A_3177 = arith.index_cast %scan3A_180 : i32 to index
        %swap3A_3178 = arith.constant 96 : index
        %swap3A_3179 = tpu.vector_load %arg8[%swap3A_3177, %swap3A_3178] {strides = array<i32>} : memref<16x512xf32, #tpu.memory_space<vmem>>, vector<1x16xf32>,
        %swap3A_3180 = vector.shape_cast %swap3A_3179 : vector<1x16xf32> to vector<16xf32>
        %swap3A_3181 = vector.shape_cast %select_n3A_3176 : vector<16xf32> to vector<1x16xf32>
        tpu.vector_store %arg8[%swap3A_3177, %swap3A_3178], %swap3A_3181 {strides = array<i32>} : memref<16x512xf32, #tpu.memory_space<vmem>>, vector<1x16xf32>,
        %add3A_3182 = arith.addf %add3A_3168, %select_n3A_3176 : vector<16xf32>
        %get3A_3183 = arith.index_cast %scan3A_180 : i32 to index
        %get3A_3184 = arith.constant 112 : index
        %get3A_3185 = tpu.vector_load %arg7[%get3A_3183, %get3A_3184] {strides = array<i32>} : memref<16x512xf32, #tpu.memory_space<vmem>>, vector<1x16xf32>,
        %get3A_3186 = vector.shape_cast %get3A_3185 : vector<1x16xf32> to vector<16xf32>
        %ge3A_3187 = arith.cmpf oge, %get3A_3186, %max3A_3083 : vector<16xf32>
        %jit3A_3188 = arith.constant 0.000000e+00 : f32
        %broadcast_in_dim3A_3189 = vector.broadcast %jit3A_3188 : f32 to vector<16xf32>
        %select_n3A_3190 = arith.select %ge3A_3187, %get3A_3186, %broadcast_in_dim3A_3189 : vector<16xi1>, vector<16xf32>
        %swap3A_3191 = arith.index_cast %scan3A_180 : i32 to index
        %swap3A_3192 = arith.constant 112 : index
        %swap3A_3193 = tpu.vector_load %arg8[%swap3A_3191, %swap3A_3192] {strides = array<i32>} : memref<16x512xf32, #tpu.memory_space<vmem>>, vector<1x16xf32>,
        %swap3A_3194 = vector.shape_cast %swap3A_3193 : vector<1x16xf32> to vector<16xf32>
        %swap3A_3195 = vector.shape_cast %select_n3A_3190 : vector<16xf32> to vector<1x16xf32>
        tpu.vector_store %arg8[%swap3A_3191, %swap3A_3192], %swap3A_3195 {strides = array<i32>} : memref<16x512xf32, #tpu.memory_space<vmem>>, vector<1x16xf32>,
        %add3A_3196 = arith.addf %add3A_3182, %select_n3A_3190 : vector<16xf32>
        %get3A_3197 = arith.index_cast %scan3A_180 : i32 to index
        %get3A_3198 = arith.constant 128 : index
        %get3A_3199 = tpu.vector_load %arg7[%get3A_3197, %get3A_3198] {strides = array<i32>} : memref<16x512xf32, #tpu.memory_space<vmem>>, vector<1x16xf32>,
        %get3A_3200 = vector.shape_cast %get3A_3199 : vector<1x16xf32> to vector<16xf32>
        %ge3A_3201 = arith.cmpf oge, %get3A_3200, %max3A_3083 : vector<16xf32>
        %jit3A_3202 = arith.constant 0.000000e+00 : f32
        %broadcast_in_dim3A_3203 = vector.broadcast %jit3A_3202 : f32 to vector<16xf32>
        %select_n3A_3204 = arith.select %ge3A_3201, %get3A_3200, %broadcast_in_dim3A_3203 : vector<16xi1>, vector<16xf32>
        %swap3A_3205 = arith.index_cast %scan3A_180 : i32 to index
        %swap3A_3206 = arith.constant 128 : index
        %swap3A_3207 = tpu.vector_load %arg8[%swap3A_3205, %swap3A_3206] {strides = array<i32>} : memref<16x512xf32, #tpu.memory_space<vmem>>, vector<1x16xf32>,
        %swap3A_3208 = vector.shape_cast %swap3A_3207 : vector<1x16xf32> to vector<16xf32>
        %swap3A_3209 = vector.shape_cast %select_n3A_3204 : vector<16xf32> to vector<1x16xf32>
        tpu.vector_store %arg8[%swap3A_3205, %swap3A_3206], %swap3A_3209 {strides = array<i32>} : memref<16x512xf32, #tpu.memory_space<vmem>>, vector<1x16xf32>,
        %add3A_3210 = arith.addf %add3A_3196, %select_n3A_3204 : vector<16xf32>
        %get3A_3211 = arith.index_cast %scan3A_180 : i32 to index
        %get3A_3212 = arith.constant 144 : index
        %get3A_3213 = tpu.vector_load %arg7[%get3A_3211, %get3A_3212] {strides = array<i32>} : memref<16x512xf32, #tpu.memory_space<vmem>>, vector<1x16xf32>,
        %get3A_3214 = vector.shape_cast %get3A_3213 : vector<1x16xf32> to vector<16xf32>
        %ge3A_3215 = arith.cmpf oge, %get3A_3214, %max3A_3083 : vector<16xf32>
        %jit3A_3216 = arith.constant 0.000000e+00 : f32
        %broadcast_in_dim3A_3217 = vector.broadcast %jit3A_3216 : f32 to vector<16xf32>
        %select_n3A_3218 = arith.select %ge3A_3215, %get3A_3214, %broadcast_in_dim3A_3217 : vector<16xi1>, vector<16xf32>
        %swap3A_3219 = arith.index_cast %scan3A_180 : i32 to index
        %swap3A_3220 = arith.constant 144 : index
        %swap3A_3221 = tpu.vector_load %arg8[%swap3A_3219, %swap3A_3220] {strides = array<i32>} : memref<16x512xf32, #tpu.memory_space<vmem>>, vector<1x16xf32>,
        %swap3A_3222 = vector.shape_cast %swap3A_3221 : vector<1x16xf32> to vector<16xf32>
        %swap3A_3223 = vector.shape_cast %select_n3A_3218 : vector<16xf32> to vector<1x16xf32>
        tpu.vector_store %arg8[%swap3A_3219, %swap3A_3220], %swap3A_3223 {strides = array<i32>} : memref<16x512xf32, #tpu.memory_space<vmem>>, vector<1x16xf32>,
        %add3A_3224 = arith.addf %add3A_3210, %select_n3A_3218 : vector<16xf32>
        %get3A_3225 = arith.index_cast %scan3A_180 : i32 to index
        %get3A_3226 = arith.constant 160 : index
        %get3A_3227 = tpu.vector_load %arg7[%get3A_3225, %get3A_3226] {strides = array<i32>} : memref<16x512xf32, #tpu.memory_space<vmem>>, vector<1x16xf32>,
        %get3A_3228 = vector.shape_cast %get3A_3227 : vector<1x16xf32> to vector<16xf32>
        %ge3A_3229 = arith.cmpf oge, %get3A_3228, %max3A_3083 : vector<16xf32>
        %jit3A_3230 = arith.constant 0.000000e+00 : f32
        %broadcast_in_dim3A_3231 = vector.broadcast %jit3A_3230 : f32 to vector<16xf32>
        %select_n3A_3232 = arith.select %ge3A_3229, %get3A_3228, %broadcast_in_dim3A_3231 : vector<16xi1>, vector<16xf32>
        %swap3A_3233 = arith.index_cast %scan3A_180 : i32 to index
        %swap3A_3234 = arith.constant 160 : index
        %swap3A_3235 = tpu.vector_load %arg8[%swap3A_3233, %swap3A_3234] {strides = array<i32>} : memref<16x512xf32, #tpu.memory_space<vmem>>, vector<1x16xf32>,
        %swap3A_3236 = vector.shape_cast %swap3A_3235 : vector<1x16xf32> to vector<16xf32>
        %swap3A_3237 = vector.shape_cast %select_n3A_3232 : vector<16xf32> to vector<1x16xf32>
        tpu.vector_store %arg8[%swap3A_3233, %swap3A_3234], %swap3A_3237 {strides = array<i32>} : memref<16x512xf32, #tpu.memory_space<vmem>>, vector<1x16xf32>,
        %add3A_3238 = arith.addf %add3A_3224, %select_n3A_3232 : vector<16xf32>
        %get3A_3239 = arith.index_cast %scan3A_180 : i32 to index
        %get3A_3240 = arith.constant 176 : index
        %get3A_3241 = tpu.vector_load %arg7[%get3A_3239, %get3A_3240] {strides = array<i32>} : memref<16x512xf32, #tpu.memory_space<vmem>>, vector<1x16xf32>,
        %get3A_3242 = vector.shape_cast %get3A_3241 : vector<1x16xf32> to vector<16xf32>
        %ge3A_3243 = arith.cmpf oge, %get3A_3242, %max3A_3083 : vector<16xf32>
        %jit3A_3244 = arith.constant 0.000000e+00 : f32
        %broadcast_in_dim3A_3245 = vector.broadcast %jit3A_3244 : f32 to vector<16xf32>
        %select_n3A_3246 = arith.select %ge3A_3243, %get3A_3242, %broadcast_in_dim3A_3245 : vector<16xi1>, vector<16xf32>
        %swap3A_3247 = arith.index_cast %scan3A_180 : i32 to index
        %swap3A_3248 = arith.constant 176 : index
        %swap3A_3249 = tpu.vector_load %arg8[%swap3A_3247, %swap3A_3248] {strides = array<i32>} : memref<16x512xf32, #tpu.memory_space<vmem>>, vector<1x16xf32>,
        %swap3A_3250 = vector.shape_cast %swap3A_3249 : vector<1x16xf32> to vector<16xf32>
        %swap3A_3251 = vector.shape_cast %select_n3A_3246 : vector<16xf32> to vector<1x16xf32>
        tpu.vector_store %arg8[%swap3A_3247, %swap3A_3248], %swap3A_3251 {strides = array<i32>} : memref<16x512xf32, #tpu.memory_space<vmem>>, vector<1x16xf32>,
        %add3A_3252 = arith.addf %add3A_3238, %select_n3A_3246 : vector<16xf32>
        %get3A_3253 = arith.index_cast %scan3A_180 : i32 to index
        %get3A_3254 = arith.constant 192 : index
        %get3A_3255 = tpu.vector_load %arg7[%get3A_3253, %get3A_3254] {strides = array<i32>} : memref<16x512xf32, #tpu.memory_space<vmem>>, vector<1x16xf32>,
        %get3A_3256 = vector.shape_cast %get3A_3255 : vector<1x16xf32> to vector<16xf32>
        %ge3A_3257 = arith.cmpf oge, %get3A_3256, %max3A_3083 : vector<16xf32>
        %jit3A_3258 = arith.constant 0.000000e+00 : f32
        %broadcast_in_dim3A_3259 = vector.broadcast %jit3A_3258 : f32 to vector<16xf32>
        %select_n3A_3260 = arith.select %ge3A_3257, %get3A_3256, %broadcast_in_dim3A_3259 : vector<16xi1>, vector<16xf32>
        %swap3A_3261 = arith.index_cast %scan3A_180 : i32 to index
        %swap3A_3262 = arith.constant 192 : index
        %swap3A_3263 = tpu.vector_load %arg8[%swap3A_3261, %swap3A_3262] {strides = array<i32>} : memref<16x512xf32, #tpu.memory_space<vmem>>, vector<1x16xf32>,
        %swap3A_3264 = vector.shape_cast %swap3A_3263 : vector<1x16xf32> to vector<16xf32>
        %swap3A_3265 = vector.shape_cast %select_n3A_3260 : vector<16xf32> to vector<1x16xf32>
        tpu.vector_store %arg8[%swap3A_3261, %swap3A_3262], %swap3A_3265 {strides = array<i32>} : memref<16x512xf32, #tpu.memory_space<vmem>>, vector<1x16xf32>,
        %add3A_3266 = arith.addf %add3A_3252, %select_n3A_3260 : vector<16xf32>
        %get3A_3267 = arith.index_cast %scan3A_180 : i32 to index
        %get3A_3268 = arith.constant 208 : index
        %get3A_3269 = tpu.vector_load %arg7[%get3A_3267, %get3A_3268] {strides = array<i32>} : memref<16x512xf32, #tpu.memory_space<vmem>>, vector<1x16xf32>,
        %get3A_3270 = vector.shape_cast %get3A_3269 : vector<1x16xf32> to vector<16xf32>
        %ge3A_3271 = arith.cmpf oge, %get3A_3270, %max3A_3083 : vector<16xf32>
        %jit3A_3272 = arith.constant 0.000000e+00 : f32
        %broadcast_in_dim3A_3273 = vector.broadcast %jit3A_3272 : f32 to vector<16xf32>
        %select_n3A_3274 = arith.select %ge3A_3271, %get3A_3270, %broadcast_in_dim3A_3273 : vector<16xi1>, vector<16xf32>
        %swap3A_3275 = arith.index_cast %scan3A_180 : i32 to index
        %swap3A_3276 = arith.constant 208 : index
        %swap3A_3277 = tpu.vector_load %arg8[%swap3A_3275, %swap3A_3276] {strides = array<i32>} : memref<16x512xf32, #tpu.memory_space<vmem>>, vector<1x16xf32>,
        %swap3A_3278 = vector.shape_cast %swap3A_3277 : vector<1x16xf32> to vector<16xf32>
        %swap3A_3279 = vector.shape_cast %select_n3A_3274 : vector<16xf32> to vector<1x16xf32>
        tpu.vector_store %arg8[%swap3A_3275, %swap3A_3276], %swap3A_3279 {strides = array<i32>} : memref<16x512xf32, #tpu.memory_space<vmem>>, vector<1x16xf32>,
        %add3A_3280 = arith.addf %add3A_3266, %select_n3A_3274 : vector<16xf32>
        %get3A_3281 = arith.index_cast %scan3A_180 : i32 to index
        %get3A_3282 = arith.constant 224 : index
        %get3A_3283 = tpu.vector_load %arg7[%get3A_3281, %get3A_3282] {strides = array<i32>} : memref<16x512xf32, #tpu.memory_space<vmem>>, vector<1x16xf32>,
        %get3A_3284 = vector.shape_cast %get3A_3283 : vector<1x16xf32> to vector<16xf32>
        %ge3A_3285 = arith.cmpf oge, %get3A_3284, %max3A_3083 : vector<16xf32>
        %jit3A_3286 = arith.constant 0.000000e+00 : f32
        %broadcast_in_dim3A_3287 = vector.broadcast %jit3A_3286 : f32 to vector<16xf32>
        %select_n3A_3288 = arith.select %ge3A_3285, %get3A_3284, %broadcast_in_dim3A_3287 : vector<16xi1>, vector<16xf32>
        %swap3A_3289 = arith.index_cast %scan3A_180 : i32 to index
        %swap3A_3290 = arith.constant 224 : index
        %swap3A_3291 = tpu.vector_load %arg8[%swap3A_3289, %swap3A_3290] {strides = array<i32>} : memref<16x512xf32, #tpu.memory_space<vmem>>, vector<1x16xf32>,
        %swap3A_3292 = vector.shape_cast %swap3A_3291 : vector<1x16xf32> to vector<16xf32>
        %swap3A_3293 = vector.shape_cast %select_n3A_3288 : vector<16xf32> to vector<1x16xf32>
        tpu.vector_store %arg8[%swap3A_3289, %swap3A_3290], %swap3A_3293 {strides = array<i32>} : memref<16x512xf32, #tpu.memory_space<vmem>>, vector<1x16xf32>,
        %add3A_3294 = arith.addf %add3A_3280, %select_n3A_3288 : vector<16xf32>
        %get3A_3295 = arith.index_cast %scan3A_180 : i32 to index
        %get3A_3296 = arith.constant 240 : index
        %get3A_3297 = tpu.vector_load %arg7[%get3A_3295, %get3A_3296] {strides = array<i32>} : memref<16x512xf32, #tpu.memory_space<vmem>>, vector<1x16xf32>,
        %get3A_3298 = vector.shape_cast %get3A_3297 : vector<1x16xf32> to vector<16xf32>
        %ge3A_3299 = arith.cmpf oge, %get3A_3298, %max3A_3083 : vector<16xf32>
        %jit3A_3300 = arith.constant 0.000000e+00 : f32
        %broadcast_in_dim3A_3301 = vector.broadcast %jit3A_3300 : f32 to vector<16xf32>
        %select_n3A_3302 = arith.select %ge3A_3299, %get3A_3298, %broadcast_in_dim3A_3301 : vector<16xi1>, vector<16xf32>
        %swap3A_3303 = arith.index_cast %scan3A_180 : i32 to index
        %swap3A_3304 = arith.constant 240 : index
        %swap3A_3305 = tpu.vector_load %arg8[%swap3A_3303, %swap3A_3304] {strides = array<i32>} : memref<16x512xf32, #tpu.memory_space<vmem>>, vector<1x16xf32>,
        %swap3A_3306 = vector.shape_cast %swap3A_3305 : vector<1x16xf32> to vector<16xf32>
        %swap3A_3307 = vector.shape_cast %select_n3A_3302 : vector<16xf32> to vector<1x16xf32>
        tpu.vector_store %arg8[%swap3A_3303, %swap3A_3304], %swap3A_3307 {strides = array<i32>} : memref<16x512xf32, #tpu.memory_space<vmem>>, vector<1x16xf32>,
        %add3A_3308 = arith.addf %add3A_3294, %select_n3A_3302 : vector<16xf32>
        %get3A_3309 = arith.index_cast %scan3A_180 : i32 to index
        %get3A_3310 = arith.constant 256 : index
        %get3A_3311 = tpu.vector_load %arg7[%get3A_3309, %get3A_3310] {strides = array<i32>} : memref<16x512xf32, #tpu.memory_space<vmem>>, vector<1x16xf32>,
        %get3A_3312 = vector.shape_cast %get3A_3311 : vector<1x16xf32> to vector<16xf32>
        %ge3A_3313 = arith.cmpf oge, %get3A_3312, %max3A_3083 : vector<16xf32>
        %jit3A_3314 = arith.constant 0.000000e+00 : f32
        %broadcast_in_dim3A_3315 = vector.broadcast %jit3A_3314 : f32 to vector<16xf32>
        %select_n3A_3316 = arith.select %ge3A_3313, %get3A_3312, %broadcast_in_dim3A_3315 : vector<16xi1>, vector<16xf32>
        %swap3A_3317 = arith.index_cast %scan3A_180 : i32 to index
        %swap3A_3318 = arith.constant 256 : index
        %swap3A_3319 = tpu.vector_load %arg8[%swap3A_3317, %swap3A_3318] {strides = array<i32>} : memref<16x512xf32, #tpu.memory_space<vmem>>, vector<1x16xf32>,
        %swap3A_3320 = vector.shape_cast %swap3A_3319 : vector<1x16xf32> to vector<16xf32>
        %swap3A_3321 = vector.shape_cast %select_n3A_3316 : vector<16xf32> to vector<1x16xf32>
        tpu.vector_store %arg8[%swap3A_3317, %swap3A_3318], %swap3A_3321 {strides = array<i32>} : memref<16x512xf32, #tpu.memory_space<vmem>>, vector<1x16xf32>,
        %add3A_3322 = arith.addf %add3A_3308, %select_n3A_3316 : vector<16xf32>
        %get3A_3323 = arith.index_cast %scan3A_180 : i32 to index
        %get3A_3324 = arith.constant 272 : index
        %get3A_3325 = tpu.vector_load %arg7[%get3A_3323, %get3A_3324] {strides = array<i32>} : memref<16x512xf32, #tpu.memory_space<vmem>>, vector<1x16xf32>,
        %get3A_3326 = vector.shape_cast %get3A_3325 : vector<1x16xf32> to vector<16xf32>
        %ge3A_3327 = arith.cmpf oge, %get3A_3326, %max3A_3083 : vector<16xf32>
        %jit3A_3328 = arith.constant 0.000000e+00 : f32
        %broadcast_in_dim3A_3329 = vector.broadcast %jit3A_3328 : f32 to vector<16xf32>
        %select_n3A_3330 = arith.select %ge3A_3327, %get3A_3326, %broadcast_in_dim3A_3329 : vector<16xi1>, vector<16xf32>
        %swap3A_3331 = arith.index_cast %scan3A_180 : i32 to index
        %swap3A_3332 = arith.constant 272 : index
        %swap3A_3333 = tpu.vector_load %arg8[%swap3A_3331, %swap3A_3332] {strides = array<i32>} : memref<16x512xf32, #tpu.memory_space<vmem>>, vector<1x16xf32>,
        %swap3A_3334 = vector.shape_cast %swap3A_3333 : vector<1x16xf32> to vector<16xf32>
        %swap3A_3335 = vector.shape_cast %select_n3A_3330 : vector<16xf32> to vector<1x16xf32>
        tpu.vector_store %arg8[%swap3A_3331, %swap3A_3332], %swap3A_3335 {strides = array<i32>} : memref<16x512xf32, #tpu.memory_space<vmem>>, vector<1x16xf32>,
        %add3A_3336 = arith.addf %add3A_3322, %select_n3A_3330 : vector<16xf32>
        %get3A_3337 = arith.index_cast %scan3A_180 : i32 to index
        %get3A_3338 = arith.constant 288 : index
        %get3A_3339 = tpu.vector_load %arg7[%get3A_3337, %get3A_3338] {strides = array<i32>} : memref<16x512xf32, #tpu.memory_space<vmem>>, vector<1x16xf32>,
        %get3A_3340 = vector.shape_cast %get3A_3339 : vector<1x16xf32> to vector<16xf32>
        %ge3A_3341 = arith.cmpf oge, %get3A_3340, %max3A_3083 : vector<16xf32>
        %jit3A_3342 = arith.constant 0.000000e+00 : f32
        %broadcast_in_dim3A_3343 = vector.broadcast %jit3A_3342 : f32 to vector<16xf32>
        %select_n3A_3344 = arith.select %ge3A_3341, %get3A_3340, %broadcast_in_dim3A_3343 : vector<16xi1>, vector<16xf32>
        %swap3A_3345 = arith.index_cast %scan3A_180 : i32 to index
        %swap3A_3346 = arith.constant 288 : index
        %swap3A_3347 = tpu.vector_load %arg8[%swap3A_3345, %swap3A_3346] {strides = array<i32>} : memref<16x512xf32, #tpu.memory_space<vmem>>, vector<1x16xf32>,
        %swap3A_3348 = vector.shape_cast %swap3A_3347 : vector<1x16xf32> to vector<16xf32>
        %swap3A_3349 = vector.shape_cast %select_n3A_3344 : vector<16xf32> to vector<1x16xf32>
        tpu.vector_store %arg8[%swap3A_3345, %swap3A_3346], %swap3A_3349 {strides = array<i32>} : memref<16x512xf32, #tpu.memory_space<vmem>>, vector<1x16xf32>,
        %add3A_3350 = arith.addf %add3A_3336, %select_n3A_3344 : vector<16xf32>
        %get3A_3351 = arith.index_cast %scan3A_180 : i32 to index
        %get3A_3352 = arith.constant 304 : index
        %get3A_3353 = tpu.vector_load %arg7[%get3A_3351, %get3A_3352] {strides = array<i32>} : memref<16x512xf32, #tpu.memory_space<vmem>>, vector<1x16xf32>,
        %get3A_3354 = vector.shape_cast %get3A_3353 : vector<1x16xf32> to vector<16xf32>
        %ge3A_3355 = arith.cmpf oge, %get3A_3354, %max3A_3083 : vector<16xf32>
        %jit3A_3356 = arith.constant 0.000000e+00 : f32
        %broadcast_in_dim3A_3357 = vector.broadcast %jit3A_3356 : f32 to vector<16xf32>
        %select_n3A_3358 = arith.select %ge3A_3355, %get3A_3354, %broadcast_in_dim3A_3357 : vector<16xi1>, vector<16xf32>
        %swap3A_3359 = arith.index_cast %scan3A_180 : i32 to index
        %swap3A_3360 = arith.constant 304 : index
        %swap3A_3361 = tpu.vector_load %arg8[%swap3A_3359, %swap3A_3360] {strides = array<i32>} : memref<16x512xf32, #tpu.memory_space<vmem>>, vector<1x16xf32>,
        %swap3A_3362 = vector.shape_cast %swap3A_3361 : vector<1x16xf32> to vector<16xf32>
        %swap3A_3363 = vector.shape_cast %select_n3A_3358 : vector<16xf32> to vector<1x16xf32>
        tpu.vector_store %arg8[%swap3A_3359, %swap3A_3360], %swap3A_3363 {strides = array<i32>} : memref<16x512xf32, #tpu.memory_space<vmem>>, vector<1x16xf32>,
        %add3A_3364 = arith.addf %add3A_3350, %select_n3A_3358 : vector<16xf32>
        %get3A_3365 = arith.index_cast %scan3A_180 : i32 to index
        %get3A_3366 = arith.constant 320 : index
        %get3A_3367 = tpu.vector_load %arg7[%get3A_3365, %get3A_3366] {strides = array<i32>} : memref<16x512xf32, #tpu.memory_space<vmem>>, vector<1x16xf32>,
        %get3A_3368 = vector.shape_cast %get3A_3367 : vector<1x16xf32> to vector<16xf32>
        %ge3A_3369 = arith.cmpf oge, %get3A_3368, %max3A_3083 : vector<16xf32>
        %jit3A_3370 = arith.constant 0.000000e+00 : f32
        %broadcast_in_dim3A_3371 = vector.broadcast %jit3A_3370 : f32 to vector<16xf32>
        %select_n3A_3372 = arith.select %ge3A_3369, %get3A_3368, %broadcast_in_dim3A_3371 : vector<16xi1>, vector<16xf32>
        %swap3A_3373 = arith.index_cast %scan3A_180 : i32 to index
        %swap3A_3374 = arith.constant 320 : index
        %swap3A_3375 = tpu.vector_load %arg8[%swap3A_3373, %swap3A_3374] {strides = array<i32>} : memref<16x512xf32, #tpu.memory_space<vmem>>, vector<1x16xf32>,
        %swap3A_3376 = vector.shape_cast %swap3A_3375 : vector<1x16xf32> to vector<16xf32>
        %swap3A_3377 = vector.shape_cast %select_n3A_3372 : vector<16xf32> to vector<1x16xf32>
        tpu.vector_store %arg8[%swap3A_3373, %swap3A_3374], %swap3A_3377 {strides = array<i32>} : memref<16x512xf32, #tpu.memory_space<vmem>>, vector<1x16xf32>,
        %add3A_3378 = arith.addf %add3A_3364, %select_n3A_3372 : vector<16xf32>
        %get3A_3379 = arith.index_cast %scan3A_180 : i32 to index
        %get3A_3380 = arith.constant 336 : index
        %get3A_3381 = tpu.vector_load %arg7[%get3A_3379, %get3A_3380] {strides = array<i32>} : memref<16x512xf32, #tpu.memory_space<vmem>>, vector<1x16xf32>,
        %get3A_3382 = vector.shape_cast %get3A_3381 : vector<1x16xf32> to vector<16xf32>
        %ge3A_3383 = arith.cmpf oge, %get3A_3382, %max3A_3083 : vector<16xf32>
        %jit3A_3384 = arith.constant 0.000000e+00 : f32
        %broadcast_in_dim3A_3385 = vector.broadcast %jit3A_3384 : f32 to vector<16xf32>
        %select_n3A_3386 = arith.select %ge3A_3383, %get3A_3382, %broadcast_in_dim3A_3385 : vector<16xi1>, vector<16xf32>
        %swap3A_3387 = arith.index_cast %scan3A_180 : i32 to index
        %swap3A_3388 = arith.constant 336 : index
        %swap3A_3389 = tpu.vector_load %arg8[%swap3A_3387, %swap3A_3388] {strides = array<i32>} : memref<16x512xf32, #tpu.memory_space<vmem>>, vector<1x16xf32>,
        %swap3A_3390 = vector.shape_cast %swap3A_3389 : vector<1x16xf32> to vector<16xf32>
        %swap3A_3391 = vector.shape_cast %select_n3A_3386 : vector<16xf32> to vector<1x16xf32>
        tpu.vector_store %arg8[%swap3A_3387, %swap3A_3388], %swap3A_3391 {strides = array<i32>} : memref<16x512xf32, #tpu.memory_space<vmem>>, vector<1x16xf32>,
        %add3A_3392 = arith.addf %add3A_3378, %select_n3A_3386 : vector<16xf32>
        %get3A_3393 = arith.index_cast %scan3A_180 : i32 to index
        %get3A_3394 = arith.constant 352 : index
        %get3A_3395 = tpu.vector_load %arg7[%get3A_3393, %get3A_3394] {strides = array<i32>} : memref<16x512xf32, #tpu.memory_space<vmem>>, vector<1x16xf32>,
        %get3A_3396 = vector.shape_cast %get3A_3395 : vector<1x16xf32> to vector<16xf32>
        %ge3A_3397 = arith.cmpf oge, %get3A_3396, %max3A_3083 : vector<16xf32>
        %jit3A_3398 = arith.constant 0.000000e+00 : f32
        %broadcast_in_dim3A_3399 = vector.broadcast %jit3A_3398 : f32 to vector<16xf32>
        %select_n3A_3400 = arith.select %ge3A_3397, %get3A_3396, %broadcast_in_dim3A_3399 : vector<16xi1>, vector<16xf32>
        %swap3A_3401 = arith.index_cast %scan3A_180 : i32 to index
        %swap3A_3402 = arith.constant 352 : index
        %swap3A_3403 = tpu.vector_load %arg8[%swap3A_3401, %swap3A_3402] {strides = array<i32>} : memref<16x512xf32, #tpu.memory_space<vmem>>, vector<1x16xf32>,
        %swap3A_3404 = vector.shape_cast %swap3A_3403 : vector<1x16xf32> to vector<16xf32>
        %swap3A_3405 = vector.shape_cast %select_n3A_3400 : vector<16xf32> to vector<1x16xf32>
        tpu.vector_store %arg8[%swap3A_3401, %swap3A_3402], %swap3A_3405 {strides = array<i32>} : memref<16x512xf32, #tpu.memory_space<vmem>>, vector<1x16xf32>,
        %add3A_3406 = arith.addf %add3A_3392, %select_n3A_3400 : vector<16xf32>
        %get3A_3407 = arith.index_cast %scan3A_180 : i32 to index
        %get3A_3408 = arith.constant 368 : index
        %get3A_3409 = tpu.vector_load %arg7[%get3A_3407, %get3A_3408] {strides = array<i32>} : memref<16x512xf32, #tpu.memory_space<vmem>>, vector<1x16xf32>,
        %get3A_3410 = vector.shape_cast %get3A_3409 : vector<1x16xf32> to vector<16xf32>
        %ge3A_3411 = arith.cmpf oge, %get3A_3410, %max3A_3083 : vector<16xf32>
        %jit3A_3412 = arith.constant 0.000000e+00 : f32
        %broadcast_in_dim3A_3413 = vector.broadcast %jit3A_3412 : f32 to vector<16xf32>
        %select_n3A_3414 = arith.select %ge3A_3411, %get3A_3410, %broadcast_in_dim3A_3413 : vector<16xi1>, vector<16xf32>
        %swap3A_3415 = arith.index_cast %scan3A_180 : i32 to index
        %swap3A_3416 = arith.constant 368 : index
        %swap3A_3417 = tpu.vector_load %arg8[%swap3A_3415, %swap3A_3416] {strides = array<i32>} : memref<16x512xf32, #tpu.memory_space<vmem>>, vector<1x16xf32>,
        %swap3A_3418 = vector.shape_cast %swap3A_3417 : vector<1x16xf32> to vector<16xf32>
        %swap3A_3419 = vector.shape_cast %select_n3A_3414 : vector<16xf32> to vector<1x16xf32>
        tpu.vector_store %arg8[%swap3A_3415, %swap3A_3416], %swap3A_3419 {strides = array<i32>} : memref<16x512xf32, #tpu.memory_space<vmem>>, vector<1x16xf32>,
        %add3A_3420 = arith.addf %add3A_3406, %select_n3A_3414 : vector<16xf32>
        %get3A_3421 = arith.index_cast %scan3A_180 : i32 to index
        %get3A_3422 = arith.constant 384 : index
        %get3A_3423 = tpu.vector_load %arg7[%get3A_3421, %get3A_3422] {strides = array<i32>} : memref<16x512xf32, #tpu.memory_space<vmem>>, vector<1x16xf32>,
        %get3A_3424 = vector.shape_cast %get3A_3423 : vector<1x16xf32> to vector<16xf32>
        %ge3A_3425 = arith.cmpf oge, %get3A_3424, %max3A_3083 : vector<16xf32>
        %jit3A_3426 = arith.constant 0.000000e+00 : f32
        %broadcast_in_dim3A_3427 = vector.broadcast %jit3A_3426 : f32 to vector<16xf32>
        %select_n3A_3428 = arith.select %ge3A_3425, %get3A_3424, %broadcast_in_dim3A_3427 : vector<16xi1>, vector<16xf32>
        %swap3A_3429 = arith.index_cast %scan3A_180 : i32 to index
        %swap3A_3430 = arith.constant 384 : index
        %swap3A_3431 = tpu.vector_load %arg8[%swap3A_3429, %swap3A_3430] {strides = array<i32>} : memref<16x512xf32, #tpu.memory_space<vmem>>, vector<1x16xf32>,
        %swap3A_3432 = vector.shape_cast %swap3A_3431 : vector<1x16xf32> to vector<16xf32>
        %swap3A_3433 = vector.shape_cast %select_n3A_3428 : vector<16xf32> to vector<1x16xf32>
        tpu.vector_store %arg8[%swap3A_3429, %swap3A_3430], %swap3A_3433 {strides = array<i32>} : memref<16x512xf32, #tpu.memory_space<vmem>>, vector<1x16xf32>,
        %add3A_3434 = arith.addf %add3A_3420, %select_n3A_3428 : vector<16xf32>
        %get3A_3435 = arith.index_cast %scan3A_180 : i32 to index
        %get3A_3436 = arith.constant 400 : index
        %get3A_3437 = tpu.vector_load %arg7[%get3A_3435, %get3A_3436] {strides = array<i32>} : memref<16x512xf32, #tpu.memory_space<vmem>>, vector<1x16xf32>,
        %get3A_3438 = vector.shape_cast %get3A_3437 : vector<1x16xf32> to vector<16xf32>
        %ge3A_3439 = arith.cmpf oge, %get3A_3438, %max3A_3083 : vector<16xf32>
        %jit3A_3440 = arith.constant 0.000000e+00 : f32
        %broadcast_in_dim3A_3441 = vector.broadcast %jit3A_3440 : f32 to vector<16xf32>
        %select_n3A_3442 = arith.select %ge3A_3439, %get3A_3438, %broadcast_in_dim3A_3441 : vector<16xi1>, vector<16xf32>
        %swap3A_3443 = arith.index_cast %scan3A_180 : i32 to index
        %swap3A_3444 = arith.constant 400 : index
        %swap3A_3445 = tpu.vector_load %arg8[%swap3A_3443, %swap3A_3444] {strides = array<i32>} : memref<16x512xf32, #tpu.memory_space<vmem>>, vector<1x16xf32>,
        %swap3A_3446 = vector.shape_cast %swap3A_3445 : vector<1x16xf32> to vector<16xf32>
        %swap3A_3447 = vector.shape_cast %select_n3A_3442 : vector<16xf32> to vector<1x16xf32>
        tpu.vector_store %arg8[%swap3A_3443, %swap3A_3444], %swap3A_3447 {strides = array<i32>} : memref<16x512xf32, #tpu.memory_space<vmem>>, vector<1x16xf32>,
        %add3A_3448 = arith.addf %add3A_3434, %select_n3A_3442 : vector<16xf32>
        %get3A_3449 = arith.index_cast %scan3A_180 : i32 to index
        %get3A_3450 = arith.constant 416 : index
        %get3A_3451 = tpu.vector_load %arg7[%get3A_3449, %get3A_3450] {strides = array<i32>} : memref<16x512xf32, #tpu.memory_space<vmem>>, vector<1x16xf32>,
        %get3A_3452 = vector.shape_cast %get3A_3451 : vector<1x16xf32> to vector<16xf32>
        %ge3A_3453 = arith.cmpf oge, %get3A_3452, %max3A_3083 : vector<16xf32>
        %jit3A_3454 = arith.constant 0.000000e+00 : f32
        %broadcast_in_dim3A_3455 = vector.broadcast %jit3A_3454 : f32 to vector<16xf32>
        %select_n3A_3456 = arith.select %ge3A_3453, %get3A_3452, %broadcast_in_dim3A_3455 : vector<16xi1>, vector<16xf32>
        %swap3A_3457 = arith.index_cast %scan3A_180 : i32 to index
        %swap3A_3458 = arith.constant 416 : index
        %swap3A_3459 = tpu.vector_load %arg8[%swap3A_3457, %swap3A_3458] {strides = array<i32>} : memref<16x512xf32, #tpu.memory_space<vmem>>, vector<1x16xf32>,
        %swap3A_3460 = vector.shape_cast %swap3A_3459 : vector<1x16xf32> to vector<16xf32>
        %swap3A_3461 = vector.shape_cast %select_n3A_3456 : vector<16xf32> to vector<1x16xf32>
        tpu.vector_store %arg8[%swap3A_3457, %swap3A_3458], %swap3A_3461 {strides = array<i32>} : memref<16x512xf32, #tpu.memory_space<vmem>>, vector<1x16xf32>,
        %add3A_3462 = arith.addf %add3A_3448, %select_n3A_3456 : vector<16xf32>
        %get3A_3463 = arith.index_cast %scan3A_180 : i32 to index
        %get3A_3464 = arith.constant 432 : index
        %get3A_3465 = tpu.vector_load %arg7[%get3A_3463, %get3A_3464] {strides = array<i32>} : memref<16x512xf32, #tpu.memory_space<vmem>>, vector<1x16xf32>,
        %get3A_3466 = vector.shape_cast %get3A_3465 : vector<1x16xf32> to vector<16xf32>
        %ge3A_3467 = arith.cmpf oge, %get3A_3466, %max3A_3083 : vector<16xf32>
        %jit3A_3468 = arith.constant 0.000000e+00 : f32
        %broadcast_in_dim3A_3469 = vector.broadcast %jit3A_3468 : f32 to vector<16xf32>
        %select_n3A_3470 = arith.select %ge3A_3467, %get3A_3466, %broadcast_in_dim3A_3469 : vector<16xi1>, vector<16xf32>
        %swap3A_3471 = arith.index_cast %scan3A_180 : i32 to index
        %swap3A_3472 = arith.constant 432 : index
        %swap3A_3473 = tpu.vector_load %arg8[%swap3A_3471, %swap3A_3472] {strides = array<i32>} : memref<16x512xf32, #tpu.memory_space<vmem>>, vector<1x16xf32>,
        %swap3A_3474 = vector.shape_cast %swap3A_3473 : vector<1x16xf32> to vector<16xf32>
        %swap3A_3475 = vector.shape_cast %select_n3A_3470 : vector<16xf32> to vector<1x16xf32>
        tpu.vector_store %arg8[%swap3A_3471, %swap3A_3472], %swap3A_3475 {strides = array<i32>} : memref<16x512xf32, #tpu.memory_space<vmem>>, vector<1x16xf32>,
        %add3A_3476 = arith.addf %add3A_3462, %select_n3A_3470 : vector<16xf32>
        %get3A_3477 = arith.index_cast %scan3A_180 : i32 to index
        %get3A_3478 = arith.constant 448 : index
        %get3A_3479 = tpu.vector_load %arg7[%get3A_3477, %get3A_3478] {strides = array<i32>} : memref<16x512xf32, #tpu.memory_space<vmem>>, vector<1x16xf32>,
        %get3A_3480 = vector.shape_cast %get3A_3479 : vector<1x16xf32> to vector<16xf32>
        %ge3A_3481 = arith.cmpf oge, %get3A_3480, %max3A_3083 : vector<16xf32>
        %jit3A_3482 = arith.constant 0.000000e+00 : f32
        %broadcast_in_dim3A_3483 = vector.broadcast %jit3A_3482 : f32 to vector<16xf32>
        %select_n3A_3484 = arith.select %ge3A_3481, %get3A_3480, %broadcast_in_dim3A_3483 : vector<16xi1>, vector<16xf32>
        %swap3A_3485 = arith.index_cast %scan3A_180 : i32 to index
        %swap3A_3486 = arith.constant 448 : index
        %swap3A_3487 = tpu.vector_load %arg8[%swap3A_3485, %swap3A_3486] {strides = array<i32>} : memref<16x512xf32, #tpu.memory_space<vmem>>, vector<1x16xf32>,
        %swap3A_3488 = vector.shape_cast %swap3A_3487 : vector<1x16xf32> to vector<16xf32>
        %swap3A_3489 = vector.shape_cast %select_n3A_3484 : vector<16xf32> to vector<1x16xf32>
        tpu.vector_store %arg8[%swap3A_3485, %swap3A_3486], %swap3A_3489 {strides = array<i32>} : memref<16x512xf32, #tpu.memory_space<vmem>>, vector<1x16xf32>,
        %add3A_3490 = arith.addf %add3A_3476, %select_n3A_3484 : vector<16xf32>
        %get3A_3491 = arith.index_cast %scan3A_180 : i32 to index
        %get3A_3492 = arith.constant 464 : index
        %get3A_3493 = tpu.vector_load %arg7[%get3A_3491, %get3A_3492] {strides = array<i32>} : memref<16x512xf32, #tpu.memory_space<vmem>>, vector<1x16xf32>,
        %get3A_3494 = vector.shape_cast %get3A_3493 : vector<1x16xf32> to vector<16xf32>
        %ge3A_3495 = arith.cmpf oge, %get3A_3494, %max3A_3083 : vector<16xf32>
        %jit3A_3496 = arith.constant 0.000000e+00 : f32
        %broadcast_in_dim3A_3497 = vector.broadcast %jit3A_3496 : f32 to vector<16xf32>
        %select_n3A_3498 = arith.select %ge3A_3495, %get3A_3494, %broadcast_in_dim3A_3497 : vector<16xi1>, vector<16xf32>
        %swap3A_3499 = arith.index_cast %scan3A_180 : i32 to index
        %swap3A_3500 = arith.constant 464 : index
        %swap3A_3501 = tpu.vector_load %arg8[%swap3A_3499, %swap3A_3500] {strides = array<i32>} : memref<16x512xf32, #tpu.memory_space<vmem>>, vector<1x16xf32>,
        %swap3A_3502 = vector.shape_cast %swap3A_3501 : vector<1x16xf32> to vector<16xf32>
        %swap3A_3503 = vector.shape_cast %select_n3A_3498 : vector<16xf32> to vector<1x16xf32>
        tpu.vector_store %arg8[%swap3A_3499, %swap3A_3500], %swap3A_3503 {strides = array<i32>} : memref<16x512xf32, #tpu.memory_space<vmem>>, vector<1x16xf32>,
        %add3A_3504 = arith.addf %add3A_3490, %select_n3A_3498 : vector<16xf32>
        %get3A_3505 = arith.index_cast %scan3A_180 : i32 to index
        %get3A_3506 = arith.constant 480 : index
        %get3A_3507 = tpu.vector_load %arg7[%get3A_3505, %get3A_3506] {strides = array<i32>} : memref<16x512xf32, #tpu.memory_space<vmem>>, vector<1x16xf32>,
        %get3A_3508 = vector.shape_cast %get3A_3507 : vector<1x16xf32> to vector<16xf32>
        %ge3A_3509 = arith.cmpf oge, %get3A_3508, %max3A_3083 : vector<16xf32>
        %jit3A_3510 = arith.constant 0.000000e+00 : f32
        %broadcast_in_dim3A_3511 = vector.broadcast %jit3A_3510 : f32 to vector<16xf32>
        %select_n3A_3512 = arith.select %ge3A_3509, %get3A_3508, %broadcast_in_dim3A_3511 : vector<16xi1>, vector<16xf32>
        %swap3A_3513 = arith.index_cast %scan3A_180 : i32 to index
        %swap3A_3514 = arith.constant 480 : index
        %swap3A_3515 = tpu.vector_load %arg8[%swap3A_3513, %swap3A_3514] {strides = array<i32>} : memref<16x512xf32, #tpu.memory_space<vmem>>, vector<1x16xf32>,
        %swap3A_3516 = vector.shape_cast %swap3A_3515 : vector<1x16xf32> to vector<16xf32>
        %swap3A_3517 = vector.shape_cast %select_n3A_3512 : vector<16xf32> to vector<1x16xf32>
        tpu.vector_store %arg8[%swap3A_3513, %swap3A_3514], %swap3A_3517 {strides = array<i32>} : memref<16x512xf32, #tpu.memory_space<vmem>>, vector<1x16xf32>,
        %add3A_3518 = arith.addf %add3A_3504, %select_n3A_3512 : vector<16xf32>
        %get3A_3519 = arith.index_cast %scan3A_180 : i32 to index
        %get3A_3520 = arith.constant 496 : index
        %get3A_3521 = tpu.vector_load %arg7[%get3A_3519, %get3A_3520] {strides = array<i32>} : memref<16x512xf32, #tpu.memory_space<vmem>>, vector<1x16xf32>,
        %get3A_3522 = vector.shape_cast %get3A_3521 : vector<1x16xf32> to vector<16xf32>
        %ge3A_3523 = arith.cmpf oge, %get3A_3522, %max3A_3083 : vector<16xf32>
        %jit3A_3524 = arith.constant 0.000000e+00 : f32
        %broadcast_in_dim3A_3525 = vector.broadcast %jit3A_3524 : f32 to vector<16xf32>
        %select_n3A_3526 = arith.select %ge3A_3523, %get3A_3522, %broadcast_in_dim3A_3525 : vector<16xi1>, vector<16xf32>
        %swap3A_3527 = arith.index_cast %scan3A_180 : i32 to index
        %swap3A_3528 = arith.constant 496 : index
        %swap3A_3529 = tpu.vector_load %arg8[%swap3A_3527, %swap3A_3528] {strides = array<i32>} : memref<16x512xf32, #tpu.memory_space<vmem>>, vector<1x16xf32>,
        %swap3A_3530 = vector.shape_cast %swap3A_3529 : vector<1x16xf32> to vector<16xf32>
        %swap3A_3531 = vector.shape_cast %select_n3A_3526 : vector<16xf32> to vector<1x16xf32>
        tpu.vector_store %arg8[%swap3A_3527, %swap3A_3528], %swap3A_3531 {strides = array<i32>} : memref<16x512xf32, #tpu.memory_space<vmem>>, vector<1x16xf32>,
        %add3A_3532 = arith.addf %add3A_3518, %select_n3A_3526 : vector<16xf32>
        %xor3A_3533 = arith.constant 8 : i32
        %xor3A_3534 = vector.broadcast %xor3A_3533 : i32 to vector<16xi32>
        %xor3A_3535 = arith.xori %iota3A, %xor3A_3534 : vector<16xi32>
        %broadcast_in_dim3A_3536 = vector.shape_cast %xor3A_3535 : vector<16xi32> to vector<16x1xi32>
        %gather3A_3537 = vector.shape_cast %broadcast_in_dim3A_3536 : vector<16x1xi32> to vector<16xi32>
        %gather3A_3538 = tpu.dynamic_gather %add3A_3532[%gather3A_3537] in [0] : vector<16xf32>, vector<16xi32> -> vector<16xf32>
        %add3A_3539 = arith.addf %add3A_3532, %gather3A_3538 : vector<16xf32>
        %xor3A_3540 = arith.constant 4 : i32
        %xor3A_3541 = vector.broadcast %xor3A_3540 : i32 to vector<16xi32>
        %xor3A_3542 = arith.xori %iota3A, %xor3A_3541 : vector<16xi32>
        %broadcast_in_dim3A_3543 = vector.shape_cast %xor3A_3542 : vector<16xi32> to vector<16x1xi32>
        %gather3A_3544 = vector.shape_cast %broadcast_in_dim3A_3543 : vector<16x1xi32> to vector<16xi32>
        %gather3A_3545 = tpu.dynamic_gather %add3A_3539[%gather3A_3544] in [0] : vector<16xf32>, vector<16xi32> -> vector<16xf32>
        %add3A_3546 = arith.addf %add3A_3539, %gather3A_3545 : vector<16xf32>
        %xor3A_3547 = arith.constant 2 : i32
        %xor3A_3548 = vector.broadcast %xor3A_3547 : i32 to vector<16xi32>
        %xor3A_3549 = arith.xori %iota3A, %xor3A_3548 : vector<16xi32>
        %broadcast_in_dim3A_3550 = vector.shape_cast %xor3A_3549 : vector<16xi32> to vector<16x1xi32>
        %gather3A_3551 = vector.shape_cast %broadcast_in_dim3A_3550 : vector<16x1xi32> to vector<16xi32>
        %gather3A_3552 = tpu.dynamic_gather %add3A_3546[%gather3A_3551] in [0] : vector<16xf32>, vector<16xi32> -> vector<16xf32>
        %add3A_3553 = arith.addf %add3A_3546, %gather3A_3552 : vector<16xf32>
        %xor3A_3554 = arith.constant 1 : i32
        %xor3A_3555 = vector.broadcast %xor3A_3554 : i32 to vector<16xi32>
        %xor3A_3556 = arith.xori %iota3A, %xor3A_3555 : vector<16xi32>
        %broadcast_in_dim3A_3557 = vector.shape_cast %xor3A_3556 : vector<16xi32> to vector<16x1xi32>
        %gather3A_3558 = vector.shape_cast %broadcast_in_dim3A_3557 : vector<16x1xi32> to vector<16xi32>
        %gather3A_3559 = tpu.dynamic_gather %add3A_3553[%gather3A_3558] in [0] : vector<16xf32>, vector<16xi32> -> vector<16xf32>
        %add3A_3560 = arith.addf %add3A_3553, %gather3A_3559 : vector<16xf32>
        %max3A_3561 = arith.constant 9.99999996E-13 : f32
        %max3A_3562 = vector.broadcast %max3A_3561 : f32 to vector<16xf32>
        %max3A_3563 = arith.maximumf %add3A_3560, %max3A_3562 : vector<16xf32>
        %div3A_3564 = arith.constant 1.000000e+00 : f32
        %div3A_3565 = vector.broadcast %div3A_3564 : f32 to vector<16xf32>
        %div3A_3566 = arith.divf %div3A_3565, %max3A_3563 : vector<16xf32>
        %get3A_3567 = arith.index_cast %scan3A_180 : i32 to index
        %get3A_3568 = arith.constant 0 : index
        %get3A_3569 = tpu.vector_load %arg8[%get3A_3567, %get3A_3568] {strides = array<i32>} : memref<16x512xf32, #tpu.memory_space<vmem>>, vector<1x16xf32>,
        %get3A_3570 = vector.shape_cast %get3A_3569 : vector<1x16xf32> to vector<16xf32>
        %mul3A_3571 = arith.mulf %get3A_3570, %div3A_3566 : vector<16xf32>
        %swap3A_3572 = arith.index_cast %scan3A_180 : i32 to index
        %swap3A_3573 = arith.constant 0 : index
        %swap3A_3574 = tpu.vector_load %arg8[%swap3A_3572, %swap3A_3573] {strides = array<i32>} : memref<16x512xf32, #tpu.memory_space<vmem>>, vector<1x16xf32>,
        %swap3A_3575 = vector.shape_cast %swap3A_3574 : vector<1x16xf32> to vector<16xf32>
        %swap3A_3576 = vector.shape_cast %mul3A_3571 : vector<16xf32> to vector<1x16xf32>
        tpu.vector_store %arg8[%swap3A_3572, %swap3A_3573], %swap3A_3576 {strides = array<i32>} : memref<16x512xf32, #tpu.memory_space<vmem>>, vector<1x16xf32>,
        %get3A_3577 = arith.index_cast %scan3A_180 : i32 to index
        %get3A_3578 = arith.constant 16 : index
        %get3A_3579 = tpu.vector_load %arg8[%get3A_3577, %get3A_3578] {strides = array<i32>} : memref<16x512xf32, #tpu.memory_space<vmem>>, vector<1x16xf32>,
        %get3A_3580 = vector.shape_cast %get3A_3579 : vector<1x16xf32> to vector<16xf32>
        %mul3A_3581 = arith.mulf %get3A_3580, %div3A_3566 : vector<16xf32>
        %swap3A_3582 = arith.index_cast %scan3A_180 : i32 to index
        %swap3A_3583 = arith.constant 16 : index
        %swap3A_3584 = tpu.vector_load %arg8[%swap3A_3582, %swap3A_3583] {strides = array<i32>} : memref<16x512xf32, #tpu.memory_space<vmem>>, vector<1x16xf32>,
        %swap3A_3585 = vector.shape_cast %swap3A_3584 : vector<1x16xf32> to vector<16xf32>
        %swap3A_3586 = vector.shape_cast %mul3A_3581 : vector<16xf32> to vector<1x16xf32>
        tpu.vector_store %arg8[%swap3A_3582, %swap3A_3583], %swap3A_3586 {strides = array<i32>} : memref<16x512xf32, #tpu.memory_space<vmem>>, vector<1x16xf32>,
        %get3A_3587 = arith.index_cast %scan3A_180 : i32 to index
        %get3A_3588 = arith.constant 32 : index
        %get3A_3589 = tpu.vector_load %arg8[%get3A_3587, %get3A_3588] {strides = array<i32>} : memref<16x512xf32, #tpu.memory_space<vmem>>, vector<1x16xf32>,
        %get3A_3590 = vector.shape_cast %get3A_3589 : vector<1x16xf32> to vector<16xf32>
        %mul3A_3591 = arith.mulf %get3A_3590, %div3A_3566 : vector<16xf32>
        %swap3A_3592 = arith.index_cast %scan3A_180 : i32 to index
        %swap3A_3593 = arith.constant 32 : index
        %swap3A_3594 = tpu.vector_load %arg8[%swap3A_3592, %swap3A_3593] {strides = array<i32>} : memref<16x512xf32, #tpu.memory_space<vmem>>, vector<1x16xf32>,
        %swap3A_3595 = vector.shape_cast %swap3A_3594 : vector<1x16xf32> to vector<16xf32>
        %swap3A_3596 = vector.shape_cast %mul3A_3591 : vector<16xf32> to vector<1x16xf32>
        tpu.vector_store %arg8[%swap3A_3592, %swap3A_3593], %swap3A_3596 {strides = array<i32>} : memref<16x512xf32, #tpu.memory_space<vmem>>, vector<1x16xf32>,
        %get3A_3597 = arith.index_cast %scan3A_180 : i32 to index
        %get3A_3598 = arith.constant 48 : index
        %get3A_3599 = tpu.vector_load %arg8[%get3A_3597, %get3A_3598] {strides = array<i32>} : memref<16x512xf32, #tpu.memory_space<vmem>>, vector<1x16xf32>,
        %get3A_3600 = vector.shape_cast %get3A_3599 : vector<1x16xf32> to vector<16xf32>
        %mul3A_3601 = arith.mulf %get3A_3600, %div3A_3566 : vector<16xf32>
        %swap3A_3602 = arith.index_cast %scan3A_180 : i32 to index
        %swap3A_3603 = arith.constant 48 : index
        %swap3A_3604 = tpu.vector_load %arg8[%swap3A_3602, %swap3A_3603] {strides = array<i32>} : memref<16x512xf32, #tpu.memory_space<vmem>>, vector<1x16xf32>,
        %swap3A_3605 = vector.shape_cast %swap3A_3604 : vector<1x16xf32> to vector<16xf32>
        %swap3A_3606 = vector.shape_cast %mul3A_3601 : vector<16xf32> to vector<1x16xf32>
        tpu.vector_store %arg8[%swap3A_3602, %swap3A_3603], %swap3A_3606 {strides = array<i32>} : memref<16x512xf32, #tpu.memory_space<vmem>>, vector<1x16xf32>,
        %get3A_3607 = arith.index_cast %scan3A_180 : i32 to index
        %get3A_3608 = arith.constant 64 : index
        %get3A_3609 = tpu.vector_load %arg8[%get3A_3607, %get3A_3608] {strides = array<i32>} : memref<16x512xf32, #tpu.memory_space<vmem>>, vector<1x16xf32>,
        %get3A_3610 = vector.shape_cast %get3A_3609 : vector<1x16xf32> to vector<16xf32>
        %mul3A_3611 = arith.mulf %get3A_3610, %div3A_3566 : vector<16xf32>
        %swap3A_3612 = arith.index_cast %scan3A_180 : i32 to index
        %swap3A_3613 = arith.constant 64 : index
        %swap3A_3614 = tpu.vector_load %arg8[%swap3A_3612, %swap3A_3613] {strides = array<i32>} : memref<16x512xf32, #tpu.memory_space<vmem>>, vector<1x16xf32>,
        %swap3A_3615 = vector.shape_cast %swap3A_3614 : vector<1x16xf32> to vector<16xf32>
        %swap3A_3616 = vector.shape_cast %mul3A_3611 : vector<16xf32> to vector<1x16xf32>
        tpu.vector_store %arg8[%swap3A_3612, %swap3A_3613], %swap3A_3616 {strides = array<i32>} : memref<16x512xf32, #tpu.memory_space<vmem>>, vector<1x16xf32>,
        %get3A_3617 = arith.index_cast %scan3A_180 : i32 to index
        %get3A_3618 = arith.constant 80 : index
        %get3A_3619 = tpu.vector_load %arg8[%get3A_3617, %get3A_3618] {strides = array<i32>} : memref<16x512xf32, #tpu.memory_space<vmem>>, vector<1x16xf32>,
        %get3A_3620 = vector.shape_cast %get3A_3619 : vector<1x16xf32> to vector<16xf32>
        %mul3A_3621 = arith.mulf %get3A_3620, %div3A_3566 : vector<16xf32>
        %swap3A_3622 = arith.index_cast %scan3A_180 : i32 to index
        %swap3A_3623 = arith.constant 80 : index
        %swap3A_3624 = tpu.vector_load %arg8[%swap3A_3622, %swap3A_3623] {strides = array<i32>} : memref<16x512xf32, #tpu.memory_space<vmem>>, vector<1x16xf32>,
        %swap3A_3625 = vector.shape_cast %swap3A_3624 : vector<1x16xf32> to vector<16xf32>
        %swap3A_3626 = vector.shape_cast %mul3A_3621 : vector<16xf32> to vector<1x16xf32>
        tpu.vector_store %arg8[%swap3A_3622, %swap3A_3623], %swap3A_3626 {strides = array<i32>} : memref<16x512xf32, #tpu.memory_space<vmem>>, vector<1x16xf32>,
        %get3A_3627 = arith.index_cast %scan3A_180 : i32 to index
        %get3A_3628 = arith.constant 96 : index
        %get3A_3629 = tpu.vector_load %arg8[%get3A_3627, %get3A_3628] {strides = array<i32>} : memref<16x512xf32, #tpu.memory_space<vmem>>, vector<1x16xf32>,
        %get3A_3630 = vector.shape_cast %get3A_3629 : vector<1x16xf32> to vector<16xf32>
        %mul3A_3631 = arith.mulf %get3A_3630, %div3A_3566 : vector<16xf32>
        %swap3A_3632 = arith.index_cast %scan3A_180 : i32 to index
        %swap3A_3633 = arith.constant 96 : index
        %swap3A_3634 = tpu.vector_load %arg8[%swap3A_3632, %swap3A_3633] {strides = array<i32>} : memref<16x512xf32, #tpu.memory_space<vmem>>, vector<1x16xf32>,
        %swap3A_3635 = vector.shape_cast %swap3A_3634 : vector<1x16xf32> to vector<16xf32>
        %swap3A_3636 = vector.shape_cast %mul3A_3631 : vector<16xf32> to vector<1x16xf32>
        tpu.vector_store %arg8[%swap3A_3632, %swap3A_3633], %swap3A_3636 {strides = array<i32>} : memref<16x512xf32, #tpu.memory_space<vmem>>, vector<1x16xf32>,
        %get3A_3637 = arith.index_cast %scan3A_180 : i32 to index
        %get3A_3638 = arith.constant 112 : index
        %get3A_3639 = tpu.vector_load %arg8[%get3A_3637, %get3A_3638] {strides = array<i32>} : memref<16x512xf32, #tpu.memory_space<vmem>>, vector<1x16xf32>,
        %get3A_3640 = vector.shape_cast %get3A_3639 : vector<1x16xf32> to vector<16xf32>
        %mul3A_3641 = arith.mulf %get3A_3640, %div3A_3566 : vector<16xf32>
        %swap3A_3642 = arith.index_cast %scan3A_180 : i32 to index
        %swap3A_3643 = arith.constant 112 : index
        %swap3A_3644 = tpu.vector_load %arg8[%swap3A_3642, %swap3A_3643] {strides = array<i32>} : memref<16x512xf32, #tpu.memory_space<vmem>>, vector<1x16xf32>,
        %swap3A_3645 = vector.shape_cast %swap3A_3644 : vector<1x16xf32> to vector<16xf32>
        %swap3A_3646 = vector.shape_cast %mul3A_3641 : vector<16xf32> to vector<1x16xf32>
        tpu.vector_store %arg8[%swap3A_3642, %swap3A_3643], %swap3A_3646 {strides = array<i32>} : memref<16x512xf32, #tpu.memory_space<vmem>>, vector<1x16xf32>,
        %get3A_3647 = arith.index_cast %scan3A_180 : i32 to index
        %get3A_3648 = arith.constant 128 : index
        %get3A_3649 = tpu.vector_load %arg8[%get3A_3647, %get3A_3648] {strides = array<i32>} : memref<16x512xf32, #tpu.memory_space<vmem>>, vector<1x16xf32>,
        %get3A_3650 = vector.shape_cast %get3A_3649 : vector<1x16xf32> to vector<16xf32>
        %mul3A_3651 = arith.mulf %get3A_3650, %div3A_3566 : vector<16xf32>
        %swap3A_3652 = arith.index_cast %scan3A_180 : i32 to index
        %swap3A_3653 = arith.constant 128 : index
        %swap3A_3654 = tpu.vector_load %arg8[%swap3A_3652, %swap3A_3653] {strides = array<i32>} : memref<16x512xf32, #tpu.memory_space<vmem>>, vector<1x16xf32>,
        %swap3A_3655 = vector.shape_cast %swap3A_3654 : vector<1x16xf32> to vector<16xf32>
        %swap3A_3656 = vector.shape_cast %mul3A_3651 : vector<16xf32> to vector<1x16xf32>
        tpu.vector_store %arg8[%swap3A_3652, %swap3A_3653], %swap3A_3656 {strides = array<i32>} : memref<16x512xf32, #tpu.memory_space<vmem>>, vector<1x16xf32>,
        %get3A_3657 = arith.index_cast %scan3A_180 : i32 to index
        %get3A_3658 = arith.constant 144 : index
        %get3A_3659 = tpu.vector_load %arg8[%get3A_3657, %get3A_3658] {strides = array<i32>} : memref<16x512xf32, #tpu.memory_space<vmem>>, vector<1x16xf32>,
        %get3A_3660 = vector.shape_cast %get3A_3659 : vector<1x16xf32> to vector<16xf32>
        %mul3A_3661 = arith.mulf %get3A_3660, %div3A_3566 : vector<16xf32>
        %swap3A_3662 = arith.index_cast %scan3A_180 : i32 to index
        %swap3A_3663 = arith.constant 144 : index
        %swap3A_3664 = tpu.vector_load %arg8[%swap3A_3662, %swap3A_3663] {strides = array<i32>} : memref<16x512xf32, #tpu.memory_space<vmem>>, vector<1x16xf32>,
        %swap3A_3665 = vector.shape_cast %swap3A_3664 : vector<1x16xf32> to vector<16xf32>
        %swap3A_3666 = vector.shape_cast %mul3A_3661 : vector<16xf32> to vector<1x16xf32>
        tpu.vector_store %arg8[%swap3A_3662, %swap3A_3663], %swap3A_3666 {strides = array<i32>} : memref<16x512xf32, #tpu.memory_space<vmem>>, vector<1x16xf32>,
        %get3A_3667 = arith.index_cast %scan3A_180 : i32 to index
        %get3A_3668 = arith.constant 160 : index
        %get3A_3669 = tpu.vector_load %arg8[%get3A_3667, %get3A_3668] {strides = array<i32>} : memref<16x512xf32, #tpu.memory_space<vmem>>, vector<1x16xf32>,
        %get3A_3670 = vector.shape_cast %get3A_3669 : vector<1x16xf32> to vector<16xf32>
        %mul3A_3671 = arith.mulf %get3A_3670, %div3A_3566 : vector<16xf32>
        %swap3A_3672 = arith.index_cast %scan3A_180 : i32 to index
        %swap3A_3673 = arith.constant 160 : index
        %swap3A_3674 = tpu.vector_load %arg8[%swap3A_3672, %swap3A_3673] {strides = array<i32>} : memref<16x512xf32, #tpu.memory_space<vmem>>, vector<1x16xf32>,
        %swap3A_3675 = vector.shape_cast %swap3A_3674 : vector<1x16xf32> to vector<16xf32>
        %swap3A_3676 = vector.shape_cast %mul3A_3671 : vector<16xf32> to vector<1x16xf32>
        tpu.vector_store %arg8[%swap3A_3672, %swap3A_3673], %swap3A_3676 {strides = array<i32>} : memref<16x512xf32, #tpu.memory_space<vmem>>, vector<1x16xf32>,
        %get3A_3677 = arith.index_cast %scan3A_180 : i32 to index
        %get3A_3678 = arith.constant 176 : index
        %get3A_3679 = tpu.vector_load %arg8[%get3A_3677, %get3A_3678] {strides = array<i32>} : memref<16x512xf32, #tpu.memory_space<vmem>>, vector<1x16xf32>,
        %get3A_3680 = vector.shape_cast %get3A_3679 : vector<1x16xf32> to vector<16xf32>
        %mul3A_3681 = arith.mulf %get3A_3680, %div3A_3566 : vector<16xf32>
        %swap3A_3682 = arith.index_cast %scan3A_180 : i32 to index
        %swap3A_3683 = arith.constant 176 : index
        %swap3A_3684 = tpu.vector_load %arg8[%swap3A_3682, %swap3A_3683] {strides = array<i32>} : memref<16x512xf32, #tpu.memory_space<vmem>>, vector<1x16xf32>,
        %swap3A_3685 = vector.shape_cast %swap3A_3684 : vector<1x16xf32> to vector<16xf32>
        %swap3A_3686 = vector.shape_cast %mul3A_3681 : vector<16xf32> to vector<1x16xf32>
        tpu.vector_store %arg8[%swap3A_3682, %swap3A_3683], %swap3A_3686 {strides = array<i32>} : memref<16x512xf32, #tpu.memory_space<vmem>>, vector<1x16xf32>,
        %get3A_3687 = arith.index_cast %scan3A_180 : i32 to index
        %get3A_3688 = arith.constant 192 : index
        %get3A_3689 = tpu.vector_load %arg8[%get3A_3687, %get3A_3688] {strides = array<i32>} : memref<16x512xf32, #tpu.memory_space<vmem>>, vector<1x16xf32>,
        %get3A_3690 = vector.shape_cast %get3A_3689 : vector<1x16xf32> to vector<16xf32>
        %mul3A_3691 = arith.mulf %get3A_3690, %div3A_3566 : vector<16xf32>
        %swap3A_3692 = arith.index_cast %scan3A_180 : i32 to index
        %swap3A_3693 = arith.constant 192 : index
        %swap3A_3694 = tpu.vector_load %arg8[%swap3A_3692, %swap3A_3693] {strides = array<i32>} : memref<16x512xf32, #tpu.memory_space<vmem>>, vector<1x16xf32>,
        %swap3A_3695 = vector.shape_cast %swap3A_3694 : vector<1x16xf32> to vector<16xf32>
        %swap3A_3696 = vector.shape_cast %mul3A_3691 : vector<16xf32> to vector<1x16xf32>
        tpu.vector_store %arg8[%swap3A_3692, %swap3A_3693], %swap3A_3696 {strides = array<i32>} : memref<16x512xf32, #tpu.memory_space<vmem>>, vector<1x16xf32>,
        %get3A_3697 = arith.index_cast %scan3A_180 : i32 to index
        %get3A_3698 = arith.constant 208 : index
        %get3A_3699 = tpu.vector_load %arg8[%get3A_3697, %get3A_3698] {strides = array<i32>} : memref<16x512xf32, #tpu.memory_space<vmem>>, vector<1x16xf32>,
        %get3A_3700 = vector.shape_cast %get3A_3699 : vector<1x16xf32> to vector<16xf32>
        %mul3A_3701 = arith.mulf %get3A_3700, %div3A_3566 : vector<16xf32>
        %swap3A_3702 = arith.index_cast %scan3A_180 : i32 to index
        %swap3A_3703 = arith.constant 208 : index
        %swap3A_3704 = tpu.vector_load %arg8[%swap3A_3702, %swap3A_3703] {strides = array<i32>} : memref<16x512xf32, #tpu.memory_space<vmem>>, vector<1x16xf32>,
        %swap3A_3705 = vector.shape_cast %swap3A_3704 : vector<1x16xf32> to vector<16xf32>
        %swap3A_3706 = vector.shape_cast %mul3A_3701 : vector<16xf32> to vector<1x16xf32>
        tpu.vector_store %arg8[%swap3A_3702, %swap3A_3703], %swap3A_3706 {strides = array<i32>} : memref<16x512xf32, #tpu.memory_space<vmem>>, vector<1x16xf32>,
        %get3A_3707 = arith.index_cast %scan3A_180 : i32 to index
        %get3A_3708 = arith.constant 224 : index
        %get3A_3709 = tpu.vector_load %arg8[%get3A_3707, %get3A_3708] {strides = array<i32>} : memref<16x512xf32, #tpu.memory_space<vmem>>, vector<1x16xf32>,
        %get3A_3710 = vector.shape_cast %get3A_3709 : vector<1x16xf32> to vector<16xf32>
        %mul3A_3711 = arith.mulf %get3A_3710, %div3A_3566 : vector<16xf32>
        %swap3A_3712 = arith.index_cast %scan3A_180 : i32 to index
        %swap3A_3713 = arith.constant 224 : index
        %swap3A_3714 = tpu.vector_load %arg8[%swap3A_3712, %swap3A_3713] {strides = array<i32>} : memref<16x512xf32, #tpu.memory_space<vmem>>, vector<1x16xf32>,
        %swap3A_3715 = vector.shape_cast %swap3A_3714 : vector<1x16xf32> to vector<16xf32>
        %swap3A_3716 = vector.shape_cast %mul3A_3711 : vector<16xf32> to vector<1x16xf32>
        tpu.vector_store %arg8[%swap3A_3712, %swap3A_3713], %swap3A_3716 {strides = array<i32>} : memref<16x512xf32, #tpu.memory_space<vmem>>, vector<1x16xf32>,
        %get3A_3717 = arith.index_cast %scan3A_180 : i32 to index
        %get3A_3718 = arith.constant 240 : index
        %get3A_3719 = tpu.vector_load %arg8[%get3A_3717, %get3A_3718] {strides = array<i32>} : memref<16x512xf32, #tpu.memory_space<vmem>>, vector<1x16xf32>,
        %get3A_3720 = vector.shape_cast %get3A_3719 : vector<1x16xf32> to vector<16xf32>
        %mul3A_3721 = arith.mulf %get3A_3720, %div3A_3566 : vector<16xf32>
        %swap3A_3722 = arith.index_cast %scan3A_180 : i32 to index
        %swap3A_3723 = arith.constant 240 : index
        %swap3A_3724 = tpu.vector_load %arg8[%swap3A_3722, %swap3A_3723] {strides = array<i32>} : memref<16x512xf32, #tpu.memory_space<vmem>>, vector<1x16xf32>,
        %swap3A_3725 = vector.shape_cast %swap3A_3724 : vector<1x16xf32> to vector<16xf32>
        %swap3A_3726 = vector.shape_cast %mul3A_3721 : vector<16xf32> to vector<1x16xf32>
        tpu.vector_store %arg8[%swap3A_3722, %swap3A_3723], %swap3A_3726 {strides = array<i32>} : memref<16x512xf32, #tpu.memory_space<vmem>>, vector<1x16xf32>,
        %get3A_3727 = arith.index_cast %scan3A_180 : i32 to index
        %get3A_3728 = arith.constant 256 : index
        %get3A_3729 = tpu.vector_load %arg8[%get3A_3727, %get3A_3728] {strides = array<i32>} : memref<16x512xf32, #tpu.memory_space<vmem>>, vector<1x16xf32>,
        %get3A_3730 = vector.shape_cast %get3A_3729 : vector<1x16xf32> to vector<16xf32>
        %mul3A_3731 = arith.mulf %get3A_3730, %div3A_3566 : vector<16xf32>
        %swap3A_3732 = arith.index_cast %scan3A_180 : i32 to index
        %swap3A_3733 = arith.constant 256 : index
        %swap3A_3734 = tpu.vector_load %arg8[%swap3A_3732, %swap3A_3733] {strides = array<i32>} : memref<16x512xf32, #tpu.memory_space<vmem>>, vector<1x16xf32>,
        %swap3A_3735 = vector.shape_cast %swap3A_3734 : vector<1x16xf32> to vector<16xf32>
        %swap3A_3736 = vector.shape_cast %mul3A_3731 : vector<16xf32> to vector<1x16xf32>
        tpu.vector_store %arg8[%swap3A_3732, %swap3A_3733], %swap3A_3736 {strides = array<i32>} : memref<16x512xf32, #tpu.memory_space<vmem>>, vector<1x16xf32>,
        %get3A_3737 = arith.index_cast %scan3A_180 : i32 to index
        %get3A_3738 = arith.constant 272 : index
        %get3A_3739 = tpu.vector_load %arg8[%get3A_3737, %get3A_3738] {strides = array<i32>} : memref<16x512xf32, #tpu.memory_space<vmem>>, vector<1x16xf32>,
        %get3A_3740 = vector.shape_cast %get3A_3739 : vector<1x16xf32> to vector<16xf32>
        %mul3A_3741 = arith.mulf %get3A_3740, %div3A_3566 : vector<16xf32>
        %swap3A_3742 = arith.index_cast %scan3A_180 : i32 to index
        %swap3A_3743 = arith.constant 272 : index
        %swap3A_3744 = tpu.vector_load %arg8[%swap3A_3742, %swap3A_3743] {strides = array<i32>} : memref<16x512xf32, #tpu.memory_space<vmem>>, vector<1x16xf32>,
        %swap3A_3745 = vector.shape_cast %swap3A_3744 : vector<1x16xf32> to vector<16xf32>
        %swap3A_3746 = vector.shape_cast %mul3A_3741 : vector<16xf32> to vector<1x16xf32>
        tpu.vector_store %arg8[%swap3A_3742, %swap3A_3743], %swap3A_3746 {strides = array<i32>} : memref<16x512xf32, #tpu.memory_space<vmem>>, vector<1x16xf32>,
        %get3A_3747 = arith.index_cast %scan3A_180 : i32 to index
        %get3A_3748 = arith.constant 288 : index
        %get3A_3749 = tpu.vector_load %arg8[%get3A_3747, %get3A_3748] {strides = array<i32>} : memref<16x512xf32, #tpu.memory_space<vmem>>, vector<1x16xf32>,
        %get3A_3750 = vector.shape_cast %get3A_3749 : vector<1x16xf32> to vector<16xf32>
        %mul3A_3751 = arith.mulf %get3A_3750, %div3A_3566 : vector<16xf32>
        %swap3A_3752 = arith.index_cast %scan3A_180 : i32 to index
        %swap3A_3753 = arith.constant 288 : index
        %swap3A_3754 = tpu.vector_load %arg8[%swap3A_3752, %swap3A_3753] {strides = array<i32>} : memref<16x512xf32, #tpu.memory_space<vmem>>, vector<1x16xf32>,
        %swap3A_3755 = vector.shape_cast %swap3A_3754 : vector<1x16xf32> to vector<16xf32>
        %swap3A_3756 = vector.shape_cast %mul3A_3751 : vector<16xf32> to vector<1x16xf32>
        tpu.vector_store %arg8[%swap3A_3752, %swap3A_3753], %swap3A_3756 {strides = array<i32>} : memref<16x512xf32, #tpu.memory_space<vmem>>, vector<1x16xf32>,
        %get3A_3757 = arith.index_cast %scan3A_180 : i32 to index
        %get3A_3758 = arith.constant 304 : index
        %get3A_3759 = tpu.vector_load %arg8[%get3A_3757, %get3A_3758] {strides = array<i32>} : memref<16x512xf32, #tpu.memory_space<vmem>>, vector<1x16xf32>,
        %get3A_3760 = vector.shape_cast %get3A_3759 : vector<1x16xf32> to vector<16xf32>
        %mul3A_3761 = arith.mulf %get3A_3760, %div3A_3566 : vector<16xf32>
        %swap3A_3762 = arith.index_cast %scan3A_180 : i32 to index
        %swap3A_3763 = arith.constant 304 : index
        %swap3A_3764 = tpu.vector_load %arg8[%swap3A_3762, %swap3A_3763] {strides = array<i32>} : memref<16x512xf32, #tpu.memory_space<vmem>>, vector<1x16xf32>,
        %swap3A_3765 = vector.shape_cast %swap3A_3764 : vector<1x16xf32> to vector<16xf32>
        %swap3A_3766 = vector.shape_cast %mul3A_3761 : vector<16xf32> to vector<1x16xf32>
        tpu.vector_store %arg8[%swap3A_3762, %swap3A_3763], %swap3A_3766 {strides = array<i32>} : memref<16x512xf32, #tpu.memory_space<vmem>>, vector<1x16xf32>,
        %get3A_3767 = arith.index_cast %scan3A_180 : i32 to index
        %get3A_3768 = arith.constant 320 : index
        %get3A_3769 = tpu.vector_load %arg8[%get3A_3767, %get3A_3768] {strides = array<i32>} : memref<16x512xf32, #tpu.memory_space<vmem>>, vector<1x16xf32>,
        %get3A_3770 = vector.shape_cast %get3A_3769 : vector<1x16xf32> to vector<16xf32>
        %mul3A_3771 = arith.mulf %get3A_3770, %div3A_3566 : vector<16xf32>
        %swap3A_3772 = arith.index_cast %scan3A_180 : i32 to index
        %swap3A_3773 = arith.constant 320 : index
        %swap3A_3774 = tpu.vector_load %arg8[%swap3A_3772, %swap3A_3773] {strides = array<i32>} : memref<16x512xf32, #tpu.memory_space<vmem>>, vector<1x16xf32>,
        %swap3A_3775 = vector.shape_cast %swap3A_3774 : vector<1x16xf32> to vector<16xf32>
        %swap3A_3776 = vector.shape_cast %mul3A_3771 : vector<16xf32> to vector<1x16xf32>
        tpu.vector_store %arg8[%swap3A_3772, %swap3A_3773], %swap3A_3776 {strides = array<i32>} : memref<16x512xf32, #tpu.memory_space<vmem>>, vector<1x16xf32>,
        %get3A_3777 = arith.index_cast %scan3A_180 : i32 to index
        %get3A_3778 = arith.constant 336 : index
        %get3A_3779 = tpu.vector_load %arg8[%get3A_3777, %get3A_3778] {strides = array<i32>} : memref<16x512xf32, #tpu.memory_space<vmem>>, vector<1x16xf32>,
        %get3A_3780 = vector.shape_cast %get3A_3779 : vector<1x16xf32> to vector<16xf32>
        %mul3A_3781 = arith.mulf %get3A_3780, %div3A_3566 : vector<16xf32>
        %swap3A_3782 = arith.index_cast %scan3A_180 : i32 to index
        %swap3A_3783 = arith.constant 336 : index
        %swap3A_3784 = tpu.vector_load %arg8[%swap3A_3782, %swap3A_3783] {strides = array<i32>} : memref<16x512xf32, #tpu.memory_space<vmem>>, vector<1x16xf32>,
        %swap3A_3785 = vector.shape_cast %swap3A_3784 : vector<1x16xf32> to vector<16xf32>
        %swap3A_3786 = vector.shape_cast %mul3A_3781 : vector<16xf32> to vector<1x16xf32>
        tpu.vector_store %arg8[%swap3A_3782, %swap3A_3783], %swap3A_3786 {strides = array<i32>} : memref<16x512xf32, #tpu.memory_space<vmem>>, vector<1x16xf32>,
        %get3A_3787 = arith.index_cast %scan3A_180 : i32 to index
        %get3A_3788 = arith.constant 352 : index
        %get3A_3789 = tpu.vector_load %arg8[%get3A_3787, %get3A_3788] {strides = array<i32>} : memref<16x512xf32, #tpu.memory_space<vmem>>, vector<1x16xf32>,
        %get3A_3790 = vector.shape_cast %get3A_3789 : vector<1x16xf32> to vector<16xf32>
        %mul3A_3791 = arith.mulf %get3A_3790, %div3A_3566 : vector<16xf32>
        %swap3A_3792 = arith.index_cast %scan3A_180 : i32 to index
        %swap3A_3793 = arith.constant 352 : index
        %swap3A_3794 = tpu.vector_load %arg8[%swap3A_3792, %swap3A_3793] {strides = array<i32>} : memref<16x512xf32, #tpu.memory_space<vmem>>, vector<1x16xf32>,
        %swap3A_3795 = vector.shape_cast %swap3A_3794 : vector<1x16xf32> to vector<16xf32>
        %swap3A_3796 = vector.shape_cast %mul3A_3791 : vector<16xf32> to vector<1x16xf32>
        tpu.vector_store %arg8[%swap3A_3792, %swap3A_3793], %swap3A_3796 {strides = array<i32>} : memref<16x512xf32, #tpu.memory_space<vmem>>, vector<1x16xf32>,
        %get3A_3797 = arith.index_cast %scan3A_180 : i32 to index
        %get3A_3798 = arith.constant 368 : index
        %get3A_3799 = tpu.vector_load %arg8[%get3A_3797, %get3A_3798] {strides = array<i32>} : memref<16x512xf32, #tpu.memory_space<vmem>>, vector<1x16xf32>,
        %get3A_3800 = vector.shape_cast %get3A_3799 : vector<1x16xf32> to vector<16xf32>
        %mul3A_3801 = arith.mulf %get3A_3800, %div3A_3566 : vector<16xf32>
        %swap3A_3802 = arith.index_cast %scan3A_180 : i32 to index
        %swap3A_3803 = arith.constant 368 : index
        %swap3A_3804 = tpu.vector_load %arg8[%swap3A_3802, %swap3A_3803] {strides = array<i32>} : memref<16x512xf32, #tpu.memory_space<vmem>>, vector<1x16xf32>,
        %swap3A_3805 = vector.shape_cast %swap3A_3804 : vector<1x16xf32> to vector<16xf32>
        %swap3A_3806 = vector.shape_cast %mul3A_3801 : vector<16xf32> to vector<1x16xf32>
        tpu.vector_store %arg8[%swap3A_3802, %swap3A_3803], %swap3A_3806 {strides = array<i32>} : memref<16x512xf32, #tpu.memory_space<vmem>>, vector<1x16xf32>,
        %get3A_3807 = arith.index_cast %scan3A_180 : i32 to index
        %get3A_3808 = arith.constant 384 : index
        %get3A_3809 = tpu.vector_load %arg8[%get3A_3807, %get3A_3808] {strides = array<i32>} : memref<16x512xf32, #tpu.memory_space<vmem>>, vector<1x16xf32>,
        %get3A_3810 = vector.shape_cast %get3A_3809 : vector<1x16xf32> to vector<16xf32>
        %mul3A_3811 = arith.mulf %get3A_3810, %div3A_3566 : vector<16xf32>
        %swap3A_3812 = arith.index_cast %scan3A_180 : i32 to index
        %swap3A_3813 = arith.constant 384 : index
        %swap3A_3814 = tpu.vector_load %arg8[%swap3A_3812, %swap3A_3813] {strides = array<i32>} : memref<16x512xf32, #tpu.memory_space<vmem>>, vector<1x16xf32>,
        %swap3A_3815 = vector.shape_cast %swap3A_3814 : vector<1x16xf32> to vector<16xf32>
        %swap3A_3816 = vector.shape_cast %mul3A_3811 : vector<16xf32> to vector<1x16xf32>
        tpu.vector_store %arg8[%swap3A_3812, %swap3A_3813], %swap3A_3816 {strides = array<i32>} : memref<16x512xf32, #tpu.memory_space<vmem>>, vector<1x16xf32>,
        %get3A_3817 = arith.index_cast %scan3A_180 : i32 to index
        %get3A_3818 = arith.constant 400 : index
        %get3A_3819 = tpu.vector_load %arg8[%get3A_3817, %get3A_3818] {strides = array<i32>} : memref<16x512xf32, #tpu.memory_space<vmem>>, vector<1x16xf32>,
        %get3A_3820 = vector.shape_cast %get3A_3819 : vector<1x16xf32> to vector<16xf32>
        %mul3A_3821 = arith.mulf %get3A_3820, %div3A_3566 : vector<16xf32>
        %swap3A_3822 = arith.index_cast %scan3A_180 : i32 to index
        %swap3A_3823 = arith.constant 400 : index
        %swap3A_3824 = tpu.vector_load %arg8[%swap3A_3822, %swap3A_3823] {strides = array<i32>} : memref<16x512xf32, #tpu.memory_space<vmem>>, vector<1x16xf32>,
        %swap3A_3825 = vector.shape_cast %swap3A_3824 : vector<1x16xf32> to vector<16xf32>
        %swap3A_3826 = vector.shape_cast %mul3A_3821 : vector<16xf32> to vector<1x16xf32>
        tpu.vector_store %arg8[%swap3A_3822, %swap3A_3823], %swap3A_3826 {strides = array<i32>} : memref<16x512xf32, #tpu.memory_space<vmem>>, vector<1x16xf32>,
        %get3A_3827 = arith.index_cast %scan3A_180 : i32 to index
        %get3A_3828 = arith.constant 416 : index
        %get3A_3829 = tpu.vector_load %arg8[%get3A_3827, %get3A_3828] {strides = array<i32>} : memref<16x512xf32, #tpu.memory_space<vmem>>, vector<1x16xf32>,
        %get3A_3830 = vector.shape_cast %get3A_3829 : vector<1x16xf32> to vector<16xf32>
        %mul3A_3831 = arith.mulf %get3A_3830, %div3A_3566 : vector<16xf32>
        %swap3A_3832 = arith.index_cast %scan3A_180 : i32 to index
        %swap3A_3833 = arith.constant 416 : index
        %swap3A_3834 = tpu.vector_load %arg8[%swap3A_3832, %swap3A_3833] {strides = array<i32>} : memref<16x512xf32, #tpu.memory_space<vmem>>, vector<1x16xf32>,
        %swap3A_3835 = vector.shape_cast %swap3A_3834 : vector<1x16xf32> to vector<16xf32>
        %swap3A_3836 = vector.shape_cast %mul3A_3831 : vector<16xf32> to vector<1x16xf32>
        tpu.vector_store %arg8[%swap3A_3832, %swap3A_3833], %swap3A_3836 {strides = array<i32>} : memref<16x512xf32, #tpu.memory_space<vmem>>, vector<1x16xf32>,
        %get3A_3837 = arith.index_cast %scan3A_180 : i32 to index
        %get3A_3838 = arith.constant 432 : index
        %get3A_3839 = tpu.vector_load %arg8[%get3A_3837, %get3A_3838] {strides = array<i32>} : memref<16x512xf32, #tpu.memory_space<vmem>>, vector<1x16xf32>,
        %get3A_3840 = vector.shape_cast %get3A_3839 : vector<1x16xf32> to vector<16xf32>
        %mul3A_3841 = arith.mulf %get3A_3840, %div3A_3566 : vector<16xf32>
        %swap3A_3842 = arith.index_cast %scan3A_180 : i32 to index
        %swap3A_3843 = arith.constant 432 : index
        %swap3A_3844 = tpu.vector_load %arg8[%swap3A_3842, %swap3A_3843] {strides = array<i32>} : memref<16x512xf32, #tpu.memory_space<vmem>>, vector<1x16xf32>,
        %swap3A_3845 = vector.shape_cast %swap3A_3844 : vector<1x16xf32> to vector<16xf32>
        %swap3A_3846 = vector.shape_cast %mul3A_3841 : vector<16xf32> to vector<1x16xf32>
        tpu.vector_store %arg8[%swap3A_3842, %swap3A_3843], %swap3A_3846 {strides = array<i32>} : memref<16x512xf32, #tpu.memory_space<vmem>>, vector<1x16xf32>,
        %get3A_3847 = arith.index_cast %scan3A_180 : i32 to index
        %get3A_3848 = arith.constant 448 : index
        %get3A_3849 = tpu.vector_load %arg8[%get3A_3847, %get3A_3848] {strides = array<i32>} : memref<16x512xf32, #tpu.memory_space<vmem>>, vector<1x16xf32>,
        %get3A_3850 = vector.shape_cast %get3A_3849 : vector<1x16xf32> to vector<16xf32>
        %mul3A_3851 = arith.mulf %get3A_3850, %div3A_3566 : vector<16xf32>
        %swap3A_3852 = arith.index_cast %scan3A_180 : i32 to index
        %swap3A_3853 = arith.constant 448 : index
        %swap3A_3854 = tpu.vector_load %arg8[%swap3A_3852, %swap3A_3853] {strides = array<i32>} : memref<16x512xf32, #tpu.memory_space<vmem>>, vector<1x16xf32>,
        %swap3A_3855 = vector.shape_cast %swap3A_3854 : vector<1x16xf32> to vector<16xf32>
        %swap3A_3856 = vector.shape_cast %mul3A_3851 : vector<16xf32> to vector<1x16xf32>
        tpu.vector_store %arg8[%swap3A_3852, %swap3A_3853], %swap3A_3856 {strides = array<i32>} : memref<16x512xf32, #tpu.memory_space<vmem>>, vector<1x16xf32>,
        %get3A_3857 = arith.index_cast %scan3A_180 : i32 to index
        %get3A_3858 = arith.constant 464 : index
        %get3A_3859 = tpu.vector_load %arg8[%get3A_3857, %get3A_3858] {strides = array<i32>} : memref<16x512xf32, #tpu.memory_space<vmem>>, vector<1x16xf32>,
        %get3A_3860 = vector.shape_cast %get3A_3859 : vector<1x16xf32> to vector<16xf32>
        %mul3A_3861 = arith.mulf %get3A_3860, %div3A_3566 : vector<16xf32>
        %swap3A_3862 = arith.index_cast %scan3A_180 : i32 to index
        %swap3A_3863 = arith.constant 464 : index
        %swap3A_3864 = tpu.vector_load %arg8[%swap3A_3862, %swap3A_3863] {strides = array<i32>} : memref<16x512xf32, #tpu.memory_space<vmem>>, vector<1x16xf32>,
        %swap3A_3865 = vector.shape_cast %swap3A_3864 : vector<1x16xf32> to vector<16xf32>
        %swap3A_3866 = vector.shape_cast %mul3A_3861 : vector<16xf32> to vector<1x16xf32>
        tpu.vector_store %arg8[%swap3A_3862, %swap3A_3863], %swap3A_3866 {strides = array<i32>} : memref<16x512xf32, #tpu.memory_space<vmem>>, vector<1x16xf32>,
        %get3A_3867 = arith.index_cast %scan3A_180 : i32 to index
        %get3A_3868 = arith.constant 480 : index
        %get3A_3869 = tpu.vector_load %arg8[%get3A_3867, %get3A_3868] {strides = array<i32>} : memref<16x512xf32, #tpu.memory_space<vmem>>, vector<1x16xf32>,
        %get3A_3870 = vector.shape_cast %get3A_3869 : vector<1x16xf32> to vector<16xf32>
        %mul3A_3871 = arith.mulf %get3A_3870, %div3A_3566 : vector<16xf32>
        %swap3A_3872 = arith.index_cast %scan3A_180 : i32 to index
        %swap3A_3873 = arith.constant 480 : index
        %swap3A_3874 = tpu.vector_load %arg8[%swap3A_3872, %swap3A_3873] {strides = array<i32>} : memref<16x512xf32, #tpu.memory_space<vmem>>, vector<1x16xf32>,
        %swap3A_3875 = vector.shape_cast %swap3A_3874 : vector<1x16xf32> to vector<16xf32>
        %swap3A_3876 = vector.shape_cast %mul3A_3871 : vector<16xf32> to vector<1x16xf32>
        tpu.vector_store %arg8[%swap3A_3872, %swap3A_3873], %swap3A_3876 {strides = array<i32>} : memref<16x512xf32, #tpu.memory_space<vmem>>, vector<1x16xf32>,
        %get3A_3877 = arith.index_cast %scan3A_180 : i32 to index
        %get3A_3878 = arith.constant 496 : index
        %get3A_3879 = tpu.vector_load %arg8[%get3A_3877, %get3A_3878] {strides = array<i32>} : memref<16x512xf32, #tpu.memory_space<vmem>>, vector<1x16xf32>,
        %get3A_3880 = vector.shape_cast %get3A_3879 : vector<1x16xf32> to vector<16xf32>
        %mul3A_3881 = arith.mulf %get3A_3880, %div3A_3566 : vector<16xf32>
        %swap3A_3882 = arith.index_cast %scan3A_180 : i32 to index
        %swap3A_3883 = arith.constant 496 : index
        %swap3A_3884 = tpu.vector_load %arg8[%swap3A_3882, %swap3A_3883] {strides = array<i32>} : memref<16x512xf32, #tpu.memory_space<vmem>>, vector<1x16xf32>,
        %swap3A_3885 = vector.shape_cast %swap3A_3884 : vector<1x16xf32> to vector<16xf32>
        %swap3A_3886 = vector.shape_cast %mul3A_3881 : vector<16xf32> to vector<1x16xf32>
        tpu.vector_store %arg8[%swap3A_3882, %swap3A_3883], %swap3A_3886 {strides = array<i32>} : memref<16x512xf32, #tpu.memory_space<vmem>>, vector<1x16xf32>,
        %scan3A_3887 = arith.constant 0 : i32
        scf.yield %scan3A_3887 : i32
      }
      %scan3A_178 = arith.constant 16 : i32
      "tpu.region"() ({
        %run_scoped3A = tpu.sem_alloc : memref<!tpu.dma_semaphore, #tpu.memory_space<semaphore_mem>>
        %dma_start3A = arith.constant 0 : i32
        %dma_start3A_180 = tpu.memref_slice %arg4[%scan3A_9, %mul3A_2, %dma_start3A] : memref<8x512x512xf32, #tpu.memory_space<hbm>> -> memref<1x16x512xf32, #tpu.memory_space<hbm>>
        %dma_start3A_181 = tpu.memref_squeeze %dma_start3A_180 : memref<1x16x512xf32, #tpu.memory_space<hbm>> -> memref<16x512xf32, #tpu.memory_space<hbm>>
        %dma_start3A_182 = arith.constant 0 : i32
        %dma_start3A_183 = tpu.memref_slice %arg4[%scan3A_9, %mul3A_2, %dma_start3A_182] : memref<8x512x512xf32, #tpu.memory_space<hbm>> -> memref<1x16x512xf32, #tpu.memory_space<hbm>>
        %dma_start3A_184 = tpu.memref_squeeze %dma_start3A_183 : memref<1x16x512xf32, #tpu.memory_space<hbm>> -> memref<16x512xf32, #tpu.memory_space<hbm>>
        tpu.enqueue_dma source(%arg8 : memref<16x512xf32, #tpu.memory_space<vmem>>) target(%dma_start3A_184 : memref<16x512xf32, #tpu.memory_space<hbm>>) target_semaphore(%run_scoped3A : memref<!tpu.dma_semaphore, #tpu.memory_space<semaphore_mem>>)
        %dma_wait3A = arith.constant 0 : i32
        %dma_wait3A_185 = tpu.memref_slice %arg4[%scan3A_9, %mul3A_2, %dma_wait3A] : memref<8x512x512xf32, #tpu.memory_space<hbm>> -> memref<1x16x512xf32, #tpu.memory_space<hbm>>
        %dma_wait3A_186 = tpu.memref_squeeze %dma_wait3A_185 : memref<1x16x512xf32, #tpu.memory_space<hbm>> -> memref<16x512xf32, #tpu.memory_space<hbm>>
        %dma_wait3A_187 = arith.constant 0 : i32
        %dma_wait3A_188 = tpu.memref_slice %arg4[%scan3A_9, %mul3A_2, %dma_wait3A_187] : memref<8x512x512xf32, #tpu.memory_space<hbm>> -> memref<1x16x512xf32, #tpu.memory_space<hbm>>
        %dma_wait3A_189 = tpu.memref_squeeze %dma_wait3A_188 : memref<1x16x512xf32, #tpu.memory_space<hbm>> -> memref<16x512xf32, #tpu.memory_space<hbm>>
        tpu.wait_dma2 semaphore(%run_scoped3A : memref<!tpu.dma_semaphore, #tpu.memory_space<semaphore_mem>>) src(%arg8 : memref<16x512xf32, #tpu.memory_space<vmem>>) dst(%dma_wait3A_189 : memref<16x512xf32, #tpu.memory_space<hbm>>)
        tpu.yield
      }) : () -> ()
      %scan3A_179 = arith.constant 0 : i32
      scf.yield %scan3A_179 : i32
    }
    %scan3A_8 = arith.constant 8 : i32
    return
  }
}

module attributes {stable_mosaic.version = 14 : i64} {
  func.func @_patch(%arg0: i32, %arg1: memref<1x512x512xf32, #tpu.memory_space<vmem>>, %arg2: memref<1x512x512xf32, #tpu.memory_space<vmem>>, %arg3: memref<1x512x512xf32, #tpu.memory_space<vmem>>) attributes {dimension_semantics = [#tpu.dimension_semantics<parallel>], iteration_bounds = array<i64: 8>, scalar_prefetch = 0 : i64, scratch_operands = 0 : i64, tpu.core_type = #tpu.core_type<tc>, window_params = [{transform_indices = @transform_0, window_bounds = array<i64: 1, 512, 512>}, {transform_indices = @transform_1, window_bounds = array<i64: 1, 512, 512>}, {transform_indices = @transform_2, window_bounds = array<i64: 1, 512, 512>}]} {
    %get3A = arith.constant 0 : index
    %get3A_0 = arith.constant 0 : index
    %get3A_1 = arith.constant 0 : index
    %get3A_2 = vector.load %arg2[%get3A, %get3A_0, %get3A_1] : memref<1x512x512xf32, #tpu.memory_space<vmem>>, vector<1x512x512xf32>
    %swap3A = arith.constant 0 : index
    %swap3A_3 = arith.constant 0 : index
    %swap3A_4 = arith.constant 0 : index
    %swap3A_5 = vector.load %arg3[%swap3A, %swap3A_3, %swap3A_4] : memref<1x512x512xf32, #tpu.memory_space<vmem>>, vector<1x512x512xf32>
    tpu.vector_store %arg3[%swap3A, %swap3A_3, %swap3A_4], %get3A_2 {strides = array<i32>} : memref<1x512x512xf32, #tpu.memory_space<vmem>>, vector<1x512x512xf32>,
    return
  }
  func.func @transform_0(%arg0: i32) -> (i32, i32, i32) {
    %add3A = arith.constant 40 : i32
    %add3A_0 = arith.addi %arg0, %add3A : i32
    %c0_i32 = arith.constant 0 : i32
    %c0_i32_1 = arith.constant 0 : i32
    %c0_i32_2 = arith.constant 0 : i32
    return %add3A_0, %c0_i32, %c0_i32_1 : i32, i32, i32
  }
  func.func @transform_1(%arg0: i32) -> (i32, i32, i32) {
    %c0_i32 = arith.constant 0 : i32
    %c0_i32_0 = arith.constant 0 : i32
    %c0_i32_1 = arith.constant 0 : i32
    return %arg0, %c0_i32, %c0_i32_0 : i32, i32, i32
  }
  func.func @transform_2(%arg0: i32) -> (i32, i32, i32) {
    %add3A = arith.constant 40 : i32
    %add3A_0 = arith.addi %arg0, %add3A : i32
    %c0_i32 = arith.constant 0 : i32
    %c0_i32_1 = arith.constant 0 : i32
    %c0_i32_2 = arith.constant 0 : i32
    return %add3A_0, %c0_i32, %c0_i32_1 : i32, i32, i32
  }
}

module attributes {stable_mosaic.version = 14 : i64} {
  func.func @_tc_kernel(%arg0: i32, %arg1: i32, %arg2: memref<1x1x4xf32, #tpu.memory_space<vmem>>, %arg3: memref<1x4x512x512xf32, #tpu.memory_space<vmem>>, %arg4: memref<1x512x512xf32, #tpu.memory_space<vmem>>) attributes {dimension_semantics = [#tpu.dimension_semantics<parallel>, #tpu.dimension_semantics<parallel>], iteration_bounds = array<i64: 40, 1>, scalar_prefetch = 0 : i64, scratch_operands = 0 : i64, tpu.core_type = #tpu.core_type<tc>, window_params = [{transform_indices = @transform_0, window_bounds = array<i64: 1, 1, 4>}, {transform_indices = @transform_1, window_bounds = array<i64: 1, 4, 512, 512>}, {transform_indices = @transform_2, window_bounds = array<i64: 1, 512, 512>}]} {
    %get3A = arith.constant 0 : index
    %get3A_0 = arith.constant 0 : index
    %get3A_1 = arith.constant 0 : index
    %get3A_2 = vector.load %arg2[%get3A, %get3A_0, %get3A_1] : memref<1x1x4xf32, #tpu.memory_space<vmem>>, vector<1x1x4xf32>
    %get3A_3 = vector.shape_cast %get3A_2 : vector<1x1x4xf32> to vector<4xf32>
    %reduce_max3A = vector.shape_cast %get3A_3 : vector<4xf32> to vector<1x4xf32>
    %reduce_max3A_4 = arith.constant dense<0xFF800000> : vector<1xf32>
    %reduce_max3A_5 = vector.multi_reduction <maximumf>, %reduce_max3A, %reduce_max3A_4 [1] : vector<1x4xf32> to vector<1xf32>
    %reduce_max3A_6 = vector.shape_cast %reduce_max3A_5 : vector<1xf32> to vector<1x1xf32>
    %reduce_max3A_7 = vector.extract %reduce_max3A_6[0, 0] : f32 from vector<1x1xf32>
    %max3A = arith.constant 0xFF800000 : f32
    %max3A_8 = arith.maximumf %max3A, %reduce_max3A_7 : f32
    %broadcast_in_dim3A = vector.broadcast %max3A_8 : f32 to vector<1xf32>
    %sub3A = vector.broadcast %broadcast_in_dim3A : vector<1xf32> to vector<4xf32>
    %sub3A_9 = arith.subf %get3A_3, %sub3A : vector<4xf32>
    %exp3A = math.exp %sub3A_9 : vector<4xf32>
    %reduce_sum3A = vector.shape_cast %exp3A : vector<4xf32> to vector<1x4xf32>
    %reduce_sum3A_10 = arith.constant dense<0.000000e+00> : vector<1xf32>
    %reduce_sum3A_11 = vector.multi_reduction <add>, %reduce_sum3A, %reduce_sum3A_10 [1] : vector<1x4xf32> to vector<1xf32>
    %reduce_sum3A_12 = vector.shape_cast %reduce_sum3A_11 : vector<1xf32> to vector<1x1xf32>
    %reduce_sum3A_13 = vector.extract %reduce_sum3A_12[0, 0] : f32 from vector<1x1xf32>
    %broadcast_in_dim3A_14 = vector.broadcast %reduce_sum3A_13 : f32 to vector<1xf32>
    %div3A = vector.broadcast %broadcast_in_dim3A_14 : vector<1xf32> to vector<4xf32>
    %div3A_15 = arith.divf %exp3A, %div3A : vector<4xf32>
    %get3A_16 = arith.constant 0 : index
    %get3A_17 = arith.constant 0 : index
    %get3A_18 = arith.constant 0 : index
    %get3A_19 = arith.constant 0 : index
    %get3A_20 = vector.load %arg3[%get3A_16, %get3A_17, %get3A_18, %get3A_19] : memref<1x4x512x512xf32, #tpu.memory_space<vmem>>, vector<1x4x32x512xf32>
    %get3A_21 = vector.shape_cast %get3A_20 : vector<1x4x32x512xf32> to vector<4x32x512xf32>
    %abs3A = math.absf %get3A_21 : vector<4x32x512xf32>
    %reduce_sum3A_22 = arith.constant dense<0.000000e+00> : vector<4x32xf32>
    %reduce_sum3A_23 = vector.multi_reduction <add>, %abs3A, %reduce_sum3A_22 [2] : vector<4x32x512xf32> to vector<4x32xf32>
    %broadcast_in_dim3A_24 = vector.shape_cast %reduce_sum3A_23 : vector<4x32xf32> to vector<4x32x1xf32>
    %max3A_25 = arith.constant 9.99999996E-13 : f32
    %max3A_26 = vector.broadcast %max3A_25 : f32 to vector<4x32x1xf32>
    %max3A_27 = arith.maximumf %broadcast_in_dim3A_24, %max3A_26 : vector<4x32x1xf32>
    %broadcast_in_dim3A_28 = vector.shape_cast %div3A_15 : vector<4xf32> to vector<4x1x1xf32>
    %div3A_29 = vector.broadcast %broadcast_in_dim3A_28 : vector<4x1x1xf32> to vector<4x32x1xf32>
    %div3A_30 = arith.divf %div3A_29, %max3A_27 : vector<4x32x1xf32>
    %mul3A = vector.broadcast %div3A_30 : vector<4x32x1xf32> to vector<4x32x512xf32>
    %mul3A_31 = arith.mulf %get3A_21, %mul3A : vector<4x32x512xf32>
    %reduce_sum3A_32 = arith.constant dense<0.000000e+00> : vector<32x512xf32>
    %reduce_sum3A_33 = vector.multi_reduction <add>, %mul3A_31, %reduce_sum3A_32 [0] : vector<4x32x512xf32> to vector<32x512xf32>
    %reduce_max3A_34 = arith.constant dense<0xFF800000> : vector<32xf32>
    %reduce_max3A_35 = vector.multi_reduction <maximumf>, %reduce_sum3A_33, %reduce_max3A_34 [1] : vector<32x512xf32> to vector<32xf32>
    %broadcast_in_dim3A_36 = vector.shape_cast %reduce_max3A_35 : vector<32xf32> to vector<32x1xf32>
    %lt3A = vector.broadcast %broadcast_in_dim3A_36 : vector<32x1xf32> to vector<32x512xf32>
    %lt3A_37 = arith.cmpf olt, %reduce_sum3A_33, %lt3A : vector<32x512xf32>
    %jit3A = arith.constant 0xFF800000 : f32
    %broadcast_in_dim3A_38 = vector.broadcast %jit3A : f32 to vector<32x512xf32>
    %select_n3A = arith.select %lt3A_37, %reduce_sum3A_33, %broadcast_in_dim3A_38 : vector<32x512xi1>, vector<32x512xf32>
    %reduce_max3A_39 = arith.constant dense<0xFF800000> : vector<32xf32>
    %reduce_max3A_40 = vector.multi_reduction <maximumf>, %select_n3A, %reduce_max3A_39 [1] : vector<32x512xf32> to vector<32xf32>
    %broadcast_in_dim3A_41 = vector.shape_cast %reduce_max3A_40 : vector<32xf32> to vector<32x1xf32>
    %lt3A_42 = vector.broadcast %broadcast_in_dim3A_41 : vector<32x1xf32> to vector<32x512xf32>
    %lt3A_43 = arith.cmpf olt, %reduce_sum3A_33, %lt3A_42 : vector<32x512xf32>
    %jit3A_44 = arith.constant 0xFF800000 : f32
    %broadcast_in_dim3A_45 = vector.broadcast %jit3A_44 : f32 to vector<32x512xf32>
    %select_n3A_46 = arith.select %lt3A_43, %reduce_sum3A_33, %broadcast_in_dim3A_45 : vector<32x512xi1>, vector<32x512xf32>
    %reduce_max3A_47 = arith.constant dense<0xFF800000> : vector<32xf32>
    %reduce_max3A_48 = vector.multi_reduction <maximumf>, %select_n3A_46, %reduce_max3A_47 [1] : vector<32x512xf32> to vector<32xf32>
    %broadcast_in_dim3A_49 = vector.shape_cast %reduce_max3A_48 : vector<32xf32> to vector<32x1xf32>
    %lt3A_50 = vector.broadcast %broadcast_in_dim3A_49 : vector<32x1xf32> to vector<32x512xf32>
    %lt3A_51 = arith.cmpf olt, %reduce_sum3A_33, %lt3A_50 : vector<32x512xf32>
    %jit3A_52 = arith.constant 0xFF800000 : f32
    %broadcast_in_dim3A_53 = vector.broadcast %jit3A_52 : f32 to vector<32x512xf32>
    %select_n3A_54 = arith.select %lt3A_51, %reduce_sum3A_33, %broadcast_in_dim3A_53 : vector<32x512xi1>, vector<32x512xf32>
    %reduce_max3A_55 = arith.constant dense<0xFF800000> : vector<32xf32>
    %reduce_max3A_56 = vector.multi_reduction <maximumf>, %select_n3A_54, %reduce_max3A_55 [1] : vector<32x512xf32> to vector<32xf32>
    %broadcast_in_dim3A_57 = vector.shape_cast %reduce_max3A_56 : vector<32xf32> to vector<32x1xf32>
    %lt3A_58 = vector.broadcast %broadcast_in_dim3A_57 : vector<32x1xf32> to vector<32x512xf32>
    %lt3A_59 = arith.cmpf olt, %reduce_sum3A_33, %lt3A_58 : vector<32x512xf32>
    %jit3A_60 = arith.constant 0xFF800000 : f32
    %broadcast_in_dim3A_61 = vector.broadcast %jit3A_60 : f32 to vector<32x512xf32>
    %select_n3A_62 = arith.select %lt3A_59, %reduce_sum3A_33, %broadcast_in_dim3A_61 : vector<32x512xi1>, vector<32x512xf32>
    %reduce_max3A_63 = arith.constant dense<0xFF800000> : vector<32xf32>
    %reduce_max3A_64 = vector.multi_reduction <maximumf>, %select_n3A_62, %reduce_max3A_63 [1] : vector<32x512xf32> to vector<32xf32>
    %broadcast_in_dim3A_65 = vector.shape_cast %reduce_max3A_64 : vector<32xf32> to vector<32x1xf32>
    %ge3A = vector.broadcast %broadcast_in_dim3A_65 : vector<32x1xf32> to vector<32x512xf32>
    %ge3A_66 = arith.cmpf oge, %reduce_sum3A_33, %ge3A : vector<32x512xf32>
    %jit3A_67 = arith.constant 0.000000e+00 : f32
    %broadcast_in_dim3A_68 = vector.broadcast %jit3A_67 : f32 to vector<32x512xf32>
    %select_n3A_69 = arith.select %ge3A_66, %reduce_sum3A_33, %broadcast_in_dim3A_68 : vector<32x512xi1>, vector<32x512xf32>
    %reduce_sum3A_70 = arith.constant dense<0.000000e+00> : vector<32xf32>
    %reduce_sum3A_71 = vector.multi_reduction <add>, %select_n3A_69, %reduce_sum3A_70 [1] : vector<32x512xf32> to vector<32xf32>
    %broadcast_in_dim3A_72 = vector.shape_cast %reduce_sum3A_71 : vector<32xf32> to vector<32x1xf32>
    %max3A_73 = arith.constant 9.99999996E-13 : f32
    %max3A_74 = vector.broadcast %max3A_73 : f32 to vector<32x1xf32>
    %max3A_75 = arith.maximumf %broadcast_in_dim3A_72, %max3A_74 : vector<32x1xf32>
    %div3A_76 = vector.broadcast %max3A_75 : vector<32x1xf32> to vector<32x512xf32>
    %div3A_77 = arith.divf %select_n3A_69, %div3A_76 : vector<32x512xf32>
    %swap3A = arith.constant 0 : index
    %swap3A_78 = arith.constant 0 : index
    %swap3A_79 = arith.constant 0 : index
    %swap3A_80 = vector.load %arg4[%swap3A, %swap3A_78, %swap3A_79] : memref<1x512x512xf32, #tpu.memory_space<vmem>>, vector<1x32x512xf32>
    %swap3A_81 = vector.shape_cast %swap3A_80 : vector<1x32x512xf32> to vector<32x512xf32>
    %swap3A_82 = vector.shape_cast %div3A_77 : vector<32x512xf32> to vector<1x32x512xf32>
    tpu.vector_store %arg4[%swap3A, %swap3A_78, %swap3A_79], %swap3A_82 {strides = array<i32>} : memref<1x512x512xf32, #tpu.memory_space<vmem>>, vector<1x32x512xf32>,
    %get3A_83 = arith.constant 0 : index
    %get3A_84 = arith.constant 0 : index
    %get3A_85 = arith.constant 32 : index
    %get3A_86 = arith.constant 0 : index
    %get3A_87 = vector.load %arg3[%get3A_83, %get3A_84, %get3A_85, %get3A_86] : memref<1x4x512x512xf32, #tpu.memory_space<vmem>>, vector<1x4x32x512xf32>
    %get3A_88 = vector.shape_cast %get3A_87 : vector<1x4x32x512xf32> to vector<4x32x512xf32>
    %abs3A_89 = math.absf %get3A_88 : vector<4x32x512xf32>
    %reduce_sum3A_90 = arith.constant dense<0.000000e+00> : vector<4x32xf32>
    %reduce_sum3A_91 = vector.multi_reduction <add>, %abs3A_89, %reduce_sum3A_90 [2] : vector<4x32x512xf32> to vector<4x32xf32>
    %broadcast_in_dim3A_92 = vector.shape_cast %reduce_sum3A_91 : vector<4x32xf32> to vector<4x32x1xf32>
    %max3A_93 = arith.constant 9.99999996E-13 : f32
    %max3A_94 = vector.broadcast %max3A_93 : f32 to vector<4x32x1xf32>
    %max3A_95 = arith.maximumf %broadcast_in_dim3A_92, %max3A_94 : vector<4x32x1xf32>
    %broadcast_in_dim3A_96 = vector.shape_cast %div3A_15 : vector<4xf32> to vector<4x1x1xf32>
    %div3A_97 = vector.broadcast %broadcast_in_dim3A_96 : vector<4x1x1xf32> to vector<4x32x1xf32>
    %div3A_98 = arith.divf %div3A_97, %max3A_95 : vector<4x32x1xf32>
    %mul3A_99 = vector.broadcast %div3A_98 : vector<4x32x1xf32> to vector<4x32x512xf32>
    %mul3A_100 = arith.mulf %get3A_88, %mul3A_99 : vector<4x32x512xf32>
    %reduce_sum3A_101 = arith.constant dense<0.000000e+00> : vector<32x512xf32>
    %reduce_sum3A_102 = vector.multi_reduction <add>, %mul3A_100, %reduce_sum3A_101 [0] : vector<4x32x512xf32> to vector<32x512xf32>
    %reduce_max3A_103 = arith.constant dense<0xFF800000> : vector<32xf32>
    %reduce_max3A_104 = vector.multi_reduction <maximumf>, %reduce_sum3A_102, %reduce_max3A_103 [1] : vector<32x512xf32> to vector<32xf32>
    %broadcast_in_dim3A_105 = vector.shape_cast %reduce_max3A_104 : vector<32xf32> to vector<32x1xf32>
    %lt3A_106 = vector.broadcast %broadcast_in_dim3A_105 : vector<32x1xf32> to vector<32x512xf32>
    %lt3A_107 = arith.cmpf olt, %reduce_sum3A_102, %lt3A_106 : vector<32x512xf32>
    %jit3A_108 = arith.constant 0xFF800000 : f32
    %broadcast_in_dim3A_109 = vector.broadcast %jit3A_108 : f32 to vector<32x512xf32>
    %select_n3A_110 = arith.select %lt3A_107, %reduce_sum3A_102, %broadcast_in_dim3A_109 : vector<32x512xi1>, vector<32x512xf32>
    %reduce_max3A_111 = arith.constant dense<0xFF800000> : vector<32xf32>
    %reduce_max3A_112 = vector.multi_reduction <maximumf>, %select_n3A_110, %reduce_max3A_111 [1] : vector<32x512xf32> to vector<32xf32>
    %broadcast_in_dim3A_113 = vector.shape_cast %reduce_max3A_112 : vector<32xf32> to vector<32x1xf32>
    %lt3A_114 = vector.broadcast %broadcast_in_dim3A_113 : vector<32x1xf32> to vector<32x512xf32>
    %lt3A_115 = arith.cmpf olt, %reduce_sum3A_102, %lt3A_114 : vector<32x512xf32>
    %jit3A_116 = arith.constant 0xFF800000 : f32
    %broadcast_in_dim3A_117 = vector.broadcast %jit3A_116 : f32 to vector<32x512xf32>
    %select_n3A_118 = arith.select %lt3A_115, %reduce_sum3A_102, %broadcast_in_dim3A_117 : vector<32x512xi1>, vector<32x512xf32>
    %reduce_max3A_119 = arith.constant dense<0xFF800000> : vector<32xf32>
    %reduce_max3A_120 = vector.multi_reduction <maximumf>, %select_n3A_118, %reduce_max3A_119 [1] : vector<32x512xf32> to vector<32xf32>
    %broadcast_in_dim3A_121 = vector.shape_cast %reduce_max3A_120 : vector<32xf32> to vector<32x1xf32>
    %lt3A_122 = vector.broadcast %broadcast_in_dim3A_121 : vector<32x1xf32> to vector<32x512xf32>
    %lt3A_123 = arith.cmpf olt, %reduce_sum3A_102, %lt3A_122 : vector<32x512xf32>
    %jit3A_124 = arith.constant 0xFF800000 : f32
    %broadcast_in_dim3A_125 = vector.broadcast %jit3A_124 : f32 to vector<32x512xf32>
    %select_n3A_126 = arith.select %lt3A_123, %reduce_sum3A_102, %broadcast_in_dim3A_125 : vector<32x512xi1>, vector<32x512xf32>
    %reduce_max3A_127 = arith.constant dense<0xFF800000> : vector<32xf32>
    %reduce_max3A_128 = vector.multi_reduction <maximumf>, %select_n3A_126, %reduce_max3A_127 [1] : vector<32x512xf32> to vector<32xf32>
    %broadcast_in_dim3A_129 = vector.shape_cast %reduce_max3A_128 : vector<32xf32> to vector<32x1xf32>
    %lt3A_130 = vector.broadcast %broadcast_in_dim3A_129 : vector<32x1xf32> to vector<32x512xf32>
    %lt3A_131 = arith.cmpf olt, %reduce_sum3A_102, %lt3A_130 : vector<32x512xf32>
    %jit3A_132 = arith.constant 0xFF800000 : f32
    %broadcast_in_dim3A_133 = vector.broadcast %jit3A_132 : f32 to vector<32x512xf32>
    %select_n3A_134 = arith.select %lt3A_131, %reduce_sum3A_102, %broadcast_in_dim3A_133 : vector<32x512xi1>, vector<32x512xf32>
    %reduce_max3A_135 = arith.constant dense<0xFF800000> : vector<32xf32>
    %reduce_max3A_136 = vector.multi_reduction <maximumf>, %select_n3A_134, %reduce_max3A_135 [1] : vector<32x512xf32> to vector<32xf32>
    %broadcast_in_dim3A_137 = vector.shape_cast %reduce_max3A_136 : vector<32xf32> to vector<32x1xf32>
    %ge3A_138 = vector.broadcast %broadcast_in_dim3A_137 : vector<32x1xf32> to vector<32x512xf32>
    %ge3A_139 = arith.cmpf oge, %reduce_sum3A_102, %ge3A_138 : vector<32x512xf32>
    %jit3A_140 = arith.constant 0.000000e+00 : f32
    %broadcast_in_dim3A_141 = vector.broadcast %jit3A_140 : f32 to vector<32x512xf32>
    %select_n3A_142 = arith.select %ge3A_139, %reduce_sum3A_102, %broadcast_in_dim3A_141 : vector<32x512xi1>, vector<32x512xf32>
    %reduce_sum3A_143 = arith.constant dense<0.000000e+00> : vector<32xf32>
    %reduce_sum3A_144 = vector.multi_reduction <add>, %select_n3A_142, %reduce_sum3A_143 [1] : vector<32x512xf32> to vector<32xf32>
    %broadcast_in_dim3A_145 = vector.shape_cast %reduce_sum3A_144 : vector<32xf32> to vector<32x1xf32>
    %max3A_146 = arith.constant 9.99999996E-13 : f32
    %max3A_147 = vector.broadcast %max3A_146 : f32 to vector<32x1xf32>
    %max3A_148 = arith.maximumf %broadcast_in_dim3A_145, %max3A_147 : vector<32x1xf32>
    %div3A_149 = vector.broadcast %max3A_148 : vector<32x1xf32> to vector<32x512xf32>
    %div3A_150 = arith.divf %select_n3A_142, %div3A_149 : vector<32x512xf32>
    %swap3A_151 = arith.constant 0 : index
    %swap3A_152 = arith.constant 32 : index
    %swap3A_153 = arith.constant 0 : index
    %swap3A_154 = vector.load %arg4[%swap3A_151, %swap3A_152, %swap3A_153] : memref<1x512x512xf32, #tpu.memory_space<vmem>>, vector<1x32x512xf32>
    %swap3A_155 = vector.shape_cast %swap3A_154 : vector<1x32x512xf32> to vector<32x512xf32>
    %swap3A_156 = vector.shape_cast %div3A_150 : vector<32x512xf32> to vector<1x32x512xf32>
    tpu.vector_store %arg4[%swap3A_151, %swap3A_152, %swap3A_153], %swap3A_156 {strides = array<i32>} : memref<1x512x512xf32, #tpu.memory_space<vmem>>, vector<1x32x512xf32>,
    %get3A_157 = arith.constant 0 : index
    %get3A_158 = arith.constant 0 : index
    %get3A_159 = arith.constant 64 : index
    %get3A_160 = arith.constant 0 : index
    %get3A_161 = vector.load %arg3[%get3A_157, %get3A_158, %get3A_159, %get3A_160] : memref<1x4x512x512xf32, #tpu.memory_space<vmem>>, vector<1x4x32x512xf32>
    %get3A_162 = vector.shape_cast %get3A_161 : vector<1x4x32x512xf32> to vector<4x32x512xf32>
    %abs3A_163 = math.absf %get3A_162 : vector<4x32x512xf32>
    %reduce_sum3A_164 = arith.constant dense<0.000000e+00> : vector<4x32xf32>
    %reduce_sum3A_165 = vector.multi_reduction <add>, %abs3A_163, %reduce_sum3A_164 [2] : vector<4x32x512xf32> to vector<4x32xf32>
    %broadcast_in_dim3A_166 = vector.shape_cast %reduce_sum3A_165 : vector<4x32xf32> to vector<4x32x1xf32>
    %max3A_167 = arith.constant 9.99999996E-13 : f32
    %max3A_168 = vector.broadcast %max3A_167 : f32 to vector<4x32x1xf32>
    %max3A_169 = arith.maximumf %broadcast_in_dim3A_166, %max3A_168 : vector<4x32x1xf32>
    %broadcast_in_dim3A_170 = vector.shape_cast %div3A_15 : vector<4xf32> to vector<4x1x1xf32>
    %div3A_171 = vector.broadcast %broadcast_in_dim3A_170 : vector<4x1x1xf32> to vector<4x32x1xf32>
    %div3A_172 = arith.divf %div3A_171, %max3A_169 : vector<4x32x1xf32>
    %mul3A_173 = vector.broadcast %div3A_172 : vector<4x32x1xf32> to vector<4x32x512xf32>
    %mul3A_174 = arith.mulf %get3A_162, %mul3A_173 : vector<4x32x512xf32>
    %reduce_sum3A_175 = arith.constant dense<0.000000e+00> : vector<32x512xf32>
    %reduce_sum3A_176 = vector.multi_reduction <add>, %mul3A_174, %reduce_sum3A_175 [0] : vector<4x32x512xf32> to vector<32x512xf32>
    %reduce_max3A_177 = arith.constant dense<0xFF800000> : vector<32xf32>
    %reduce_max3A_178 = vector.multi_reduction <maximumf>, %reduce_sum3A_176, %reduce_max3A_177 [1] : vector<32x512xf32> to vector<32xf32>
    %broadcast_in_dim3A_179 = vector.shape_cast %reduce_max3A_178 : vector<32xf32> to vector<32x1xf32>
    %lt3A_180 = vector.broadcast %broadcast_in_dim3A_179 : vector<32x1xf32> to vector<32x512xf32>
    %lt3A_181 = arith.cmpf olt, %reduce_sum3A_176, %lt3A_180 : vector<32x512xf32>
    %jit3A_182 = arith.constant 0xFF800000 : f32
    %broadcast_in_dim3A_183 = vector.broadcast %jit3A_182 : f32 to vector<32x512xf32>
    %select_n3A_184 = arith.select %lt3A_181, %reduce_sum3A_176, %broadcast_in_dim3A_183 : vector<32x512xi1>, vector<32x512xf32>
    %reduce_max3A_185 = arith.constant dense<0xFF800000> : vector<32xf32>
    %reduce_max3A_186 = vector.multi_reduction <maximumf>, %select_n3A_184, %reduce_max3A_185 [1] : vector<32x512xf32> to vector<32xf32>
    %broadcast_in_dim3A_187 = vector.shape_cast %reduce_max3A_186 : vector<32xf32> to vector<32x1xf32>
    %lt3A_188 = vector.broadcast %broadcast_in_dim3A_187 : vector<32x1xf32> to vector<32x512xf32>
    %lt3A_189 = arith.cmpf olt, %reduce_sum3A_176, %lt3A_188 : vector<32x512xf32>
    %jit3A_190 = arith.constant 0xFF800000 : f32
    %broadcast_in_dim3A_191 = vector.broadcast %jit3A_190 : f32 to vector<32x512xf32>
    %select_n3A_192 = arith.select %lt3A_189, %reduce_sum3A_176, %broadcast_in_dim3A_191 : vector<32x512xi1>, vector<32x512xf32>
    %reduce_max3A_193 = arith.constant dense<0xFF800000> : vector<32xf32>
    %reduce_max3A_194 = vector.multi_reduction <maximumf>, %select_n3A_192, %reduce_max3A_193 [1] : vector<32x512xf32> to vector<32xf32>
    %broadcast_in_dim3A_195 = vector.shape_cast %reduce_max3A_194 : vector<32xf32> to vector<32x1xf32>
    %lt3A_196 = vector.broadcast %broadcast_in_dim3A_195 : vector<32x1xf32> to vector<32x512xf32>
    %lt3A_197 = arith.cmpf olt, %reduce_sum3A_176, %lt3A_196 : vector<32x512xf32>
    %jit3A_198 = arith.constant 0xFF800000 : f32
    %broadcast_in_dim3A_199 = vector.broadcast %jit3A_198 : f32 to vector<32x512xf32>
    %select_n3A_200 = arith.select %lt3A_197, %reduce_sum3A_176, %broadcast_in_dim3A_199 : vector<32x512xi1>, vector<32x512xf32>
    %reduce_max3A_201 = arith.constant dense<0xFF800000> : vector<32xf32>
    %reduce_max3A_202 = vector.multi_reduction <maximumf>, %select_n3A_200, %reduce_max3A_201 [1] : vector<32x512xf32> to vector<32xf32>
    %broadcast_in_dim3A_203 = vector.shape_cast %reduce_max3A_202 : vector<32xf32> to vector<32x1xf32>
    %lt3A_204 = vector.broadcast %broadcast_in_dim3A_203 : vector<32x1xf32> to vector<32x512xf32>
    %lt3A_205 = arith.cmpf olt, %reduce_sum3A_176, %lt3A_204 : vector<32x512xf32>
    %jit3A_206 = arith.constant 0xFF800000 : f32
    %broadcast_in_dim3A_207 = vector.broadcast %jit3A_206 : f32 to vector<32x512xf32>
    %select_n3A_208 = arith.select %lt3A_205, %reduce_sum3A_176, %broadcast_in_dim3A_207 : vector<32x512xi1>, vector<32x512xf32>
    %reduce_max3A_209 = arith.constant dense<0xFF800000> : vector<32xf32>
    %reduce_max3A_210 = vector.multi_reduction <maximumf>, %select_n3A_208, %reduce_max3A_209 [1] : vector<32x512xf32> to vector<32xf32>
    %broadcast_in_dim3A_211 = vector.shape_cast %reduce_max3A_210 : vector<32xf32> to vector<32x1xf32>
    %ge3A_212 = vector.broadcast %broadcast_in_dim3A_211 : vector<32x1xf32> to vector<32x512xf32>
    %ge3A_213 = arith.cmpf oge, %reduce_sum3A_176, %ge3A_212 : vector<32x512xf32>
    %jit3A_214 = arith.constant 0.000000e+00 : f32
    %broadcast_in_dim3A_215 = vector.broadcast %jit3A_214 : f32 to vector<32x512xf32>
    %select_n3A_216 = arith.select %ge3A_213, %reduce_sum3A_176, %broadcast_in_dim3A_215 : vector<32x512xi1>, vector<32x512xf32>
    %reduce_sum3A_217 = arith.constant dense<0.000000e+00> : vector<32xf32>
    %reduce_sum3A_218 = vector.multi_reduction <add>, %select_n3A_216, %reduce_sum3A_217 [1] : vector<32x512xf32> to vector<32xf32>
    %broadcast_in_dim3A_219 = vector.shape_cast %reduce_sum3A_218 : vector<32xf32> to vector<32x1xf32>
    %max3A_220 = arith.constant 9.99999996E-13 : f32
    %max3A_221 = vector.broadcast %max3A_220 : f32 to vector<32x1xf32>
    %max3A_222 = arith.maximumf %broadcast_in_dim3A_219, %max3A_221 : vector<32x1xf32>
    %div3A_223 = vector.broadcast %max3A_222 : vector<32x1xf32> to vector<32x512xf32>
    %div3A_224 = arith.divf %select_n3A_216, %div3A_223 : vector<32x512xf32>
    %swap3A_225 = arith.constant 0 : index
    %swap3A_226 = arith.constant 64 : index
    %swap3A_227 = arith.constant 0 : index
    %swap3A_228 = vector.load %arg4[%swap3A_225, %swap3A_226, %swap3A_227] : memref<1x512x512xf32, #tpu.memory_space<vmem>>, vector<1x32x512xf32>
    %swap3A_229 = vector.shape_cast %swap3A_228 : vector<1x32x512xf32> to vector<32x512xf32>
    %swap3A_230 = vector.shape_cast %div3A_224 : vector<32x512xf32> to vector<1x32x512xf32>
    tpu.vector_store %arg4[%swap3A_225, %swap3A_226, %swap3A_227], %swap3A_230 {strides = array<i32>} : memref<1x512x512xf32, #tpu.memory_space<vmem>>, vector<1x32x512xf32>,
    %get3A_231 = arith.constant 0 : index
    %get3A_232 = arith.constant 0 : index
    %get3A_233 = arith.constant 96 : index
    %get3A_234 = arith.constant 0 : index
    %get3A_235 = vector.load %arg3[%get3A_231, %get3A_232, %get3A_233, %get3A_234] : memref<1x4x512x512xf32, #tpu.memory_space<vmem>>, vector<1x4x32x512xf32>
    %get3A_236 = vector.shape_cast %get3A_235 : vector<1x4x32x512xf32> to vector<4x32x512xf32>
    %abs3A_237 = math.absf %get3A_236 : vector<4x32x512xf32>
    %reduce_sum3A_238 = arith.constant dense<0.000000e+00> : vector<4x32xf32>
    %reduce_sum3A_239 = vector.multi_reduction <add>, %abs3A_237, %reduce_sum3A_238 [2] : vector<4x32x512xf32> to vector<4x32xf32>
    %broadcast_in_dim3A_240 = vector.shape_cast %reduce_sum3A_239 : vector<4x32xf32> to vector<4x32x1xf32>
    %max3A_241 = arith.constant 9.99999996E-13 : f32
    %max3A_242 = vector.broadcast %max3A_241 : f32 to vector<4x32x1xf32>
    %max3A_243 = arith.maximumf %broadcast_in_dim3A_240, %max3A_242 : vector<4x32x1xf32>
    %broadcast_in_dim3A_244 = vector.shape_cast %div3A_15 : vector<4xf32> to vector<4x1x1xf32>
    %div3A_245 = vector.broadcast %broadcast_in_dim3A_244 : vector<4x1x1xf32> to vector<4x32x1xf32>
    %div3A_246 = arith.divf %div3A_245, %max3A_243 : vector<4x32x1xf32>
    %mul3A_247 = vector.broadcast %div3A_246 : vector<4x32x1xf32> to vector<4x32x512xf32>
    %mul3A_248 = arith.mulf %get3A_236, %mul3A_247 : vector<4x32x512xf32>
    %reduce_sum3A_249 = arith.constant dense<0.000000e+00> : vector<32x512xf32>
    %reduce_sum3A_250 = vector.multi_reduction <add>, %mul3A_248, %reduce_sum3A_249 [0] : vector<4x32x512xf32> to vector<32x512xf32>
    %reduce_max3A_251 = arith.constant dense<0xFF800000> : vector<32xf32>
    %reduce_max3A_252 = vector.multi_reduction <maximumf>, %reduce_sum3A_250, %reduce_max3A_251 [1] : vector<32x512xf32> to vector<32xf32>
    %broadcast_in_dim3A_253 = vector.shape_cast %reduce_max3A_252 : vector<32xf32> to vector<32x1xf32>
    %lt3A_254 = vector.broadcast %broadcast_in_dim3A_253 : vector<32x1xf32> to vector<32x512xf32>
    %lt3A_255 = arith.cmpf olt, %reduce_sum3A_250, %lt3A_254 : vector<32x512xf32>
    %jit3A_256 = arith.constant 0xFF800000 : f32
    %broadcast_in_dim3A_257 = vector.broadcast %jit3A_256 : f32 to vector<32x512xf32>
    %select_n3A_258 = arith.select %lt3A_255, %reduce_sum3A_250, %broadcast_in_dim3A_257 : vector<32x512xi1>, vector<32x512xf32>
    %reduce_max3A_259 = arith.constant dense<0xFF800000> : vector<32xf32>
    %reduce_max3A_260 = vector.multi_reduction <maximumf>, %select_n3A_258, %reduce_max3A_259 [1] : vector<32x512xf32> to vector<32xf32>
    %broadcast_in_dim3A_261 = vector.shape_cast %reduce_max3A_260 : vector<32xf32> to vector<32x1xf32>
    %lt3A_262 = vector.broadcast %broadcast_in_dim3A_261 : vector<32x1xf32> to vector<32x512xf32>
    %lt3A_263 = arith.cmpf olt, %reduce_sum3A_250, %lt3A_262 : vector<32x512xf32>
    %jit3A_264 = arith.constant 0xFF800000 : f32
    %broadcast_in_dim3A_265 = vector.broadcast %jit3A_264 : f32 to vector<32x512xf32>
    %select_n3A_266 = arith.select %lt3A_263, %reduce_sum3A_250, %broadcast_in_dim3A_265 : vector<32x512xi1>, vector<32x512xf32>
    %reduce_max3A_267 = arith.constant dense<0xFF800000> : vector<32xf32>
    %reduce_max3A_268 = vector.multi_reduction <maximumf>, %select_n3A_266, %reduce_max3A_267 [1] : vector<32x512xf32> to vector<32xf32>
    %broadcast_in_dim3A_269 = vector.shape_cast %reduce_max3A_268 : vector<32xf32> to vector<32x1xf32>
    %lt3A_270 = vector.broadcast %broadcast_in_dim3A_269 : vector<32x1xf32> to vector<32x512xf32>
    %lt3A_271 = arith.cmpf olt, %reduce_sum3A_250, %lt3A_270 : vector<32x512xf32>
    %jit3A_272 = arith.constant 0xFF800000 : f32
    %broadcast_in_dim3A_273 = vector.broadcast %jit3A_272 : f32 to vector<32x512xf32>
    %select_n3A_274 = arith.select %lt3A_271, %reduce_sum3A_250, %broadcast_in_dim3A_273 : vector<32x512xi1>, vector<32x512xf32>
    %reduce_max3A_275 = arith.constant dense<0xFF800000> : vector<32xf32>
    %reduce_max3A_276 = vector.multi_reduction <maximumf>, %select_n3A_274, %reduce_max3A_275 [1] : vector<32x512xf32> to vector<32xf32>
    %broadcast_in_dim3A_277 = vector.shape_cast %reduce_max3A_276 : vector<32xf32> to vector<32x1xf32>
    %lt3A_278 = vector.broadcast %broadcast_in_dim3A_277 : vector<32x1xf32> to vector<32x512xf32>
    %lt3A_279 = arith.cmpf olt, %reduce_sum3A_250, %lt3A_278 : vector<32x512xf32>
    %jit3A_280 = arith.constant 0xFF800000 : f32
    %broadcast_in_dim3A_281 = vector.broadcast %jit3A_280 : f32 to vector<32x512xf32>
    %select_n3A_282 = arith.select %lt3A_279, %reduce_sum3A_250, %broadcast_in_dim3A_281 : vector<32x512xi1>, vector<32x512xf32>
    %reduce_max3A_283 = arith.constant dense<0xFF800000> : vector<32xf32>
    %reduce_max3A_284 = vector.multi_reduction <maximumf>, %select_n3A_282, %reduce_max3A_283 [1] : vector<32x512xf32> to vector<32xf32>
    %broadcast_in_dim3A_285 = vector.shape_cast %reduce_max3A_284 : vector<32xf32> to vector<32x1xf32>
    %ge3A_286 = vector.broadcast %broadcast_in_dim3A_285 : vector<32x1xf32> to vector<32x512xf32>
    %ge3A_287 = arith.cmpf oge, %reduce_sum3A_250, %ge3A_286 : vector<32x512xf32>
    %jit3A_288 = arith.constant 0.000000e+00 : f32
    %broadcast_in_dim3A_289 = vector.broadcast %jit3A_288 : f32 to vector<32x512xf32>
    %select_n3A_290 = arith.select %ge3A_287, %reduce_sum3A_250, %broadcast_in_dim3A_289 : vector<32x512xi1>, vector<32x512xf32>
    %reduce_sum3A_291 = arith.constant dense<0.000000e+00> : vector<32xf32>
    %reduce_sum3A_292 = vector.multi_reduction <add>, %select_n3A_290, %reduce_sum3A_291 [1] : vector<32x512xf32> to vector<32xf32>
    %broadcast_in_dim3A_293 = vector.shape_cast %reduce_sum3A_292 : vector<32xf32> to vector<32x1xf32>
    %max3A_294 = arith.constant 9.99999996E-13 : f32
    %max3A_295 = vector.broadcast %max3A_294 : f32 to vector<32x1xf32>
    %max3A_296 = arith.maximumf %broadcast_in_dim3A_293, %max3A_295 : vector<32x1xf32>
    %div3A_297 = vector.broadcast %max3A_296 : vector<32x1xf32> to vector<32x512xf32>
    %div3A_298 = arith.divf %select_n3A_290, %div3A_297 : vector<32x512xf32>
    %swap3A_299 = arith.constant 0 : index
    %swap3A_300 = arith.constant 96 : index
    %swap3A_301 = arith.constant 0 : index
    %swap3A_302 = vector.load %arg4[%swap3A_299, %swap3A_300, %swap3A_301] : memref<1x512x512xf32, #tpu.memory_space<vmem>>, vector<1x32x512xf32>
    %swap3A_303 = vector.shape_cast %swap3A_302 : vector<1x32x512xf32> to vector<32x512xf32>
    %swap3A_304 = vector.shape_cast %div3A_298 : vector<32x512xf32> to vector<1x32x512xf32>
    tpu.vector_store %arg4[%swap3A_299, %swap3A_300, %swap3A_301], %swap3A_304 {strides = array<i32>} : memref<1x512x512xf32, #tpu.memory_space<vmem>>, vector<1x32x512xf32>,
    %get3A_305 = arith.constant 0 : index
    %get3A_306 = arith.constant 0 : index
    %get3A_307 = arith.constant 128 : index
    %get3A_308 = arith.constant 0 : index
    %get3A_309 = vector.load %arg3[%get3A_305, %get3A_306, %get3A_307, %get3A_308] : memref<1x4x512x512xf32, #tpu.memory_space<vmem>>, vector<1x4x32x512xf32>
    %get3A_310 = vector.shape_cast %get3A_309 : vector<1x4x32x512xf32> to vector<4x32x512xf32>
    %abs3A_311 = math.absf %get3A_310 : vector<4x32x512xf32>
    %reduce_sum3A_312 = arith.constant dense<0.000000e+00> : vector<4x32xf32>
    %reduce_sum3A_313 = vector.multi_reduction <add>, %abs3A_311, %reduce_sum3A_312 [2] : vector<4x32x512xf32> to vector<4x32xf32>
    %broadcast_in_dim3A_314 = vector.shape_cast %reduce_sum3A_313 : vector<4x32xf32> to vector<4x32x1xf32>
    %max3A_315 = arith.constant 9.99999996E-13 : f32
    %max3A_316 = vector.broadcast %max3A_315 : f32 to vector<4x32x1xf32>
    %max3A_317 = arith.maximumf %broadcast_in_dim3A_314, %max3A_316 : vector<4x32x1xf32>
    %broadcast_in_dim3A_318 = vector.shape_cast %div3A_15 : vector<4xf32> to vector<4x1x1xf32>
    %div3A_319 = vector.broadcast %broadcast_in_dim3A_318 : vector<4x1x1xf32> to vector<4x32x1xf32>
    %div3A_320 = arith.divf %div3A_319, %max3A_317 : vector<4x32x1xf32>
    %mul3A_321 = vector.broadcast %div3A_320 : vector<4x32x1xf32> to vector<4x32x512xf32>
    %mul3A_322 = arith.mulf %get3A_310, %mul3A_321 : vector<4x32x512xf32>
    %reduce_sum3A_323 = arith.constant dense<0.000000e+00> : vector<32x512xf32>
    %reduce_sum3A_324 = vector.multi_reduction <add>, %mul3A_322, %reduce_sum3A_323 [0] : vector<4x32x512xf32> to vector<32x512xf32>
    %reduce_max3A_325 = arith.constant dense<0xFF800000> : vector<32xf32>
    %reduce_max3A_326 = vector.multi_reduction <maximumf>, %reduce_sum3A_324, %reduce_max3A_325 [1] : vector<32x512xf32> to vector<32xf32>
    %broadcast_in_dim3A_327 = vector.shape_cast %reduce_max3A_326 : vector<32xf32> to vector<32x1xf32>
    %lt3A_328 = vector.broadcast %broadcast_in_dim3A_327 : vector<32x1xf32> to vector<32x512xf32>
    %lt3A_329 = arith.cmpf olt, %reduce_sum3A_324, %lt3A_328 : vector<32x512xf32>
    %jit3A_330 = arith.constant 0xFF800000 : f32
    %broadcast_in_dim3A_331 = vector.broadcast %jit3A_330 : f32 to vector<32x512xf32>
    %select_n3A_332 = arith.select %lt3A_329, %reduce_sum3A_324, %broadcast_in_dim3A_331 : vector<32x512xi1>, vector<32x512xf32>
    %reduce_max3A_333 = arith.constant dense<0xFF800000> : vector<32xf32>
    %reduce_max3A_334 = vector.multi_reduction <maximumf>, %select_n3A_332, %reduce_max3A_333 [1] : vector<32x512xf32> to vector<32xf32>
    %broadcast_in_dim3A_335 = vector.shape_cast %reduce_max3A_334 : vector<32xf32> to vector<32x1xf32>
    %lt3A_336 = vector.broadcast %broadcast_in_dim3A_335 : vector<32x1xf32> to vector<32x512xf32>
    %lt3A_337 = arith.cmpf olt, %reduce_sum3A_324, %lt3A_336 : vector<32x512xf32>
    %jit3A_338 = arith.constant 0xFF800000 : f32
    %broadcast_in_dim3A_339 = vector.broadcast %jit3A_338 : f32 to vector<32x512xf32>
    %select_n3A_340 = arith.select %lt3A_337, %reduce_sum3A_324, %broadcast_in_dim3A_339 : vector<32x512xi1>, vector<32x512xf32>
    %reduce_max3A_341 = arith.constant dense<0xFF800000> : vector<32xf32>
    %reduce_max3A_342 = vector.multi_reduction <maximumf>, %select_n3A_340, %reduce_max3A_341 [1] : vector<32x512xf32> to vector<32xf32>
    %broadcast_in_dim3A_343 = vector.shape_cast %reduce_max3A_342 : vector<32xf32> to vector<32x1xf32>
    %lt3A_344 = vector.broadcast %broadcast_in_dim3A_343 : vector<32x1xf32> to vector<32x512xf32>
    %lt3A_345 = arith.cmpf olt, %reduce_sum3A_324, %lt3A_344 : vector<32x512xf32>
    %jit3A_346 = arith.constant 0xFF800000 : f32
    %broadcast_in_dim3A_347 = vector.broadcast %jit3A_346 : f32 to vector<32x512xf32>
    %select_n3A_348 = arith.select %lt3A_345, %reduce_sum3A_324, %broadcast_in_dim3A_347 : vector<32x512xi1>, vector<32x512xf32>
    %reduce_max3A_349 = arith.constant dense<0xFF800000> : vector<32xf32>
    %reduce_max3A_350 = vector.multi_reduction <maximumf>, %select_n3A_348, %reduce_max3A_349 [1] : vector<32x512xf32> to vector<32xf32>
    %broadcast_in_dim3A_351 = vector.shape_cast %reduce_max3A_350 : vector<32xf32> to vector<32x1xf32>
    %lt3A_352 = vector.broadcast %broadcast_in_dim3A_351 : vector<32x1xf32> to vector<32x512xf32>
    %lt3A_353 = arith.cmpf olt, %reduce_sum3A_324, %lt3A_352 : vector<32x512xf32>
    %jit3A_354 = arith.constant 0xFF800000 : f32
    %broadcast_in_dim3A_355 = vector.broadcast %jit3A_354 : f32 to vector<32x512xf32>
    %select_n3A_356 = arith.select %lt3A_353, %reduce_sum3A_324, %broadcast_in_dim3A_355 : vector<32x512xi1>, vector<32x512xf32>
    %reduce_max3A_357 = arith.constant dense<0xFF800000> : vector<32xf32>
    %reduce_max3A_358 = vector.multi_reduction <maximumf>, %select_n3A_356, %reduce_max3A_357 [1] : vector<32x512xf32> to vector<32xf32>
    %broadcast_in_dim3A_359 = vector.shape_cast %reduce_max3A_358 : vector<32xf32> to vector<32x1xf32>
    %ge3A_360 = vector.broadcast %broadcast_in_dim3A_359 : vector<32x1xf32> to vector<32x512xf32>
    %ge3A_361 = arith.cmpf oge, %reduce_sum3A_324, %ge3A_360 : vector<32x512xf32>
    %jit3A_362 = arith.constant 0.000000e+00 : f32
    %broadcast_in_dim3A_363 = vector.broadcast %jit3A_362 : f32 to vector<32x512xf32>
    %select_n3A_364 = arith.select %ge3A_361, %reduce_sum3A_324, %broadcast_in_dim3A_363 : vector<32x512xi1>, vector<32x512xf32>
    %reduce_sum3A_365 = arith.constant dense<0.000000e+00> : vector<32xf32>
    %reduce_sum3A_366 = vector.multi_reduction <add>, %select_n3A_364, %reduce_sum3A_365 [1] : vector<32x512xf32> to vector<32xf32>
    %broadcast_in_dim3A_367 = vector.shape_cast %reduce_sum3A_366 : vector<32xf32> to vector<32x1xf32>
    %max3A_368 = arith.constant 9.99999996E-13 : f32
    %max3A_369 = vector.broadcast %max3A_368 : f32 to vector<32x1xf32>
    %max3A_370 = arith.maximumf %broadcast_in_dim3A_367, %max3A_369 : vector<32x1xf32>
    %div3A_371 = vector.broadcast %max3A_370 : vector<32x1xf32> to vector<32x512xf32>
    %div3A_372 = arith.divf %select_n3A_364, %div3A_371 : vector<32x512xf32>
    %swap3A_373 = arith.constant 0 : index
    %swap3A_374 = arith.constant 128 : index
    %swap3A_375 = arith.constant 0 : index
    %swap3A_376 = vector.load %arg4[%swap3A_373, %swap3A_374, %swap3A_375] : memref<1x512x512xf32, #tpu.memory_space<vmem>>, vector<1x32x512xf32>
    %swap3A_377 = vector.shape_cast %swap3A_376 : vector<1x32x512xf32> to vector<32x512xf32>
    %swap3A_378 = vector.shape_cast %div3A_372 : vector<32x512xf32> to vector<1x32x512xf32>
    tpu.vector_store %arg4[%swap3A_373, %swap3A_374, %swap3A_375], %swap3A_378 {strides = array<i32>} : memref<1x512x512xf32, #tpu.memory_space<vmem>>, vector<1x32x512xf32>,
    %get3A_379 = arith.constant 0 : index
    %get3A_380 = arith.constant 0 : index
    %get3A_381 = arith.constant 160 : index
    %get3A_382 = arith.constant 0 : index
    %get3A_383 = vector.load %arg3[%get3A_379, %get3A_380, %get3A_381, %get3A_382] : memref<1x4x512x512xf32, #tpu.memory_space<vmem>>, vector<1x4x32x512xf32>
    %get3A_384 = vector.shape_cast %get3A_383 : vector<1x4x32x512xf32> to vector<4x32x512xf32>
    %abs3A_385 = math.absf %get3A_384 : vector<4x32x512xf32>
    %reduce_sum3A_386 = arith.constant dense<0.000000e+00> : vector<4x32xf32>
    %reduce_sum3A_387 = vector.multi_reduction <add>, %abs3A_385, %reduce_sum3A_386 [2] : vector<4x32x512xf32> to vector<4x32xf32>
    %broadcast_in_dim3A_388 = vector.shape_cast %reduce_sum3A_387 : vector<4x32xf32> to vector<4x32x1xf32>
    %max3A_389 = arith.constant 9.99999996E-13 : f32
    %max3A_390 = vector.broadcast %max3A_389 : f32 to vector<4x32x1xf32>
    %max3A_391 = arith.maximumf %broadcast_in_dim3A_388, %max3A_390 : vector<4x32x1xf32>
    %broadcast_in_dim3A_392 = vector.shape_cast %div3A_15 : vector<4xf32> to vector<4x1x1xf32>
    %div3A_393 = vector.broadcast %broadcast_in_dim3A_392 : vector<4x1x1xf32> to vector<4x32x1xf32>
    %div3A_394 = arith.divf %div3A_393, %max3A_391 : vector<4x32x1xf32>
    %mul3A_395 = vector.broadcast %div3A_394 : vector<4x32x1xf32> to vector<4x32x512xf32>
    %mul3A_396 = arith.mulf %get3A_384, %mul3A_395 : vector<4x32x512xf32>
    %reduce_sum3A_397 = arith.constant dense<0.000000e+00> : vector<32x512xf32>
    %reduce_sum3A_398 = vector.multi_reduction <add>, %mul3A_396, %reduce_sum3A_397 [0] : vector<4x32x512xf32> to vector<32x512xf32>
    %reduce_max3A_399 = arith.constant dense<0xFF800000> : vector<32xf32>
    %reduce_max3A_400 = vector.multi_reduction <maximumf>, %reduce_sum3A_398, %reduce_max3A_399 [1] : vector<32x512xf32> to vector<32xf32>
    %broadcast_in_dim3A_401 = vector.shape_cast %reduce_max3A_400 : vector<32xf32> to vector<32x1xf32>
    %lt3A_402 = vector.broadcast %broadcast_in_dim3A_401 : vector<32x1xf32> to vector<32x512xf32>
    %lt3A_403 = arith.cmpf olt, %reduce_sum3A_398, %lt3A_402 : vector<32x512xf32>
    %jit3A_404 = arith.constant 0xFF800000 : f32
    %broadcast_in_dim3A_405 = vector.broadcast %jit3A_404 : f32 to vector<32x512xf32>
    %select_n3A_406 = arith.select %lt3A_403, %reduce_sum3A_398, %broadcast_in_dim3A_405 : vector<32x512xi1>, vector<32x512xf32>
    %reduce_max3A_407 = arith.constant dense<0xFF800000> : vector<32xf32>
    %reduce_max3A_408 = vector.multi_reduction <maximumf>, %select_n3A_406, %reduce_max3A_407 [1] : vector<32x512xf32> to vector<32xf32>
    %broadcast_in_dim3A_409 = vector.shape_cast %reduce_max3A_408 : vector<32xf32> to vector<32x1xf32>
    %lt3A_410 = vector.broadcast %broadcast_in_dim3A_409 : vector<32x1xf32> to vector<32x512xf32>
    %lt3A_411 = arith.cmpf olt, %reduce_sum3A_398, %lt3A_410 : vector<32x512xf32>
    %jit3A_412 = arith.constant 0xFF800000 : f32
    %broadcast_in_dim3A_413 = vector.broadcast %jit3A_412 : f32 to vector<32x512xf32>
    %select_n3A_414 = arith.select %lt3A_411, %reduce_sum3A_398, %broadcast_in_dim3A_413 : vector<32x512xi1>, vector<32x512xf32>
    %reduce_max3A_415 = arith.constant dense<0xFF800000> : vector<32xf32>
    %reduce_max3A_416 = vector.multi_reduction <maximumf>, %select_n3A_414, %reduce_max3A_415 [1] : vector<32x512xf32> to vector<32xf32>
    %broadcast_in_dim3A_417 = vector.shape_cast %reduce_max3A_416 : vector<32xf32> to vector<32x1xf32>
    %lt3A_418 = vector.broadcast %broadcast_in_dim3A_417 : vector<32x1xf32> to vector<32x512xf32>
    %lt3A_419 = arith.cmpf olt, %reduce_sum3A_398, %lt3A_418 : vector<32x512xf32>
    %jit3A_420 = arith.constant 0xFF800000 : f32
    %broadcast_in_dim3A_421 = vector.broadcast %jit3A_420 : f32 to vector<32x512xf32>
    %select_n3A_422 = arith.select %lt3A_419, %reduce_sum3A_398, %broadcast_in_dim3A_421 : vector<32x512xi1>, vector<32x512xf32>
    %reduce_max3A_423 = arith.constant dense<0xFF800000> : vector<32xf32>
    %reduce_max3A_424 = vector.multi_reduction <maximumf>, %select_n3A_422, %reduce_max3A_423 [1] : vector<32x512xf32> to vector<32xf32>
    %broadcast_in_dim3A_425 = vector.shape_cast %reduce_max3A_424 : vector<32xf32> to vector<32x1xf32>
    %lt3A_426 = vector.broadcast %broadcast_in_dim3A_425 : vector<32x1xf32> to vector<32x512xf32>
    %lt3A_427 = arith.cmpf olt, %reduce_sum3A_398, %lt3A_426 : vector<32x512xf32>
    %jit3A_428 = arith.constant 0xFF800000 : f32
    %broadcast_in_dim3A_429 = vector.broadcast %jit3A_428 : f32 to vector<32x512xf32>
    %select_n3A_430 = arith.select %lt3A_427, %reduce_sum3A_398, %broadcast_in_dim3A_429 : vector<32x512xi1>, vector<32x512xf32>
    %reduce_max3A_431 = arith.constant dense<0xFF800000> : vector<32xf32>
    %reduce_max3A_432 = vector.multi_reduction <maximumf>, %select_n3A_430, %reduce_max3A_431 [1] : vector<32x512xf32> to vector<32xf32>
    %broadcast_in_dim3A_433 = vector.shape_cast %reduce_max3A_432 : vector<32xf32> to vector<32x1xf32>
    %ge3A_434 = vector.broadcast %broadcast_in_dim3A_433 : vector<32x1xf32> to vector<32x512xf32>
    %ge3A_435 = arith.cmpf oge, %reduce_sum3A_398, %ge3A_434 : vector<32x512xf32>
    %jit3A_436 = arith.constant 0.000000e+00 : f32
    %broadcast_in_dim3A_437 = vector.broadcast %jit3A_436 : f32 to vector<32x512xf32>
    %select_n3A_438 = arith.select %ge3A_435, %reduce_sum3A_398, %broadcast_in_dim3A_437 : vector<32x512xi1>, vector<32x512xf32>
    %reduce_sum3A_439 = arith.constant dense<0.000000e+00> : vector<32xf32>
    %reduce_sum3A_440 = vector.multi_reduction <add>, %select_n3A_438, %reduce_sum3A_439 [1] : vector<32x512xf32> to vector<32xf32>
    %broadcast_in_dim3A_441 = vector.shape_cast %reduce_sum3A_440 : vector<32xf32> to vector<32x1xf32>
    %max3A_442 = arith.constant 9.99999996E-13 : f32
    %max3A_443 = vector.broadcast %max3A_442 : f32 to vector<32x1xf32>
    %max3A_444 = arith.maximumf %broadcast_in_dim3A_441, %max3A_443 : vector<32x1xf32>
    %div3A_445 = vector.broadcast %max3A_444 : vector<32x1xf32> to vector<32x512xf32>
    %div3A_446 = arith.divf %select_n3A_438, %div3A_445 : vector<32x512xf32>
    %swap3A_447 = arith.constant 0 : index
    %swap3A_448 = arith.constant 160 : index
    %swap3A_449 = arith.constant 0 : index
    %swap3A_450 = vector.load %arg4[%swap3A_447, %swap3A_448, %swap3A_449] : memref<1x512x512xf32, #tpu.memory_space<vmem>>, vector<1x32x512xf32>
    %swap3A_451 = vector.shape_cast %swap3A_450 : vector<1x32x512xf32> to vector<32x512xf32>
    %swap3A_452 = vector.shape_cast %div3A_446 : vector<32x512xf32> to vector<1x32x512xf32>
    tpu.vector_store %arg4[%swap3A_447, %swap3A_448, %swap3A_449], %swap3A_452 {strides = array<i32>} : memref<1x512x512xf32, #tpu.memory_space<vmem>>, vector<1x32x512xf32>,
    %get3A_453 = arith.constant 0 : index
    %get3A_454 = arith.constant 0 : index
    %get3A_455 = arith.constant 192 : index
    %get3A_456 = arith.constant 0 : index
    %get3A_457 = vector.load %arg3[%get3A_453, %get3A_454, %get3A_455, %get3A_456] : memref<1x4x512x512xf32, #tpu.memory_space<vmem>>, vector<1x4x32x512xf32>
    %get3A_458 = vector.shape_cast %get3A_457 : vector<1x4x32x512xf32> to vector<4x32x512xf32>
    %abs3A_459 = math.absf %get3A_458 : vector<4x32x512xf32>
    %reduce_sum3A_460 = arith.constant dense<0.000000e+00> : vector<4x32xf32>
    %reduce_sum3A_461 = vector.multi_reduction <add>, %abs3A_459, %reduce_sum3A_460 [2] : vector<4x32x512xf32> to vector<4x32xf32>
    %broadcast_in_dim3A_462 = vector.shape_cast %reduce_sum3A_461 : vector<4x32xf32> to vector<4x32x1xf32>
    %max3A_463 = arith.constant 9.99999996E-13 : f32
    %max3A_464 = vector.broadcast %max3A_463 : f32 to vector<4x32x1xf32>
    %max3A_465 = arith.maximumf %broadcast_in_dim3A_462, %max3A_464 : vector<4x32x1xf32>
    %broadcast_in_dim3A_466 = vector.shape_cast %div3A_15 : vector<4xf32> to vector<4x1x1xf32>
    %div3A_467 = vector.broadcast %broadcast_in_dim3A_466 : vector<4x1x1xf32> to vector<4x32x1xf32>
    %div3A_468 = arith.divf %div3A_467, %max3A_465 : vector<4x32x1xf32>
    %mul3A_469 = vector.broadcast %div3A_468 : vector<4x32x1xf32> to vector<4x32x512xf32>
    %mul3A_470 = arith.mulf %get3A_458, %mul3A_469 : vector<4x32x512xf32>
    %reduce_sum3A_471 = arith.constant dense<0.000000e+00> : vector<32x512xf32>
    %reduce_sum3A_472 = vector.multi_reduction <add>, %mul3A_470, %reduce_sum3A_471 [0] : vector<4x32x512xf32> to vector<32x512xf32>
    %reduce_max3A_473 = arith.constant dense<0xFF800000> : vector<32xf32>
    %reduce_max3A_474 = vector.multi_reduction <maximumf>, %reduce_sum3A_472, %reduce_max3A_473 [1] : vector<32x512xf32> to vector<32xf32>
    %broadcast_in_dim3A_475 = vector.shape_cast %reduce_max3A_474 : vector<32xf32> to vector<32x1xf32>
    %lt3A_476 = vector.broadcast %broadcast_in_dim3A_475 : vector<32x1xf32> to vector<32x512xf32>
    %lt3A_477 = arith.cmpf olt, %reduce_sum3A_472, %lt3A_476 : vector<32x512xf32>
    %jit3A_478 = arith.constant 0xFF800000 : f32
    %broadcast_in_dim3A_479 = vector.broadcast %jit3A_478 : f32 to vector<32x512xf32>
    %select_n3A_480 = arith.select %lt3A_477, %reduce_sum3A_472, %broadcast_in_dim3A_479 : vector<32x512xi1>, vector<32x512xf32>
    %reduce_max3A_481 = arith.constant dense<0xFF800000> : vector<32xf32>
    %reduce_max3A_482 = vector.multi_reduction <maximumf>, %select_n3A_480, %reduce_max3A_481 [1] : vector<32x512xf32> to vector<32xf32>
    %broadcast_in_dim3A_483 = vector.shape_cast %reduce_max3A_482 : vector<32xf32> to vector<32x1xf32>
    %lt3A_484 = vector.broadcast %broadcast_in_dim3A_483 : vector<32x1xf32> to vector<32x512xf32>
    %lt3A_485 = arith.cmpf olt, %reduce_sum3A_472, %lt3A_484 : vector<32x512xf32>
    %jit3A_486 = arith.constant 0xFF800000 : f32
    %broadcast_in_dim3A_487 = vector.broadcast %jit3A_486 : f32 to vector<32x512xf32>
    %select_n3A_488 = arith.select %lt3A_485, %reduce_sum3A_472, %broadcast_in_dim3A_487 : vector<32x512xi1>, vector<32x512xf32>
    %reduce_max3A_489 = arith.constant dense<0xFF800000> : vector<32xf32>
    %reduce_max3A_490 = vector.multi_reduction <maximumf>, %select_n3A_488, %reduce_max3A_489 [1] : vector<32x512xf32> to vector<32xf32>
    %broadcast_in_dim3A_491 = vector.shape_cast %reduce_max3A_490 : vector<32xf32> to vector<32x1xf32>
    %lt3A_492 = vector.broadcast %broadcast_in_dim3A_491 : vector<32x1xf32> to vector<32x512xf32>
    %lt3A_493 = arith.cmpf olt, %reduce_sum3A_472, %lt3A_492 : vector<32x512xf32>
    %jit3A_494 = arith.constant 0xFF800000 : f32
    %broadcast_in_dim3A_495 = vector.broadcast %jit3A_494 : f32 to vector<32x512xf32>
    %select_n3A_496 = arith.select %lt3A_493, %reduce_sum3A_472, %broadcast_in_dim3A_495 : vector<32x512xi1>, vector<32x512xf32>
    %reduce_max3A_497 = arith.constant dense<0xFF800000> : vector<32xf32>
    %reduce_max3A_498 = vector.multi_reduction <maximumf>, %select_n3A_496, %reduce_max3A_497 [1] : vector<32x512xf32> to vector<32xf32>
    %broadcast_in_dim3A_499 = vector.shape_cast %reduce_max3A_498 : vector<32xf32> to vector<32x1xf32>
    %lt3A_500 = vector.broadcast %broadcast_in_dim3A_499 : vector<32x1xf32> to vector<32x512xf32>
    %lt3A_501 = arith.cmpf olt, %reduce_sum3A_472, %lt3A_500 : vector<32x512xf32>
    %jit3A_502 = arith.constant 0xFF800000 : f32
    %broadcast_in_dim3A_503 = vector.broadcast %jit3A_502 : f32 to vector<32x512xf32>
    %select_n3A_504 = arith.select %lt3A_501, %reduce_sum3A_472, %broadcast_in_dim3A_503 : vector<32x512xi1>, vector<32x512xf32>
    %reduce_max3A_505 = arith.constant dense<0xFF800000> : vector<32xf32>
    %reduce_max3A_506 = vector.multi_reduction <maximumf>, %select_n3A_504, %reduce_max3A_505 [1] : vector<32x512xf32> to vector<32xf32>
    %broadcast_in_dim3A_507 = vector.shape_cast %reduce_max3A_506 : vector<32xf32> to vector<32x1xf32>
    %ge3A_508 = vector.broadcast %broadcast_in_dim3A_507 : vector<32x1xf32> to vector<32x512xf32>
    %ge3A_509 = arith.cmpf oge, %reduce_sum3A_472, %ge3A_508 : vector<32x512xf32>
    %jit3A_510 = arith.constant 0.000000e+00 : f32
    %broadcast_in_dim3A_511 = vector.broadcast %jit3A_510 : f32 to vector<32x512xf32>
    %select_n3A_512 = arith.select %ge3A_509, %reduce_sum3A_472, %broadcast_in_dim3A_511 : vector<32x512xi1>, vector<32x512xf32>
    %reduce_sum3A_513 = arith.constant dense<0.000000e+00> : vector<32xf32>
    %reduce_sum3A_514 = vector.multi_reduction <add>, %select_n3A_512, %reduce_sum3A_513 [1] : vector<32x512xf32> to vector<32xf32>
    %broadcast_in_dim3A_515 = vector.shape_cast %reduce_sum3A_514 : vector<32xf32> to vector<32x1xf32>
    %max3A_516 = arith.constant 9.99999996E-13 : f32
    %max3A_517 = vector.broadcast %max3A_516 : f32 to vector<32x1xf32>
    %max3A_518 = arith.maximumf %broadcast_in_dim3A_515, %max3A_517 : vector<32x1xf32>
    %div3A_519 = vector.broadcast %max3A_518 : vector<32x1xf32> to vector<32x512xf32>
    %div3A_520 = arith.divf %select_n3A_512, %div3A_519 : vector<32x512xf32>
    %swap3A_521 = arith.constant 0 : index
    %swap3A_522 = arith.constant 192 : index
    %swap3A_523 = arith.constant 0 : index
    %swap3A_524 = vector.load %arg4[%swap3A_521, %swap3A_522, %swap3A_523] : memref<1x512x512xf32, #tpu.memory_space<vmem>>, vector<1x32x512xf32>
    %swap3A_525 = vector.shape_cast %swap3A_524 : vector<1x32x512xf32> to vector<32x512xf32>
    %swap3A_526 = vector.shape_cast %div3A_520 : vector<32x512xf32> to vector<1x32x512xf32>
    tpu.vector_store %arg4[%swap3A_521, %swap3A_522, %swap3A_523], %swap3A_526 {strides = array<i32>} : memref<1x512x512xf32, #tpu.memory_space<vmem>>, vector<1x32x512xf32>,
    %get3A_527 = arith.constant 0 : index
    %get3A_528 = arith.constant 0 : index
    %get3A_529 = arith.constant 224 : index
    %get3A_530 = arith.constant 0 : index
    %get3A_531 = vector.load %arg3[%get3A_527, %get3A_528, %get3A_529, %get3A_530] : memref<1x4x512x512xf32, #tpu.memory_space<vmem>>, vector<1x4x32x512xf32>
    %get3A_532 = vector.shape_cast %get3A_531 : vector<1x4x32x512xf32> to vector<4x32x512xf32>
    %abs3A_533 = math.absf %get3A_532 : vector<4x32x512xf32>
    %reduce_sum3A_534 = arith.constant dense<0.000000e+00> : vector<4x32xf32>
    %reduce_sum3A_535 = vector.multi_reduction <add>, %abs3A_533, %reduce_sum3A_534 [2] : vector<4x32x512xf32> to vector<4x32xf32>
    %broadcast_in_dim3A_536 = vector.shape_cast %reduce_sum3A_535 : vector<4x32xf32> to vector<4x32x1xf32>
    %max3A_537 = arith.constant 9.99999996E-13 : f32
    %max3A_538 = vector.broadcast %max3A_537 : f32 to vector<4x32x1xf32>
    %max3A_539 = arith.maximumf %broadcast_in_dim3A_536, %max3A_538 : vector<4x32x1xf32>
    %broadcast_in_dim3A_540 = vector.shape_cast %div3A_15 : vector<4xf32> to vector<4x1x1xf32>
    %div3A_541 = vector.broadcast %broadcast_in_dim3A_540 : vector<4x1x1xf32> to vector<4x32x1xf32>
    %div3A_542 = arith.divf %div3A_541, %max3A_539 : vector<4x32x1xf32>
    %mul3A_543 = vector.broadcast %div3A_542 : vector<4x32x1xf32> to vector<4x32x512xf32>
    %mul3A_544 = arith.mulf %get3A_532, %mul3A_543 : vector<4x32x512xf32>
    %reduce_sum3A_545 = arith.constant dense<0.000000e+00> : vector<32x512xf32>
    %reduce_sum3A_546 = vector.multi_reduction <add>, %mul3A_544, %reduce_sum3A_545 [0] : vector<4x32x512xf32> to vector<32x512xf32>
    %reduce_max3A_547 = arith.constant dense<0xFF800000> : vector<32xf32>
    %reduce_max3A_548 = vector.multi_reduction <maximumf>, %reduce_sum3A_546, %reduce_max3A_547 [1] : vector<32x512xf32> to vector<32xf32>
    %broadcast_in_dim3A_549 = vector.shape_cast %reduce_max3A_548 : vector<32xf32> to vector<32x1xf32>
    %lt3A_550 = vector.broadcast %broadcast_in_dim3A_549 : vector<32x1xf32> to vector<32x512xf32>
    %lt3A_551 = arith.cmpf olt, %reduce_sum3A_546, %lt3A_550 : vector<32x512xf32>
    %jit3A_552 = arith.constant 0xFF800000 : f32
    %broadcast_in_dim3A_553 = vector.broadcast %jit3A_552 : f32 to vector<32x512xf32>
    %select_n3A_554 = arith.select %lt3A_551, %reduce_sum3A_546, %broadcast_in_dim3A_553 : vector<32x512xi1>, vector<32x512xf32>
    %reduce_max3A_555 = arith.constant dense<0xFF800000> : vector<32xf32>
    %reduce_max3A_556 = vector.multi_reduction <maximumf>, %select_n3A_554, %reduce_max3A_555 [1] : vector<32x512xf32> to vector<32xf32>
    %broadcast_in_dim3A_557 = vector.shape_cast %reduce_max3A_556 : vector<32xf32> to vector<32x1xf32>
    %lt3A_558 = vector.broadcast %broadcast_in_dim3A_557 : vector<32x1xf32> to vector<32x512xf32>
    %lt3A_559 = arith.cmpf olt, %reduce_sum3A_546, %lt3A_558 : vector<32x512xf32>
    %jit3A_560 = arith.constant 0xFF800000 : f32
    %broadcast_in_dim3A_561 = vector.broadcast %jit3A_560 : f32 to vector<32x512xf32>
    %select_n3A_562 = arith.select %lt3A_559, %reduce_sum3A_546, %broadcast_in_dim3A_561 : vector<32x512xi1>, vector<32x512xf32>
    %reduce_max3A_563 = arith.constant dense<0xFF800000> : vector<32xf32>
    %reduce_max3A_564 = vector.multi_reduction <maximumf>, %select_n3A_562, %reduce_max3A_563 [1] : vector<32x512xf32> to vector<32xf32>
    %broadcast_in_dim3A_565 = vector.shape_cast %reduce_max3A_564 : vector<32xf32> to vector<32x1xf32>
    %lt3A_566 = vector.broadcast %broadcast_in_dim3A_565 : vector<32x1xf32> to vector<32x512xf32>
    %lt3A_567 = arith.cmpf olt, %reduce_sum3A_546, %lt3A_566 : vector<32x512xf32>
    %jit3A_568 = arith.constant 0xFF800000 : f32
    %broadcast_in_dim3A_569 = vector.broadcast %jit3A_568 : f32 to vector<32x512xf32>
    %select_n3A_570 = arith.select %lt3A_567, %reduce_sum3A_546, %broadcast_in_dim3A_569 : vector<32x512xi1>, vector<32x512xf32>
    %reduce_max3A_571 = arith.constant dense<0xFF800000> : vector<32xf32>
    %reduce_max3A_572 = vector.multi_reduction <maximumf>, %select_n3A_570, %reduce_max3A_571 [1] : vector<32x512xf32> to vector<32xf32>
    %broadcast_in_dim3A_573 = vector.shape_cast %reduce_max3A_572 : vector<32xf32> to vector<32x1xf32>
    %lt3A_574 = vector.broadcast %broadcast_in_dim3A_573 : vector<32x1xf32> to vector<32x512xf32>
    %lt3A_575 = arith.cmpf olt, %reduce_sum3A_546, %lt3A_574 : vector<32x512xf32>
    %jit3A_576 = arith.constant 0xFF800000 : f32
    %broadcast_in_dim3A_577 = vector.broadcast %jit3A_576 : f32 to vector<32x512xf32>
    %select_n3A_578 = arith.select %lt3A_575, %reduce_sum3A_546, %broadcast_in_dim3A_577 : vector<32x512xi1>, vector<32x512xf32>
    %reduce_max3A_579 = arith.constant dense<0xFF800000> : vector<32xf32>
    %reduce_max3A_580 = vector.multi_reduction <maximumf>, %select_n3A_578, %reduce_max3A_579 [1] : vector<32x512xf32> to vector<32xf32>
    %broadcast_in_dim3A_581 = vector.shape_cast %reduce_max3A_580 : vector<32xf32> to vector<32x1xf32>
    %ge3A_582 = vector.broadcast %broadcast_in_dim3A_581 : vector<32x1xf32> to vector<32x512xf32>
    %ge3A_583 = arith.cmpf oge, %reduce_sum3A_546, %ge3A_582 : vector<32x512xf32>
    %jit3A_584 = arith.constant 0.000000e+00 : f32
    %broadcast_in_dim3A_585 = vector.broadcast %jit3A_584 : f32 to vector<32x512xf32>
    %select_n3A_586 = arith.select %ge3A_583, %reduce_sum3A_546, %broadcast_in_dim3A_585 : vector<32x512xi1>, vector<32x512xf32>
    %reduce_sum3A_587 = arith.constant dense<0.000000e+00> : vector<32xf32>
    %reduce_sum3A_588 = vector.multi_reduction <add>, %select_n3A_586, %reduce_sum3A_587 [1] : vector<32x512xf32> to vector<32xf32>
    %broadcast_in_dim3A_589 = vector.shape_cast %reduce_sum3A_588 : vector<32xf32> to vector<32x1xf32>
    %max3A_590 = arith.constant 9.99999996E-13 : f32
    %max3A_591 = vector.broadcast %max3A_590 : f32 to vector<32x1xf32>
    %max3A_592 = arith.maximumf %broadcast_in_dim3A_589, %max3A_591 : vector<32x1xf32>
    %div3A_593 = vector.broadcast %max3A_592 : vector<32x1xf32> to vector<32x512xf32>
    %div3A_594 = arith.divf %select_n3A_586, %div3A_593 : vector<32x512xf32>
    %swap3A_595 = arith.constant 0 : index
    %swap3A_596 = arith.constant 224 : index
    %swap3A_597 = arith.constant 0 : index
    %swap3A_598 = vector.load %arg4[%swap3A_595, %swap3A_596, %swap3A_597] : memref<1x512x512xf32, #tpu.memory_space<vmem>>, vector<1x32x512xf32>
    %swap3A_599 = vector.shape_cast %swap3A_598 : vector<1x32x512xf32> to vector<32x512xf32>
    %swap3A_600 = vector.shape_cast %div3A_594 : vector<32x512xf32> to vector<1x32x512xf32>
    tpu.vector_store %arg4[%swap3A_595, %swap3A_596, %swap3A_597], %swap3A_600 {strides = array<i32>} : memref<1x512x512xf32, #tpu.memory_space<vmem>>, vector<1x32x512xf32>,
    %get3A_601 = arith.constant 0 : index
    %get3A_602 = arith.constant 0 : index
    %get3A_603 = arith.constant 256 : index
    %get3A_604 = arith.constant 0 : index
    %get3A_605 = vector.load %arg3[%get3A_601, %get3A_602, %get3A_603, %get3A_604] : memref<1x4x512x512xf32, #tpu.memory_space<vmem>>, vector<1x4x32x512xf32>
    %get3A_606 = vector.shape_cast %get3A_605 : vector<1x4x32x512xf32> to vector<4x32x512xf32>
    %abs3A_607 = math.absf %get3A_606 : vector<4x32x512xf32>
    %reduce_sum3A_608 = arith.constant dense<0.000000e+00> : vector<4x32xf32>
    %reduce_sum3A_609 = vector.multi_reduction <add>, %abs3A_607, %reduce_sum3A_608 [2] : vector<4x32x512xf32> to vector<4x32xf32>
    %broadcast_in_dim3A_610 = vector.shape_cast %reduce_sum3A_609 : vector<4x32xf32> to vector<4x32x1xf32>
    %max3A_611 = arith.constant 9.99999996E-13 : f32
    %max3A_612 = vector.broadcast %max3A_611 : f32 to vector<4x32x1xf32>
    %max3A_613 = arith.maximumf %broadcast_in_dim3A_610, %max3A_612 : vector<4x32x1xf32>
    %broadcast_in_dim3A_614 = vector.shape_cast %div3A_15 : vector<4xf32> to vector<4x1x1xf32>
    %div3A_615 = vector.broadcast %broadcast_in_dim3A_614 : vector<4x1x1xf32> to vector<4x32x1xf32>
    %div3A_616 = arith.divf %div3A_615, %max3A_613 : vector<4x32x1xf32>
    %mul3A_617 = vector.broadcast %div3A_616 : vector<4x32x1xf32> to vector<4x32x512xf32>
    %mul3A_618 = arith.mulf %get3A_606, %mul3A_617 : vector<4x32x512xf32>
    %reduce_sum3A_619 = arith.constant dense<0.000000e+00> : vector<32x512xf32>
    %reduce_sum3A_620 = vector.multi_reduction <add>, %mul3A_618, %reduce_sum3A_619 [0] : vector<4x32x512xf32> to vector<32x512xf32>
    %reduce_max3A_621 = arith.constant dense<0xFF800000> : vector<32xf32>
    %reduce_max3A_622 = vector.multi_reduction <maximumf>, %reduce_sum3A_620, %reduce_max3A_621 [1] : vector<32x512xf32> to vector<32xf32>
    %broadcast_in_dim3A_623 = vector.shape_cast %reduce_max3A_622 : vector<32xf32> to vector<32x1xf32>
    %lt3A_624 = vector.broadcast %broadcast_in_dim3A_623 : vector<32x1xf32> to vector<32x512xf32>
    %lt3A_625 = arith.cmpf olt, %reduce_sum3A_620, %lt3A_624 : vector<32x512xf32>
    %jit3A_626 = arith.constant 0xFF800000 : f32
    %broadcast_in_dim3A_627 = vector.broadcast %jit3A_626 : f32 to vector<32x512xf32>
    %select_n3A_628 = arith.select %lt3A_625, %reduce_sum3A_620, %broadcast_in_dim3A_627 : vector<32x512xi1>, vector<32x512xf32>
    %reduce_max3A_629 = arith.constant dense<0xFF800000> : vector<32xf32>
    %reduce_max3A_630 = vector.multi_reduction <maximumf>, %select_n3A_628, %reduce_max3A_629 [1] : vector<32x512xf32> to vector<32xf32>
    %broadcast_in_dim3A_631 = vector.shape_cast %reduce_max3A_630 : vector<32xf32> to vector<32x1xf32>
    %lt3A_632 = vector.broadcast %broadcast_in_dim3A_631 : vector<32x1xf32> to vector<32x512xf32>
    %lt3A_633 = arith.cmpf olt, %reduce_sum3A_620, %lt3A_632 : vector<32x512xf32>
    %jit3A_634 = arith.constant 0xFF800000 : f32
    %broadcast_in_dim3A_635 = vector.broadcast %jit3A_634 : f32 to vector<32x512xf32>
    %select_n3A_636 = arith.select %lt3A_633, %reduce_sum3A_620, %broadcast_in_dim3A_635 : vector<32x512xi1>, vector<32x512xf32>
    %reduce_max3A_637 = arith.constant dense<0xFF800000> : vector<32xf32>
    %reduce_max3A_638 = vector.multi_reduction <maximumf>, %select_n3A_636, %reduce_max3A_637 [1] : vector<32x512xf32> to vector<32xf32>
    %broadcast_in_dim3A_639 = vector.shape_cast %reduce_max3A_638 : vector<32xf32> to vector<32x1xf32>
    %lt3A_640 = vector.broadcast %broadcast_in_dim3A_639 : vector<32x1xf32> to vector<32x512xf32>
    %lt3A_641 = arith.cmpf olt, %reduce_sum3A_620, %lt3A_640 : vector<32x512xf32>
    %jit3A_642 = arith.constant 0xFF800000 : f32
    %broadcast_in_dim3A_643 = vector.broadcast %jit3A_642 : f32 to vector<32x512xf32>
    %select_n3A_644 = arith.select %lt3A_641, %reduce_sum3A_620, %broadcast_in_dim3A_643 : vector<32x512xi1>, vector<32x512xf32>
    %reduce_max3A_645 = arith.constant dense<0xFF800000> : vector<32xf32>
    %reduce_max3A_646 = vector.multi_reduction <maximumf>, %select_n3A_644, %reduce_max3A_645 [1] : vector<32x512xf32> to vector<32xf32>
    %broadcast_in_dim3A_647 = vector.shape_cast %reduce_max3A_646 : vector<32xf32> to vector<32x1xf32>
    %lt3A_648 = vector.broadcast %broadcast_in_dim3A_647 : vector<32x1xf32> to vector<32x512xf32>
    %lt3A_649 = arith.cmpf olt, %reduce_sum3A_620, %lt3A_648 : vector<32x512xf32>
    %jit3A_650 = arith.constant 0xFF800000 : f32
    %broadcast_in_dim3A_651 = vector.broadcast %jit3A_650 : f32 to vector<32x512xf32>
    %select_n3A_652 = arith.select %lt3A_649, %reduce_sum3A_620, %broadcast_in_dim3A_651 : vector<32x512xi1>, vector<32x512xf32>
    %reduce_max3A_653 = arith.constant dense<0xFF800000> : vector<32xf32>
    %reduce_max3A_654 = vector.multi_reduction <maximumf>, %select_n3A_652, %reduce_max3A_653 [1] : vector<32x512xf32> to vector<32xf32>
    %broadcast_in_dim3A_655 = vector.shape_cast %reduce_max3A_654 : vector<32xf32> to vector<32x1xf32>
    %ge3A_656 = vector.broadcast %broadcast_in_dim3A_655 : vector<32x1xf32> to vector<32x512xf32>
    %ge3A_657 = arith.cmpf oge, %reduce_sum3A_620, %ge3A_656 : vector<32x512xf32>
    %jit3A_658 = arith.constant 0.000000e+00 : f32
    %broadcast_in_dim3A_659 = vector.broadcast %jit3A_658 : f32 to vector<32x512xf32>
    %select_n3A_660 = arith.select %ge3A_657, %reduce_sum3A_620, %broadcast_in_dim3A_659 : vector<32x512xi1>, vector<32x512xf32>
    %reduce_sum3A_661 = arith.constant dense<0.000000e+00> : vector<32xf32>
    %reduce_sum3A_662 = vector.multi_reduction <add>, %select_n3A_660, %reduce_sum3A_661 [1] : vector<32x512xf32> to vector<32xf32>
    %broadcast_in_dim3A_663 = vector.shape_cast %reduce_sum3A_662 : vector<32xf32> to vector<32x1xf32>
    %max3A_664 = arith.constant 9.99999996E-13 : f32
    %max3A_665 = vector.broadcast %max3A_664 : f32 to vector<32x1xf32>
    %max3A_666 = arith.maximumf %broadcast_in_dim3A_663, %max3A_665 : vector<32x1xf32>
    %div3A_667 = vector.broadcast %max3A_666 : vector<32x1xf32> to vector<32x512xf32>
    %div3A_668 = arith.divf %select_n3A_660, %div3A_667 : vector<32x512xf32>
    %swap3A_669 = arith.constant 0 : index
    %swap3A_670 = arith.constant 256 : index
    %swap3A_671 = arith.constant 0 : index
    %swap3A_672 = vector.load %arg4[%swap3A_669, %swap3A_670, %swap3A_671] : memref<1x512x512xf32, #tpu.memory_space<vmem>>, vector<1x32x512xf32>
    %swap3A_673 = vector.shape_cast %swap3A_672 : vector<1x32x512xf32> to vector<32x512xf32>
    %swap3A_674 = vector.shape_cast %div3A_668 : vector<32x512xf32> to vector<1x32x512xf32>
    tpu.vector_store %arg4[%swap3A_669, %swap3A_670, %swap3A_671], %swap3A_674 {strides = array<i32>} : memref<1x512x512xf32, #tpu.memory_space<vmem>>, vector<1x32x512xf32>,
    %get3A_675 = arith.constant 0 : index
    %get3A_676 = arith.constant 0 : index
    %get3A_677 = arith.constant 288 : index
    %get3A_678 = arith.constant 0 : index
    %get3A_679 = vector.load %arg3[%get3A_675, %get3A_676, %get3A_677, %get3A_678] : memref<1x4x512x512xf32, #tpu.memory_space<vmem>>, vector<1x4x32x512xf32>
    %get3A_680 = vector.shape_cast %get3A_679 : vector<1x4x32x512xf32> to vector<4x32x512xf32>
    %abs3A_681 = math.absf %get3A_680 : vector<4x32x512xf32>
    %reduce_sum3A_682 = arith.constant dense<0.000000e+00> : vector<4x32xf32>
    %reduce_sum3A_683 = vector.multi_reduction <add>, %abs3A_681, %reduce_sum3A_682 [2] : vector<4x32x512xf32> to vector<4x32xf32>
    %broadcast_in_dim3A_684 = vector.shape_cast %reduce_sum3A_683 : vector<4x32xf32> to vector<4x32x1xf32>
    %max3A_685 = arith.constant 9.99999996E-13 : f32
    %max3A_686 = vector.broadcast %max3A_685 : f32 to vector<4x32x1xf32>
    %max3A_687 = arith.maximumf %broadcast_in_dim3A_684, %max3A_686 : vector<4x32x1xf32>
    %broadcast_in_dim3A_688 = vector.shape_cast %div3A_15 : vector<4xf32> to vector<4x1x1xf32>
    %div3A_689 = vector.broadcast %broadcast_in_dim3A_688 : vector<4x1x1xf32> to vector<4x32x1xf32>
    %div3A_690 = arith.divf %div3A_689, %max3A_687 : vector<4x32x1xf32>
    %mul3A_691 = vector.broadcast %div3A_690 : vector<4x32x1xf32> to vector<4x32x512xf32>
    %mul3A_692 = arith.mulf %get3A_680, %mul3A_691 : vector<4x32x512xf32>
    %reduce_sum3A_693 = arith.constant dense<0.000000e+00> : vector<32x512xf32>
    %reduce_sum3A_694 = vector.multi_reduction <add>, %mul3A_692, %reduce_sum3A_693 [0] : vector<4x32x512xf32> to vector<32x512xf32>
    %reduce_max3A_695 = arith.constant dense<0xFF800000> : vector<32xf32>
    %reduce_max3A_696 = vector.multi_reduction <maximumf>, %reduce_sum3A_694, %reduce_max3A_695 [1] : vector<32x512xf32> to vector<32xf32>
    %broadcast_in_dim3A_697 = vector.shape_cast %reduce_max3A_696 : vector<32xf32> to vector<32x1xf32>
    %lt3A_698 = vector.broadcast %broadcast_in_dim3A_697 : vector<32x1xf32> to vector<32x512xf32>
    %lt3A_699 = arith.cmpf olt, %reduce_sum3A_694, %lt3A_698 : vector<32x512xf32>
    %jit3A_700 = arith.constant 0xFF800000 : f32
    %broadcast_in_dim3A_701 = vector.broadcast %jit3A_700 : f32 to vector<32x512xf32>
    %select_n3A_702 = arith.select %lt3A_699, %reduce_sum3A_694, %broadcast_in_dim3A_701 : vector<32x512xi1>, vector<32x512xf32>
    %reduce_max3A_703 = arith.constant dense<0xFF800000> : vector<32xf32>
    %reduce_max3A_704 = vector.multi_reduction <maximumf>, %select_n3A_702, %reduce_max3A_703 [1] : vector<32x512xf32> to vector<32xf32>
    %broadcast_in_dim3A_705 = vector.shape_cast %reduce_max3A_704 : vector<32xf32> to vector<32x1xf32>
    %lt3A_706 = vector.broadcast %broadcast_in_dim3A_705 : vector<32x1xf32> to vector<32x512xf32>
    %lt3A_707 = arith.cmpf olt, %reduce_sum3A_694, %lt3A_706 : vector<32x512xf32>
    %jit3A_708 = arith.constant 0xFF800000 : f32
    %broadcast_in_dim3A_709 = vector.broadcast %jit3A_708 : f32 to vector<32x512xf32>
    %select_n3A_710 = arith.select %lt3A_707, %reduce_sum3A_694, %broadcast_in_dim3A_709 : vector<32x512xi1>, vector<32x512xf32>
    %reduce_max3A_711 = arith.constant dense<0xFF800000> : vector<32xf32>
    %reduce_max3A_712 = vector.multi_reduction <maximumf>, %select_n3A_710, %reduce_max3A_711 [1] : vector<32x512xf32> to vector<32xf32>
    %broadcast_in_dim3A_713 = vector.shape_cast %reduce_max3A_712 : vector<32xf32> to vector<32x1xf32>
    %lt3A_714 = vector.broadcast %broadcast_in_dim3A_713 : vector<32x1xf32> to vector<32x512xf32>
    %lt3A_715 = arith.cmpf olt, %reduce_sum3A_694, %lt3A_714 : vector<32x512xf32>
    %jit3A_716 = arith.constant 0xFF800000 : f32
    %broadcast_in_dim3A_717 = vector.broadcast %jit3A_716 : f32 to vector<32x512xf32>
    %select_n3A_718 = arith.select %lt3A_715, %reduce_sum3A_694, %broadcast_in_dim3A_717 : vector<32x512xi1>, vector<32x512xf32>
    %reduce_max3A_719 = arith.constant dense<0xFF800000> : vector<32xf32>
    %reduce_max3A_720 = vector.multi_reduction <maximumf>, %select_n3A_718, %reduce_max3A_719 [1] : vector<32x512xf32> to vector<32xf32>
    %broadcast_in_dim3A_721 = vector.shape_cast %reduce_max3A_720 : vector<32xf32> to vector<32x1xf32>
    %lt3A_722 = vector.broadcast %broadcast_in_dim3A_721 : vector<32x1xf32> to vector<32x512xf32>
    %lt3A_723 = arith.cmpf olt, %reduce_sum3A_694, %lt3A_722 : vector<32x512xf32>
    %jit3A_724 = arith.constant 0xFF800000 : f32
    %broadcast_in_dim3A_725 = vector.broadcast %jit3A_724 : f32 to vector<32x512xf32>
    %select_n3A_726 = arith.select %lt3A_723, %reduce_sum3A_694, %broadcast_in_dim3A_725 : vector<32x512xi1>, vector<32x512xf32>
    %reduce_max3A_727 = arith.constant dense<0xFF800000> : vector<32xf32>
    %reduce_max3A_728 = vector.multi_reduction <maximumf>, %select_n3A_726, %reduce_max3A_727 [1] : vector<32x512xf32> to vector<32xf32>
    %broadcast_in_dim3A_729 = vector.shape_cast %reduce_max3A_728 : vector<32xf32> to vector<32x1xf32>
    %ge3A_730 = vector.broadcast %broadcast_in_dim3A_729 : vector<32x1xf32> to vector<32x512xf32>
    %ge3A_731 = arith.cmpf oge, %reduce_sum3A_694, %ge3A_730 : vector<32x512xf32>
    %jit3A_732 = arith.constant 0.000000e+00 : f32
    %broadcast_in_dim3A_733 = vector.broadcast %jit3A_732 : f32 to vector<32x512xf32>
    %select_n3A_734 = arith.select %ge3A_731, %reduce_sum3A_694, %broadcast_in_dim3A_733 : vector<32x512xi1>, vector<32x512xf32>
    %reduce_sum3A_735 = arith.constant dense<0.000000e+00> : vector<32xf32>
    %reduce_sum3A_736 = vector.multi_reduction <add>, %select_n3A_734, %reduce_sum3A_735 [1] : vector<32x512xf32> to vector<32xf32>
    %broadcast_in_dim3A_737 = vector.shape_cast %reduce_sum3A_736 : vector<32xf32> to vector<32x1xf32>
    %max3A_738 = arith.constant 9.99999996E-13 : f32
    %max3A_739 = vector.broadcast %max3A_738 : f32 to vector<32x1xf32>
    %max3A_740 = arith.maximumf %broadcast_in_dim3A_737, %max3A_739 : vector<32x1xf32>
    %div3A_741 = vector.broadcast %max3A_740 : vector<32x1xf32> to vector<32x512xf32>
    %div3A_742 = arith.divf %select_n3A_734, %div3A_741 : vector<32x512xf32>
    %swap3A_743 = arith.constant 0 : index
    %swap3A_744 = arith.constant 288 : index
    %swap3A_745 = arith.constant 0 : index
    %swap3A_746 = vector.load %arg4[%swap3A_743, %swap3A_744, %swap3A_745] : memref<1x512x512xf32, #tpu.memory_space<vmem>>, vector<1x32x512xf32>
    %swap3A_747 = vector.shape_cast %swap3A_746 : vector<1x32x512xf32> to vector<32x512xf32>
    %swap3A_748 = vector.shape_cast %div3A_742 : vector<32x512xf32> to vector<1x32x512xf32>
    tpu.vector_store %arg4[%swap3A_743, %swap3A_744, %swap3A_745], %swap3A_748 {strides = array<i32>} : memref<1x512x512xf32, #tpu.memory_space<vmem>>, vector<1x32x512xf32>,
    %get3A_749 = arith.constant 0 : index
    %get3A_750 = arith.constant 0 : index
    %get3A_751 = arith.constant 320 : index
    %get3A_752 = arith.constant 0 : index
    %get3A_753 = vector.load %arg3[%get3A_749, %get3A_750, %get3A_751, %get3A_752] : memref<1x4x512x512xf32, #tpu.memory_space<vmem>>, vector<1x4x32x512xf32>
    %get3A_754 = vector.shape_cast %get3A_753 : vector<1x4x32x512xf32> to vector<4x32x512xf32>
    %abs3A_755 = math.absf %get3A_754 : vector<4x32x512xf32>
    %reduce_sum3A_756 = arith.constant dense<0.000000e+00> : vector<4x32xf32>
    %reduce_sum3A_757 = vector.multi_reduction <add>, %abs3A_755, %reduce_sum3A_756 [2] : vector<4x32x512xf32> to vector<4x32xf32>
    %broadcast_in_dim3A_758 = vector.shape_cast %reduce_sum3A_757 : vector<4x32xf32> to vector<4x32x1xf32>
    %max3A_759 = arith.constant 9.99999996E-13 : f32
    %max3A_760 = vector.broadcast %max3A_759 : f32 to vector<4x32x1xf32>
    %max3A_761 = arith.maximumf %broadcast_in_dim3A_758, %max3A_760 : vector<4x32x1xf32>
    %broadcast_in_dim3A_762 = vector.shape_cast %div3A_15 : vector<4xf32> to vector<4x1x1xf32>
    %div3A_763 = vector.broadcast %broadcast_in_dim3A_762 : vector<4x1x1xf32> to vector<4x32x1xf32>
    %div3A_764 = arith.divf %div3A_763, %max3A_761 : vector<4x32x1xf32>
    %mul3A_765 = vector.broadcast %div3A_764 : vector<4x32x1xf32> to vector<4x32x512xf32>
    %mul3A_766 = arith.mulf %get3A_754, %mul3A_765 : vector<4x32x512xf32>
    %reduce_sum3A_767 = arith.constant dense<0.000000e+00> : vector<32x512xf32>
    %reduce_sum3A_768 = vector.multi_reduction <add>, %mul3A_766, %reduce_sum3A_767 [0] : vector<4x32x512xf32> to vector<32x512xf32>
    %reduce_max3A_769 = arith.constant dense<0xFF800000> : vector<32xf32>
    %reduce_max3A_770 = vector.multi_reduction <maximumf>, %reduce_sum3A_768, %reduce_max3A_769 [1] : vector<32x512xf32> to vector<32xf32>
    %broadcast_in_dim3A_771 = vector.shape_cast %reduce_max3A_770 : vector<32xf32> to vector<32x1xf32>
    %lt3A_772 = vector.broadcast %broadcast_in_dim3A_771 : vector<32x1xf32> to vector<32x512xf32>
    %lt3A_773 = arith.cmpf olt, %reduce_sum3A_768, %lt3A_772 : vector<32x512xf32>
    %jit3A_774 = arith.constant 0xFF800000 : f32
    %broadcast_in_dim3A_775 = vector.broadcast %jit3A_774 : f32 to vector<32x512xf32>
    %select_n3A_776 = arith.select %lt3A_773, %reduce_sum3A_768, %broadcast_in_dim3A_775 : vector<32x512xi1>, vector<32x512xf32>
    %reduce_max3A_777 = arith.constant dense<0xFF800000> : vector<32xf32>
    %reduce_max3A_778 = vector.multi_reduction <maximumf>, %select_n3A_776, %reduce_max3A_777 [1] : vector<32x512xf32> to vector<32xf32>
    %broadcast_in_dim3A_779 = vector.shape_cast %reduce_max3A_778 : vector<32xf32> to vector<32x1xf32>
    %lt3A_780 = vector.broadcast %broadcast_in_dim3A_779 : vector<32x1xf32> to vector<32x512xf32>
    %lt3A_781 = arith.cmpf olt, %reduce_sum3A_768, %lt3A_780 : vector<32x512xf32>
    %jit3A_782 = arith.constant 0xFF800000 : f32
    %broadcast_in_dim3A_783 = vector.broadcast %jit3A_782 : f32 to vector<32x512xf32>
    %select_n3A_784 = arith.select %lt3A_781, %reduce_sum3A_768, %broadcast_in_dim3A_783 : vector<32x512xi1>, vector<32x512xf32>
    %reduce_max3A_785 = arith.constant dense<0xFF800000> : vector<32xf32>
    %reduce_max3A_786 = vector.multi_reduction <maximumf>, %select_n3A_784, %reduce_max3A_785 [1] : vector<32x512xf32> to vector<32xf32>
    %broadcast_in_dim3A_787 = vector.shape_cast %reduce_max3A_786 : vector<32xf32> to vector<32x1xf32>
    %lt3A_788 = vector.broadcast %broadcast_in_dim3A_787 : vector<32x1xf32> to vector<32x512xf32>
    %lt3A_789 = arith.cmpf olt, %reduce_sum3A_768, %lt3A_788 : vector<32x512xf32>
    %jit3A_790 = arith.constant 0xFF800000 : f32
    %broadcast_in_dim3A_791 = vector.broadcast %jit3A_790 : f32 to vector<32x512xf32>
    %select_n3A_792 = arith.select %lt3A_789, %reduce_sum3A_768, %broadcast_in_dim3A_791 : vector<32x512xi1>, vector<32x512xf32>
    %reduce_max3A_793 = arith.constant dense<0xFF800000> : vector<32xf32>
    %reduce_max3A_794 = vector.multi_reduction <maximumf>, %select_n3A_792, %reduce_max3A_793 [1] : vector<32x512xf32> to vector<32xf32>
    %broadcast_in_dim3A_795 = vector.shape_cast %reduce_max3A_794 : vector<32xf32> to vector<32x1xf32>
    %lt3A_796 = vector.broadcast %broadcast_in_dim3A_795 : vector<32x1xf32> to vector<32x512xf32>
    %lt3A_797 = arith.cmpf olt, %reduce_sum3A_768, %lt3A_796 : vector<32x512xf32>
    %jit3A_798 = arith.constant 0xFF800000 : f32
    %broadcast_in_dim3A_799 = vector.broadcast %jit3A_798 : f32 to vector<32x512xf32>
    %select_n3A_800 = arith.select %lt3A_797, %reduce_sum3A_768, %broadcast_in_dim3A_799 : vector<32x512xi1>, vector<32x512xf32>
    %reduce_max3A_801 = arith.constant dense<0xFF800000> : vector<32xf32>
    %reduce_max3A_802 = vector.multi_reduction <maximumf>, %select_n3A_800, %reduce_max3A_801 [1] : vector<32x512xf32> to vector<32xf32>
    %broadcast_in_dim3A_803 = vector.shape_cast %reduce_max3A_802 : vector<32xf32> to vector<32x1xf32>
    %ge3A_804 = vector.broadcast %broadcast_in_dim3A_803 : vector<32x1xf32> to vector<32x512xf32>
    %ge3A_805 = arith.cmpf oge, %reduce_sum3A_768, %ge3A_804 : vector<32x512xf32>
    %jit3A_806 = arith.constant 0.000000e+00 : f32
    %broadcast_in_dim3A_807 = vector.broadcast %jit3A_806 : f32 to vector<32x512xf32>
    %select_n3A_808 = arith.select %ge3A_805, %reduce_sum3A_768, %broadcast_in_dim3A_807 : vector<32x512xi1>, vector<32x512xf32>
    %reduce_sum3A_809 = arith.constant dense<0.000000e+00> : vector<32xf32>
    %reduce_sum3A_810 = vector.multi_reduction <add>, %select_n3A_808, %reduce_sum3A_809 [1] : vector<32x512xf32> to vector<32xf32>
    %broadcast_in_dim3A_811 = vector.shape_cast %reduce_sum3A_810 : vector<32xf32> to vector<32x1xf32>
    %max3A_812 = arith.constant 9.99999996E-13 : f32
    %max3A_813 = vector.broadcast %max3A_812 : f32 to vector<32x1xf32>
    %max3A_814 = arith.maximumf %broadcast_in_dim3A_811, %max3A_813 : vector<32x1xf32>
    %div3A_815 = vector.broadcast %max3A_814 : vector<32x1xf32> to vector<32x512xf32>
    %div3A_816 = arith.divf %select_n3A_808, %div3A_815 : vector<32x512xf32>
    %swap3A_817 = arith.constant 0 : index
    %swap3A_818 = arith.constant 320 : index
    %swap3A_819 = arith.constant 0 : index
    %swap3A_820 = vector.load %arg4[%swap3A_817, %swap3A_818, %swap3A_819] : memref<1x512x512xf32, #tpu.memory_space<vmem>>, vector<1x32x512xf32>
    %swap3A_821 = vector.shape_cast %swap3A_820 : vector<1x32x512xf32> to vector<32x512xf32>
    %swap3A_822 = vector.shape_cast %div3A_816 : vector<32x512xf32> to vector<1x32x512xf32>
    tpu.vector_store %arg4[%swap3A_817, %swap3A_818, %swap3A_819], %swap3A_822 {strides = array<i32>} : memref<1x512x512xf32, #tpu.memory_space<vmem>>, vector<1x32x512xf32>,
    %get3A_823 = arith.constant 0 : index
    %get3A_824 = arith.constant 0 : index
    %get3A_825 = arith.constant 352 : index
    %get3A_826 = arith.constant 0 : index
    %get3A_827 = vector.load %arg3[%get3A_823, %get3A_824, %get3A_825, %get3A_826] : memref<1x4x512x512xf32, #tpu.memory_space<vmem>>, vector<1x4x32x512xf32>
    %get3A_828 = vector.shape_cast %get3A_827 : vector<1x4x32x512xf32> to vector<4x32x512xf32>
    %abs3A_829 = math.absf %get3A_828 : vector<4x32x512xf32>
    %reduce_sum3A_830 = arith.constant dense<0.000000e+00> : vector<4x32xf32>
    %reduce_sum3A_831 = vector.multi_reduction <add>, %abs3A_829, %reduce_sum3A_830 [2] : vector<4x32x512xf32> to vector<4x32xf32>
    %broadcast_in_dim3A_832 = vector.shape_cast %reduce_sum3A_831 : vector<4x32xf32> to vector<4x32x1xf32>
    %max3A_833 = arith.constant 9.99999996E-13 : f32
    %max3A_834 = vector.broadcast %max3A_833 : f32 to vector<4x32x1xf32>
    %max3A_835 = arith.maximumf %broadcast_in_dim3A_832, %max3A_834 : vector<4x32x1xf32>
    %broadcast_in_dim3A_836 = vector.shape_cast %div3A_15 : vector<4xf32> to vector<4x1x1xf32>
    %div3A_837 = vector.broadcast %broadcast_in_dim3A_836 : vector<4x1x1xf32> to vector<4x32x1xf32>
    %div3A_838 = arith.divf %div3A_837, %max3A_835 : vector<4x32x1xf32>
    %mul3A_839 = vector.broadcast %div3A_838 : vector<4x32x1xf32> to vector<4x32x512xf32>
    %mul3A_840 = arith.mulf %get3A_828, %mul3A_839 : vector<4x32x512xf32>
    %reduce_sum3A_841 = arith.constant dense<0.000000e+00> : vector<32x512xf32>
    %reduce_sum3A_842 = vector.multi_reduction <add>, %mul3A_840, %reduce_sum3A_841 [0] : vector<4x32x512xf32> to vector<32x512xf32>
    %reduce_max3A_843 = arith.constant dense<0xFF800000> : vector<32xf32>
    %reduce_max3A_844 = vector.multi_reduction <maximumf>, %reduce_sum3A_842, %reduce_max3A_843 [1] : vector<32x512xf32> to vector<32xf32>
    %broadcast_in_dim3A_845 = vector.shape_cast %reduce_max3A_844 : vector<32xf32> to vector<32x1xf32>
    %lt3A_846 = vector.broadcast %broadcast_in_dim3A_845 : vector<32x1xf32> to vector<32x512xf32>
    %lt3A_847 = arith.cmpf olt, %reduce_sum3A_842, %lt3A_846 : vector<32x512xf32>
    %jit3A_848 = arith.constant 0xFF800000 : f32
    %broadcast_in_dim3A_849 = vector.broadcast %jit3A_848 : f32 to vector<32x512xf32>
    %select_n3A_850 = arith.select %lt3A_847, %reduce_sum3A_842, %broadcast_in_dim3A_849 : vector<32x512xi1>, vector<32x512xf32>
    %reduce_max3A_851 = arith.constant dense<0xFF800000> : vector<32xf32>
    %reduce_max3A_852 = vector.multi_reduction <maximumf>, %select_n3A_850, %reduce_max3A_851 [1] : vector<32x512xf32> to vector<32xf32>
    %broadcast_in_dim3A_853 = vector.shape_cast %reduce_max3A_852 : vector<32xf32> to vector<32x1xf32>
    %lt3A_854 = vector.broadcast %broadcast_in_dim3A_853 : vector<32x1xf32> to vector<32x512xf32>
    %lt3A_855 = arith.cmpf olt, %reduce_sum3A_842, %lt3A_854 : vector<32x512xf32>
    %jit3A_856 = arith.constant 0xFF800000 : f32
    %broadcast_in_dim3A_857 = vector.broadcast %jit3A_856 : f32 to vector<32x512xf32>
    %select_n3A_858 = arith.select %lt3A_855, %reduce_sum3A_842, %broadcast_in_dim3A_857 : vector<32x512xi1>, vector<32x512xf32>
    %reduce_max3A_859 = arith.constant dense<0xFF800000> : vector<32xf32>
    %reduce_max3A_860 = vector.multi_reduction <maximumf>, %select_n3A_858, %reduce_max3A_859 [1] : vector<32x512xf32> to vector<32xf32>
    %broadcast_in_dim3A_861 = vector.shape_cast %reduce_max3A_860 : vector<32xf32> to vector<32x1xf32>
    %lt3A_862 = vector.broadcast %broadcast_in_dim3A_861 : vector<32x1xf32> to vector<32x512xf32>
    %lt3A_863 = arith.cmpf olt, %reduce_sum3A_842, %lt3A_862 : vector<32x512xf32>
    %jit3A_864 = arith.constant 0xFF800000 : f32
    %broadcast_in_dim3A_865 = vector.broadcast %jit3A_864 : f32 to vector<32x512xf32>
    %select_n3A_866 = arith.select %lt3A_863, %reduce_sum3A_842, %broadcast_in_dim3A_865 : vector<32x512xi1>, vector<32x512xf32>
    %reduce_max3A_867 = arith.constant dense<0xFF800000> : vector<32xf32>
    %reduce_max3A_868 = vector.multi_reduction <maximumf>, %select_n3A_866, %reduce_max3A_867 [1] : vector<32x512xf32> to vector<32xf32>
    %broadcast_in_dim3A_869 = vector.shape_cast %reduce_max3A_868 : vector<32xf32> to vector<32x1xf32>
    %lt3A_870 = vector.broadcast %broadcast_in_dim3A_869 : vector<32x1xf32> to vector<32x512xf32>
    %lt3A_871 = arith.cmpf olt, %reduce_sum3A_842, %lt3A_870 : vector<32x512xf32>
    %jit3A_872 = arith.constant 0xFF800000 : f32
    %broadcast_in_dim3A_873 = vector.broadcast %jit3A_872 : f32 to vector<32x512xf32>
    %select_n3A_874 = arith.select %lt3A_871, %reduce_sum3A_842, %broadcast_in_dim3A_873 : vector<32x512xi1>, vector<32x512xf32>
    %reduce_max3A_875 = arith.constant dense<0xFF800000> : vector<32xf32>
    %reduce_max3A_876 = vector.multi_reduction <maximumf>, %select_n3A_874, %reduce_max3A_875 [1] : vector<32x512xf32> to vector<32xf32>
    %broadcast_in_dim3A_877 = vector.shape_cast %reduce_max3A_876 : vector<32xf32> to vector<32x1xf32>
    %ge3A_878 = vector.broadcast %broadcast_in_dim3A_877 : vector<32x1xf32> to vector<32x512xf32>
    %ge3A_879 = arith.cmpf oge, %reduce_sum3A_842, %ge3A_878 : vector<32x512xf32>
    %jit3A_880 = arith.constant 0.000000e+00 : f32
    %broadcast_in_dim3A_881 = vector.broadcast %jit3A_880 : f32 to vector<32x512xf32>
    %select_n3A_882 = arith.select %ge3A_879, %reduce_sum3A_842, %broadcast_in_dim3A_881 : vector<32x512xi1>, vector<32x512xf32>
    %reduce_sum3A_883 = arith.constant dense<0.000000e+00> : vector<32xf32>
    %reduce_sum3A_884 = vector.multi_reduction <add>, %select_n3A_882, %reduce_sum3A_883 [1] : vector<32x512xf32> to vector<32xf32>
    %broadcast_in_dim3A_885 = vector.shape_cast %reduce_sum3A_884 : vector<32xf32> to vector<32x1xf32>
    %max3A_886 = arith.constant 9.99999996E-13 : f32
    %max3A_887 = vector.broadcast %max3A_886 : f32 to vector<32x1xf32>
    %max3A_888 = arith.maximumf %broadcast_in_dim3A_885, %max3A_887 : vector<32x1xf32>
    %div3A_889 = vector.broadcast %max3A_888 : vector<32x1xf32> to vector<32x512xf32>
    %div3A_890 = arith.divf %select_n3A_882, %div3A_889 : vector<32x512xf32>
    %swap3A_891 = arith.constant 0 : index
    %swap3A_892 = arith.constant 352 : index
    %swap3A_893 = arith.constant 0 : index
    %swap3A_894 = vector.load %arg4[%swap3A_891, %swap3A_892, %swap3A_893] : memref<1x512x512xf32, #tpu.memory_space<vmem>>, vector<1x32x512xf32>
    %swap3A_895 = vector.shape_cast %swap3A_894 : vector<1x32x512xf32> to vector<32x512xf32>
    %swap3A_896 = vector.shape_cast %div3A_890 : vector<32x512xf32> to vector<1x32x512xf32>
    tpu.vector_store %arg4[%swap3A_891, %swap3A_892, %swap3A_893], %swap3A_896 {strides = array<i32>} : memref<1x512x512xf32, #tpu.memory_space<vmem>>, vector<1x32x512xf32>,
    %get3A_897 = arith.constant 0 : index
    %get3A_898 = arith.constant 0 : index
    %get3A_899 = arith.constant 384 : index
    %get3A_900 = arith.constant 0 : index
    %get3A_901 = vector.load %arg3[%get3A_897, %get3A_898, %get3A_899, %get3A_900] : memref<1x4x512x512xf32, #tpu.memory_space<vmem>>, vector<1x4x32x512xf32>
    %get3A_902 = vector.shape_cast %get3A_901 : vector<1x4x32x512xf32> to vector<4x32x512xf32>
    %abs3A_903 = math.absf %get3A_902 : vector<4x32x512xf32>
    %reduce_sum3A_904 = arith.constant dense<0.000000e+00> : vector<4x32xf32>
    %reduce_sum3A_905 = vector.multi_reduction <add>, %abs3A_903, %reduce_sum3A_904 [2] : vector<4x32x512xf32> to vector<4x32xf32>
    %broadcast_in_dim3A_906 = vector.shape_cast %reduce_sum3A_905 : vector<4x32xf32> to vector<4x32x1xf32>
    %max3A_907 = arith.constant 9.99999996E-13 : f32
    %max3A_908 = vector.broadcast %max3A_907 : f32 to vector<4x32x1xf32>
    %max3A_909 = arith.maximumf %broadcast_in_dim3A_906, %max3A_908 : vector<4x32x1xf32>
    %broadcast_in_dim3A_910 = vector.shape_cast %div3A_15 : vector<4xf32> to vector<4x1x1xf32>
    %div3A_911 = vector.broadcast %broadcast_in_dim3A_910 : vector<4x1x1xf32> to vector<4x32x1xf32>
    %div3A_912 = arith.divf %div3A_911, %max3A_909 : vector<4x32x1xf32>
    %mul3A_913 = vector.broadcast %div3A_912 : vector<4x32x1xf32> to vector<4x32x512xf32>
    %mul3A_914 = arith.mulf %get3A_902, %mul3A_913 : vector<4x32x512xf32>
    %reduce_sum3A_915 = arith.constant dense<0.000000e+00> : vector<32x512xf32>
    %reduce_sum3A_916 = vector.multi_reduction <add>, %mul3A_914, %reduce_sum3A_915 [0] : vector<4x32x512xf32> to vector<32x512xf32>
    %reduce_max3A_917 = arith.constant dense<0xFF800000> : vector<32xf32>
    %reduce_max3A_918 = vector.multi_reduction <maximumf>, %reduce_sum3A_916, %reduce_max3A_917 [1] : vector<32x512xf32> to vector<32xf32>
    %broadcast_in_dim3A_919 = vector.shape_cast %reduce_max3A_918 : vector<32xf32> to vector<32x1xf32>
    %lt3A_920 = vector.broadcast %broadcast_in_dim3A_919 : vector<32x1xf32> to vector<32x512xf32>
    %lt3A_921 = arith.cmpf olt, %reduce_sum3A_916, %lt3A_920 : vector<32x512xf32>
    %jit3A_922 = arith.constant 0xFF800000 : f32
    %broadcast_in_dim3A_923 = vector.broadcast %jit3A_922 : f32 to vector<32x512xf32>
    %select_n3A_924 = arith.select %lt3A_921, %reduce_sum3A_916, %broadcast_in_dim3A_923 : vector<32x512xi1>, vector<32x512xf32>
    %reduce_max3A_925 = arith.constant dense<0xFF800000> : vector<32xf32>
    %reduce_max3A_926 = vector.multi_reduction <maximumf>, %select_n3A_924, %reduce_max3A_925 [1] : vector<32x512xf32> to vector<32xf32>
    %broadcast_in_dim3A_927 = vector.shape_cast %reduce_max3A_926 : vector<32xf32> to vector<32x1xf32>
    %lt3A_928 = vector.broadcast %broadcast_in_dim3A_927 : vector<32x1xf32> to vector<32x512xf32>
    %lt3A_929 = arith.cmpf olt, %reduce_sum3A_916, %lt3A_928 : vector<32x512xf32>
    %jit3A_930 = arith.constant 0xFF800000 : f32
    %broadcast_in_dim3A_931 = vector.broadcast %jit3A_930 : f32 to vector<32x512xf32>
    %select_n3A_932 = arith.select %lt3A_929, %reduce_sum3A_916, %broadcast_in_dim3A_931 : vector<32x512xi1>, vector<32x512xf32>
    %reduce_max3A_933 = arith.constant dense<0xFF800000> : vector<32xf32>
    %reduce_max3A_934 = vector.multi_reduction <maximumf>, %select_n3A_932, %reduce_max3A_933 [1] : vector<32x512xf32> to vector<32xf32>
    %broadcast_in_dim3A_935 = vector.shape_cast %reduce_max3A_934 : vector<32xf32> to vector<32x1xf32>
    %lt3A_936 = vector.broadcast %broadcast_in_dim3A_935 : vector<32x1xf32> to vector<32x512xf32>
    %lt3A_937 = arith.cmpf olt, %reduce_sum3A_916, %lt3A_936 : vector<32x512xf32>
    %jit3A_938 = arith.constant 0xFF800000 : f32
    %broadcast_in_dim3A_939 = vector.broadcast %jit3A_938 : f32 to vector<32x512xf32>
    %select_n3A_940 = arith.select %lt3A_937, %reduce_sum3A_916, %broadcast_in_dim3A_939 : vector<32x512xi1>, vector<32x512xf32>
    %reduce_max3A_941 = arith.constant dense<0xFF800000> : vector<32xf32>
    %reduce_max3A_942 = vector.multi_reduction <maximumf>, %select_n3A_940, %reduce_max3A_941 [1] : vector<32x512xf32> to vector<32xf32>
    %broadcast_in_dim3A_943 = vector.shape_cast %reduce_max3A_942 : vector<32xf32> to vector<32x1xf32>
    %lt3A_944 = vector.broadcast %broadcast_in_dim3A_943 : vector<32x1xf32> to vector<32x512xf32>
    %lt3A_945 = arith.cmpf olt, %reduce_sum3A_916, %lt3A_944 : vector<32x512xf32>
    %jit3A_946 = arith.constant 0xFF800000 : f32
    %broadcast_in_dim3A_947 = vector.broadcast %jit3A_946 : f32 to vector<32x512xf32>
    %select_n3A_948 = arith.select %lt3A_945, %reduce_sum3A_916, %broadcast_in_dim3A_947 : vector<32x512xi1>, vector<32x512xf32>
    %reduce_max3A_949 = arith.constant dense<0xFF800000> : vector<32xf32>
    %reduce_max3A_950 = vector.multi_reduction <maximumf>, %select_n3A_948, %reduce_max3A_949 [1] : vector<32x512xf32> to vector<32xf32>
    %broadcast_in_dim3A_951 = vector.shape_cast %reduce_max3A_950 : vector<32xf32> to vector<32x1xf32>
    %ge3A_952 = vector.broadcast %broadcast_in_dim3A_951 : vector<32x1xf32> to vector<32x512xf32>
    %ge3A_953 = arith.cmpf oge, %reduce_sum3A_916, %ge3A_952 : vector<32x512xf32>
    %jit3A_954 = arith.constant 0.000000e+00 : f32
    %broadcast_in_dim3A_955 = vector.broadcast %jit3A_954 : f32 to vector<32x512xf32>
    %select_n3A_956 = arith.select %ge3A_953, %reduce_sum3A_916, %broadcast_in_dim3A_955 : vector<32x512xi1>, vector<32x512xf32>
    %reduce_sum3A_957 = arith.constant dense<0.000000e+00> : vector<32xf32>
    %reduce_sum3A_958 = vector.multi_reduction <add>, %select_n3A_956, %reduce_sum3A_957 [1] : vector<32x512xf32> to vector<32xf32>
    %broadcast_in_dim3A_959 = vector.shape_cast %reduce_sum3A_958 : vector<32xf32> to vector<32x1xf32>
    %max3A_960 = arith.constant 9.99999996E-13 : f32
    %max3A_961 = vector.broadcast %max3A_960 : f32 to vector<32x1xf32>
    %max3A_962 = arith.maximumf %broadcast_in_dim3A_959, %max3A_961 : vector<32x1xf32>
    %div3A_963 = vector.broadcast %max3A_962 : vector<32x1xf32> to vector<32x512xf32>
    %div3A_964 = arith.divf %select_n3A_956, %div3A_963 : vector<32x512xf32>
    %swap3A_965 = arith.constant 0 : index
    %swap3A_966 = arith.constant 384 : index
    %swap3A_967 = arith.constant 0 : index
    %swap3A_968 = vector.load %arg4[%swap3A_965, %swap3A_966, %swap3A_967] : memref<1x512x512xf32, #tpu.memory_space<vmem>>, vector<1x32x512xf32>
    %swap3A_969 = vector.shape_cast %swap3A_968 : vector<1x32x512xf32> to vector<32x512xf32>
    %swap3A_970 = vector.shape_cast %div3A_964 : vector<32x512xf32> to vector<1x32x512xf32>
    tpu.vector_store %arg4[%swap3A_965, %swap3A_966, %swap3A_967], %swap3A_970 {strides = array<i32>} : memref<1x512x512xf32, #tpu.memory_space<vmem>>, vector<1x32x512xf32>,
    %get3A_971 = arith.constant 0 : index
    %get3A_972 = arith.constant 0 : index
    %get3A_973 = arith.constant 416 : index
    %get3A_974 = arith.constant 0 : index
    %get3A_975 = vector.load %arg3[%get3A_971, %get3A_972, %get3A_973, %get3A_974] : memref<1x4x512x512xf32, #tpu.memory_space<vmem>>, vector<1x4x32x512xf32>
    %get3A_976 = vector.shape_cast %get3A_975 : vector<1x4x32x512xf32> to vector<4x32x512xf32>
    %abs3A_977 = math.absf %get3A_976 : vector<4x32x512xf32>
    %reduce_sum3A_978 = arith.constant dense<0.000000e+00> : vector<4x32xf32>
    %reduce_sum3A_979 = vector.multi_reduction <add>, %abs3A_977, %reduce_sum3A_978 [2] : vector<4x32x512xf32> to vector<4x32xf32>
    %broadcast_in_dim3A_980 = vector.shape_cast %reduce_sum3A_979 : vector<4x32xf32> to vector<4x32x1xf32>
    %max3A_981 = arith.constant 9.99999996E-13 : f32
    %max3A_982 = vector.broadcast %max3A_981 : f32 to vector<4x32x1xf32>
    %max3A_983 = arith.maximumf %broadcast_in_dim3A_980, %max3A_982 : vector<4x32x1xf32>
    %broadcast_in_dim3A_984 = vector.shape_cast %div3A_15 : vector<4xf32> to vector<4x1x1xf32>
    %div3A_985 = vector.broadcast %broadcast_in_dim3A_984 : vector<4x1x1xf32> to vector<4x32x1xf32>
    %div3A_986 = arith.divf %div3A_985, %max3A_983 : vector<4x32x1xf32>
    %mul3A_987 = vector.broadcast %div3A_986 : vector<4x32x1xf32> to vector<4x32x512xf32>
    %mul3A_988 = arith.mulf %get3A_976, %mul3A_987 : vector<4x32x512xf32>
    %reduce_sum3A_989 = arith.constant dense<0.000000e+00> : vector<32x512xf32>
    %reduce_sum3A_990 = vector.multi_reduction <add>, %mul3A_988, %reduce_sum3A_989 [0] : vector<4x32x512xf32> to vector<32x512xf32>
    %reduce_max3A_991 = arith.constant dense<0xFF800000> : vector<32xf32>
    %reduce_max3A_992 = vector.multi_reduction <maximumf>, %reduce_sum3A_990, %reduce_max3A_991 [1] : vector<32x512xf32> to vector<32xf32>
    %broadcast_in_dim3A_993 = vector.shape_cast %reduce_max3A_992 : vector<32xf32> to vector<32x1xf32>
    %lt3A_994 = vector.broadcast %broadcast_in_dim3A_993 : vector<32x1xf32> to vector<32x512xf32>
    %lt3A_995 = arith.cmpf olt, %reduce_sum3A_990, %lt3A_994 : vector<32x512xf32>
    %jit3A_996 = arith.constant 0xFF800000 : f32
    %broadcast_in_dim3A_997 = vector.broadcast %jit3A_996 : f32 to vector<32x512xf32>
    %select_n3A_998 = arith.select %lt3A_995, %reduce_sum3A_990, %broadcast_in_dim3A_997 : vector<32x512xi1>, vector<32x512xf32>
    %reduce_max3A_999 = arith.constant dense<0xFF800000> : vector<32xf32>
    %reduce_max3A_1000 = vector.multi_reduction <maximumf>, %select_n3A_998, %reduce_max3A_999 [1] : vector<32x512xf32> to vector<32xf32>
    %broadcast_in_dim3A_1001 = vector.shape_cast %reduce_max3A_1000 : vector<32xf32> to vector<32x1xf32>
    %lt3A_1002 = vector.broadcast %broadcast_in_dim3A_1001 : vector<32x1xf32> to vector<32x512xf32>
    %lt3A_1003 = arith.cmpf olt, %reduce_sum3A_990, %lt3A_1002 : vector<32x512xf32>
    %jit3A_1004 = arith.constant 0xFF800000 : f32
    %broadcast_in_dim3A_1005 = vector.broadcast %jit3A_1004 : f32 to vector<32x512xf32>
    %select_n3A_1006 = arith.select %lt3A_1003, %reduce_sum3A_990, %broadcast_in_dim3A_1005 : vector<32x512xi1>, vector<32x512xf32>
    %reduce_max3A_1007 = arith.constant dense<0xFF800000> : vector<32xf32>
    %reduce_max3A_1008 = vector.multi_reduction <maximumf>, %select_n3A_1006, %reduce_max3A_1007 [1] : vector<32x512xf32> to vector<32xf32>
    %broadcast_in_dim3A_1009 = vector.shape_cast %reduce_max3A_1008 : vector<32xf32> to vector<32x1xf32>
    %lt3A_1010 = vector.broadcast %broadcast_in_dim3A_1009 : vector<32x1xf32> to vector<32x512xf32>
    %lt3A_1011 = arith.cmpf olt, %reduce_sum3A_990, %lt3A_1010 : vector<32x512xf32>
    %jit3A_1012 = arith.constant 0xFF800000 : f32
    %broadcast_in_dim3A_1013 = vector.broadcast %jit3A_1012 : f32 to vector<32x512xf32>
    %select_n3A_1014 = arith.select %lt3A_1011, %reduce_sum3A_990, %broadcast_in_dim3A_1013 : vector<32x512xi1>, vector<32x512xf32>
    %reduce_max3A_1015 = arith.constant dense<0xFF800000> : vector<32xf32>
    %reduce_max3A_1016 = vector.multi_reduction <maximumf>, %select_n3A_1014, %reduce_max3A_1015 [1] : vector<32x512xf32> to vector<32xf32>
    %broadcast_in_dim3A_1017 = vector.shape_cast %reduce_max3A_1016 : vector<32xf32> to vector<32x1xf32>
    %lt3A_1018 = vector.broadcast %broadcast_in_dim3A_1017 : vector<32x1xf32> to vector<32x512xf32>
    %lt3A_1019 = arith.cmpf olt, %reduce_sum3A_990, %lt3A_1018 : vector<32x512xf32>
    %jit3A_1020 = arith.constant 0xFF800000 : f32
    %broadcast_in_dim3A_1021 = vector.broadcast %jit3A_1020 : f32 to vector<32x512xf32>
    %select_n3A_1022 = arith.select %lt3A_1019, %reduce_sum3A_990, %broadcast_in_dim3A_1021 : vector<32x512xi1>, vector<32x512xf32>
    %reduce_max3A_1023 = arith.constant dense<0xFF800000> : vector<32xf32>
    %reduce_max3A_1024 = vector.multi_reduction <maximumf>, %select_n3A_1022, %reduce_max3A_1023 [1] : vector<32x512xf32> to vector<32xf32>
    %broadcast_in_dim3A_1025 = vector.shape_cast %reduce_max3A_1024 : vector<32xf32> to vector<32x1xf32>
    %ge3A_1026 = vector.broadcast %broadcast_in_dim3A_1025 : vector<32x1xf32> to vector<32x512xf32>
    %ge3A_1027 = arith.cmpf oge, %reduce_sum3A_990, %ge3A_1026 : vector<32x512xf32>
    %jit3A_1028 = arith.constant 0.000000e+00 : f32
    %broadcast_in_dim3A_1029 = vector.broadcast %jit3A_1028 : f32 to vector<32x512xf32>
    %select_n3A_1030 = arith.select %ge3A_1027, %reduce_sum3A_990, %broadcast_in_dim3A_1029 : vector<32x512xi1>, vector<32x512xf32>
    %reduce_sum3A_1031 = arith.constant dense<0.000000e+00> : vector<32xf32>
    %reduce_sum3A_1032 = vector.multi_reduction <add>, %select_n3A_1030, %reduce_sum3A_1031 [1] : vector<32x512xf32> to vector<32xf32>
    %broadcast_in_dim3A_1033 = vector.shape_cast %reduce_sum3A_1032 : vector<32xf32> to vector<32x1xf32>
    %max3A_1034 = arith.constant 9.99999996E-13 : f32
    %max3A_1035 = vector.broadcast %max3A_1034 : f32 to vector<32x1xf32>
    %max3A_1036 = arith.maximumf %broadcast_in_dim3A_1033, %max3A_1035 : vector<32x1xf32>
    %div3A_1037 = vector.broadcast %max3A_1036 : vector<32x1xf32> to vector<32x512xf32>
    %div3A_1038 = arith.divf %select_n3A_1030, %div3A_1037 : vector<32x512xf32>
    %swap3A_1039 = arith.constant 0 : index
    %swap3A_1040 = arith.constant 416 : index
    %swap3A_1041 = arith.constant 0 : index
    %swap3A_1042 = vector.load %arg4[%swap3A_1039, %swap3A_1040, %swap3A_1041] : memref<1x512x512xf32, #tpu.memory_space<vmem>>, vector<1x32x512xf32>
    %swap3A_1043 = vector.shape_cast %swap3A_1042 : vector<1x32x512xf32> to vector<32x512xf32>
    %swap3A_1044 = vector.shape_cast %div3A_1038 : vector<32x512xf32> to vector<1x32x512xf32>
    tpu.vector_store %arg4[%swap3A_1039, %swap3A_1040, %swap3A_1041], %swap3A_1044 {strides = array<i32>} : memref<1x512x512xf32, #tpu.memory_space<vmem>>, vector<1x32x512xf32>,
    %get3A_1045 = arith.constant 0 : index
    %get3A_1046 = arith.constant 0 : index
    %get3A_1047 = arith.constant 448 : index
    %get3A_1048 = arith.constant 0 : index
    %get3A_1049 = vector.load %arg3[%get3A_1045, %get3A_1046, %get3A_1047, %get3A_1048] : memref<1x4x512x512xf32, #tpu.memory_space<vmem>>, vector<1x4x32x512xf32>
    %get3A_1050 = vector.shape_cast %get3A_1049 : vector<1x4x32x512xf32> to vector<4x32x512xf32>
    %abs3A_1051 = math.absf %get3A_1050 : vector<4x32x512xf32>
    %reduce_sum3A_1052 = arith.constant dense<0.000000e+00> : vector<4x32xf32>
    %reduce_sum3A_1053 = vector.multi_reduction <add>, %abs3A_1051, %reduce_sum3A_1052 [2] : vector<4x32x512xf32> to vector<4x32xf32>
    %broadcast_in_dim3A_1054 = vector.shape_cast %reduce_sum3A_1053 : vector<4x32xf32> to vector<4x32x1xf32>
    %max3A_1055 = arith.constant 9.99999996E-13 : f32
    %max3A_1056 = vector.broadcast %max3A_1055 : f32 to vector<4x32x1xf32>
    %max3A_1057 = arith.maximumf %broadcast_in_dim3A_1054, %max3A_1056 : vector<4x32x1xf32>
    %broadcast_in_dim3A_1058 = vector.shape_cast %div3A_15 : vector<4xf32> to vector<4x1x1xf32>
    %div3A_1059 = vector.broadcast %broadcast_in_dim3A_1058 : vector<4x1x1xf32> to vector<4x32x1xf32>
    %div3A_1060 = arith.divf %div3A_1059, %max3A_1057 : vector<4x32x1xf32>
    %mul3A_1061 = vector.broadcast %div3A_1060 : vector<4x32x1xf32> to vector<4x32x512xf32>
    %mul3A_1062 = arith.mulf %get3A_1050, %mul3A_1061 : vector<4x32x512xf32>
    %reduce_sum3A_1063 = arith.constant dense<0.000000e+00> : vector<32x512xf32>
    %reduce_sum3A_1064 = vector.multi_reduction <add>, %mul3A_1062, %reduce_sum3A_1063 [0] : vector<4x32x512xf32> to vector<32x512xf32>
    %reduce_max3A_1065 = arith.constant dense<0xFF800000> : vector<32xf32>
    %reduce_max3A_1066 = vector.multi_reduction <maximumf>, %reduce_sum3A_1064, %reduce_max3A_1065 [1] : vector<32x512xf32> to vector<32xf32>
    %broadcast_in_dim3A_1067 = vector.shape_cast %reduce_max3A_1066 : vector<32xf32> to vector<32x1xf32>
    %lt3A_1068 = vector.broadcast %broadcast_in_dim3A_1067 : vector<32x1xf32> to vector<32x512xf32>
    %lt3A_1069 = arith.cmpf olt, %reduce_sum3A_1064, %lt3A_1068 : vector<32x512xf32>
    %jit3A_1070 = arith.constant 0xFF800000 : f32
    %broadcast_in_dim3A_1071 = vector.broadcast %jit3A_1070 : f32 to vector<32x512xf32>
    %select_n3A_1072 = arith.select %lt3A_1069, %reduce_sum3A_1064, %broadcast_in_dim3A_1071 : vector<32x512xi1>, vector<32x512xf32>
    %reduce_max3A_1073 = arith.constant dense<0xFF800000> : vector<32xf32>
    %reduce_max3A_1074 = vector.multi_reduction <maximumf>, %select_n3A_1072, %reduce_max3A_1073 [1] : vector<32x512xf32> to vector<32xf32>
    %broadcast_in_dim3A_1075 = vector.shape_cast %reduce_max3A_1074 : vector<32xf32> to vector<32x1xf32>
    %lt3A_1076 = vector.broadcast %broadcast_in_dim3A_1075 : vector<32x1xf32> to vector<32x512xf32>
    %lt3A_1077 = arith.cmpf olt, %reduce_sum3A_1064, %lt3A_1076 : vector<32x512xf32>
    %jit3A_1078 = arith.constant 0xFF800000 : f32
    %broadcast_in_dim3A_1079 = vector.broadcast %jit3A_1078 : f32 to vector<32x512xf32>
    %select_n3A_1080 = arith.select %lt3A_1077, %reduce_sum3A_1064, %broadcast_in_dim3A_1079 : vector<32x512xi1>, vector<32x512xf32>
    %reduce_max3A_1081 = arith.constant dense<0xFF800000> : vector<32xf32>
    %reduce_max3A_1082 = vector.multi_reduction <maximumf>, %select_n3A_1080, %reduce_max3A_1081 [1] : vector<32x512xf32> to vector<32xf32>
    %broadcast_in_dim3A_1083 = vector.shape_cast %reduce_max3A_1082 : vector<32xf32> to vector<32x1xf32>
    %lt3A_1084 = vector.broadcast %broadcast_in_dim3A_1083 : vector<32x1xf32> to vector<32x512xf32>
    %lt3A_1085 = arith.cmpf olt, %reduce_sum3A_1064, %lt3A_1084 : vector<32x512xf32>
    %jit3A_1086 = arith.constant 0xFF800000 : f32
    %broadcast_in_dim3A_1087 = vector.broadcast %jit3A_1086 : f32 to vector<32x512xf32>
    %select_n3A_1088 = arith.select %lt3A_1085, %reduce_sum3A_1064, %broadcast_in_dim3A_1087 : vector<32x512xi1>, vector<32x512xf32>
    %reduce_max3A_1089 = arith.constant dense<0xFF800000> : vector<32xf32>
    %reduce_max3A_1090 = vector.multi_reduction <maximumf>, %select_n3A_1088, %reduce_max3A_1089 [1] : vector<32x512xf32> to vector<32xf32>
    %broadcast_in_dim3A_1091 = vector.shape_cast %reduce_max3A_1090 : vector<32xf32> to vector<32x1xf32>
    %lt3A_1092 = vector.broadcast %broadcast_in_dim3A_1091 : vector<32x1xf32> to vector<32x512xf32>
    %lt3A_1093 = arith.cmpf olt, %reduce_sum3A_1064, %lt3A_1092 : vector<32x512xf32>
    %jit3A_1094 = arith.constant 0xFF800000 : f32
    %broadcast_in_dim3A_1095 = vector.broadcast %jit3A_1094 : f32 to vector<32x512xf32>
    %select_n3A_1096 = arith.select %lt3A_1093, %reduce_sum3A_1064, %broadcast_in_dim3A_1095 : vector<32x512xi1>, vector<32x512xf32>
    %reduce_max3A_1097 = arith.constant dense<0xFF800000> : vector<32xf32>
    %reduce_max3A_1098 = vector.multi_reduction <maximumf>, %select_n3A_1096, %reduce_max3A_1097 [1] : vector<32x512xf32> to vector<32xf32>
    %broadcast_in_dim3A_1099 = vector.shape_cast %reduce_max3A_1098 : vector<32xf32> to vector<32x1xf32>
    %ge3A_1100 = vector.broadcast %broadcast_in_dim3A_1099 : vector<32x1xf32> to vector<32x512xf32>
    %ge3A_1101 = arith.cmpf oge, %reduce_sum3A_1064, %ge3A_1100 : vector<32x512xf32>
    %jit3A_1102 = arith.constant 0.000000e+00 : f32
    %broadcast_in_dim3A_1103 = vector.broadcast %jit3A_1102 : f32 to vector<32x512xf32>
    %select_n3A_1104 = arith.select %ge3A_1101, %reduce_sum3A_1064, %broadcast_in_dim3A_1103 : vector<32x512xi1>, vector<32x512xf32>
    %reduce_sum3A_1105 = arith.constant dense<0.000000e+00> : vector<32xf32>
    %reduce_sum3A_1106 = vector.multi_reduction <add>, %select_n3A_1104, %reduce_sum3A_1105 [1] : vector<32x512xf32> to vector<32xf32>
    %broadcast_in_dim3A_1107 = vector.shape_cast %reduce_sum3A_1106 : vector<32xf32> to vector<32x1xf32>
    %max3A_1108 = arith.constant 9.99999996E-13 : f32
    %max3A_1109 = vector.broadcast %max3A_1108 : f32 to vector<32x1xf32>
    %max3A_1110 = arith.maximumf %broadcast_in_dim3A_1107, %max3A_1109 : vector<32x1xf32>
    %div3A_1111 = vector.broadcast %max3A_1110 : vector<32x1xf32> to vector<32x512xf32>
    %div3A_1112 = arith.divf %select_n3A_1104, %div3A_1111 : vector<32x512xf32>
    %swap3A_1113 = arith.constant 0 : index
    %swap3A_1114 = arith.constant 448 : index
    %swap3A_1115 = arith.constant 0 : index
    %swap3A_1116 = vector.load %arg4[%swap3A_1113, %swap3A_1114, %swap3A_1115] : memref<1x512x512xf32, #tpu.memory_space<vmem>>, vector<1x32x512xf32>
    %swap3A_1117 = vector.shape_cast %swap3A_1116 : vector<1x32x512xf32> to vector<32x512xf32>
    %swap3A_1118 = vector.shape_cast %div3A_1112 : vector<32x512xf32> to vector<1x32x512xf32>
    tpu.vector_store %arg4[%swap3A_1113, %swap3A_1114, %swap3A_1115], %swap3A_1118 {strides = array<i32>} : memref<1x512x512xf32, #tpu.memory_space<vmem>>, vector<1x32x512xf32>,
    %get3A_1119 = arith.constant 0 : index
    %get3A_1120 = arith.constant 0 : index
    %get3A_1121 = arith.constant 480 : index
    %get3A_1122 = arith.constant 0 : index
    %get3A_1123 = vector.load %arg3[%get3A_1119, %get3A_1120, %get3A_1121, %get3A_1122] : memref<1x4x512x512xf32, #tpu.memory_space<vmem>>, vector<1x4x32x512xf32>
    %get3A_1124 = vector.shape_cast %get3A_1123 : vector<1x4x32x512xf32> to vector<4x32x512xf32>
    %abs3A_1125 = math.absf %get3A_1124 : vector<4x32x512xf32>
    %reduce_sum3A_1126 = arith.constant dense<0.000000e+00> : vector<4x32xf32>
    %reduce_sum3A_1127 = vector.multi_reduction <add>, %abs3A_1125, %reduce_sum3A_1126 [2] : vector<4x32x512xf32> to vector<4x32xf32>
    %broadcast_in_dim3A_1128 = vector.shape_cast %reduce_sum3A_1127 : vector<4x32xf32> to vector<4x32x1xf32>
    %max3A_1129 = arith.constant 9.99999996E-13 : f32
    %max3A_1130 = vector.broadcast %max3A_1129 : f32 to vector<4x32x1xf32>
    %max3A_1131 = arith.maximumf %broadcast_in_dim3A_1128, %max3A_1130 : vector<4x32x1xf32>
    %broadcast_in_dim3A_1132 = vector.shape_cast %div3A_15 : vector<4xf32> to vector<4x1x1xf32>
    %div3A_1133 = vector.broadcast %broadcast_in_dim3A_1132 : vector<4x1x1xf32> to vector<4x32x1xf32>
    %div3A_1134 = arith.divf %div3A_1133, %max3A_1131 : vector<4x32x1xf32>
    %mul3A_1135 = vector.broadcast %div3A_1134 : vector<4x32x1xf32> to vector<4x32x512xf32>
    %mul3A_1136 = arith.mulf %get3A_1124, %mul3A_1135 : vector<4x32x512xf32>
    %reduce_sum3A_1137 = arith.constant dense<0.000000e+00> : vector<32x512xf32>
    %reduce_sum3A_1138 = vector.multi_reduction <add>, %mul3A_1136, %reduce_sum3A_1137 [0] : vector<4x32x512xf32> to vector<32x512xf32>
    %reduce_max3A_1139 = arith.constant dense<0xFF800000> : vector<32xf32>
    %reduce_max3A_1140 = vector.multi_reduction <maximumf>, %reduce_sum3A_1138, %reduce_max3A_1139 [1] : vector<32x512xf32> to vector<32xf32>
    %broadcast_in_dim3A_1141 = vector.shape_cast %reduce_max3A_1140 : vector<32xf32> to vector<32x1xf32>
    %lt3A_1142 = vector.broadcast %broadcast_in_dim3A_1141 : vector<32x1xf32> to vector<32x512xf32>
    %lt3A_1143 = arith.cmpf olt, %reduce_sum3A_1138, %lt3A_1142 : vector<32x512xf32>
    %jit3A_1144 = arith.constant 0xFF800000 : f32
    %broadcast_in_dim3A_1145 = vector.broadcast %jit3A_1144 : f32 to vector<32x512xf32>
    %select_n3A_1146 = arith.select %lt3A_1143, %reduce_sum3A_1138, %broadcast_in_dim3A_1145 : vector<32x512xi1>, vector<32x512xf32>
    %reduce_max3A_1147 = arith.constant dense<0xFF800000> : vector<32xf32>
    %reduce_max3A_1148 = vector.multi_reduction <maximumf>, %select_n3A_1146, %reduce_max3A_1147 [1] : vector<32x512xf32> to vector<32xf32>
    %broadcast_in_dim3A_1149 = vector.shape_cast %reduce_max3A_1148 : vector<32xf32> to vector<32x1xf32>
    %lt3A_1150 = vector.broadcast %broadcast_in_dim3A_1149 : vector<32x1xf32> to vector<32x512xf32>
    %lt3A_1151 = arith.cmpf olt, %reduce_sum3A_1138, %lt3A_1150 : vector<32x512xf32>
    %jit3A_1152 = arith.constant 0xFF800000 : f32
    %broadcast_in_dim3A_1153 = vector.broadcast %jit3A_1152 : f32 to vector<32x512xf32>
    %select_n3A_1154 = arith.select %lt3A_1151, %reduce_sum3A_1138, %broadcast_in_dim3A_1153 : vector<32x512xi1>, vector<32x512xf32>
    %reduce_max3A_1155 = arith.constant dense<0xFF800000> : vector<32xf32>
    %reduce_max3A_1156 = vector.multi_reduction <maximumf>, %select_n3A_1154, %reduce_max3A_1155 [1] : vector<32x512xf32> to vector<32xf32>
    %broadcast_in_dim3A_1157 = vector.shape_cast %reduce_max3A_1156 : vector<32xf32> to vector<32x1xf32>
    %lt3A_1158 = vector.broadcast %broadcast_in_dim3A_1157 : vector<32x1xf32> to vector<32x512xf32>
    %lt3A_1159 = arith.cmpf olt, %reduce_sum3A_1138, %lt3A_1158 : vector<32x512xf32>
    %jit3A_1160 = arith.constant 0xFF800000 : f32
    %broadcast_in_dim3A_1161 = vector.broadcast %jit3A_1160 : f32 to vector<32x512xf32>
    %select_n3A_1162 = arith.select %lt3A_1159, %reduce_sum3A_1138, %broadcast_in_dim3A_1161 : vector<32x512xi1>, vector<32x512xf32>
    %reduce_max3A_1163 = arith.constant dense<0xFF800000> : vector<32xf32>
    %reduce_max3A_1164 = vector.multi_reduction <maximumf>, %select_n3A_1162, %reduce_max3A_1163 [1] : vector<32x512xf32> to vector<32xf32>
    %broadcast_in_dim3A_1165 = vector.shape_cast %reduce_max3A_1164 : vector<32xf32> to vector<32x1xf32>
    %lt3A_1166 = vector.broadcast %broadcast_in_dim3A_1165 : vector<32x1xf32> to vector<32x512xf32>
    %lt3A_1167 = arith.cmpf olt, %reduce_sum3A_1138, %lt3A_1166 : vector<32x512xf32>
    %jit3A_1168 = arith.constant 0xFF800000 : f32
    %broadcast_in_dim3A_1169 = vector.broadcast %jit3A_1168 : f32 to vector<32x512xf32>
    %select_n3A_1170 = arith.select %lt3A_1167, %reduce_sum3A_1138, %broadcast_in_dim3A_1169 : vector<32x512xi1>, vector<32x512xf32>
    %reduce_max3A_1171 = arith.constant dense<0xFF800000> : vector<32xf32>
    %reduce_max3A_1172 = vector.multi_reduction <maximumf>, %select_n3A_1170, %reduce_max3A_1171 [1] : vector<32x512xf32> to vector<32xf32>
    %broadcast_in_dim3A_1173 = vector.shape_cast %reduce_max3A_1172 : vector<32xf32> to vector<32x1xf32>
    %ge3A_1174 = vector.broadcast %broadcast_in_dim3A_1173 : vector<32x1xf32> to vector<32x512xf32>
    %ge3A_1175 = arith.cmpf oge, %reduce_sum3A_1138, %ge3A_1174 : vector<32x512xf32>
    %jit3A_1176 = arith.constant 0.000000e+00 : f32
    %broadcast_in_dim3A_1177 = vector.broadcast %jit3A_1176 : f32 to vector<32x512xf32>
    %select_n3A_1178 = arith.select %ge3A_1175, %reduce_sum3A_1138, %broadcast_in_dim3A_1177 : vector<32x512xi1>, vector<32x512xf32>
    %reduce_sum3A_1179 = arith.constant dense<0.000000e+00> : vector<32xf32>
    %reduce_sum3A_1180 = vector.multi_reduction <add>, %select_n3A_1178, %reduce_sum3A_1179 [1] : vector<32x512xf32> to vector<32xf32>
    %broadcast_in_dim3A_1181 = vector.shape_cast %reduce_sum3A_1180 : vector<32xf32> to vector<32x1xf32>
    %max3A_1182 = arith.constant 9.99999996E-13 : f32
    %max3A_1183 = vector.broadcast %max3A_1182 : f32 to vector<32x1xf32>
    %max3A_1184 = arith.maximumf %broadcast_in_dim3A_1181, %max3A_1183 : vector<32x1xf32>
    %div3A_1185 = vector.broadcast %max3A_1184 : vector<32x1xf32> to vector<32x512xf32>
    %div3A_1186 = arith.divf %select_n3A_1178, %div3A_1185 : vector<32x512xf32>
    %swap3A_1187 = arith.constant 0 : index
    %swap3A_1188 = arith.constant 480 : index
    %swap3A_1189 = arith.constant 0 : index
    %swap3A_1190 = vector.load %arg4[%swap3A_1187, %swap3A_1188, %swap3A_1189] : memref<1x512x512xf32, #tpu.memory_space<vmem>>, vector<1x32x512xf32>
    %swap3A_1191 = vector.shape_cast %swap3A_1190 : vector<1x32x512xf32> to vector<32x512xf32>
    %swap3A_1192 = vector.shape_cast %div3A_1186 : vector<32x512xf32> to vector<1x32x512xf32>
    tpu.vector_store %arg4[%swap3A_1187, %swap3A_1188, %swap3A_1189], %swap3A_1192 {strides = array<i32>} : memref<1x512x512xf32, #tpu.memory_space<vmem>>, vector<1x32x512xf32>,
    return
  }
  func.func @transform_0(%arg0: i32, %arg1: i32) -> (i32, i32, i32) {
    %c0_i32 = arith.constant 0 : i32
    %c0_i32_0 = arith.constant 0 : i32
    %c0_i32_1 = arith.constant 0 : i32
    return %arg0, %c0_i32, %c0_i32_0 : i32, i32, i32
  }
  func.func @transform_1(%arg0: i32, %arg1: i32) -> (i32, i32, i32, i32) {
    %c0_i32 = arith.constant 0 : i32
    %c0_i32_0 = arith.constant 0 : i32
    %c0_i32_1 = arith.constant 0 : i32
    return %arg0, %c0_i32, %arg1, %c0_i32_0 : i32, i32, i32, i32
  }
  func.func @transform_2(%arg0: i32, %arg1: i32) -> (i32, i32, i32) {
    %c0_i32 = arith.constant 0 : i32
    %c0_i32_0 = arith.constant 0 : i32
    return %arg0, %arg1, %c0_i32 : i32, i32, i32
  }
}

</mosaic_0001>

<sc_bundles>
// kernel: kernel.5.cloned.1.call-start
scs
__scs_entry_jumppad:
0x0: {  	(pc) =	sbr.rel $0x88, $3  }
0x1: {  	(tag) =	ssettag $0x0;
	lr =	simm.s32 $0x1  }
0x2: {  	[smem:$0x3F9F] =	sst lr;
	_ =	strace $0xD0000000  }
0x3: {  	_ = 	snop  }
0x4: {  	_ = 	snop  }
0x5: {  	_ = 	snop  }
0x6: {  	_ = 	snop  }
0x7: {  	_ = 	snop  }
__scs_overlays_trampoline_lowered:
0x8: {  	[smem:$0x3FAE] =	sst s0  }
0x9: {  	[smem:$0x3FAF] =	sst s1  }
0xa: {  	[smem:$0x3FB0] =	sst s2  }
0xb: {  	[smem:$0x3FB1] =	sst s3  }
0xc: {  	[smem:$0x3FB2] =	sst s4  }
0xd: {  	[smem:$0x3FB3] =	sst s5  }
0xe: {  	[smem:$0x3FB4] =	sst s6  }
0xf: {  	[smem:$0x3FB5] =	sst s7  }
0x10: {  	[smem:$0x3FB6] =	sst s8  }
0x11: {  	[smem:$0x3FB7] =	sst s9;
	s0 =	simm.s32 @!p0 $0x0  }
0x12: {  	s1 =	sld [smem:$0x3F9D];
	s0 =	simm.s32 @p0 $0x1  }
0x13: {  	[smem:$0x3FB8] =	sst s0;
	s0 =	simm.s32 @!p1 $0x0  }
0x14: {  	s2 =	sld [smem:$0x3F9C];
	s0 =	simm.s32 @p1 $0x1  }
0x15: {  	[smem:$0x3FB9] =	sst s0;
	s0 =	simm.s32 @!p2 $0x0  }
0x16: {  	s3 =	sld [smem:$0x3FDB];
	s0 =	simm.s32 @p2 $0x1  }
0x17: {  	s4 =	simm.s32 $0x1BF5;
	[smem:$0x3FBB] =	sst s0  }
0x18: {  	s0 =	sld [smem:$0x3F9E];
	_ =	swait.ge [sflag:s4], $0x0  }
0x19: {  	s7 =	sld [smem:$0x3F9F]  }
0x1a: {  	s8 =	sadd.s32 $0xFFFFE003, lr  }
0x1b: {  	s9 =	sadd.s32 $0xFFFFFEF7, lr;
	s5 =	simm.s32 $0xFFFFFFFF;
	p2 =	slt.u32 s8, $0xFFFFF086  }
0x1c: {  	p1 =	slt.u32 s9, $0xF7A;
	s5 =	simm.s32 @!p2 $0x0  }
0x1d: {  	s5 =	simm.s32 @p1 $0x1;
	p0 =	seq.s32 s7, s2  }
0x1e: {  	s7 =	smul.u32 @!p0 $0xF7A, s2;
	p2 =	seq.s32 @!p0 s5, $0x0  }
0x1f: {  	s9 =	smul.u32 $0xF7A, s1;
	s8 =	simm.s32 @!p0 $0x1BF5;
	p2 =	por !p2, p0  }
0x20: {  	[sflag:s8] =	ssyncset.s32 @!p0 $0xFFFFF086;
	s6 =	sadd.s32 @!p0 s3, s7;
	s7 =	simm.s32 @!p0 $0x108  }
0x21: {  	s3 =	sadd.s32 s3, s9;
	s6 =	sadd.s32 @!p0 $0x88, s6;
	s7 =	simm.s32 @p2 $0x1082  }
0x22: {  	[simem:s7], [sflag:s8] =	dma.local @!p0 [hbm:s6], $0xF7A  }
0x23: {  	s9 =	sor.u32 $0xD0000000, s2;
	s6 =	simm.s32 $0x108;
	_ =	swait.ge @!p0 [sflag:s8], $0x0  }
0x24: {  	s3 =	sadd.s32 $0x88, s3;
	s6 =	simm.s32 @!p1 $0x1082;
	[sflag:s4] =	ssyncset.s32 $0xFFFFF086  }
0x25: {  	[simem:s6], [sflag:s4] =	dma.local [hbm:s3], $0xF7A  }
0x26: {  	[smem:$0x3F9F] =	sst s1;
	(tag) =	ssettag s2;
	_ =	strace s9  }
0x27: {  	s1 =	sld [smem:$0x3FAF]  }
0x28: {  	s2 =	sld [smem:$0x3FB0]  }
0x29: {  	s4 =	sld [smem:$0x3FB2]  }
0x2a: {  	p0 =	seq.s32 s5, $0x0;
	s5 =	sld [smem:$0x3FB3]  }
0x2b: {  	s6 =	sld [smem:$0x3FB4]  }
0x2c: {  	s7 =	sld [smem:$0x3FB5]  }
0x2d: {  	s3 =	simm.s32 $0x108;
	s8 =	sld [smem:$0x3FB6]  }
0x2e: {  	s3 =	simm.s32 @!p0 $0x1082;
	s9 =	sld [smem:$0x3FB7]  }
0x2f: {  	lr =	sadd.s32 s0, s3;
	s0 =	sld [smem:$0x3FAE]  }
0x30: {  	s3 =	sld [smem:$0x3FB1]  }
0x31: {  	[smem:$0x3FBA] =	sst s10  }
0x32: {  	s10 =	sld [smem:$0x3FB8];
	_ =	sdelay $0x3  }
0x33: {  	p0 =	seq.s32 s10, $0x1;
	s10 =	sld [smem:$0x3FBA];
	_ =	sdelay $0x3  }
0x34: {  	[smem:$0x3FBA] =	sst s10  }
0x35: {  	s10 =	sld [smem:$0x3FB9];
	_ =	sdelay $0x3  }
0x36: {  	p1 =	seq.s32 s10, $0x1;
	s10 =	sld [smem:$0x3FBA];
	_ =	sdelay $0x3  }
0x37: {  	[smem:$0x3FBA] =	sst s10  }
0x38: {  	s10 =	sld [smem:$0x3FBB]  }
0x39: {  	_ = 	snop;
	(pc) =	sbr.ind lr, $3  }
0x3a: {  	_ = 	snop  }
0x3b: {  	_ = 	snop  }
0x3c: {  	p2 =	seq.s32 s10, $0x1;
	s10 =	sld [smem:$0x3FBA]  }
0x3d: {  	_ =	shalt  }
0x3e: {  	_ =	shalt  }
0x3f: {  	_ =	shalt  }
0x40: {  	_ =	shalt  }
0x41: {  	_ =	shalt  }
0x42: {  	_ =	shalt  }
0x43: {  	_ =	shalt  }
0x44: {  	_ =	shalt  }
0x45: {  	_ =	shalt  }
0x46: {  	_ =	shalt  }
0x47: {  	_ =	shalt  }
0x48: {  	_ =	shalt  }
0x49: {  	_ =	shalt  }
0x4a: {  	_ =	shalt  }
0x4b: {  	_ =	shalt  }
0x4c: {  	_ =	shalt  }
0x4d: {  	_ =	shalt  }
0x4e: {  	_ =	shalt  }
0x4f: {  	_ =	shalt  }
0x50: {  	_ =	shalt  }
0x51: {  	_ =	shalt  }
0x52: {  	_ =	shalt  }
0x53: {  	_ =	shalt  }
0x54: {  	_ =	shalt  }
0x55: {  	_ =	shalt  }
0x56: {  	_ =	shalt  }
0x57: {  	_ =	shalt  }
0x58: {  	_ =	shalt  }
0x59: {  	_ =	shalt  }
0x5a: {  	_ =	shalt  }
0x5b: {  	_ =	shalt  }
0x5c: {  	_ =	shalt  }
0x5d: {  	_ =	shalt  }
0x5e: {  	_ =	shalt  }
0x5f: {  	_ =	shalt  }
0x60: {  	_ =	shalt  }
0x61: {  	_ =	shalt  }
0x62: {  	_ =	shalt  }
0x63: {  	_ =	shalt  }
0x64: {  	_ =	shalt  }
0x65: {  	_ =	shalt  }
0x66: {  	_ =	shalt  }
0x67: {  	_ =	shalt  }
0x68: {  	_ =	shalt  }
0x69: {  	_ =	shalt  }
0x6a: {  	_ =	shalt  }
0x6b: {  	_ =	shalt  }
0x6c: {  	_ =	shalt  }
0x6d: {  	_ =	shalt  }
0x6e: {  	_ =	shalt  }
0x6f: {  	_ =	shalt  }
0x70: {  	_ =	shalt  }
0x71: {  	_ =	shalt  }
0x72: {  	_ =	shalt  }
0x73: {  	_ =	shalt  }
0x74: {  	_ =	shalt  }
0x75: {  	_ =	shalt  }
0x76: {  	_ =	shalt  }
0x77: {  	_ =	shalt  }
0x78: {  	_ =	shalt  }
0x79: {  	_ =	shalt  }
0x7a: {  	_ =	shalt  }
0x7b: {  	_ =	shalt  }
0x7c: {  	_ =	shalt  }
0x7d: {  	_ =	shalt  }
0x7e: {  	_ =	shalt  }
0x7f: {  	_ =	shalt  }
0x80: {  	_ =	shalt  }
0x81: {  	_ =	shalt  }
0x82: {  	_ =	shalt  }
0x83: {  	_ =	shalt  }
0x84: {  	_ =	shalt  }
0x85: {  	_ =	shalt  }
0x86: {  	_ =	shalt  }
0x87: {  	_ =	shalt  }
.Lfunc_end0:
.L_simem_size_0:
called_computation_lowered:
.L_overlay_start_0:
0x88: {  	s2 =	sld [smem:$0x3FD9]  }
0x89: {  	s3 =	sld [smem:$0x3FFE];
	_ =	sdelay $0x1  }
0x8a: {  	s1 =	srdreg.scid  }
0x8b: {  	s0 =	sand.u32 $0x1, s1  }
0x8c: {  	s17 =	sshll.u32 s0, $0xA;
	s2 =	sadd.s32 s3, s2  }
0x8d: {  	s2 =	sadd.s32 s2, s17  }
0x8e: {  	[smem:$0x3FC6] =	sst s2  }
0x8f: {  	_ = 	snop  }
0x90: {  	s2 =	sld [smem:$0x3FC9];
	(tm) =	ssettm $0x1  }
0x91: {  	s18 =	sld [smem:$0x3FFB];
	_ =	sdelay $0x3  }
0x92: {  	_ =	strace s18  }
0x93: {  	s3 =	sld [smem:$0x3FFC];
	_ =	sdelay $0x3  }
0x94: {  	_ =	strace s3  }
0x95: {  	s3 =	sld [smem:$0x3FFD];
	_ =	sdelay $0x3  }
0x96: {  	_ =	strace s3  }
0x97: {  	_ =	strace $0x8FFFFFFF  }
0x98: {  	s19 =	sld [smem:$0x3FDB];
	_ =	sdelay $0x1  }
0x99: {  	s4 =	simm.s32 $_scs_section_size  }
0x9a: {  	s5 =	simm.s32 $_size__tile_overlayer_lowered;
	s6 =	simm.s32 $_tile_overlayer_lowered  }
0x9b: {  	s22 =	simm.s32 $0x1BFF;
	s21 =	sshll.u32 s6, $0x1;
	s3 =	sadd.s32 s4, s19  }
0x9c: {  	s7 =	simm.s32 $0x0;
	s20 =	sshll.u32 s5, $0x1;
	s5 =	sadd.s32 s21, s3  }
0x9d: {  	[timem:s7], [sflag:s22] =	dma.local [hbm:s5], s20  }
0x9e: {  	_ =	swait.ge [sflag:s22], s20  }
0x9f: {  	s4 =	ssub.s32 $0x0, s20;
	[sflag:s22] =	ssyncset.done $0x0  }
0xa0: {  	[sflag:s22] =	ssyncadd.s32 s4;
	_ =	sdelay $0x1  }
0xa1: {  	s23 =	simm.s32 $0x1B8B  }
0xa2: {  	_ =	swait.ge [sflag:s23], $0x1  }
0xa3: {  	[sflag:s23] =	ssyncset.done $0x0  }
0xa4: {  	s25 =	simm.s32 $0x1B8E;
	s24 =	sld [smem:$0x3FFE];
	[sflag:s23] =	ssyncadd.s32 $0xFFFFFFFF  }
0xa5: {  	s26 =	simm.s32 $execute0_lowered;
	[smem:$0x3FD2] =	sst s25  }
0xa6: {  	s5 =	sshll.u32 s26, $0x1;
	_ =	strace $0x80000046;
	[dreg:$0x1] =	wrdreg $0xFFFFFFFF  }
0xa7: {  	s28 =	simm.s32 $_size_execute0_lowered;
	s3 =	sadd.s32 s3, s5;
	[dreg:$0x0] =	wrdreg $0x0  }
0xa8: {  	s5 =	sshll.u32 s28, $0x1;
	[dreg:$0x2] =	wrdreg s3  }
0xa9: {  	[dreg:$0x3] =	wrdreg s5  }
0xaa: {  	[dreg:$0x4] =	wrdreg $0xC0  }
0xab: {  	_ =	task [dreg:s7], $0x5FFFF  }
0xac: {  	[dreg:$0x1] =	wrdreg $0xFFFFFFFF  }
0xad: {  	[dreg:$0x0] =	wrdreg $0x60  }
0xae: {  	[dreg:$0x2] =	wrdreg s2  }
0xaf: {  	[dreg:$0x3] =	wrdreg s24  }
0xb0: {  	[dreg:$0x4] =	wrdreg $0x9  }
0xb1: {  	_ =	task.clear_ibuf [dreg:s7], $0x5FFFF;
	_ =	strace $0x90000046  }
0xb2: {  	s29 =	simm.s32 $0x9;
	_ =	strace $0x80000048  }
0xb3: {  	_ =	swait.ge [sflag:s29], $0x1  }
0xb4: {  	[sflag:s29] =	ssyncadd.s32 $0xFFFFFFFF  }
0xb5: {  	_ =	strace $0x90000048  }
0xb6: {  	_ =	sfence  }
0xb7: {  	s30 =	sld [smem:$0x0];
	_ =	sdelay $0x2  }
0xb8: {  	s31 =	sshll.u32 s1, $0xD;
	s1 =	sshrl.u32 s1, $0x2  }
0xb9: {  	s3 =	sand.u32 $0x4000, s31;
	s1 =	sadd.s32 s1, s30  }
0xba: {  	s0 =	sor.u32 s3, s0;
	s1 =	sshll.u32 s1, $0x11  }
0xbb: {  	s0 =	sor.u32 s1, s0  }
0xbc: {  	s0 =	sadd.s32 $0x8F2B, s0  }
0xbd: {  	[sflag:s0] =	ssyncadd.remote.s32 $0x1  }
0xbe: {  	_ =	sfence.sel $0xFFFF  }
0xbf: {  	[dreg:$0x0] =	wrdreg $0xFFFFFFFF;
	(pc) =	sbr.abs _section_cstart, $3  }
0xc0: {  	[dreg:$0x1] =	wrdreg $0xFFFFFFFF  }
0xc1: {  	_ =	task.clear_ibuf [dreg:s7], $0x2FFFF;
	_ =	strace $0x9FFFFFFF  }
0xc2: {  	(tm) =	ssettm $0x7FFFFFFF  }
0xc3: {  	_ =	shalt  }
tec
execute0_lowered:
.L_overlay_start_1:
0x0: {  	(tag) =	ssettag $0x1  }
0x1: {  	v0 =	vimm.s32 $0xFEDCBA98;
	v1 =	vimm.s32 $0x76543210;
	v2 =	vimm.s32 $0xBA98FEDC  }
0x2: {  	v3 =	vimm.s32 $0x32107654;
	v4 =	vimm.s32 $0xDCFE98BA;
	v5 =	vimm.s32 $0x54761032  }
0x3: {  	s5 =	rddreg [dreg:$0x0];
	v6 =	vimm.s32 $0xEFCDAB89;
	v7 =	vimm.s32 $0x67452301;
	vm0 =	vmmov $0x1  }
0x4: {  	s6 =	rddreg [dreg:$0x1];
	v0 =	vunpack.c.l.s4.s8 v0;
	v1 =	vunpack.c.l.s4.s8 v1;
	v2 =	vunpack.c.l.s4.s8 v2  }
0x5: {  	s0 =	rddreg [dreg:$0x2];
	s1 =	simm.s32 $0x0;
	v3 =	vunpack.c.l.s4.s8 v3;
	v4 =	vunpack.c.l.s4.s8 v4;
	v5 =	vunpack.c.l.s4.s8 v5  }
0x6: {  	s2 =	srdreg.scid;
	s10 =	simm.s32 $0x1;
	s11 =	simm.s32 $0x8000;
	v6 =	vunpack.c.l.s4.s8 v6;
	v7 =	vunpack.c.l.s4.s8 v7;
	v0 =	vunpack.c.0.s8.s32 v0  }
0x7: {  	s12 =	simm.s32 $0xA080;
	s13 =	simm.s32 $0x0;
	[smem:$0x7FF] =	sst s1;
	v2 =	vunpack.c.0.s8.s32 v2;
	v3 =	vunpack.c.0.s8.s32 v3;
	v4 =	vunpack.c.0.s8.s32 v4  }
0x8: {  	s3 =	sand.u32 $0x1, s2;
	s2 =	stileid.u32;
	s5 =	sadd.s32 $0x500000, s5;
	v5 =	vunpack.c.0.s8.s32 v5;
	v6 =	vunpack.c.0.s8.s32 v6;
	v7 =	vunpack.c.0.s8.s32 v7  }
0x9: {  	vm1 =	vcmask $0x308;
	_ =	strace $0x80000047;
	s4 =	ssub.s32 $0x2, s3;
	s8 =	sshll.u32 s2, $0xE;
	v1 =	vunpack.c.0.s8.s32 v1;
	v2 =	vcombine.low v3, v2  }
0xa: {  	s9 =	sshll.u32 s3, $0xD;
	s3 =	sadd.s32 $0x800, s6;
	s7 =	sshrl.u32 s4, $0x1;
	v3 =	vcombine.low v5, v4;
	v4 =	vcombine.low v7, v6;
	v0 =	vand.u32 $0xF, v0  }
0xb: {  	vm2 =	vcmask $0x70C;
	vm3 =	vcmask $0xB10;
	s6 =	sadd.s32 $0x680, s6;
	s7 =	ssub.s32 s4, s7;
	s4 =	sor.u32 s9, s8;
	v0 =	vcombine.low v0, v1  }
0xc: {  	s8 =	simm.s32 $0x2000;
	s9 =	simm.s32 $0x40000;
	s7 =	smax.u32 s7, $0x1;
	v1 =	vand.u32 $0xF, v2;
	v2 =	vand.u32 $0xF, v3;
	v3 =	vand.u32 $0xF, v4  }
.LBB2_1:
0xd: {  	s14 =	simm.s32 $0x0  }
.LBB2_2:
0xe: {  	s15 =	sshll.u32 s14, $0x14  }
0xf: {  	s15 =	sor.u32 s4, s15  }
0x10: {  	s15 =	sshrl.u32 s15, $0x3  }
0x11: {  	s16 =	sadd.s32 s15, s5;
	s15 =	simm.s32 $0x0  }
0x12: {  	[tilespmem:s15], [sflag:$0x1] =	stream.strided.gather [hbm4b:s16+s8], $0x8000, s9, s8, $0x38;
	[tilespmem:$0xC080] =	vst v63  }
0x13: {  	_ =	swait.ge [sflag:s10], $0x8000  }
0x14: {  	s31 =	sshll.u32 s14, $0x4;
	[sflag:s10] =	ssyncset.done $0x0  }
0x15: {  	s16 =	sadd.s32 s31, s6;
	[sflag:s10] =	ssyncadd.s32 $0xFFFF8000  }
0x16: {  	[tilespmem:s11], [sflag:$0x1] =	stream.linear.gather [hbm4b:s16+s15], $0x80, $0x38;
	[tilespmem:$0xC080] =	vst v63  }
0x17: {  	_ =	swait.ge [sflag:s10], $0x80  }
0x18: {  	[sflag:s10] =	ssyncset.done $0x0  }
0x19: {  	[sflag:s10] =	ssyncadd.s32 $0xFFFFFF80  }
0x1a: {  	v4 =	vld [tilespmem:$0x8000];
	_ =	sdelay $0x4  }
0x1b: {  	v5 =	vperm.xlane v4, v0;
	_ =	sdelay $0x1  }
0x1c: {  	v5 =	vmax.f32 v4, v5  }
0x1d: {  	v6 =	vperm.xlane v5, v1;
	_ =	sdelay $0x1  }
0x1e: {  	v5 =	vmax.f32 v5, v6  }
0x1f: {  	v6 =	vperm.xlane v5, v2;
	_ =	sdelay $0x1  }
0x20: {  	v5 =	vmax.f32 v5, v6  }
0x21: {  	v6 =	vperm.xlane v5, v3;
	_ =	sdelay $0x1  }
0x22: {  	v5 =	vmax.f32 v5, v6  }
0x23: {  	v4 =	vsub.f32 v4, v5;
	_ =	sdelay $0x1  }
0x24: {  	v4 =	vmul.f32 $1.442695020e+00, v4;
	_ =	sdelay $0x1  }
0x25: {  	(erf) = vpow2.f32 v4;
	_ =	sdelay $0x8  }
0x26: {  	v4 =	vpop (erf)  }
0x27: {  	v5 =	vnsel vm0, $0xFF800000, v4;
	v7 =	vsel vm1, $0xFF800000, v4  }
0x28: {  	v9 =	vsel vm2, $0xFF800000, v4;
	v4 =	vsel vm3, $0xFF800000, v4;
	v6 =	vperm.xlane v5, v0  }
0x29: {  	v8 =	vperm.xlane v7, v0;
	v10 =	vperm.xlane v4, v0  }
0x2a: {  	v5 =	vmax.f32 v5, v6;
	v6 =	vperm.xlane v9, v0  }
0x2b: {  	v7 =	vmax.f32 v7, v8;
	v4 =	vmax.f32 v4, v10;
	v11 =	vperm.xlane v5, v1  }
0x2c: {  	v8 =	vperm.xlane v7, v1;
	v10 =	vperm.xlane v4, v1;
	v6 =	vmax.f32 v9, v6  }
0x2d: {  	v5 =	vmax.f32 v5, v11;
	v9 =	vperm.xlane v6, v1  }
0x2e: {  	v7 =	vmax.f32 v7, v8;
	v4 =	vmax.f32 v4, v10;
	v11 =	vperm.xlane v5, v2  }
0x2f: {  	v8 =	vperm.xlane v7, v2;
	v10 =	vperm.xlane v4, v2;
	v6 =	vmax.f32 v6, v9  }
0x30: {  	v9 =	vperm.xlane v6, v2  }
0x31: {  	v5 =	vmax.f32 v5, v11;
	v7 =	vmax.f32 v7, v8;
	v62 =	vmax.f32 v4, v10  }
0x32: {  	v11 =	vperm.xlane v5, v3;
	v8 =	vperm.xlane v7, v3;
	v6 =	vmax.f32 v6, v9  }
0x33: {  	v12 =	vperm.xlane v62, v3;
	v63 =	vperm.xlane v6, v3  }
0x34: {  	v4 =	vmax.f32 v5, v11  }
0x35: {  	s16 =	simm.s32 $0x0;
	v5 =	vmax.f32 v7, v8;
	v7 =	vmax.f32 v62, v12;
	v6 =	vmax.f32 v6, v63  }
.LBB2_3:
0x36: {  	s17 =	sand.u32 $0x1000, s16;
	s18 =	sand.u32 $0x380, s15  }
0x37: {  	s17 =	sor.u32 s18, s17  }
0x38: {  	v8 =	vld [tilespmem:s17+$0x0]  }
0x39: {  	v9 =	vld [tilespmem:s17+$0x10]  }
0x3a: {  	v10 =	vld [tilespmem:s17+$0x20]  }
0x3b: {  	v11 =	vld [tilespmem:s17+$0x30]  }
0x3c: {  	v12 =	vld [tilespmem:s17+$0x40]  }
0x3d: {  	v13 =	vld [tilespmem:s17+$0x50]  }
0x3e: {  	v14 =	vld [tilespmem:s17+$0x60]  }
0x3f: {  	v15 =	vld [tilespmem:s17+$0x70]  }
0x40: {  	v16 =	vld [tilespmem:s17+$0x400]  }
0x41: {  	v18 =	vld [tilespmem:s17+$0x410]  }
0x42: {  	v60 =	vld [tilespmem:s17+$0x420]  }
0x43: {  	v19 =	vld [tilespmem:s17+$0x430]  }
0x44: {  	v61 =	vld [tilespmem:s17+$0x440]  }
0x45: {  	v20 =	vld [tilespmem:s17+$0x450]  }
0x46: {  	v62 =	vld [tilespmem:s17+$0x460]  }
0x47: {  	v21 =	vld [tilespmem:s17+$0x470];
	v17 =	vand.u32 $0x7FFFFFFF, v8;
	v9 =	vand.u32 $0x7FFFFFFF, v9  }
0x48: {  	v63 =	vld [tilespmem:s17+$0x800];
	v9 =	vadd.f32 v9, v17  }
0x49: {  	v22 =	vld [tilespmem:s17+$0x810];
	v10 =	vand.u32 $0x7FFFFFFF, v10  }
0x4a: {  	v23 =	vld [tilespmem:s17+$0x820];
	v9 =	vadd.f32 v10, v9  }
0x4b: {  	v29 =	vld [tilespmem:s17+$0x830];
	v11 =	vand.u32 $0x7FFFFFFF, v11  }
0x4c: {  	v24 =	vld [tilespmem:s17+$0x840];
	v9 =	vadd.f32 v11, v9  }
0x4d: {  	v25 =	vld [tilespmem:s17+$0x860];
	v12 =	vand.u32 $0x7FFFFFFF, v12  }
0x4e: {  	v52 =	vld [tilespmem:s17+$0x870];
	v9 =	vadd.f32 v12, v9  }
0x4f: {  	v35 =	vld [tilespmem:s17+$0xC00];
	v13 =	vand.u32 $0x7FFFFFFF, v13  }
0x50: {  	v54 =	vld [tilespmem:s17+$0xC10];
	v9 =	vadd.f32 v13, v9  }
0x51: {  	v36 =	vld [tilespmem:s17+$0xC20];
	v28 =	vand.u32 $0x7FFFFFFF, v14  }
0x52: {  	v37 =	vld [tilespmem:s17+$0xC30];
	v9 =	vadd.f32 v28, v9  }
0x53: {  	v38 =	vld [tilespmem:s17+$0xC40];
	v50 =	vand.u32 $0x7FFFFFFF, v15  }
0x54: {  	v39 =	vld [tilespmem:s17+$0xC50];
	v9 =	vadd.f32 v50, v9  }
0x55: {  	v40 =	vld [tilespmem:s17+$0xC60];
	v51 =	vand.u32 $0x7FFFFFFF, v16  }
0x56: {  	v41 =	vld [tilespmem:s17+$0xC70];
	v9 =	vadd.f32 v51, v9  }
0x57: {  	v42 =	vld [tilespmem:s17+$0x2010];
	v53 =	vand.u32 $0x7FFFFFFF, v18  }
0x58: {  	v43 =	vld [tilespmem:s17+$0x2020];
	v9 =	vadd.f32 v53, v9  }
0x59: {  	v44 =	vld [tilespmem:s17+$0x2030];
	v55 =	vand.u32 $0x7FFFFFFF, v60  }
0x5a: {  	v45 =	vld [tilespmem:s17+$0x2040];
	v9 =	vadd.f32 v55, v9  }
0x5b: {  	v46 =	vld [tilespmem:s17+$0x2050];
	v56 =	vand.u32 $0x7FFFFFFF, v19  }
0x5c: {  	v47 =	vld [tilespmem:s17+$0x2060];
	v9 =	vadd.f32 v56, v9  }
0x5d: {  	s31 =	sand.u32 $0xFFFFF000, s16;
	v48 =	vld [tilespmem:s17+$0x2070];
	v10 =	vand.u32 $0x7FFFFFFF, v61  }
0x5e: {  	s20 =	sadd.s32 s31, s15;
	v27 =	vld [tilespmem:s17+$0x2810];
	v9 =	vadd.f32 v10, v9  }
0x5f: {  	s21 =	sor.u32 $0x2400, s20;
	v26 =	vld [tilespmem:s17+$0x2820];
	v57 =	vand.u32 $0x7FFFFFFF, v20  }
0x60: {  	v49 =	vld [tilespmem:s21+$0x0];
	v9 =	vadd.f32 v57, v9  }
0x61: {  	v34 =	vld [tilespmem:s21+$0x20];
	v58 =	vand.u32 $0x7FFFFFFF, v62  }
0x62: {  	v33 =	vld [tilespmem:s21+$0x30];
	v9 =	vadd.f32 v58, v9  }
0x63: {  	v32 =	vld [tilespmem:s21+$0x40];
	v59 =	vand.u32 $0x7FFFFFFF, v21  }
0x64: {  	v31 =	vld [tilespmem:s21+$0x50];
	v9 =	vadd.f32 v59, v9  }
0x65: {  	v30 =	vld [tilespmem:s21+$0x60];
	v60 =	vand.u32 $0x7FFFFFFF, v63  }
0x66: {  	v15 =	vld [tilespmem:s17+$0x850];
	v9 =	vadd.f32 v60, v9  }
0x67: {  	v63 =	vand.u32 $0x7FFFFFFF, v29;
	v29 =	vld [tilespmem:s21+$0x70];
	v61 =	vand.u32 $0x7FFFFFFF, v22  }
0x68: {  	v62 =	vand.u32 $0x7FFFFFFF, v23;
	v23 =	vld [tilespmem:s17+$0x2850];
	v9 =	vadd.f32 v61, v9  }
0x69: {  	s18 =	sor.u32 $0x2C00, s20;
	v21 =	vld [tilespmem:s17+$0x2870]  }
0x6a: {  	v20 =	vld [tilespmem:s18+$0x0];
	v9 =	vadd.f32 v62, v9  }
0x6b: {  	v18 =	vld [tilespmem:s18+$0x20]  }
0x6c: {  	v16 =	vld [tilespmem:s18+$0x40];
	v9 =	vadd.f32 v63, v9  }
0x6d: {  	v17 =	vand.u32 $0x7FFFFFFF, v52;
	v52 =	vld [tilespmem:s17+$0x4010];
	v12 =	vand.u32 $0x7FFFFFFF, v24  }
0x6e: {  	v22 =	vld [tilespmem:s17+$0x2860];
	v9 =	vadd.f32 v12, v9  }
0x6f: {  	v14 =	vand.u32 $0x7FFFFFFF, v15;
	v15 =	vand.u32 $0x7FFFFFFF, v25;
	v25 =	vld [tilespmem:s17+$0x2830]  }
0x70: {  	v13 =	vld [tilespmem:s17+$0x2000];
	v9 =	vadd.f32 v14, v9  }
0x71: {  	v11 =	vld [tilespmem:s18+$0x60]  }
0x72: {  	v24 =	vld [tilespmem:s17+$0x2840];
	v9 =	vadd.f32 v15, v9  }
0x73: {  	v28 =	vld [tilespmem:s17+$0x2800]  }
0x74: {  	v50 =	vld [tilespmem:s21+$0x10];
	v9 =	vadd.f32 v17, v9  }
0x75: {  	v19 =	vand.u32 $0x7FFFFFFF, v35;
	v55 =	vand.u32 $0x7FFFFFFF, v13;
	v56 =	vand.u32 $0x7FFFFFFF, v42;
	v57 =	vld [tilespmem:s17+$0x6020]  }
0x76: {  	s23 =	sor.u32 $0x6400, s20;
	v58 =	vadd.f32 v56, v55;
	v56 =	vld [tilespmem:s17+$0x4060];
	v9 =	vadd.f32 v19, v9  }
0x77: {  	v35 =	vand.u32 $0x7FFFFFFF, v54;
	v55 =	vand.u32 $0x7FFFFFFF, v45;
	v45 =	vld [tilespmem:s23+$0x50]  }
0x78: {  	v59 =	vld [tilespmem:s17+$0x4030];
	v9 =	vadd.f32 v35, v9  }
0x79: {  	v36 =	vand.u32 $0x7FFFFFFF, v36;
	v14 =	vld [tilespmem:s17+$0x4000]  }
0x7a: {  	v15 =	vld [tilespmem:s17+$0x6000];
	v9 =	vadd.f32 v36, v9  }
0x7b: {  	v37 =	vand.u32 $0x7FFFFFFF, v37;
	v38 =	vand.u32 $0x7FFFFFFF, v38;
	v54 =	vand.u32 $0x7FFFFFFF, v41;
	v36 =	vld [tilespmem:s17+$0x4020]  }
0x7c: {  	v44 =	vand.u32 $0x7FFFFFFF, v44;
	v51 =	vand.u32 $0x7FFFFFFF, v39;
	v10 =	vadd.f32 v37, v9;
	v37 =	vld [tilespmem:s17+$0x6010]  }
0x7d: {  	v41 =	vand.u32 $0x7FFFFFFF, v57;
	v57 =	vld [tilespmem:s17+$0x6060];
	v60 =	vand.u32 $0x7FFFFFFF, v43;
	v39 =	vand.u32 $0x7FFFFFFF, v59  }
0x7e: {  	v59 =	vld [tilespmem:s17+$0x4070];
	v61 =	vand.u32 $0x7FFFFFFF, v14;
	v35 =	vand.u32 $0x7FFFFFFF, v52;
	v10 =	vadd.f32 v38, v10  }
0x7f: {  	v53 =	vand.u32 $0x7FFFFFFF, v40;
	v62 =	vld [tilespmem:s17+$0x6030];
	v35 =	vadd.f32 v35, v61;
	v38 =	vadd.f32 v60, v58  }
0x80: {  	v63 =	vld [tilespmem:s17+$0x4040];
	v36 =	vand.u32 $0x7FFFFFFF, v36;
	v10 =	vadd.f32 v51, v10;
	v51 =	vand.u32 $0x7FFFFFFF, v15  }
0x81: {  	v52 =	vld [tilespmem:s17+$0x6040];
	v35 =	vadd.f32 v36, v35;
	v38 =	vadd.f32 v44, v38;
	v37 =	vand.u32 $0x7FFFFFFF, v37  }
0x82: {  	v27 =	vand.u32 $0x7FFFFFFF, v27;
	v10 =	vadd.f32 v53, v10;
	v37 =	vadd.f32 v37, v51;
	v53 =	vld [tilespmem:s17+$0x4050]  }
0x83: {  	v26 =	vand.u32 $0x7FFFFFFF, v26;
	v12 =	vld [tilespmem:s18+$0x50];
	v35 =	vadd.f32 v39, v35;
	v38 =	vadd.f32 v55, v38  }
0x84: {  	s22 =	sor.u32 $0x4400, s20;
	v58 =	vand.u32 $0x7FFFFFFF, v46;
	v10 =	vadd.f32 v54, v10;
	v37 =	vadd.f32 v41, v37;
	v54 =	vld [tilespmem:s17+$0x6050]  }
0x85: {  	v43 =	vand.u32 $0x7FFFFFFF, v62;
	v62 =	vld [tilespmem:s22+$0x0];
	v42 =	vand.u32 $0x7FFFFFFF, v63;
	v38 =	vadd.f32 v58, v38  }
0x86: {  	v63 =	vld [tilespmem:s23+$0x0];
	v61 =	vand.u32 $0x7FFFFFFF, v47;
	v35 =	vadd.f32 v42, v35;
	v37 =	vadd.f32 v43, v37  }
0x87: {  	v17 =	vld [tilespmem:s18+$0x30];
	v40 =	vand.u32 $0x7FFFFFFF, v52;
	v38 =	vadd.f32 v61, v38;
	v36 =	vand.u32 $0x7FFFFFFF, v53  }
0x88: {  	v60 =	vld [tilespmem:s17+$0x6070];
	v51 =	vand.u32 $0x7FFFFFFF, v48;
	v37 =	vadd.f32 v40, v37;
	v35 =	vadd.f32 v36, v35  }
0x89: {  	v19 =	vld [tilespmem:s18+$0x10];
	v39 =	vand.u32 $0x7FFFFFFF, v56;
	v38 =	vadd.f32 v51, v38;
	v41 =	vand.u32 $0x7FFFFFFF, v54  }
0x8a: {  	v52 =	vld [tilespmem:s22+$0x10];
	v54 =	vand.u32 $0x7FFFFFFF, v49;
	v37 =	vadd.f32 v41, v37;
	v35 =	vadd.f32 v39, v35  }
0x8b: {  	v55 =	vld [tilespmem:s22+$0x20];
	v42 =	vand.u32 $0x7FFFFFFF, v59;
	v43 =	vand.u32 $0x7FFFFFFF, v57;
	v38 =	vadd.f32 v54, v38  }
0x8c: {  	v57 =	vand.u32 $0x7FFFFFFF, v50;
	v53 =	vld [tilespmem:s23+$0x10];
	v37 =	vadd.f32 v43, v37;
	v35 =	vadd.f32 v42, v35  }
0x8d: {  	v56 =	vld [tilespmem:s23+$0x20];
	v40 =	vand.u32 $0x7FFFFFFF, v60;
	v36 =	vand.u32 $0x7FFFFFFF, v62;
	v38 =	vadd.f32 v57, v38  }
0x8e: {  	v34 =	vand.u32 $0x7FFFFFFF, v34;
	v58 =	vld [tilespmem:s22+$0x30];
	v37 =	vadd.f32 v40, v37;
	v35 =	vadd.f32 v36, v35  }
0x8f: {  	v59 =	vld [tilespmem:s23+$0x30];
	v41 =	vand.u32 $0x7FFFFFFF, v63;
	v39 =	vand.u32 $0x7FFFFFFF, v52;
	v34 =	vadd.f32 v34, v38  }
0x90: {  	v33 =	vand.u32 $0x7FFFFFFF, v33;
	v60 =	vld [tilespmem:s22+$0x40];
	v37 =	vadd.f32 v41, v37;
	v35 =	vadd.f32 v39, v35  }
0x91: {  	v61 =	vand.u32 $0x7FFFFFFF, v55;
	v62 =	vld [tilespmem:s23+$0x40];
	v43 =	vand.u32 $0x7FFFFFFF, v53;
	v33 =	vadd.f32 v33, v34  }
0x92: {  	v32 =	vand.u32 $0x7FFFFFFF, v32;
	v63 =	vld [tilespmem:s22+$0x50];
	v37 =	vadd.f32 v43, v37;
	v35 =	vadd.f32 v61, v35  }
0x93: {  	v9 =	vld [tilespmem:s18+$0x70];
	v40 =	vand.u32 $0x7FFFFFFF, v56;
	v43 =	vand.u32 $0x7FFFFFFF, v58;
	v32 =	vadd.f32 v32, v33  }
0x94: {  	v31 =	vand.u32 $0x7FFFFFFF, v31;
	v46 =	vld [tilespmem:s22+$0x60];
	v44 =	vadd.f32 v40, v37;
	v34 =	vadd.f32 v43, v35  }
0x95: {  	v50 =	vld [tilespmem:s22+$0x70];
	v47 =	vand.u32 $0x7FFFFFFF, v59;
	v48 =	vand.u32 $0x7FFFFFFF, v60;
	v31 =	vadd.f32 v31, v32  }
0x96: {  	v30 =	vand.u32 $0x7FFFFFFF, v30;
	v49 =	vld [tilespmem:s23+$0x60];
	v36 =	vadd.f32 v47, v44;
	v33 =	vadd.f32 v48, v34  }
0x97: {  	v54 =	vld [tilespmem:s17+$0x4800];
	v51 =	vand.u32 $0x7FFFFFFF, v62;
	v52 =	vand.u32 $0x7FFFFFFF, v63;
	v30 =	vadd.f32 v30, v31  }
0x98: {  	v29 =	vand.u32 $0x7FFFFFFF, v29;
	v53 =	vld [tilespmem:s23+$0x70];
	v36 =	vadd.f32 v51, v36;
	v32 =	vadd.f32 v52, v33  }
0x99: {  	v55 =	vand.u32 $0x7FFFFFFF, v46;
	v57 =	vld [tilespmem:s17+$0x6800];
	v37 =	vand.u32 $0x7FFFFFFF, v45;
	v29 =	vadd.f32 v29, v30  }
0x9a: {  	v28 =	vand.u32 $0x7FFFFFFF, v28;
	v58 =	vld [tilespmem:s17+$0x4810];
	v56 =	vadd.f32 v37, v36;
	v31 =	vadd.f32 v55, v32  }
0x9b: {  	v60 =	vand.u32 $0x7FFFFFFF, v50;
	v62 =	vld [tilespmem:s17+$0x6810];
	v59 =	vand.u32 $0x7FFFFFFF, v49;
	v28 =	vadd.f32 v28, v29  }
0x9c: {  	v23 =	vand.u32 $0x7FFFFFFF, v23;
	v63 =	vld [tilespmem:s17+$0x4820];
	v61 =	vadd.f32 v59, v56;
	v30 =	vadd.f32 v60, v31  }
0x9d: {  	v41 =	vand.u32 $0x7FFFFFFF, v54;
	v40 =	vand.u32 $0x7FFFFFFF, v53;
	v43 =	vld [tilespmem:s17+$0x6820];
	v27 =	vadd.f32 v27, v28  }
0x9e: {  	v21 =	vand.u32 $0x7FFFFFFF, v21;
	v44 =	vld [tilespmem:s17+$0x4830];
	v42 =	vadd.f32 v40, v61;
	v29 =	vadd.f32 v41, v30  }
0x9f: {  	v47 =	vld [tilespmem:s17+$0x6830];
	v45 =	vand.u32 $0x7FFFFFFF, v58;
	v36 =	vand.u32 $0x7FFFFFFF, v57;
	v26 =	vadd.f32 v26, v27  }
0xa0: {  	v25 =	vand.u32 $0x7FFFFFFF, v25;
	v48 =	vld [tilespmem:s17+$0x4840];
	v46 =	vadd.f32 v36, v42;
	v28 =	vadd.f32 v45, v29  }
0xa1: {  	v35 =	vand.u32 $0x7FFFFFFF, v62;
	v49 =	vand.u32 $0x7FFFFFFF, v63;
	v51 =	vld [tilespmem:s17+$0x6840];
	v25 =	vadd.f32 v25, v26  }
0xa2: {  	v24 =	vand.u32 $0x7FFFFFFF, v24;
	v52 =	vld [tilespmem:s17+$0x4850];
	v50 =	vadd.f32 v35, v46;
	v27 =	vadd.f32 v49, v28  }
0xa3: {  	v34 =	vand.u32 $0x7FFFFFFF, v43;
	v55 =	vld [tilespmem:s17+$0x6850];
	v53 =	vand.u32 $0x7FFFFFFF, v44;
	v24 =	vadd.f32 v24, v25  }
0xa4: {  	v20 =	vand.u32 $0x7FFFFFFF, v20;
	v56 =	vld [tilespmem:s17+$0x4860];
	v54 =	vadd.f32 v34, v50;
	v26 =	vadd.f32 v53, v27  }
0xa5: {  	v33 =	vand.u32 $0x7FFFFFFF, v47;
	v57 =	vand.u32 $0x7FFFFFFF, v48;
	v59 =	vld [tilespmem:s17+$0x6860];
	v23 =	vadd.f32 v23, v24  }
0xa6: {  	v22 =	vand.u32 $0x7FFFFFFF, v22;
	v60 =	vld [tilespmem:s17+$0x4870];
	v58 =	vadd.f32 v33, v54;
	v25 =	vadd.f32 v57, v26  }
0xa7: {  	s19 =	sor.u32 $0x4C00, s20;
	v63 =	vld [tilespmem:s17+$0x6870];
	v32 =	vand.u32 $0x7FFFFFFF, v51;
	v61 =	vand.u32 $0x7FFFFFFF, v52;
	v22 =	vadd.f32 v22, v23  }
0xa8: {  	v18 =	vand.u32 $0x7FFFFFFF, v18;
	v33 =	vld [tilespmem:s19+$0x0];
	v62 =	vadd.f32 v32, v58;
	v24 =	vadd.f32 v61, v25  }
0xa9: {  	s20 =	sor.u32 $0x6C00, s20;
	v37 =	vld [tilespmem:s19+$0x10];
	v31 =	vand.u32 $0x7FFFFFFF, v55;
	v34 =	vand.u32 $0x7FFFFFFF, v56;
	v21 =	vadd.f32 v21, v22  }
0xaa: {  	v16 =	vand.u32 $0x7FFFFFFF, v16;
	v36 =	vld [tilespmem:s20+$0x0];
	v35 =	vadd.f32 v31, v62;
	v23 =	vadd.f32 v34, v24  }
0xab: {  	v40 =	vld [tilespmem:s20+$0x10];
	v30 =	vand.u32 $0x7FFFFFFF, v59;
	v38 =	vand.u32 $0x7FFFFFFF, v60;
	v20 =	vadd.f32 v20, v21  }
0xac: {  	v19 =	vand.u32 $0x7FFFFFFF, v19;
	v41 =	vld [tilespmem:s19+$0x20];
	v39 =	vadd.f32 v30, v35;
	v22 =	vadd.f32 v38, v23  }
0xad: {  	v44 =	vld [tilespmem:s20+$0x20];
	v29 =	vand.u32 $0x7FFFFFFF, v63;
	v42 =	vand.u32 $0x7FFFFFFF, v33;
	v19 =	vadd.f32 v19, v20  }
0xae: {  	v11 =	vand.u32 $0x7FFFFFFF, v11;
	v45 =	vld [tilespmem:s19+$0x30];
	v43 =	vadd.f32 v29, v39;
	v21 =	vadd.f32 v42, v22  }
0xaf: {  	v48 =	vld [tilespmem:s20+$0x30];
	v46 =	vand.u32 $0x7FFFFFFF, v37;
	v28 =	vand.u32 $0x7FFFFFFF, v36;
	v18 =	vadd.f32 v18, v19  }
0xb0: {  	v17 =	vand.u32 $0x7FFFFFFF, v17;
	v49 =	vld [tilespmem:s19+$0x40];
	v47 =	vadd.f32 v28, v43;
	v20 =	vadd.f32 v46, v21  }
0xb1: {  	v52 =	vld [tilespmem:s20+$0x40];
	v27 =	vand.u32 $0x7FFFFFFF, v40;
	v50 =	vand.u32 $0x7FFFFFFF, v41;
	v17 =	vadd.f32 v17, v18  }
0xb2: {  	v12 =	vand.u32 $0x7FFFFFFF, v12;
	v53 =	vld [tilespmem:s19+$0x50];
	v51 =	vadd.f32 v27, v47;
	v19 =	vadd.f32 v50, v20  }
0xb3: {  	v56 =	vld [tilespmem:s20+$0x50];
	v26 =	vand.u32 $0x7FFFFFFF, v44;
	v54 =	vand.u32 $0x7FFFFFFF, v45;
	v16 =	vadd.f32 v16, v17  }
0xb4: {  	v57 =	vld [tilespmem:s19+$0x60];
	v25 =	vand.u32 $0x7FFFFFFF, v48;
	v55 =	vadd.f32 v26, v51;
	v18 =	vadd.f32 v54, v19  }
0xb5: {  	v60 =	vld [tilespmem:s20+$0x60];
	v58 =	vand.u32 $0x7FFFFFFF, v49;
	v29 =	vperm.xlane v10, v0;
	v12 =	vadd.f32 v12, v16  }
0xb6: {  	v61 =	vld [tilespmem:s19+$0x70];
	v24 =	vand.u32 $0x7FFFFFFF, v52;
	v59 =	vadd.f32 v25, v55;
	v17 =	vadd.f32 v58, v18  }
0xb7: {  	v62 =	vand.u32 $0x7FFFFFFF, v53;
	v10 =	vadd.f32 v10, v29;
	v11 =	vadd.f32 v11, v12  }
0xb8: {  	v9 =	vand.u32 $0x7FFFFFFF, v9;
	v63 =	vadd.f32 v24, v59;
	v24 =	vld [tilespmem:s20+$0x70];
	v16 =	vadd.f32 v62, v17  }
0xb9: {  	v26 =	vand.u32 $0x7FFFFFFF, v57;
	v25 =	vand.u32 $0x7FFFFFFF, v56;
	v9 =	vadd.f32 v9, v11  }
0xba: {  	v17 =	vadd.f32 v25, v63;
	v12 =	vadd.f32 v26, v16  }
0xbb: {  	v28 =	vand.u32 $0x7FFFFFFF, v61;
	v27 =	vand.u32 $0x7FFFFFFF, v60;
	v31 =	vperm.xlane v9, v0  }
0xbc: {  	v34 =	vperm.xlane v10, v1;
	v16 =	vadd.f32 v27, v17;
	v11 =	vadd.f32 v28, v12  }
0xbd: {  	v9 =	vadd.f32 v9, v31;
	v30 =	vand.u32 $0x7FFFFFFF, v24  }
0xbe: {  	v10 =	vadd.f32 v10, v34;
	v12 =	vadd.f32 v30, v16;
	v32 =	vperm.xlane v11, v0  }
0xbf: {  	v35 =	vperm.xlane v9, v1  }
0xc0: {  	v18 =	vperm.xlane v10, v2;
	v33 =	vperm.xlane v12, v0;
	v11 =	vadd.f32 v11, v32  }
0xc1: {  	v9 =	vadd.f32 v9, v35  }
0xc2: {  	v10 =	vadd.f32 v10, v18;
	v12 =	vadd.f32 v12, v33;
	v36 =	vperm.xlane v11, v1  }
0xc3: {  	v38 =	vperm.xlane v9, v2  }
0xc4: {  	v18 =	vperm.xlane v10, v3;
	v37 =	vperm.xlane v12, v1;
	v11 =	vadd.f32 v11, v36  }
0xc5: {  	v9 =	vadd.f32 v9, v38  }
0xc6: {  	v10 =	vadd.f32 v10, v18;
	v12 =	vadd.f32 v12, v37;
	v39 =	vperm.xlane v11, v2  }
0xc7: {  	v41 =	vperm.xlane v9, v3  }
0xc8: {  	v10 =	vmax.f32 v10, $9.999999960e-13;
	v40 =	vperm.xlane v12, v2;
	v11 =	vadd.f32 v11, v39  }
0xc9: {  	(erf) = vrcp.f32 v10;
	v9 =	vadd.f32 v9, v41  }
0xca: {  	v45 =	vld [tilespmem:s17+$0x10];
	v12 =	vadd.f32 v12, v40;
	v42 =	vperm.xlane v11, v3  }
0xcb: {  	v49 =	vld [tilespmem:s17+$0x4010];
	v9 =	vmax.f32 v9, $9.999999960e-13  }
0xcc: {  	v52 =	vld [tilespmem:s17+$0x2020];
	(erf) = vrcp.f32 v9;
	v43 =	vperm.xlane v12, v3;
	v11 =	vadd.f32 v11, v42  }
0xcd: {  	v53 =	vld [tilespmem:s17+$0x4020]  }
0xce: {  	v61 =	vld [tilespmem:s17+$0x6030];
	v44 =	vadd.f32 v12, v43;
	v46 =	vmax.f32 v11, $9.999999960e-13  }
0xcf: {  	v47 =	vld [tilespmem:s17+$0x2010];
	(erf) = vrcp.f32 v46  }
0xd0: {  	v51 =	vld [tilespmem:s17+$0x20];
	v48 =	vmax.f32 v44, $9.999999960e-13  }
0xd1: {  	v57 =	vld [tilespmem:s17+$0x2030];
	(erf) = vrcp.f32 v48  }
0xd2: {  	v55 =	vld [tilespmem:s17+$0x30];
	v56 =	vpop (erf)  }
0xd3: {  	v59 =	vld [tilespmem:s17+$0x4030];
	v11 =	vmul.f32 v56, v4  }
0xd4: {  	v63 =	vld [tilespmem:s17+$0x40]  }
0xd5: {  	v36 =	vld [tilespmem:s17+$0x2040];
	v8 =	vmul.f32 v11, v8;
	v58 =	vpop (erf)  }
0xd6: {  	v37 =	vld [tilespmem:s17+$0x4040];
	v16 =	vmul.f32 v45, v11;
	v12 =	vmul.f32 v58, v5  }
0xd7: {  	v40 =	vld [tilespmem:s17+$0x50];
	v43 =	vmul.f32 v51, v11;
	v46 =	vmul.f32 v55, v11  }
0xd8: {  	v42 =	vld [tilespmem:s17+$0x2050];
	v13 =	vmul.f32 v12, v13;
	v17 =	vmul.f32 v47, v12;
	v60 =	vpop (erf)  }
0xd9: {  	v45 =	vld [tilespmem:s17+$0x4050];
	v44 =	vmul.f32 v52, v12;
	v10 =	vmul.f32 v60, v6  }
0xda: {  	v55 =	vld [tilespmem:s17+$0x70];
	v47 =	vmul.f32 v57, v12;
	v57 =	vmul.f32 v63, v11;
	v62 =	vpop (erf)  }
0xdb: {  	v63 =	vld [tilespmem:s17+$0x4070];
	v9 =	vmul.f32 v62, v7;
	v39 =	vmul.f32 v10, v14  }
0xdc: {  	v50 =	vld [tilespmem:s17+$0x6010];
	v41 =	vmul.f32 v49, v10;
	v49 =	vmul.f32 v53, v10  }
0xdd: {  	v54 =	vld [tilespmem:s17+$0x6020];
	v8 =	vadd.f32 v13, v8;
	v52 =	vmul.f32 v59, v10;
	v59 =	vmul.f32 v36, v12  }
0xde: {  	v38 =	vld [tilespmem:s17+$0x6040];
	v16 =	vadd.f32 v17, v16;
	v60 =	vmul.f32 v37, v10;
	v14 =	vmul.f32 v40, v11  }
0xdf: {  	v58 =	vld [tilespmem:s17+$0x2070];
	v13 =	vadd.f32 v44, v43;
	v62 =	vmul.f32 v42, v12;
	v30 =	vmul.f32 v45, v10  }
0xe0: {  	v51 =	vadd.f32 v47, v46;
	v53 =	vld [tilespmem:s17+$0x2060];
	v37 =	vmul.f32 v55, v11;
	v17 =	vmul.f32 v63, v10  }
0xe1: {  	v15 =	vmul.f32 v9, v15;
	v8 =	vadd.f32 v39, v8;
	v19 =	vmul.f32 v9, v50;
	v50 =	vld [tilespmem:s17+$0x60]  }
0xe2: {  	v48 =	vld [tilespmem:s17+$0x6050];
	v16 =	vadd.f32 v41, v16;
	v13 =	vadd.f32 v49, v13;
	v54 =	vmul.f32 v54, v9  }
0xe3: {  	v56 =	vmul.f32 v61, v9;
	v61 =	vld [tilespmem:s17+$0x4060];
	v14 =	vadd.f32 v62, v14;
	v8 =	vadd.f32 v15, v8  }
0xe4: {  	v36 =	vld [tilespmem:s17+$0x6070];
	v28 =	vmul.f32 v38, v9;
	v24 =	vadd.f32 v19, v16;
	v15 =	vadd.f32 v52, v51  }
0xe5: {  	v31 =	vld [tilespmem:s17+$0x6060];
	v38 =	vmul.f32 v58, v12;
	v29 =	vadd.f32 v54, v13;
	v13 =	vadd.f32 v59, v57  }
0xe6: {  	v14 =	vadd.f32 v30, v14;
	v35 =	vmul.f32 v53, v12;
	v34 =	vmul.f32 v50, v11  }
0xe7: {  	v40 =	vmul.f32 v48, v9;
	v16 =	vadd.f32 v38, v37;
	v25 =	vadd.f32 v56, v15;
	[tilespmem:s17+$0x8080] =	vst v8  }
0xe8: {  	v13 =	vadd.f32 v60, v13;
	[tilespmem:s17+$0x8090] =	vst v24;
	v39 =	vmul.f32 v61, v10;
	v15 =	vadd.f32 v35, v34  }
0xe9: {  	v44 =	vmul.f32 v36, v9;
	[tilespmem:s17+$0x80A0] =	vst v29;
	v30 =	vadd.f32 v40, v14;
	v43 =	vadd.f32 v17, v16  }
0xea: {  	v42 =	vmul.f32 v31, v9;
	[tilespmem:s17+$0x80B0] =	vst v25;
	v34 =	vadd.f32 v28, v13;
	v41 =	vadd.f32 v39, v15  }
0xeb: {  	[tilespmem:s17+$0x80D0] =	vst v30;
	v15 =	vadd.f32 v44, v43  }
0xec: {  	[tilespmem:s17+$0x80C0] =	vst v34;
	v23 =	vadd.f32 v42, v41  }
0xed: {  	[tilespmem:s17+$0x80F0] =	vst v15  }
0xee: {  	v45 =	vld [tilespmem:s17+$0x400];
	[tilespmem:s17+$0x80E0] =	vst v23  }
0xef: {  	v46 =	vld [tilespmem:s21+$0x0];
	_ =	sdelay $0x1  }
0xf0: {  	v47 =	vld [tilespmem:s22+$0x0];
	_ =	sdelay $0x1  }
0xf1: {  	v48 =	vld [tilespmem:s23+$0x0]  }
0xf2: {  	v13 =	vmul.f32 v45, v11;
	v14 =	vmul.f32 v46, v12;
	_ =	sdelay $0x1  }
0xf3: {  	v49 =	vmul.f32 v47, v10;
	v13 =	vadd.f32 v14, v13;
	_ =	sdelay $0x1  }
0xf4: {  	v50 =	vmul.f32 v48, v9;
	v13 =	vadd.f32 v49, v13;
	_ =	sdelay $0x1  }
0xf5: {  	v18 =	vadd.f32 v50, v13;
	_ =	sdelay $0x1  }
0xf6: {  	v51 =	vld [tilespmem:s17+$0x410];
	[tilespmem:s17+$0x8480] =	vst v18  }
0xf7: {  	v52 =	vld [tilespmem:s21+$0x10];
	_ =	sdelay $0x1  }
0xf8: {  	v53 =	vld [tilespmem:s22+$0x10];
	_ =	sdelay $0x1  }
0xf9: {  	v54 =	vld [tilespmem:s23+$0x10]  }
0xfa: {  	v13 =	vmul.f32 v51, v11;
	v14 =	vmul.f32 v52, v12;
	_ =	sdelay $0x1  }
0xfb: {  	v55 =	vmul.f32 v53, v10;
	v13 =	vadd.f32 v14, v13;
	_ =	sdelay $0x1  }
0xfc: {  	v56 =	vmul.f32 v54, v9;
	v13 =	vadd.f32 v55, v13;
	_ =	sdelay $0x1  }
0xfd: {  	v20 =	vadd.f32 v56, v13;
	_ =	sdelay $0x1  }
0xfe: {  	v57 =	vld [tilespmem:s17+$0x420];
	[tilespmem:s17+$0x8490] =	vst v20  }
0xff: {  	v58 =	vld [tilespmem:s21+$0x20];
	_ =	sdelay $0x1  }
0x100: {  	v59 =	vld [tilespmem:s22+$0x20];
	_ =	sdelay $0x1  }
0x101: {  	v60 =	vld [tilespmem:s23+$0x20]  }
0x102: {  	v13 =	vmul.f32 v57, v11;
	v14 =	vmul.f32 v58, v12;
	_ =	sdelay $0x1  }
0x103: {  	v61 =	vmul.f32 v59, v10;
	v13 =	vadd.f32 v14, v13;
	_ =	sdelay $0x1  }
0x104: {  	v62 =	vmul.f32 v60, v9;
	v13 =	vadd.f32 v61, v13;
	_ =	sdelay $0x1  }
0x105: {  	v19 =	vadd.f32 v62, v13;
	_ =	sdelay $0x1  }
0x106: {  	v63 =	vld [tilespmem:s17+$0x430];
	[tilespmem:s17+$0x84A0] =	vst v19  }
0x107: {  	v21 =	vld [tilespmem:s21+$0x30];
	_ =	sdelay $0x1  }
0x108: {  	v22 =	vld [tilespmem:s22+$0x30];
	_ =	sdelay $0x1  }
0x109: {  	v26 =	vld [tilespmem:s23+$0x30]  }
0x10a: {  	v13 =	vmul.f32 v63, v11;
	v14 =	vmul.f32 v21, v12;
	_ =	sdelay $0x1  }
0x10b: {  	v27 =	vmul.f32 v22, v10;
	v13 =	vadd.f32 v14, v13;
	_ =	sdelay $0x1  }
0x10c: {  	v28 =	vmul.f32 v26, v9;
	v13 =	vadd.f32 v27, v13;
	_ =	sdelay $0x1  }
0x10d: {  	v16 =	vadd.f32 v28, v13;
	_ =	sdelay $0x1  }
0x10e: {  	v31 =	vld [tilespmem:s17+$0x440];
	[tilespmem:s17+$0x84B0] =	vst v16  }
0x10f: {  	v32 =	vld [tilespmem:s21+$0x40];
	_ =	sdelay $0x1  }
0x110: {  	v33 =	vld [tilespmem:s22+$0x40];
	_ =	sdelay $0x1  }
0x111: {  	v35 =	vld [tilespmem:s23+$0x40]  }
0x112: {  	v13 =	vmul.f32 v31, v11;
	v14 =	vmul.f32 v32, v12;
	_ =	sdelay $0x1  }
0x113: {  	v36 =	vmul.f32 v33, v10;
	v13 =	vadd.f32 v14, v13;
	_ =	sdelay $0x1  }
0x114: {  	v37 =	vmul.f32 v35, v9;
	v13 =	vadd.f32 v36, v13;
	_ =	sdelay $0x1  }
0x115: {  	v17 =	vadd.f32 v37, v13;
	_ =	sdelay $0x1  }
0x116: {  	v38 =	vld [tilespmem:s17+$0x450];
	[tilespmem:s17+$0x84C0] =	vst v17  }
0x117: {  	v39 =	vld [tilespmem:s21+$0x50];
	_ =	sdelay $0x1  }
0x118: {  	v40 =	vld [tilespmem:s22+$0x50];
	_ =	sdelay $0x1  }
0x119: {  	v41 =	vld [tilespmem:s23+$0x50]  }
0x11a: {  	v13 =	vmul.f32 v38, v11;
	v14 =	vmul.f32 v39, v12;
	_ =	sdelay $0x1  }
0x11b: {  	v44 =	vld [tilespmem:s17+$0x460];
	v42 =	vmul.f32 v40, v10;
	v13 =	vadd.f32 v14, v13  }
0x11c: {  	v50 =	vld [tilespmem:s17+$0x470]  }
0x11d: {  	v52 =	vld [tilespmem:s17+$0x810];
	v43 =	vmul.f32 v41, v9;
	v13 =	vadd.f32 v42, v13  }
0x11e: {  	v53 =	vld [tilespmem:s17+$0x2810]  }
0x11f: {  	v54 =	vld [tilespmem:s17+$0x4810];
	v21 =	vadd.f32 v43, v13  }
0x120: {  	v55 =	vld [tilespmem:s17+$0x6810]  }
0x121: {  	v56 =	vld [tilespmem:s17+$0x820];
	[tilespmem:s17+$0x84D0] =	vst v21  }
0x122: {  	v45 =	vld [tilespmem:s21+$0x60]  }
0x123: {  	v57 =	vld [tilespmem:s17+$0x2820]  }
0x124: {  	v46 =	vld [tilespmem:s22+$0x60]  }
0x125: {  	v58 =	vld [tilespmem:s17+$0x830]  }
0x126: {  	v47 =	vld [tilespmem:s23+$0x60]  }
0x127: {  	v59 =	vld [tilespmem:s17+$0x2830];
	v13 =	vmul.f32 v44, v11;
	v14 =	vmul.f32 v45, v12  }
0x128: {  	v61 =	vld [tilespmem:s17+$0x800]  }
0x129: {  	v62 =	vld [tilespmem:s17+$0x2800];
	v48 =	vmul.f32 v46, v10;
	v13 =	vadd.f32 v14, v13  }
0x12a: {  	v63 =	vld [tilespmem:s17+$0x4800]  }
0x12b: {  	v31 =	vld [tilespmem:s17+$0x2840];
	v49 =	vmul.f32 v47, v9;
	v13 =	vadd.f32 v48, v13  }
0x12c: {  	v28 =	vld [tilespmem:s17+$0x6840]  }
0x12d: {  	v33 =	vld [tilespmem:s17+$0x6800];
	v14 =	vadd.f32 v49, v13  }
0x12e: {  	v32 =	vld [tilespmem:s17+$0x4850]  }
0x12f: {  	v37 =	vld [tilespmem:s17+$0x850];
	[tilespmem:s17+$0x84E0] =	vst v14  }
0x130: {  	v51 =	vld [tilespmem:s21+$0x70]  }
0x131: {  	v55 =	vmul.f32 v55, v9;
	v56 =	vmul.f32 v56, v11;
	v60 =	vld [tilespmem:s22+$0x70]  }
0x132: {  	v57 =	vmul.f32 v57, v12;
	v58 =	vmul.f32 v58, v11;
	v38 =	vld [tilespmem:s17+$0x6850]  }
0x133: {  	v59 =	vmul.f32 v59, v12;
	v28 =	vmul.f32 v28, v9;
	v41 =	vld [tilespmem:s17+$0x4820]  }
0x134: {  	v35 =	vmul.f32 v52, v11;
	v52 =	vmul.f32 v54, v10;
	v39 =	vld [tilespmem:s17+$0x860]  }
0x135: {  	v36 =	vmul.f32 v53, v12;
	v42 =	vld [tilespmem:s17+$0x6820];
	v13 =	vmul.f32 v50, v11  }
0x136: {  	v27 =	vld [tilespmem:s23+$0x70];
	v22 =	vmul.f32 v51, v12;
	v26 =	vmul.f32 v60, v10  }
0x137: {  	v47 =	vld [tilespmem:s17+$0x840];
	v60 =	vmul.f32 v61, v11;
	v61 =	vmul.f32 v62, v12  }
0x138: {  	v53 =	vmul.f32 v33, v9;
	v32 =	vmul.f32 v32, v10;
	v45 =	vld [tilespmem:s17+$0x4830]  }
0x139: {  	v46 =	vld [tilespmem:s17+$0x6830];
	v62 =	vmul.f32 v63, v10;
	v13 =	vadd.f32 v22, v13;
	v22 =	vadd.f32 v61, v60  }
0x13a: {  	v37 =	vmul.f32 v37, v11;
	v38 =	vmul.f32 v38, v9;
	v48 =	vld [tilespmem:s17+$0x4840];
	v63 =	vadd.f32 v36, v35  }
0x13b: {  	v49 =	vld [tilespmem:s17+$0x2850];
	v27 =	vmul.f32 v27, v9;
	v13 =	vadd.f32 v26, v13;
	v22 =	vadd.f32 v62, v22  }
0x13c: {  	v51 =	vmul.f32 v47, v11;
	v54 =	vadd.f32 v52, v63;
	v60 =	vmul.f32 v41, v10;
	v41 =	vld [tilespmem:s17+$0x2860]  }
0x13d: {  	v50 =	vld [tilespmem:s17+$0x870];
	v61 =	vmul.f32 v42, v9;
	v35 =	vadd.f32 v27, v13;
	v33 =	vadd.f32 v53, v22  }
0x13e: {  	v62 =	vmul.f32 v45, v10;
	v22 =	vadd.f32 v57, v56;
	v13 =	vadd.f32 v59, v58;
	v53 =	vld [tilespmem:s17+$0x2870]  }
0x13f: {  	v63 =	vmul.f32 v46, v9;
	v52 =	vmul.f32 v31, v12;
	v26 =	vadd.f32 v55, v54;
	v55 =	vld [tilespmem:s17+$0x4860]  }
0x140: {  	v54 =	vmul.f32 v49, v12;
	v58 =	vld [tilespmem:s17+$0x4870];
	v22 =	vadd.f32 v60, v22;
	v13 =	vadd.f32 v62, v13  }
0x141: {  	v56 =	vadd.f32 v52, v51;
	v57 =	vmul.f32 v48, v10;
	v60 =	vld [tilespmem:s17+$0x6860];
	v62 =	vmul.f32 v41, v12  }
0x142: {  	v31 =	vadd.f32 v61, v22;
	v27 =	vadd.f32 v63, v13;
	v61 =	vmul.f32 v39, v11;
	v63 =	vld [tilespmem:s17+$0x6870]  }
0x143: {  	v46 =	vmul.f32 v50, v11;
	v59 =	vadd.f32 v54, v37;
	[tilespmem:s17+$0x8890] =	vst v26;
	v48 =	vmul.f32 v53, v12  }
0x144: {  	[tilespmem:s17+$0x84F0] =	vst v35;
	v49 =	vmul.f32 v55, v10;
	v22 =	vadd.f32 v57, v56;
	v36 =	vadd.f32 v62, v61  }
0x145: {  	[tilespmem:s17+$0x8880] =	vst v33;
	v13 =	vadd.f32 v32, v59;
	v40 =	vmul.f32 v58, v10;
	v42 =	vadd.f32 v48, v46  }
0x146: {  	[tilespmem:s17+$0x88A0] =	vst v31;
	v32 =	vadd.f32 v28, v22;
	v51 =	vmul.f32 v60, v9;
	v50 =	vadd.f32 v49, v36  }
0x147: {  	[tilespmem:s17+$0x88B0] =	vst v27;
	v28 =	vadd.f32 v38, v13;
	v52 =	vadd.f32 v40, v42;
	v53 =	vmul.f32 v63, v9  }
0x148: {  	[tilespmem:s17+$0x88C0] =	vst v32;
	v22 =	vadd.f32 v51, v50  }
0x149: {  	[tilespmem:s17+$0x88D0] =	vst v28;
	v13 =	vadd.f32 v53, v52  }
0x14a: {  	[tilespmem:s17+$0x88E0] =	vst v22  }
0x14b: {  	v54 =	vld [tilespmem:s17+$0xC00];
	[tilespmem:s17+$0x88F0] =	vst v13  }
0x14c: {  	v55 =	vld [tilespmem:s18+$0x0];
	_ =	sdelay $0x1  }
0x14d: {  	v56 =	vld [tilespmem:s19+$0x0];
	_ =	sdelay $0x1  }
0x14e: {  	v57 =	vmin.f32 v8, $-Inf;
	v58 =	vld [tilespmem:s20+$0x0]  }
0x14f: {  	v59 =	vmin.f32 v8, v24;
	v36 =	vmul.f32 v54, v11;
	v37 =	vmul.f32 v55, v12  }
0x150: {  	v24 =	vmax.f32 v8, v24;
	v41 =	vmin.f32 v57, v59  }
0x151: {  	v62 =	vmax.f32 v57, v41;
	v61 =	vmul.f32 v56, v10;
	v36 =	vadd.f32 v37, v36  }
0x152: {  	v60 =	vmax.f32 v57, v59;
	v63 =	vmax.f32 v24, v29;
	v24 =	vmin.f32 v24, v29  }
0x153: {  	v29 =	vmin.f32 v60, v24;
	v44 =	vmul.f32 v58, v9;
	v36 =	vadd.f32 v61, v36  }
0x154: {  	v45 =	vmax.f32 v60, v24;
	v47 =	vmin.f32 v63, v25;
	v25 =	vmax.f32 v63, v25  }
0x155: {  	v41 =	vmax.f32 v62, v29;
	v46 =	vmin.f32 v62, v29;
	v24 =	vadd.f32 v44, v36  }
0x156: {  	v50 =	vld [tilespmem:s17+$0xC10];
	v48 =	vmax.f32 v45, v47;
	v49 =	vmin.f32 v45, v47;
	v39 =	vmin.f32 v25, v34  }
0x157: {  	v25 =	vmax.f32 v25, v34;
	v29 =	vmax.f32 v62, v46;
	v38 =	vmax.f32 v41, v49;
	[tilespmem:s17+$0x8C80] =	vst v24  }
0x158: {  	v51 =	vmin.f32 v48, v39;
	v57 =	vmin.f32 v25, v30;
	v25 =	vmax.f32 v25, v30;
	v52 =	vld [tilespmem:s18+$0x10]  }
0x159: {  	v53 =	vmin.f32 v38, v51;
	v63 =	vmin.f32 v25, v23;
	v25 =	vmax.f32 v25, v23  }
0x15a: {  	v54 =	vmax.f32 v38, v51;
	v46 =	vmin.f32 v25, v15;
	v15 =	vmax.f32 v25, v15;
	v56 =	vld [tilespmem:s19+$0x10]  }
0x15b: {  	v40 =	vmul.f32 v50, v11;
	v51 =	vmin.f32 v15, v18;
	v37 =	vmin.f32 v41, v49  }
0x15c: {  	v15 =	vmax.f32 v15, v18;
	v41 =	vmax.f32 v29, v37;
	v37 =	vmin.f32 v29, v37;
	v59 =	vld [tilespmem:s20+$0x10]  }
0x15d: {  	v29 =	vmax.f32 v29, v37;
	v36 =	vmax.f32 v48, v39;
	v61 =	vmul.f32 v52, v12  }
0x15e: {  	v55 =	vmin.f32 v41, v53;
	v34 =	vmax.f32 v41, v53;
	v58 =	vmax.f32 v36, v57  }
0x15f: {  	v36 =	vmin.f32 v36, v57;
	v39 =	vmul.f32 v56, v10;
	v40 =	vadd.f32 v61, v40  }
0x160: {  	v29 =	vmax.f32 v29, v55;
	v60 =	vmin.f32 v54, v36;
	v36 =	vmax.f32 v54, v36  }
0x161: {  	v43 =	vmin.f32 v58, v63;
	v38 =	vmul.f32 v59, v9;
	v39 =	vadd.f32 v39, v40  }
0x162: {  	v49 =	vld [tilespmem:s17+$0xC20];
	v30 =	vmax.f32 v58, v63;
	v58 =	vmin.f32 v15, v20;
	v15 =	vmax.f32 v15, v20  }
0x163: {  	v62 =	vmax.f32 v34, v60;
	v34 =	vmin.f32 v34, v60;
	v23 =	vadd.f32 v38, v39  }
0x164: {  	v44 =	vmin.f32 v36, v43;
	v36 =	vmax.f32 v36, v43;
	v47 =	vmin.f32 v30, v46  }
0x165: {  	v30 =	vmax.f32 v30, v46;
	v29 =	vmax.f32 v29, v34;
	v45 =	vmax.f32 v62, v44;
	[tilespmem:s17+$0x8C90] =	vst v23  }
0x166: {  	v34 =	vmin.f32 v62, v44;
	v48 =	vmax.f32 v36, v47;
	v25 =	vmin.f32 v36, v47;
	v52 =	vld [tilespmem:s18+$0x20]  }
0x167: {  	v46 =	vld [tilespmem:s17+$0xC30];
	v53 =	vmin.f32 v30, v51;
	v54 =	vmax.f32 v30, v51;
	v36 =	vmul.f32 v49, v11  }
0x168: {  	v29 =	vmax.f32 v29, v34;
	v50 =	vmax.f32 v45, v25;
	v25 =	vmin.f32 v45, v25;
	v56 =	vld [tilespmem:s19+$0x20]  }
0x169: {  	v55 =	vmax.f32 v48, v53;
	v18 =	vmin.f32 v48, v53;
	v25 =	vmax.f32 v29, v25  }
0x16a: {  	v57 =	vmax.f32 v50, v18;
	v18 =	vmin.f32 v50, v18;
	v29 =	vmax.f32 v54, v58;
	v60 =	vld [tilespmem:s20+$0x20]  }
0x16b: {  	v18 =	vmax.f32 v25, v18;
	v59 =	vmin.f32 v54, v58;
	v39 =	vmul.f32 v52, v12  }
0x16c: {  	v30 =	vmul.f32 v46, v11;
	v20 =	vmax.f32 v55, v59;
	v61 =	vmin.f32 v55, v59  }
0x16d: {  	v63 =	vmin.f32 v57, v61;
	v34 =	vmul.f32 v56, v10;
	v36 =	vadd.f32 v39, v36  }
0x16e: {  	v62 =	vmax.f32 v57, v61;
	v18 =	vmax.f32 v18, v63;
	v40 =	vmax.f32 v15, v19  }
0x16f: {  	v15 =	vmin.f32 v15, v19;
	v25 =	vmul.f32 v60, v9;
	v34 =	vadd.f32 v34, v36  }
0x170: {  	v19 =	vmin.f32 v29, v15;
	v29 =	vmax.f32 v29, v15;
	v42 =	vmin.f32 v40, v16  }
0x171: {  	v16 =	vmax.f32 v40, v16;
	v41 =	vmax.f32 v20, v19;
	v15 =	vadd.f32 v25, v34  }
0x172: {  	v19 =	vmin.f32 v20, v19;
	v43 =	vmin.f32 v29, v42;
	v44 =	vmax.f32 v29, v42  }
0x173: {  	v48 =	vmin.f32 v16, v17;
	v16 =	vmax.f32 v16, v17;
	v20 =	vmin.f32 v62, v19;
	[tilespmem:s17+$0x8CA0] =	vst v15  }
0x174: {  	v19 =	vmax.f32 v62, v19;
	v45 =	vmin.f32 v41, v43;
	v50 =	vmin.f32 v44, v48;
	v49 =	vld [tilespmem:s18+$0x30]  }
0x175: {  	v51 =	vmax.f32 v44, v48;
	v55 =	vmax.f32 v16, v21;
	v16 =	vmin.f32 v16, v21  }
0x176: {  	v18 =	vmax.f32 v18, v20;
	v20 =	vmax.f32 v41, v43;
	v47 =	vmin.f32 v19, v45;
	v53 =	vld [tilespmem:s19+$0x30]  }
0x177: {  	v19 =	vmax.f32 v19, v45;
	v57 =	vmin.f32 v51, v16;
	v16 =	vmax.f32 v51, v16  }
0x178: {  	v18 =	vmax.f32 v18, v47;
	v52 =	vmin.f32 v20, v50;
	v20 =	vmax.f32 v20, v50;
	v56 =	vld [tilespmem:s20+$0x30]  }
0x179: {  	v60 =	vmin.f32 v55, v14;
	v54 =	vmax.f32 v19, v52;
	v58 =	vmul.f32 v49, v12  }
0x17a: {  	v19 =	vmin.f32 v19, v52;
	v59 =	vmax.f32 v20, v57;
	v20 =	vmin.f32 v20, v57  }
0x17b: {  	v61 =	vmin.f32 v16, v60;
	v34 =	vmul.f32 v53, v10;
	v30 =	vadd.f32 v58, v30  }
0x17c: {  	v16 =	vmax.f32 v16, v60;
	v18 =	vmax.f32 v18, v19;
	v19 =	vmax.f32 v55, v14  }
0x17d: {  	v62 =	vmin.f32 v59, v61;
	v21 =	vmul.f32 v56, v9;
	v30 =	vadd.f32 v34, v30  }
0x17e: {  	v17 =	vmax.f32 v59, v61;
	v25 =	vmin.f32 v54, v20;
	v20 =	vmax.f32 v54, v20  }
0x17f: {  	v37 =	vld [tilespmem:s17+$0xC40];
	v18 =	vmax.f32 v18, v25;
	v63 =	vmin.f32 v20, v62;
	v14 =	vadd.f32 v21, v30  }
0x180: {  	v20 =	vmax.f32 v20, v62;
	v18 =	vmax.f32 v18, v63;
	v34 =	vmin.f32 v19, v35  }
0x181: {  	v19 =	vmax.f32 v19, v35;
	v36 =	vmax.f32 v16, v34;
	v16 =	vmin.f32 v16, v34;
	[tilespmem:s17+$0x8CB0] =	vst v14  }
0x182: {  	v39 =	vmin.f32 v19, v33;
	v43 =	vmax.f32 v19, v33;
	v38 =	vmax.f32 v17, v16;
	v40 =	vld [tilespmem:s18+$0x40]  }
0x183: {  	v60 =	vld [tilespmem:s17+$0xC50];
	v16 =	vmin.f32 v17, v16;
	v42 =	vmin.f32 v36, v39;
	v17 =	vmax.f32 v36, v39  }
0x184: {  	v47 =	vmin.f32 v43, v26;
	v21 =	vmul.f32 v37, v11;
	v41 =	vmax.f32 v20, v16;
	v45 =	vld [tilespmem:s19+$0x40]  }
0x185: {  	v16 =	vmin.f32 v20, v16;
	v44 =	vmin.f32 v38, v42;
	v20 =	vmax.f32 v38, v42  }
0x186: {  	v49 =	vmin.f32 v17, v47;
	v17 =	vmax.f32 v17, v47;
	v16 =	vmax.f32 v18, v16;
	v48 =	vld [tilespmem:s20+$0x40]  }
0x187: {  	v46 =	vmin.f32 v41, v44;
	v19 =	vmax.f32 v41, v44;
	v30 =	vmul.f32 v40, v12  }
0x188: {  	v18 =	vmax.f32 v43, v26;
	v50 =	vmin.f32 v20, v49;
	v20 =	vmax.f32 v20, v49  }
0x189: {  	v26 =	vmul.f32 v60, v11;
	v52 =	vmul.f32 v45, v10;
	v21 =	vadd.f32 v30, v21  }
0x18a: {  	v16 =	vmax.f32 v16, v46;
	v51 =	vmin.f32 v19, v50;
	v19 =	vmax.f32 v19, v50  }
0x18b: {  	v53 =	vmin.f32 v18, v31;
	v54 =	vmul.f32 v48, v9;
	v21 =	vadd.f32 v52, v21  }
0x18c: {  	v18 =	vmax.f32 v18, v31;
	v55 =	vmax.f32 v17, v53;
	v17 =	vmin.f32 v17, v53  }
0x18d: {  	v25 =	vmax.f32 v20, v17;
	v17 =	vmin.f32 v20, v17;
	v20 =	vadd.f32 v54, v21  }
0x18e: {  	v16 =	vmax.f32 v16, v51;
	v57 =	vmin.f32 v18, v27;
	v58 =	vmax.f32 v18, v27  }
0x18f: {  	v59 =	vmin.f32 v55, v57;
	v62 =	vmin.f32 v58, v32;
	v56 =	vmax.f32 v19, v17;
	[tilespmem:s17+$0x8CC0] =	vst v20  }
0x190: {  	v17 =	vmin.f32 v19, v17;
	v19 =	vmax.f32 v55, v57;
	v61 =	vmin.f32 v25, v59;
	v63 =	vld [tilespmem:s18+$0x50]  }
0x191: {  	v18 =	vmax.f32 v25, v59;
	v16 =	vmax.f32 v16, v17;
	v33 =	vmin.f32 v56, v61  }
0x192: {  	v34 =	vmin.f32 v19, v62;
	v17 =	vmax.f32 v58, v32;
	v19 =	vmax.f32 v19, v62;
	v36 =	vld [tilespmem:s19+$0x50]  }
0x193: {  	v16 =	vmax.f32 v16, v33;
	v35 =	vmin.f32 v18, v34;
	v39 =	vmin.f32 v17, v28  }
0x194: {  	v18 =	vmax.f32 v18, v34;
	v17 =	vmax.f32 v17, v28;
	v40 =	vmax.f32 v19, v39;
	v38 =	vld [tilespmem:s20+$0x50]  }
0x195: {  	v19 =	vmin.f32 v19, v39;
	v42 =	vmin.f32 v17, v22;
	v30 =	vmul.f32 v63, v12  }
0x196: {  	v17 =	vmax.f32 v17, v22;
	v29 =	vmin.f32 v18, v19;
	v18 =	vmax.f32 v18, v19  }
0x197: {  	v43 =	vmin.f32 v40, v42;
	v27 =	vmul.f32 v36, v10;
	v26 =	vadd.f32 v30, v26  }
0x198: {  	v44 =	vmax.f32 v40, v42;
	v47 =	vmin.f32 v17, v13;
	v13 =	vmax.f32 v17, v13  }
0x199: {  	v45 =	vmin.f32 v18, v43;
	v25 =	vmul.f32 v38, v9;
	v26 =	vadd.f32 v27, v26  }
0x19a: {  	v18 =	vmax.f32 v18, v43;
	v48 =	vmin.f32 v44, v47;
	v50 =	vmax.f32 v44, v47  }
0x19b: {  	v51 =	vmin.f32 v18, v48;
	v18 =	vmax.f32 v18, v48;
	v25 =	vadd.f32 v25, v26  }
0x19c: {  	v21 =	vmax.f32 v56, v61;
	v54 =	vmin.f32 v13, v24;
	v13 =	vmax.f32 v13, v24  }
0x19d: {  	v49 =	vld [tilespmem:s17+$0xC60];
	v37 =	vmin.f32 v21, v35;
	v21 =	vmax.f32 v21, v35;
	v55 =	vmin.f32 v50, v54;
	[tilespmem:s17+$0x8CD0] =	vst v25  }
0x19e: {  	v17 =	vmax.f32 v50, v54;
	v60 =	vmin.f32 v13, v23;
	v13 =	vmax.f32 v13, v23;
	v52 =	vld [tilespmem:s18+$0x60]  }
0x19f: {  	v16 =	vmax.f32 v16, v37;
	v41 =	vmax.f32 v21, v29;
	v21 =	vmin.f32 v21, v29  }
0x1a0: {  	v57 =	vmin.f32 v18, v55;
	v18 =	vmax.f32 v18, v55;
	v61 =	vmin.f32 v17, v60;
	v56 =	vld [tilespmem:s19+$0x60]  }
0x1a1: {  	v16 =	vmax.f32 v16, v21;
	v46 =	vmin.f32 v41, v45;
	v19 =	vmax.f32 v41, v45  }
0x1a2: {  	v17 =	vmax.f32 v17, v60;
	v16 =	vmax.f32 v16, v46;
	v53 =	vmin.f32 v19, v51;
	v59 =	vld [tilespmem:s20+$0x60]  }
0x1a3: {  	v19 =	vmax.f32 v19, v51;
	v27 =	vmul.f32 v49, v11;
	v26 =	vmul.f32 v52, v12  }
0x1a4: {  	v62 =	vmin.f32 v18, v61;
	v16 =	vmax.f32 v16, v53;
	v58 =	vmax.f32 v19, v57  }
0x1a5: {  	v19 =	vmin.f32 v19, v57;
	v22 =	vmul.f32 v56, v10;
	v26 =	vadd.f32 v26, v27  }
0x1a6: {  	v18 =	vmax.f32 v18, v61;
	v16 =	vmax.f32 v16, v19;
	v21 =	vmax.f32 v58, v62  }
0x1a7: {  	v35 =	vld [tilespmem:s17+$0xC70];
	v63 =	vmin.f32 v58, v62;
	v24 =	vmul.f32 v59, v9;
	v22 =	vadd.f32 v22, v26  }
0x1a8: {  	v16 =	vmax.f32 v16, v63;
	v30 =	vmin.f32 v13, v15;
	v13 =	vmax.f32 v13, v15  }
0x1a9: {  	v31 =	vmin.f32 v17, v30;
	v17 =	vmax.f32 v17, v30;
	v22 =	vadd.f32 v24, v22  }
0x1aa: {  	v34 =	vmin.f32 v13, v14;
	v13 =	vmax.f32 v13, v14;
	v32 =	vmin.f32 v18, v31  }
0x1ab: {  	v18 =	vmax.f32 v18, v31;
	v36 =	vmax.f32 v17, v34;
	v17 =	vmin.f32 v17, v34;
	[tilespmem:s17+$0x8CE0] =	vst v22  }
0x1ac: {  	v39 =	vmin.f32 v13, v20;
	v13 =	vmax.f32 v13, v20;
	v11 =	vmul.f32 v35, v11;
	v37 =	vld [tilespmem:s18+$0x70]  }
0x1ad: {  	v33 =	vmin.f32 v21, v32;
	v15 =	vmax.f32 v21, v32;
	v38 =	vmax.f32 v18, v17  }
0x1ae: {  	v17 =	vmin.f32 v18, v17;
	v41 =	vmin.f32 v36, v39;
	v14 =	vmax.f32 v36, v39;
	v42 =	vld [tilespmem:s19+$0x70]  }
0x1af: {  	v16 =	vmax.f32 v16, v33;
	v40 =	vmax.f32 v15, v17;
	v15 =	vmin.f32 v15, v17  }
0x1b0: {  	v43 =	vmin.f32 v38, v41;
	v17 =	vmax.f32 v38, v41;
	v15 =	vmax.f32 v16, v15;
	v45 =	vld [tilespmem:s20+$0x70]  }
0x1b1: {  	v44 =	vmax.f32 v40, v43;
	v16 =	vmin.f32 v40, v43;
	v12 =	vmul.f32 v37, v12  }
0x1b2: {  	v15 =	vmax.f32 v15, v16;
	v46 =	vmax.f32 v13, v25;
	v13 =	vmin.f32 v13, v25  }
0x1b3: {  	v47 =	vmin.f32 v14, v13;
	v10 =	vmul.f32 v42, v10;
	v11 =	vadd.f32 v12, v11  }
0x1b4: {  	v48 =	vmax.f32 v14, v13;
	v49 =	vmax.f32 v17, v47;
	v50 =	vmin.f32 v17, v47  }
0x1b5: {  	v17 =	vmin.f32 v44, v50;
	v9 =	vmul.f32 v45, v9;
	v10 =	vadd.f32 v10, v11  }
0x1b6: {  	v51 =	vmax.f32 v44, v50;
	v52 =	vmax.f32 v15, v17;
	v53 =	vmin.f32 v46, v22  }
0x1b7: {  	v16 =	vmax.f32 v46, v22;
	v54 =	vmin.f32 v48, v53;
	v9 =	vadd.f32 v9, v10  }
0x1b8: {  	v55 =	vmax.f32 v48, v53;
	v56 =	vmax.f32 v49, v54;
	v13 =	vmin.f32 v49, v54  }
0x1b9: {  	v57 =	vmax.f32 v51, v13;
	v11 =	vmin.f32 v51, v13;
	v58 =	vmin.f32 v16, v9  }
0x1ba: {  	v11 =	vmax.f32 v52, v11;
	v59 =	vmax.f32 v16, v9;
	v60 =	vmax.f32 v55, v58  }
0x1bb: {  	v10 =	vmin.f32 v55, v58;
	vm4 =	vlt.f32 v60, $+Inf;
	vm5 =	vgt.f32 v60, $+Inf  }
0x1bc: {  	vm6 =	vgt.f32 v59, $+Inf;
	v13 =	vmax.f32 v56, v10;
	vm4 =	vmor vm5, vm4  }
0x1bd: {  	v10 =	vmin.f32 v56, v10;
	vm5 =	vlt.f32 v59, $+Inf;
	v61 =	vnsel vm4, $0xFF800000, v60  }
0x1be: {  	v62 =	vmax.f32 v57, v10;
	vm4 =	vmor vm6, vm5;
	v63 =	vmax.f32 v59, v61  }
0x1bf: {  	vm5 =	vgt.f32 v13, $+Inf;
	v12 =	vsel vm4, v63, v61;
	vm4 =	vlt.f32 v13, $+Inf  }
0x1c0: {  	v10 =	vmin.f32 v57, v10;
	vm4 =	vmor vm5, vm4;
	v20 =	vmax.f32 v12, v13  }
0x1c1: {  	vm5 =	vgt.f32 v62, $+Inf;
	v12 =	vsel vm4, v20, v12;
	vm4 =	vlt.f32 v62, $+Inf  }
0x1c2: {  	v10 =	vmax.f32 v11, v10;
	vm4 =	vmor vm5, vm4;
	v21 =	vmax.f32 v12, v62  }
0x1c3: {  	vm5 =	vgt.f32 v10, $+Inf;
	v11 =	vsel vm4, v21, v12;
	vm4 =	vlt.f32 v10, $+Inf  }
0x1c4: {  	vm4 =	vmor vm5, vm4;
	v12 =	vmax.f32 v11, v10  }
0x1c5: {  	v11 =	vsel vm4, v12, v11  }
0x1c6: {  	v12 =	vperm.xlane v11, v0;
	_ =	sdelay $0x1  }
0x1c7: {  	v11 =	vmax.f32 v11, v12  }
0x1c8: {  	v12 =	vperm.xlane v11, v1;
	_ =	sdelay $0x1  }
0x1c9: {  	v11 =	vmax.f32 v11, v12  }
0x1ca: {  	v12 =	vperm.xlane v11, v2;
	_ =	sdelay $0x1  }
0x1cb: {  	v11 =	vmax.f32 v11, v12  }
0x1cc: {  	v12 =	vperm.xlane v11, v3;
	_ =	sdelay $0x1  }
0x1cd: {  	v11 =	vmax.f32 v11, v12  }
0x1ce: {  	vm4 =	vlt.f32 v60, v11  }
0x1cf: {  	v22 =	vnsel vm4, $0xFF800000, v60  }
0x1d0: {  	vm4 =	vlt.f32 v59, v11;
	v23 =	vmax.f32 v59, v22  }
0x1d1: {  	v12 =	vsel vm4, v23, v22  }
0x1d2: {  	vm4 =	vlt.f32 v13, v11;
	v15 =	vmax.f32 v12, v13  }
0x1d3: {  	v12 =	vsel vm4, v15, v12  }
0x1d4: {  	vm4 =	vlt.f32 v62, v11;
	v15 =	vmax.f32 v12, v62  }
0x1d5: {  	v12 =	vsel vm4, v15, v12  }
0x1d6: {  	vm4 =	vlt.f32 v10, v11;
	v24 =	vmax.f32 v12, v10  }
0x1d7: {  	v11 =	vsel vm4, v24, v12  }
0x1d8: {  	v12 =	vperm.xlane v11, v0;
	_ =	sdelay $0x1  }
0x1d9: {  	v11 =	vmax.f32 v11, v12  }
0x1da: {  	v12 =	vperm.xlane v11, v1;
	_ =	sdelay $0x1  }
0x1db: {  	v11 =	vmax.f32 v11, v12  }
0x1dc: {  	v12 =	vperm.xlane v11, v2;
	_ =	sdelay $0x1  }
0x1dd: {  	v11 =	vmax.f32 v11, v12  }
0x1de: {  	v12 =	vperm.xlane v11, v3;
	_ =	sdelay $0x1  }
0x1df: {  	v11 =	vmax.f32 v11, v12  }
0x1e0: {  	vm4 =	vlt.f32 v60, v11  }
0x1e1: {  	v25 =	vnsel vm4, $0xFF800000, v60  }
0x1e2: {  	vm4 =	vlt.f32 v59, v11;
	v26 =	vmax.f32 v59, v25  }
0x1e3: {  	v12 =	vsel vm4, v26, v25  }
0x1e4: {  	vm4 =	vlt.f32 v13, v11;
	v15 =	vmax.f32 v12, v13  }
0x1e5: {  	v12 =	vsel vm4, v15, v12  }
0x1e6: {  	vm4 =	vlt.f32 v62, v11;
	v15 =	vmax.f32 v12, v62  }
0x1e7: {  	v12 =	vsel vm4, v15, v12  }
0x1e8: {  	vm4 =	vlt.f32 v10, v11;
	v27 =	vmax.f32 v12, v10  }
0x1e9: {  	v11 =	vsel vm4, v27, v12  }
0x1ea: {  	v12 =	vperm.xlane v11, v0;
	_ =	sdelay $0x1  }
0x1eb: {  	v11 =	vmax.f32 v11, v12  }
0x1ec: {  	v12 =	vperm.xlane v11, v1;
	_ =	sdelay $0x1  }
0x1ed: {  	v11 =	vmax.f32 v11, v12  }
0x1ee: {  	v12 =	vperm.xlane v11, v2;
	_ =	sdelay $0x1  }
0x1ef: {  	v11 =	vmax.f32 v11, v12  }
0x1f0: {  	v12 =	vperm.xlane v11, v3;
	_ =	sdelay $0x1  }
0x1f1: {  	v11 =	vmax.f32 v11, v12  }
0x1f2: {  	vm4 =	vlt.f32 v60, v11  }
0x1f3: {  	v28 =	vnsel vm4, $0xFF800000, v60  }
0x1f4: {  	vm4 =	vlt.f32 v59, v11;
	v29 =	vmax.f32 v59, v28  }
0x1f5: {  	v12 =	vsel vm4, v29, v28  }
0x1f6: {  	vm4 =	vlt.f32 v13, v11;
	v15 =	vmax.f32 v12, v13  }
0x1f7: {  	v12 =	vsel vm4, v15, v12  }
0x1f8: {  	vm4 =	vlt.f32 v62, v11;
	v15 =	vmax.f32 v12, v62  }
0x1f9: {  	v12 =	vsel vm4, v15, v12  }
0x1fa: {  	vm4 =	vlt.f32 v10, v11;
	v30 =	vmax.f32 v12, v10  }
0x1fb: {  	v11 =	vsel vm4, v30, v12  }
0x1fc: {  	v12 =	vperm.xlane v11, v0;
	_ =	sdelay $0x1  }
0x1fd: {  	v11 =	vmax.f32 v11, v12  }
0x1fe: {  	v12 =	vperm.xlane v11, v1;
	_ =	sdelay $0x1  }
0x1ff: {  	v11 =	vmax.f32 v11, v12  }
0x200: {  	v12 =	vperm.xlane v11, v2;
	_ =	sdelay $0x1  }
0x201: {  	v11 =	vmax.f32 v11, v12  }
0x202: {  	v12 =	vperm.xlane v11, v3;
	_ =	sdelay $0x1  }
0x203: {  	v11 =	vmax.f32 v11, v12  }
0x204: {  	vm4 =	vlt.f32 v60, v11  }
0x205: {  	v31 =	vnsel vm4, $0xFF800000, v60  }
0x206: {  	vm4 =	vlt.f32 v59, v11;
	v14 =	vmax.f32 v59, v31  }
0x207: {  	v12 =	vsel vm4, v14, v31  }
0x208: {  	vm4 =	vlt.f32 v13, v11;
	v13 =	vmax.f32 v12, v13  }
0x209: {  	v12 =	vsel vm4, v13, v12  }
0x20a: {  	vm4 =	vlt.f32 v62, v11;
	v13 =	vmax.f32 v12, v62  }
0x20b: {  	v12 =	vsel vm4, v13, v12  }
0x20c: {  	vm4 =	vlt.f32 v10, v11;
	v10 =	vmax.f32 v12, v10  }
0x20d: {  	v10 =	vsel vm4, v10, v12  }
0x20e: {  	v32 =	vperm.xlane v10, v0;
	_ =	sdelay $0x1  }
0x20f: {  	v10 =	vmax.f32 v10, v32  }
0x210: {  	v11 =	vperm.xlane v10, v1;
	_ =	sdelay $0x1  }
0x211: {  	v10 =	vmax.f32 v10, v11  }
0x212: {  	v11 =	vperm.xlane v10, v2;
	_ =	sdelay $0x1  }
0x213: {  	v10 =	vmax.f32 v10, v11  }
0x214: {  	v33 =	vld [tilespmem:s17+$0x8090];
	v11 =	vperm.xlane v10, v3;
	_ =	sdelay $0x1  }
0x215: {  	v34 =	vld [tilespmem:s17+$0x80A0];
	v28 =	vmax.f32 v10, v11  }
0x216: {  	vm4 =	vge.f32 v8, v28  }
0x217: {  	v35 =	vld [tilespmem:s17+$0x80B0];
	v8 =	vnsel vm4, $0x0, v8  }
0x218: {  	vm4 =	vge.f32 v33, v28;
	v36 =	vadd.f32 $0.0e+00, v8  }
0x219: {  	v37 =	vld [tilespmem:s17+$0x80C0];
	v10 =	vnsel vm4, $0x0, v33  }
0x21a: {  	vm4 =	vge.f32 v34, v28;
	v12 =	vadd.f32 v36, v10  }
0x21b: {  	v38 =	vld [tilespmem:s17+$0x80D0];
	v11 =	vnsel vm4, $0x0, v34  }
0x21c: {  	vm4 =	vge.f32 v35, v28;
	v39 =	vadd.f32 v12, v11  }
0x21d: {  	v40 =	vld [tilespmem:s17+$0x80E0];
	v12 =	vnsel vm4, $0x0, v35  }
0x21e: {  	vm4 =	vge.f32 v37, v28;
	v16 =	vadd.f32 v39, v12  }
0x21f: {  	v41 =	vld [tilespmem:s17+$0x80F0];
	v13 =	vnsel vm4, $0x0, v37  }
0x220: {  	vm4 =	vge.f32 v38, v28;
	v15 =	vadd.f32 v16, v13  }
0x221: {  	v42 =	vld [tilespmem:s17+$0x8480];
	v14 =	vnsel vm4, $0x0, v38  }
0x222: {  	vm4 =	vge.f32 v40, v28;
	v16 =	vadd.f32 v15, v14  }
0x223: {  	v43 =	vld [tilespmem:s17+$0x8490];
	v15 =	vnsel vm4, $0x0, v40  }
0x224: {  	vm4 =	vge.f32 v41, v28;
	v17 =	vadd.f32 v16, v15  }
0x225: {  	v44 =	vld [tilespmem:s17+$0x84A0];
	v16 =	vnsel vm4, $0x0, v41  }
0x226: {  	vm4 =	vge.f32 v42, v28;
	v18 =	vadd.f32 v17, v16  }
0x227: {  	v45 =	vld [tilespmem:s17+$0x84B0];
	v17 =	vnsel vm4, $0x0, v42  }
0x228: {  	vm4 =	vge.f32 v43, v28;
	v19 =	vadd.f32 v18, v17  }
0x229: {  	v46 =	vld [tilespmem:s17+$0x84C0];
	v18 =	vnsel vm4, $0x0, v43  }
0x22a: {  	vm4 =	vge.f32 v44, v28;
	v20 =	vadd.f32 v19, v18  }
0x22b: {  	v47 =	vld [tilespmem:s17+$0x84D0];
	v19 =	vnsel vm4, $0x0, v44  }
0x22c: {  	vm4 =	vge.f32 v45, v28;
	v21 =	vadd.f32 v20, v19  }
0x22d: {  	v48 =	vld [tilespmem:s17+$0x84E0];
	v20 =	vnsel vm4, $0x0, v45  }
0x22e: {  	vm4 =	vge.f32 v46, v28;
	v22 =	vadd.f32 v21, v20  }
0x22f: {  	v49 =	vld [tilespmem:s17+$0x84F0];
	v21 =	vnsel vm4, $0x0, v46  }
0x230: {  	vm4 =	vge.f32 v47, v28;
	v23 =	vadd.f32 v22, v21  }
0x231: {  	v50 =	vld [tilespmem:s17+$0x8880];
	v22 =	vnsel vm4, $0x0, v47  }
0x232: {  	vm4 =	vge.f32 v48, v28;
	v24 =	vadd.f32 v23, v22  }
0x233: {  	v51 =	vld [tilespmem:s17+$0x8890];
	v23 =	vnsel vm4, $0x0, v48  }
0x234: {  	vm4 =	vge.f32 v49, v28;
	v25 =	vadd.f32 v24, v23  }
0x235: {  	v52 =	vld [tilespmem:s17+$0x88A0];
	v24 =	vnsel vm4, $0x0, v49  }
0x236: {  	vm4 =	vge.f32 v50, v28;
	v26 =	vadd.f32 v25, v24  }
0x237: {  	v53 =	vld [tilespmem:s17+$0x88B0];
	v25 =	vnsel vm4, $0x0, v50  }
0x238: {  	vm4 =	vge.f32 v51, v28;
	v27 =	vadd.f32 v26, v25  }
0x239: {  	v54 =	vld [tilespmem:s17+$0x88C0];
	v26 =	vnsel vm4, $0x0, v51  }
0x23a: {  	vm4 =	vge.f32 v52, v28;
	v55 =	vadd.f32 v27, v26  }
0x23b: {  	v56 =	vld [tilespmem:s17+$0x88D0];
	v27 =	vnsel vm4, $0x0, v52  }
0x23c: {  	vm4 =	vge.f32 v53, v28;
	v32 =	vadd.f32 v55, v27  }
0x23d: {  	v57 =	vld [tilespmem:s17+$0x88E0];
	v31 =	vnsel vm4, $0x0, v53  }
0x23e: {  	vm4 =	vge.f32 v54, v28;
	v32 =	vadd.f32 v32, v31  }
0x23f: {  	v58 =	vld [tilespmem:s17+$0x88F0];
	v29 =	vnsel vm4, $0x0, v54  }
0x240: {  	vm4 =	vge.f32 v56, v28;
	v32 =	vadd.f32 v32, v29  }
0x241: {  	v59 =	vld [tilespmem:s17+$0x8C80];
	v30 =	vnsel vm4, $0x0, v56  }
0x242: {  	vm4 =	vge.f32 v57, v28;
	v32 =	vadd.f32 v32, v30  }
0x243: {  	v60 =	vld [tilespmem:s17+$0x8C90];
	v33 =	vnsel vm4, $0x0, v57  }
0x244: {  	vm4 =	vge.f32 v58, v28;
	v32 =	vadd.f32 v32, v33  }
0x245: {  	v61 =	vld [tilespmem:s17+$0x8CA0];
	v34 =	vnsel vm4, $0x0, v58  }
0x246: {  	vm4 =	vge.f32 v59, v28;
	v32 =	vadd.f32 v32, v34  }
0x247: {  	v62 =	vld [tilespmem:s17+$0x8CB0];
	v35 =	vnsel vm4, $0x0, v59  }
0x248: {  	vm4 =	vge.f32 v60, v28;
	v32 =	vadd.f32 v32, v35  }
0x249: {  	v63 =	vld [tilespmem:s17+$0x8CC0];
	v36 =	vnsel vm4, $0x0, v60  }
0x24a: {  	vm4 =	vge.f32 v61, v28;
	v32 =	vadd.f32 v32, v36  }
0x24b: {  	v44 =	vld [tilespmem:s17+$0x8CD0];
	v37 =	vnsel vm4, $0x0, v61  }
0x24c: {  	vm4 =	vge.f32 v62, v28;
	v32 =	vadd.f32 v32, v37  }
0x24d: {  	v45 =	vld [tilespmem:s17+$0x8CE0];
	v38 =	vnsel vm4, $0x0, v62  }
0x24e: {  	[tilespmem:s17+$0x8CF0] =	vst v9;
	vm4 =	vge.f32 v63, v28;
	v46 =	vadd.f32 v32, v38  }
0x24f: {  	v48 =	vld [tilespmem:s17+$0x8CF0];
	v47 =	vnsel vm4, $0x0, v63  }
0x250: {  	vm4 =	vge.f32 v44, v28;
	v9 =	vadd.f32 v46, v47  }
0x251: {  	v40 =	vnsel vm4, $0x0, v44  }
0x252: {  	vm4 =	vge.f32 v45, v28;
	v9 =	vadd.f32 v9, v40  }
0x253: {  	v41 =	vnsel vm4, $0x0, v45  }
0x254: {  	vm4 =	vge.f32 v48, v28;
	v9 =	vadd.f32 v9, v41  }
0x255: {  	v28 =	vnsel vm4, $0x0, v48  }
0x256: {  	[tilespmem:s17+$0xA080] =	vst v8;
	v9 =	vadd.f32 v9, v28  }
0x257: {  	[tilespmem:s17+$0xA090] =	vst v10  }
0x258: {  	[tilespmem:s17+$0xA0A0] =	vst v11;
	v49 =	vperm.xlane v9, v0  }
0x259: {  	[tilespmem:s17+$0xA0B0] =	vst v12  }
0x25a: {  	[tilespmem:s17+$0xA0C0] =	vst v13;
	v9 =	vadd.f32 v9, v49  }
0x25b: {  	[tilespmem:s17+$0xA0D0] =	vst v14  }
0x25c: {  	[tilespmem:s17+$0xA0E0] =	vst v15;
	v39 =	vperm.xlane v9, v1  }
0x25d: {  	[tilespmem:s17+$0xA0F0] =	vst v16  }
0x25e: {  	[tilespmem:s17+$0xA480] =	vst v17;
	v9 =	vadd.f32 v9, v39  }
0x25f: {  	[tilespmem:s17+$0xA490] =	vst v18  }
0x260: {  	[tilespmem:s17+$0xA4A0] =	vst v19;
	v39 =	vperm.xlane v9, v2  }
0x261: {  	[tilespmem:s17+$0xA4B0] =	vst v20  }
0x262: {  	[tilespmem:s17+$0xA4C0] =	vst v21;
	v9 =	vadd.f32 v9, v39  }
0x263: {  	[tilespmem:s17+$0xA4D0] =	vst v22  }
0x264: {  	[tilespmem:s17+$0xA4E0] =	vst v23;
	v39 =	vperm.xlane v9, v3  }
0x265: {  	[tilespmem:s17+$0xA4F0] =	vst v24  }
0x266: {  	[tilespmem:s17+$0xA880] =	vst v25;
	v9 =	vadd.f32 v9, v39  }
0x267: {  	[tilespmem:s17+$0xA890] =	vst v26  }
0x268: {  	[tilespmem:s17+$0xA8A0] =	vst v27;
	v9 =	vmax.f32 v9, $9.999999960e-13  }
0x269: {  	[tilespmem:s17+$0xA8B0] =	vst v31;
	(erf) = vrcp.f32 v9  }
0x26a: {  	[tilespmem:s17+$0xA8C0] =	vst v29  }
0x26b: {  	[tilespmem:s17+$0xA8D0] =	vst v30  }
0x26c: {  	[tilespmem:s17+$0xA8E0] =	vst v33  }
0x26d: {  	[tilespmem:s17+$0xA8F0] =	vst v34  }
0x26e: {  	[tilespmem:s17+$0xAC80] =	vst v35  }
0x26f: {  	[tilespmem:s17+$0xAC90] =	vst v36  }
0x270: {  	[tilespmem:s17+$0xACA0] =	vst v37  }
0x271: {  	[tilespmem:s17+$0xACB0] =	vst v38  }
0x272: {  	[tilespmem:s17+$0xACC0] =	vst v47;
	v9 =	vpop (erf)  }
0x273: {  	[tilespmem:s17+$0xACD0] =	vst v40;
	v8 =	vmul.f32 v9, v8  }
0x274: {  	[tilespmem:s17+$0xACE0] =	vst v41;
	v10 =	vmul.f32 v9, v10  }
0x275: {  	[tilespmem:s17+$0xA080] =	vst v8;
	v8 =	vmul.f32 v9, v11  }
0x276: {  	v50 =	vmul.f32 v9, v12;
	[tilespmem:s17+$0xA090] =	vst v10  }
0x277: {  	[tilespmem:s17+$0xA0A0] =	vst v8;
	v8 =	vmul.f32 v9, v13  }
0x278: {  	v51 =	vmul.f32 v9, v14;
	[tilespmem:s17+$0xA0B0] =	vst v50  }
0x279: {  	[tilespmem:s17+$0xA0C0] =	vst v8;
	v8 =	vmul.f32 v9, v15  }
0x27a: {  	v52 =	vmul.f32 v9, v16;
	[tilespmem:s17+$0xA0D0] =	vst v51  }
0x27b: {  	[tilespmem:s17+$0xA0E0] =	vst v8;
	v8 =	vmul.f32 v9, v17  }
0x27c: {  	v53 =	vmul.f32 v9, v18;
	[tilespmem:s17+$0xA0F0] =	vst v52  }
0x27d: {  	[tilespmem:s17+$0xA480] =	vst v8;
	v8 =	vmul.f32 v9, v19  }
0x27e: {  	v54 =	vmul.f32 v9, v20;
	[tilespmem:s17+$0xA490] =	vst v53  }
0x27f: {  	[tilespmem:s17+$0xA4A0] =	vst v8;
	v8 =	vmul.f32 v9, v21  }
0x280: {  	v55 =	vmul.f32 v9, v22;
	[tilespmem:s17+$0xA4B0] =	vst v54  }
0x281: {  	[tilespmem:s17+$0xA4C0] =	vst v8;
	v8 =	vmul.f32 v9, v23  }
0x282: {  	v56 =	vmul.f32 v9, v24;
	[tilespmem:s17+$0xA4D0] =	vst v55  }
0x283: {  	[tilespmem:s17+$0xA4E0] =	vst v8;
	v8 =	vmul.f32 v9, v25  }
0x284: {  	v57 =	vmul.f32 v9, v26;
	[tilespmem:s17+$0xA4F0] =	vst v56  }
0x285: {  	[tilespmem:s17+$0xA880] =	vst v8;
	v8 =	vmul.f32 v9, v27  }
0x286: {  	v58 =	vmul.f32 v9, v31;
	[tilespmem:s17+$0xA890] =	vst v57  }
0x287: {  	[tilespmem:s17+$0xA8A0] =	vst v8;
	v8 =	vmul.f32 v9, v29  }
0x288: {  	v59 =	vmul.f32 v9, v30;
	[tilespmem:s17+$0xA8B0] =	vst v58  }
0x289: {  	[tilespmem:s17+$0xA8C0] =	vst v8;
	v8 =	vmul.f32 v9, v33  }
0x28a: {  	v60 =	vmul.f32 v9, v34;
	[tilespmem:s17+$0xA8D0] =	vst v59  }
0x28b: {  	[tilespmem:s17+$0xA8E0] =	vst v8;
	v8 =	vmul.f32 v9, v35  }
0x28c: {  	v61 =	vmul.f32 v9, v36;
	[tilespmem:s17+$0xA8F0] =	vst v60  }
0x28d: {  	[tilespmem:s17+$0xAC80] =	vst v8;
	v8 =	vmul.f32 v9, v37  }
0x28e: {  	v62 =	vmul.f32 v9, v38;
	[tilespmem:s17+$0xAC90] =	vst v61  }
0x28f: {  	p0 =	sne.s32 s16, $0x1E00;
	[tilespmem:s17+$0xACA0] =	vst v8;
	v8 =	vmul.f32 v9, v47  }
.Ltmp0:
0x290: {  	v63 =	vmul.f32 v9, v40;
	[tilespmem:s17+$0xACB0] =	vst v62;
	(pc) =	sbr.rel @p0 .LBB2_3-.Ltmp0, $4  }
0x291: {  	[tilespmem:s17+$0xACC0] =	vst v8;
	v8 =	vmul.f32 v9, v41  }
0x292: {  	[tilespmem:s17+$0xACD0] =	vst v63;
	v9 =	vmul.f32 v9, v28  }
0x293: {  	[tilespmem:s17+$0xACE0] =	vst v8  }
0x294: {  	s16 =	sadd.s32 $0x200, s16;
	s15 =	sadd.s32 $0x80, s15;
	[tilespmem:s17+$0xACF0] =	vst v9  }
0x295: {  	s15 =	sshll.u32 s14, $0x12  }
0x296: {  	s14 =	sadd.s32 $0x1, s14;
	s15 =	sor.u32 s4, s15  }
0x297: {  	p0 =	sne.s32 s14, $0x8;
	s15 =	sshrl.u32 s15, $0x3  }
.Ltmp1:
0x298: {  	s15 =	sadd.s32 s3, s15;
	(pc) =	sbr.rel @p0 .LBB2_2-.Ltmp1, $4  }
0x299: {  	[hbm4b:s15+s1] =	stream.linear.scatter [tilespmem:s12], [sflag:$0x1], $0x2000, $0x38;
	[tilespmem:$0xC080] =	vst v63  }
0x29a: {  	_ =	swait.ge [sflag:s10], $0x2000  }
0x29b: {  	[sflag:s10] =	ssyncset.done $0x0  }
0x29c: {  	[sflag:s10] =	ssyncadd.s32 $0xFFFFE000  }
0x29d: {  	s13 =	sadd.s32 $0x1, s13  }
0x29e: {  	p0 =	sne.s32 s13, s7  }
.Ltmp2:
0x29f: {  	_ = 	snop;
	(pc) =	sbr.rel @p0 .LBB2_1-.Ltmp2, $1  }
0x2a0: {  	_ =	sdelay $0x3  }
0x2a1: {  	_ =	sfence.sel $0x180000  }
0x2a2: {  	[bflag:$0x0] =	sbarrier.arrive $0xFFFF  }
0x2a3: {  	p0 =	sne.s32 s2, $0x0;
	_ =	strace $0x90000047  }
0x2a4: {  	s0 =	sadd.s32 @!p0 $0x100000, s0;
	[bflag:$0x2] =	sbarrier.arrive $0xFFFF  }
0x2a5: {  	[sflag:s0] =	ssyncadd.tile.s32 @!p0 $0x1;
	_ =	shalt  }
.Lfunc_end2:
_tile_overlayer_lowered:
.L_overlay_start_2:
0x2a6: {  	(tag) =	ssettag $0x2  }
0x2a7: {  	s0 =	rddreg [dreg:$0x0];
	s2 =	stileid.u32  }
0x2a8: {  	s1 =	rddreg [dreg:$0x1];
	p0 =	sne.s32 s2, $0x0  }
0x2a9: {  	s3 =	rddreg [dreg:$0x2];
	[bflag:$0x3] =	sbarrier.arrive $0xFFFF;
	s2 =	simm.s32 @!p0 $0x1C01  }
0x2aa: {  	[timem:s3], [sflag:s2] =	dma.local @!p0 [hbm:s0], s1  }
0x2ab: {  	s0 =	simm.s32 @!p0 $0x1  }
0x2ac: {  	_ =	swait.ge @!p0 [sflag:s0], s1  }
0x2ad: {  	s1 =	ssub.s32 @!p0 $0x0, s1;
	[sflag:s0] =	ssyncset.done @!p0 $0x0  }
0x2ae: {  	[sflag:s0] =	ssyncadd.s32 @!p0 s1  }
0x2af: {  	[bflag:$0x3] =	sbarrier.arrive $0xFFFF  }
0x2b0: {  	_ =	shalt  }

</sc_bundles>
